<compile_context>
chip_gen: v7x
topology: tpu7x:2x2x1
jax: 0.10.2.dev20260603
libtpu: 0.0.44.dev20260713+nightly
codegen_flags: <defaults>
</compile_context>

<pallas_src>
import functools

import jax
import jax.numpy as jnp
from jax import lax
from jax.experimental import pallas as pl
from jax.experimental.pallas import tpu as pltpu
from jax.experimental.pallas import tpu_sc as plsc

N = 10000
D = 128
E = 320000
NC = 2
NS = 16
NW = NC * NS
N_PAD = 10240
RPT = N_PAD // NS
EPW = E // NW
K = 80
BPW = EPW // K

_MESH = plsc.VectorSubcoreMesh(core_axis_name="c", subcore_axis_name="s")
_SC_PARAMS = pltpu.CompilerParams(use_tc_tiling_on_sc=False)



@functools.partial(
    pl.kernel,
    out_type=jax.ShapeDtypeStruct((NC * N_PAD, D), jnp.float32),
    mesh=_MESH,
    compiler_params=_SC_PARAMS,
    scratch_types=[
        pltpu.VMEM((K,), jnp.int32),
        pltpu.VMEM((K,), jnp.int32),
        pltpu.VMEM((K, D), jnp.float32),
        pltpu.VMEM((K, D), jnp.float32),
        pltpu.SemaphoreType.DMA,
        pltpu.SemaphoreType.DMA,
        pltpu.SemaphoreType.DMA,
        pltpu.SemaphoreType.DMA,
        pltpu.SemaphoreType.DMA,
        pltpu.VMEM_SHARED((N_PAD, D), jnp.float32),
    ],
)
def _deg_kernel(dst_hbm, ones_hbm, zeros_hbm, out_hbm,
                didx0, didx1, ones_v, zbuf,
                dsem0, dsem1, ssem0, ssem1, zsem, hist):
    c = lax.axis_index("c")
    s = lax.axis_index("s")
    wid = c * NS + s
    r0 = s * RPT
    ebase = pl.multiple_of(wid * EPW, 8)
    didx = (didx0, didx1)
    dsem = (dsem0, dsem1)
    ssem = (ssem0, ssem1)

    pltpu.sync_copy(zeros_hbm, zbuf)
    for i in range(RPT // K):
        pltpu.async_copy(zbuf, hist.at[pl.ds(r0 + i * K, K)], zsem)
    for i in range(RPT // K):
        pltpu.make_async_copy(zeros_hbm, zbuf, zsem).wait()
    pltpu.sync_copy(ones_hbm, ones_v)
    plsc.subcore_barrier()

    def fetch(t, b):
        pltpu.async_copy(dst_hbm.at[pl.ds(ebase + t * K, K)], didx[b], dsem[b])

    def dwait(b):
        pltpu.make_async_copy(dst_hbm.at[pl.ds(0, K)], didx[b], dsem[b]).wait()

    def scat(b):
        pltpu.async_copy(ones_v, hist.at[didx[b]], ssem[b], add=True)

    def swait(b):
        pltpu.make_async_copy(zeros_hbm, zbuf, ssem[b]).wait()

    fetch(0, 0)

    @pl.loop(0, BPW, step=2)
    def _(j):
        @pl.when(j + 1 < BPW)
        def _():
            @pl.when(j >= 2)
            def _():
                swait(1)
            fetch(j + 1, 1)

        dwait(0)
        scat(0)

        @pl.when(j + 1 < BPW)
        def _():
            @pl.when(j + 2 < BPW)
            def _():
                swait(0)
                fetch(j + 2, 0)
            dwait(1)
            scat(1)

    swait(0)
    swait(1)
    plsc.subcore_barrier()

    for i in range(RPT // K):
        b = i % 2
        buf = (ones_v, zbuf)[b]
        if i >= 2:
            pltpu.make_async_copy(zeros_hbm, buf, dsem[b]).wait()
        pltpu.sync_copy(hist.at[pl.ds(r0 + i * K, K)], buf)
        pltpu.async_copy(buf, out_hbm.at[pl.ds(c * N_PAD + r0 + i * K, K)],
                         dsem[b])
    pltpu.make_async_copy(zeros_hbm, ones_v, dsem0).wait()
    pltpu.make_async_copy(zeros_hbm, zbuf, dsem1).wait()


@functools.partial(
    pl.kernel,
    out_type=jax.ShapeDtypeStruct((NC * N_PAD, D), jnp.float32),
    mesh=_MESH,
    compiler_params=_SC_PARAMS,
    scratch_types=[
        pltpu.VMEM((EPW,), jnp.int32),
        pltpu.VMEM((K,), jnp.int32),
        pltpu.VMEM((K,), jnp.int32),
        pltpu.VMEM((K, D), jnp.float32),
        pltpu.VMEM((K, D), jnp.float32),
        pltpu.SemaphoreType.DMA,
        pltpu.SemaphoreType.DMA,
        pltpu.SemaphoreType.DMA,
        pltpu.SemaphoreType.DMA,
        pltpu.SemaphoreType.DMA,
        pltpu.SemaphoreType.DMA,
        pltpu.SemaphoreType.DMA,
        pltpu.VMEM_SHARED((N_PAD, D), jnp.float32),
    ],
)
def _agg_kernel(y_hbm, src_hbm, dst_hbm, zeros_hbm, out_hbm,
                sidx_all, didx0, didx1, rows0, rows1,
                gsem0, gsem1, dsem0, dsem1, ssem0, ssem1, zsem, acc):
    c = lax.axis_index("c")
    s = lax.axis_index("s")
    wid = c * NS + s
    r0 = s * RPT
    ebase = pl.multiple_of(wid * EPW, 8)
    didx = (didx0, didx1)
    rows = (rows0, rows1)
    gsem = (gsem0, gsem1)
    dsem = (dsem0, dsem1)
    ssem = (ssem0, ssem1)

    pltpu.sync_copy(src_hbm.at[pl.ds(ebase, EPW)], sidx_all)
    pltpu.sync_copy(zeros_hbm, rows0)
    for i in range(RPT // K):
        pltpu.async_copy(rows0, acc.at[pl.ds(r0 + i * K, K)], zsem)
    for i in range(RPT // K):
        pltpu.make_async_copy(zeros_hbm, rows0, zsem).wait()
    plsc.subcore_barrier()

    def fetch(t, b):
        pltpu.async_copy(dst_hbm.at[pl.ds(ebase + t * K, K)], didx[b], dsem[b])
        pltpu.async_copy(y_hbm.at[sidx_all.at[pl.ds(t * K, K)]], rows[b],
                         gsem[b])

    def gwait(b):
        pltpu.make_async_copy(zeros_hbm, rows[b], gsem[b]).wait()

    def dwait(b):
        pltpu.make_async_copy(dst_hbm.at[pl.ds(0, K)], didx[b], dsem[b]).wait()

    def scat(b):
        pltpu.async_copy(rows[b], acc.at[didx[b]], ssem[b], add=True)

    def swait(b):
        pltpu.make_async_copy(zeros_hbm, rows[b], ssem[b]).wait()

    fetch(0, 0)

    @pl.loop(0, BPW, step=2)
    def _(j):
        @pl.when(j + 1 < BPW)
        def _():
            @pl.when(j >= 2)
            def _():
                swait(1)
            fetch(j + 1, 1)

        gwait(0)
        dwait(0)
        scat(0)

        @pl.when(j + 1 < BPW)
        def _():
            @pl.when(j + 2 < BPW)
            def _():
                swait(0)
                fetch(j + 2, 0)
            gwait(1)
            dwait(1)
            scat(1)

    swait(0)
    swait(1)
    plsc.subcore_barrier()

    for i in range(RPT // K):
        b = i % 2
        if i >= 2:
            pltpu.make_async_copy(zeros_hbm, rows[b], gsem[b]).wait()
        pltpu.sync_copy(acc.at[pl.ds(r0 + i * K, K)], rows[b])
        pltpu.async_copy(rows[b], out_hbm.at[pl.ds(c * N_PAD + r0 + i * K, K)],
                         gsem[b])
    pltpu.make_async_copy(zeros_hbm, rows0, gsem0).wait()
    pltpu.make_async_copy(zeros_hbm, rows1, gsem1).wait()



def _pre_body(deg_ref, x_ref, w_ref, dis_ref, y_ref):
    d0 = deg_ref[0:N, 0:1]
    d1 = deg_ref[N_PAD:N_PAD + N, 0:1]
    dis = lax.rsqrt(d0 + d1 + 1.0)
    dis_ref[...] = dis
    y_ref[...] = jnp.dot(x_ref[...], w_ref[...],
                         preferred_element_type=jnp.float32) * dis


_pre = pl.pallas_call(
    _pre_body,
    out_shape=(jax.ShapeDtypeStruct((N, 1), jnp.float32),
               jax.ShapeDtypeStruct((N, D), jnp.float32)),
)


def _mid_body(p_ref, y_ref, dis_ref, b_ref, w_ref, o_ref):
    dis = dis_ref[...]
    agg = p_ref[0:N, :] + p_ref[N_PAD:N_PAD + N, :] + y_ref[...]
    h = jnp.maximum(agg * dis + b_ref[...], 0.0)
    o_ref[...] = jnp.dot(h, w_ref[...],
                         preferred_element_type=jnp.float32) * dis


_mid = pl.pallas_call(
    _mid_body,
    out_shape=jax.ShapeDtypeStruct((N, D), jnp.float32),
)


def _post_body(p_ref, y_ref, dis_ref, b_ref, o_ref):
    agg = p_ref[0:N, :] + p_ref[N_PAD:N_PAD + N, :] + y_ref[...]
    o_ref[...] = agg * dis_ref[...] + b_ref[...]


_post = pl.pallas_call(
    _post_body,
    out_shape=jax.ShapeDtypeStruct((N, D), jnp.float32),
)



def kernel(x, edge_index, W1, b1, W2, b2, W3, b3):
    src = edge_index[0]
    dst = edge_index[1]
    ones_h = jnp.ones((K, D), jnp.float32)
    zeros_rows = jnp.zeros((K, D), jnp.float32)

    deg = _deg_kernel(dst, ones_h, zeros_rows)
    dis, y = _pre(deg, x, W1)
    p = _agg_kernel(y, src, dst, zeros_rows)
    y = _mid(p, y, dis, b1.reshape(1, D), W2)
    p = _agg_kernel(y, src, dst, zeros_rows)
    y = _mid(p, y, dis, b2.reshape(1, D), W3)
    p = _agg_kernel(y, src, dst, zeros_rows)
    return _post(p, y, dis, b3.reshape(1, D))

# --- scband reference (transcript-rebuilt; emitter-appended) ---
"""Pipeline reference for scband-decoder-65704409694293 (READ-ONLY COPY).

The authoritative reference and input builder live on the scoring server;
editing this copy changes nothing except your own understanding.
"""

import jax, jax.numpy as jnp
import numpy as np

N_NODES = 10000
N_EDGES = 320000
D_IN = 128
D_H2 = 128
D_H = 128
D_OUT = 128


def setup_inputs(seed: int = 0) -> dict:
    key = jax.random.key(seed)
    ks = jax.random.split(key, 9)
    x = jax.random.normal(ks[0], (N_NODES, D_IN), dtype=jnp.float32)
    edge_index = jax.random.randint(ks[1], (2, N_EDGES), 0, N_NODES, dtype=jnp.int32)
    s1 = 1.0 / np.sqrt(D_IN)
    s2 = 1.0 / np.sqrt(D_H2)
    s3 = 1.0 / np.sqrt(D_H)
    W1 = jax.random.uniform(ks[2], (D_IN, D_H2), dtype=jnp.float32, minval=-s1, maxval=s1)
    b1 = jnp.zeros((D_H2,), dtype=jnp.float32)
    W2 = jax.random.uniform(ks[3], (D_H2, D_H), dtype=jnp.float32, minval=-s2, maxval=s2)
    b2 = jnp.zeros((D_H,), dtype=jnp.float32)
    W3 = jax.random.uniform(ks[4], (D_H, D_OUT), dtype=jnp.float32, minval=-s3, maxval=s3)
    b3 = jnp.zeros((D_OUT,), dtype=jnp.float32)
    return {"x": x, "edge_index": edge_index, "W1": W1, "b1": b1, "W2": W2, "b2": b2, "W3": W3, "b3": b3}


def _gcn_conv(x, src, dst, deg_inv_sqrt, W, b, n_nodes):
    # x' = D^{-1/2} (A + I) D^{-1/2} X W + b  (PyG GCNConv semantics, self-loops added)
    xw = x @ W
    norm = deg_inv_sqrt[src] * deg_inv_sqrt[dst]
    msg = jnp.take(xw, src, axis=0) * norm[:, None]
    out = jnp.zeros((n_nodes, W.shape[1]), dtype=x.dtype).at[dst].add(msg)
    return out + b


def reference(x, edge_index, W1, b1, W2, b2, W3, b3):
    n = x.shape[0]
    loop = jnp.arange(n, dtype=edge_index.dtype)
    src = jnp.concatenate([edge_index[0], loop])
    dst = jnp.concatenate([edge_index[1], loop])
    deg = jnp.zeros((n,), dtype=x.dtype).at[dst].add(1.0)
    deg_inv_sqrt = jnp.where(deg > 0, deg ** -0.5, 0.0)
    h = jax.nn.relu(_gcn_conv(x, src, dst, deg_inv_sqrt, W1, b1, n))
    h = jax.nn.relu(_gcn_conv(h, src, dst, deg_inv_sqrt, W2, b2, n))
    out = _gcn_conv(h, src, dst, deg_inv_sqrt, W3, b3, n)
    return out

if __name__ == "__main__":
    import jax
    _d = setup_inputs()
    print(jax.jit(kernel)(*tuple(_d.values())))

</pallas_src>

<mosaic_0001>
#map = affine_map<(d0, d1) -> (0)>
#map1 = affine_map<(d0, d1) -> (0, 0)>
module attributes {stable_mosaic.version = 14 : i64} {
  func.func @_deg_kernel(%arg0: i32, %arg1: i32, %arg2: memref<320000xi32, #tpu.memory_space<hbm>>, %arg3: memref<80x128xf32, #tpu.memory_space<hbm>>, %arg4: memref<80x128xf32, #tpu.memory_space<hbm>>, %arg5: memref<20480x128xf32, #tpu.memory_space<hbm>>, %arg6: memref<80xi32, #tpu.memory_space<vmem>>, %arg7: memref<80xi32, #tpu.memory_space<vmem>>, %arg8: memref<80x128xf32, #tpu.memory_space<vmem>>, %arg9: memref<80x128xf32, #tpu.memory_space<vmem>>, %arg10: memref<!tpu.dma_semaphore, #tpu.memory_space<semaphore_mem>>, %arg11: memref<!tpu.dma_semaphore, #tpu.memory_space<semaphore_mem>>, %arg12: memref<!tpu.dma_semaphore, #tpu.memory_space<semaphore_mem>>, %arg13: memref<!tpu.dma_semaphore, #tpu.memory_space<semaphore_mem>>, %arg14: memref<!tpu.dma_semaphore, #tpu.memory_space<semaphore_mem>>, %arg15: memref<10240x128xf32, #tpu.memory_space<vmem_shared>>) attributes {dimension_semantics = [#tpu.dimension_semantics<core_parallel>, #tpu.dimension_semantics<subcore_parallel>], iteration_bounds = array<i64: 2, 16>, scalar_prefetch = 0 : i64, scratch_operands = 10 : i64, tpu.core_type = #tpu.core_type<sc_vector_subcore>, window_params = [{transform_indices = #map}, {transform_indices = #map1}, {transform_indices = #map1}, {transform_indices = #map1}]} {
    %mul3A = arith.constant 16 : i32
    %mul3A_0 = arith.muli %arg0, %mul3A : i32
    %add3A = arith.addi %mul3A_0, %arg1 : i32
    %mul3A_1 = arith.constant 640 : i32
    %mul3A_2 = arith.muli %arg1, %mul3A_1 : i32
    %mul3A_3 = arith.constant 10000 : i32
    %mul3A_4 = arith.muli %add3A, %mul3A_3 : i32
    %multiple_of3A = tpu.assume_multiple %mul3A_4, 8 : i32
    "tpu.region"() ({
      %run_scoped3A = tpu.sem_alloc : memref<!tpu.dma_semaphore, #tpu.memory_space<semaphore_mem>>
      tpu.enqueue_dma source(%arg4 : memref<80x128xf32, #tpu.memory_space<hbm>>) target(%arg9 : memref<80x128xf32, #tpu.memory_space<vmem>>) target_semaphore(%run_scoped3A : memref<!tpu.dma_semaphore, #tpu.memory_space<semaphore_mem>>)
      tpu.wait_dma2 semaphore(%run_scoped3A : memref<!tpu.dma_semaphore, #tpu.memory_space<semaphore_mem>>) src(%arg4 : memref<80x128xf32, #tpu.memory_space<hbm>>) dst(%arg9 : memref<80x128xf32, #tpu.memory_space<vmem>>)
      tpu.yield
    }) : () -> ()
    %add3A_5 = arith.constant 0 : i32
    %add3A_6 = arith.addi %mul3A_2, %add3A_5 : i32
    %dma_start3A = arith.constant 0 : i32
    %dma_start3A_7 = tpu.memref_slice %arg15[%add3A_6, %dma_start3A] : memref<10240x128xf32, #tpu.memory_space<vmem_shared>> -> memref<80x128xf32, #tpu.memory_space<vmem_shared>>
    %dma_start3A_8 = arith.constant 0 : i32
    %dma_start3A_9 = tpu.memref_slice %arg15[%add3A_6, %dma_start3A_8] : memref<10240x128xf32, #tpu.memory_space<vmem_shared>> -> memref<80x128xf32, #tpu.memory_space<vmem_shared>>
    tpu.enqueue_dma source(%arg9 : memref<80x128xf32, #tpu.memory_space<vmem>>) target(%dma_start3A_9 : memref<80x128xf32, #tpu.memory_space<vmem_shared>>) target_semaphore(%arg14 : memref<!tpu.dma_semaphore, #tpu.memory_space<semaphore_mem>>)
    %add3A_10 = arith.constant 80 : i32
    %add3A_11 = arith.addi %mul3A_2, %add3A_10 : i32
    %dma_start3A_12 = arith.constant 0 : i32
    %dma_start3A_13 = tpu.memref_slice %arg15[%add3A_11, %dma_start3A_12] : memref<10240x128xf32, #tpu.memory_space<vmem_shared>> -> memref<80x128xf32, #tpu.memory_space<vmem_shared>>
    %dma_start3A_14 = arith.constant 0 : i32
    %dma_start3A_15 = tpu.memref_slice %arg15[%add3A_11, %dma_start3A_14] : memref<10240x128xf32, #tpu.memory_space<vmem_shared>> -> memref<80x128xf32, #tpu.memory_space<vmem_shared>>
    tpu.enqueue_dma source(%arg9 : memref<80x128xf32, #tpu.memory_space<vmem>>) target(%dma_start3A_15 : memref<80x128xf32, #tpu.memory_space<vmem_shared>>) target_semaphore(%arg14 : memref<!tpu.dma_semaphore, #tpu.memory_space<semaphore_mem>>)
    %add3A_16 = arith.constant 160 : i32
    %add3A_17 = arith.addi %mul3A_2, %add3A_16 : i32
    %dma_start3A_18 = arith.constant 0 : i32
    %dma_start3A_19 = tpu.memref_slice %arg15[%add3A_17, %dma_start3A_18] : memref<10240x128xf32, #tpu.memory_space<vmem_shared>> -> memref<80x128xf32, #tpu.memory_space<vmem_shared>>
    %dma_start3A_20 = arith.constant 0 : i32
    %dma_start3A_21 = tpu.memref_slice %arg15[%add3A_17, %dma_start3A_20] : memref<10240x128xf32, #tpu.memory_space<vmem_shared>> -> memref<80x128xf32, #tpu.memory_space<vmem_shared>>
    tpu.enqueue_dma source(%arg9 : memref<80x128xf32, #tpu.memory_space<vmem>>) target(%dma_start3A_21 : memref<80x128xf32, #tpu.memory_space<vmem_shared>>) target_semaphore(%arg14 : memref<!tpu.dma_semaphore, #tpu.memory_space<semaphore_mem>>)
    %add3A_22 = arith.constant 240 : i32
    %add3A_23 = arith.addi %mul3A_2, %add3A_22 : i32
    %dma_start3A_24 = arith.constant 0 : i32
    %dma_start3A_25 = tpu.memref_slice %arg15[%add3A_23, %dma_start3A_24] : memref<10240x128xf32, #tpu.memory_space<vmem_shared>> -> memref<80x128xf32, #tpu.memory_space<vmem_shared>>
    %dma_start3A_26 = arith.constant 0 : i32
    %dma_start3A_27 = tpu.memref_slice %arg15[%add3A_23, %dma_start3A_26] : memref<10240x128xf32, #tpu.memory_space<vmem_shared>> -> memref<80x128xf32, #tpu.memory_space<vmem_shared>>
    tpu.enqueue_dma source(%arg9 : memref<80x128xf32, #tpu.memory_space<vmem>>) target(%dma_start3A_27 : memref<80x128xf32, #tpu.memory_space<vmem_shared>>) target_semaphore(%arg14 : memref<!tpu.dma_semaphore, #tpu.memory_space<semaphore_mem>>)
    %add3A_28 = arith.constant 320 : i32
    %add3A_29 = arith.addi %mul3A_2, %add3A_28 : i32
    %dma_start3A_30 = arith.constant 0 : i32
    %dma_start3A_31 = tpu.memref_slice %arg15[%add3A_29, %dma_start3A_30] : memref<10240x128xf32, #tpu.memory_space<vmem_shared>> -> memref<80x128xf32, #tpu.memory_space<vmem_shared>>
    %dma_start3A_32 = arith.constant 0 : i32
    %dma_start3A_33 = tpu.memref_slice %arg15[%add3A_29, %dma_start3A_32] : memref<10240x128xf32, #tpu.memory_space<vmem_shared>> -> memref<80x128xf32, #tpu.memory_space<vmem_shared>>
    tpu.enqueue_dma source(%arg9 : memref<80x128xf32, #tpu.memory_space<vmem>>) target(%dma_start3A_33 : memref<80x128xf32, #tpu.memory_space<vmem_shared>>) target_semaphore(%arg14 : memref<!tpu.dma_semaphore, #tpu.memory_space<semaphore_mem>>)
    %add3A_34 = arith.constant 400 : i32
    %add3A_35 = arith.addi %mul3A_2, %add3A_34 : i32
    %dma_start3A_36 = arith.constant 0 : i32
    %dma_start3A_37 = tpu.memref_slice %arg15[%add3A_35, %dma_start3A_36] : memref<10240x128xf32, #tpu.memory_space<vmem_shared>> -> memref<80x128xf32, #tpu.memory_space<vmem_shared>>
    %dma_start3A_38 = arith.constant 0 : i32
    %dma_start3A_39 = tpu.memref_slice %arg15[%add3A_35, %dma_start3A_38] : memref<10240x128xf32, #tpu.memory_space<vmem_shared>> -> memref<80x128xf32, #tpu.memory_space<vmem_shared>>
    tpu.enqueue_dma source(%arg9 : memref<80x128xf32, #tpu.memory_space<vmem>>) target(%dma_start3A_39 : memref<80x128xf32, #tpu.memory_space<vmem_shared>>) target_semaphore(%arg14 : memref<!tpu.dma_semaphore, #tpu.memory_space<semaphore_mem>>)
    %add3A_40 = arith.constant 480 : i32
    %add3A_41 = arith.addi %mul3A_2, %add3A_40 : i32
    %dma_start3A_42 = arith.constant 0 : i32
    %dma_start3A_43 = tpu.memref_slice %arg15[%add3A_41, %dma_start3A_42] : memref<10240x128xf32, #tpu.memory_space<vmem_shared>> -> memref<80x128xf32, #tpu.memory_space<vmem_shared>>
    %dma_start3A_44 = arith.constant 0 : i32
    %dma_start3A_45 = tpu.memref_slice %arg15[%add3A_41, %dma_start3A_44] : memref<10240x128xf32, #tpu.memory_space<vmem_shared>> -> memref<80x128xf32, #tpu.memory_space<vmem_shared>>
    tpu.enqueue_dma source(%arg9 : memref<80x128xf32, #tpu.memory_space<vmem>>) target(%dma_start3A_45 : memref<80x128xf32, #tpu.memory_space<vmem_shared>>) target_semaphore(%arg14 : memref<!tpu.dma_semaphore, #tpu.memory_space<semaphore_mem>>)
    %add3A_46 = arith.constant 560 : i32
    %add3A_47 = arith.addi %mul3A_2, %add3A_46 : i32
    %dma_start3A_48 = arith.constant 0 : i32
    %dma_start3A_49 = tpu.memref_slice %arg15[%add3A_47, %dma_start3A_48] : memref<10240x128xf32, #tpu.memory_space<vmem_shared>> -> memref<80x128xf32, #tpu.memory_space<vmem_shared>>
    %dma_start3A_50 = arith.constant 0 : i32
    %dma_start3A_51 = tpu.memref_slice %arg15[%add3A_47, %dma_start3A_50] : memref<10240x128xf32, #tpu.memory_space<vmem_shared>> -> memref<80x128xf32, #tpu.memory_space<vmem_shared>>
    tpu.enqueue_dma source(%arg9 : memref<80x128xf32, #tpu.memory_space<vmem>>) target(%dma_start3A_51 : memref<80x128xf32, #tpu.memory_space<vmem_shared>>) target_semaphore(%arg14 : memref<!tpu.dma_semaphore, #tpu.memory_space<semaphore_mem>>)
    tpu.wait_dma2 semaphore(%arg14 : memref<!tpu.dma_semaphore, #tpu.memory_space<semaphore_mem>>) src(%arg4 : memref<80x128xf32, #tpu.memory_space<hbm>>) dst(%arg9 : memref<80x128xf32, #tpu.memory_space<vmem>>)
    tpu.wait_dma2 semaphore(%arg14 : memref<!tpu.dma_semaphore, #tpu.memory_space<semaphore_mem>>) src(%arg4 : memref<80x128xf32, #tpu.memory_space<hbm>>) dst(%arg9 : memref<80x128xf32, #tpu.memory_space<vmem>>)
    tpu.wait_dma2 semaphore(%arg14 : memref<!tpu.dma_semaphore, #tpu.memory_space<semaphore_mem>>) src(%arg4 : memref<80x128xf32, #tpu.memory_space<hbm>>) dst(%arg9 : memref<80x128xf32, #tpu.memory_space<vmem>>)
    tpu.wait_dma2 semaphore(%arg14 : memref<!tpu.dma_semaphore, #tpu.memory_space<semaphore_mem>>) src(%arg4 : memref<80x128xf32, #tpu.memory_space<hbm>>) dst(%arg9 : memref<80x128xf32, #tpu.memory_space<vmem>>)
    tpu.wait_dma2 semaphore(%arg14 : memref<!tpu.dma_semaphore, #tpu.memory_space<semaphore_mem>>) src(%arg4 : memref<80x128xf32, #tpu.memory_space<hbm>>) dst(%arg9 : memref<80x128xf32, #tpu.memory_space<vmem>>)
    tpu.wait_dma2 semaphore(%arg14 : memref<!tpu.dma_semaphore, #tpu.memory_space<semaphore_mem>>) src(%arg4 : memref<80x128xf32, #tpu.memory_space<hbm>>) dst(%arg9 : memref<80x128xf32, #tpu.memory_space<vmem>>)
    tpu.wait_dma2 semaphore(%arg14 : memref<!tpu.dma_semaphore, #tpu.memory_space<semaphore_mem>>) src(%arg4 : memref<80x128xf32, #tpu.memory_space<hbm>>) dst(%arg9 : memref<80x128xf32, #tpu.memory_space<vmem>>)
    tpu.wait_dma2 semaphore(%arg14 : memref<!tpu.dma_semaphore, #tpu.memory_space<semaphore_mem>>) src(%arg4 : memref<80x128xf32, #tpu.memory_space<hbm>>) dst(%arg9 : memref<80x128xf32, #tpu.memory_space<vmem>>)
    "tpu.region"() ({
      %run_scoped3A = tpu.sem_alloc : memref<!tpu.dma_semaphore, #tpu.memory_space<semaphore_mem>>
      tpu.enqueue_dma source(%arg3 : memref<80x128xf32, #tpu.memory_space<hbm>>) target(%arg8 : memref<80x128xf32, #tpu.memory_space<vmem>>) target_semaphore(%run_scoped3A : memref<!tpu.dma_semaphore, #tpu.memory_space<semaphore_mem>>)
      tpu.wait_dma2 semaphore(%run_scoped3A : memref<!tpu.dma_semaphore, #tpu.memory_space<semaphore_mem>>) src(%arg3 : memref<80x128xf32, #tpu.memory_space<hbm>>) dst(%arg8 : memref<80x128xf32, #tpu.memory_space<vmem>>)
      tpu.yield
    }) : () -> ()
    %barrier3A = arith.constant 0 : index
    tpu.barrier barrier_id(%barrier3A)
    %add3A_52 = arith.constant 0 : i32
    %add3A_53 = arith.addi %multiple_of3A, %add3A_52 : i32
    %dma_start3A_54 = tpu.memref_slice %arg2[%add3A_53] : memref<320000xi32, #tpu.memory_space<hbm>> -> memref<80xi32, #tpu.memory_space<hbm>>
    %dma_start3A_55 = tpu.memref_slice %arg2[%add3A_53] : memref<320000xi32, #tpu.memory_space<hbm>> -> memref<80xi32, #tpu.memory_space<hbm>>
    tpu.enqueue_dma source(%dma_start3A_55 : memref<80xi32, #tpu.memory_space<hbm>>) target(%arg6 : memref<80xi32, #tpu.memory_space<vmem>>) target_semaphore(%arg10 : memref<!tpu.dma_semaphore, #tpu.memory_space<semaphore_mem>>)
    %scan3A = arith.constant 0 : i32
    %scan3A_56 = arith.constant 63 : i32
    %scan3A_57 = arith.addi %scan3A, %scan3A_56 : i32
    %scan3A_58 = arith.constant 1 : i32
    scf.for %scan3A_149 = %scan3A to %scan3A_57 step %scan3A_58  : i32 {
      %mul3A_150 = arith.constant 2 : i32
      %mul3A_151 = arith.muli %scan3A_149, %mul3A_150 : i32
      %add3A_152 = arith.constant 0 : i32
      %add3A_153 = arith.addi %add3A_152, %mul3A_151 : i32
      %add3A_154 = arith.constant 1 : i32
      %add3A_155 = arith.addi %add3A_153, %add3A_154 : i32
      %lt3A = arith.constant 125 : i32
      %lt3A_156 = arith.cmpi slt, %add3A_155, %lt3A : i32
      %convert_element_type3A = arith.extui %lt3A_156 : i1 to i32
      %cond3A = arith.constant 0 : i32
      %cond3A_157 = arith.cmpi ne, %convert_element_type3A, %cond3A : i32
      scf.if %cond3A_157 {
        %ge3A = arith.constant 2 : i32
        %ge3A_171 = arith.cmpi sge, %add3A_153, %ge3A : i32
        %convert_element_type3A_172 = arith.extui %ge3A_171 : i1 to i32
        %cond3A_173 = arith.constant 0 : i32
        %cond3A_174 = arith.cmpi ne, %convert_element_type3A_172, %cond3A_173 : i32
        scf.if %cond3A_174 {
          tpu.wait_dma2 semaphore(%arg13 : memref<!tpu.dma_semaphore, #tpu.memory_space<semaphore_mem>>) src(%arg4 : memref<80x128xf32, #tpu.memory_space<hbm>>) dst(%arg9 : memref<80x128xf32, #tpu.memory_space<vmem>>)
        } else {
        }
        %add3A_175 = arith.constant 1 : i32
        %add3A_176 = arith.addi %add3A_153, %add3A_175 : i32
        %mul3A_177 = arith.constant 80 : i32
        %mul3A_178 = arith.muli %add3A_176, %mul3A_177 : i32
        %add3A_179 = arith.addi %multiple_of3A, %mul3A_178 : i32
        %dma_start3A_180 = tpu.memref_slice %arg2[%add3A_179] : memref<320000xi32, #tpu.memory_space<hbm>> -> memref<80xi32, #tpu.memory_space<hbm>>
        %dma_start3A_181 = tpu.memref_slice %arg2[%add3A_179] : memref<320000xi32, #tpu.memory_space<hbm>> -> memref<80xi32, #tpu.memory_space<hbm>>
        tpu.enqueue_dma source(%dma_start3A_181 : memref<80xi32, #tpu.memory_space<hbm>>) target(%arg7 : memref<80xi32, #tpu.memory_space<vmem>>) target_semaphore(%arg11 : memref<!tpu.dma_semaphore, #tpu.memory_space<semaphore_mem>>)
      } else {
      }
      %dma_wait3A = arith.constant 0 : i32
      %dma_wait3A_158 = tpu.memref_slice %arg2[%dma_wait3A] : memref<320000xi32, #tpu.memory_space<hbm>> -> memref<80xi32, #tpu.memory_space<hbm>>
      %dma_wait3A_159 = arith.constant 0 : i32
      %dma_wait3A_160 = tpu.memref_slice %arg2[%dma_wait3A_159] : memref<320000xi32, #tpu.memory_space<hbm>> -> memref<80xi32, #tpu.memory_space<hbm>>
      tpu.wait_dma2 semaphore(%arg10 : memref<!tpu.dma_semaphore, #tpu.memory_space<semaphore_mem>>) src(%dma_wait3A_160 : memref<80xi32, #tpu.memory_space<hbm>>) dst(%arg6 : memref<80xi32, #tpu.memory_space<vmem>>)
      %dma_start3A_161 = arith.constant 0 : i32
      %dma_start3A_162 = arith.constant 0 : i32
      %dma_start3A_163 = tpu.memref_slice %arg15[%dma_start3A_161, %dma_start3A_162] : memref<10240x128xf32, #tpu.memory_space<vmem_shared>> -> memref<10240x128xf32, #tpu.memory_space<vmem_shared>>
      tpu.enqueue_indirect_dma source(%arg8 : memref<80x128xf32, #tpu.memory_space<vmem>>) target(%dma_start3A_163 : memref<10240x128xf32, #tpu.memory_space<vmem_shared>>) offsets(%arg6 : memref<80xi32, #tpu.memory_space<vmem>>) semaphore(%arg12 : memref<!tpu.dma_semaphore, #tpu.memory_space<semaphore_mem>>) {add = true}
      %add3A_164 = arith.constant 1 : i32
      %add3A_165 = arith.addi %add3A_153, %add3A_164 : i32
      %lt3A_166 = arith.constant 125 : i32
      %lt3A_167 = arith.cmpi slt, %add3A_165, %lt3A_166 : i32
      %convert_element_type3A_168 = arith.extui %lt3A_167 : i1 to i32
      %cond3A_169 = arith.constant 0 : i32
      %cond3A_170 = arith.cmpi ne, %convert_element_type3A_168, %cond3A_169 : i32
      scf.if %cond3A_170 {
        %add3A_171 = arith.constant 2 : i32
        %add3A_172 = arith.addi %add3A_153, %add3A_171 : i32
        %lt3A_173 = arith.constant 125 : i32
        %lt3A_174 = arith.cmpi slt, %add3A_172, %lt3A_173 : i32
        %convert_element_type3A_175 = arith.extui %lt3A_174 : i1 to i32
        %cond3A_176 = arith.constant 0 : i32
        %cond3A_177 = arith.cmpi ne, %convert_element_type3A_175, %cond3A_176 : i32
        scf.if %cond3A_177 {
          tpu.wait_dma2 semaphore(%arg12 : memref<!tpu.dma_semaphore, #tpu.memory_space<semaphore_mem>>) src(%arg4 : memref<80x128xf32, #tpu.memory_space<hbm>>) dst(%arg9 : memref<80x128xf32, #tpu.memory_space<vmem>>)
          %add3A_185 = arith.constant 2 : i32
          %add3A_186 = arith.addi %add3A_153, %add3A_185 : i32
          %mul3A_187 = arith.constant 80 : i32
          %mul3A_188 = arith.muli %add3A_186, %mul3A_187 : i32
          %add3A_189 = arith.addi %multiple_of3A, %mul3A_188 : i32
          %dma_start3A_190 = tpu.memref_slice %arg2[%add3A_189] : memref<320000xi32, #tpu.memory_space<hbm>> -> memref<80xi32, #tpu.memory_space<hbm>>
          %dma_start3A_191 = tpu.memref_slice %arg2[%add3A_189] : memref<320000xi32, #tpu.memory_space<hbm>> -> memref<80xi32, #tpu.memory_space<hbm>>
          tpu.enqueue_dma source(%dma_start3A_191 : memref<80xi32, #tpu.memory_space<hbm>>) target(%arg6 : memref<80xi32, #tpu.memory_space<vmem>>) target_semaphore(%arg10 : memref<!tpu.dma_semaphore, #tpu.memory_space<semaphore_mem>>)
        } else {
        }
        %dma_wait3A_178 = arith.constant 0 : i32
        %dma_wait3A_179 = tpu.memref_slice %arg2[%dma_wait3A_178] : memref<320000xi32, #tpu.memory_space<hbm>> -> memref<80xi32, #tpu.memory_space<hbm>>
        %dma_wait3A_180 = arith.constant 0 : i32
        %dma_wait3A_181 = tpu.memref_slice %arg2[%dma_wait3A_180] : memref<320000xi32, #tpu.memory_space<hbm>> -> memref<80xi32, #tpu.memory_space<hbm>>
        tpu.wait_dma2 semaphore(%arg11 : memref<!tpu.dma_semaphore, #tpu.memory_space<semaphore_mem>>) src(%dma_wait3A_181 : memref<80xi32, #tpu.memory_space<hbm>>) dst(%arg7 : memref<80xi32, #tpu.memory_space<vmem>>)
        %dma_start3A_182 = arith.constant 0 : i32
        %dma_start3A_183 = arith.constant 0 : i32
        %dma_start3A_184 = tpu.memref_slice %arg15[%dma_start3A_182, %dma_start3A_183] : memref<10240x128xf32, #tpu.memory_space<vmem_shared>> -> memref<10240x128xf32, #tpu.memory_space<vmem_shared>>
        tpu.enqueue_indirect_dma source(%arg8 : memref<80x128xf32, #tpu.memory_space<vmem>>) target(%dma_start3A_184 : memref<10240x128xf32, #tpu.memory_space<vmem_shared>>) offsets(%arg7 : memref<80xi32, #tpu.memory_space<vmem>>) semaphore(%arg13 : memref<!tpu.dma_semaphore, #tpu.memory_space<semaphore_mem>>) {add = true}
      } else {
      }
    }
    %scan3A_59 = arith.constant 63 : i32
    tpu.wait_dma2 semaphore(%arg12 : memref<!tpu.dma_semaphore, #tpu.memory_space<semaphore_mem>>) src(%arg4 : memref<80x128xf32, #tpu.memory_space<hbm>>) dst(%arg9 : memref<80x128xf32, #tpu.memory_space<vmem>>)
    tpu.wait_dma2 semaphore(%arg13 : memref<!tpu.dma_semaphore, #tpu.memory_space<semaphore_mem>>) src(%arg4 : memref<80x128xf32, #tpu.memory_space<hbm>>) dst(%arg9 : memref<80x128xf32, #tpu.memory_space<vmem>>)
    %barrier3A_60 = arith.constant 0 : index
    tpu.barrier barrier_id(%barrier3A_60)
    %add3A_61 = arith.constant 0 : i32
    %add3A_62 = arith.addi %mul3A_2, %add3A_61 : i32
    "tpu.region"() ({
      %run_scoped3A = tpu.sem_alloc : memref<!tpu.dma_semaphore, #tpu.memory_space<semaphore_mem>>
      %dma_start3A_149 = arith.constant 0 : i32
      %dma_start3A_150 = tpu.memref_slice %arg15[%add3A_62, %dma_start3A_149] : memref<10240x128xf32, #tpu.memory_space<vmem_shared>> -> memref<80x128xf32, #tpu.memory_space<vmem_shared>>
      %dma_start3A_151 = arith.constant 0 : i32
      %dma_start3A_152 = tpu.memref_slice %arg15[%add3A_62, %dma_start3A_151] : memref<10240x128xf32, #tpu.memory_space<vmem_shared>> -> memref<80x128xf32, #tpu.memory_space<vmem_shared>>
      tpu.enqueue_dma source(%dma_start3A_152 : memref<80x128xf32, #tpu.memory_space<vmem_shared>>) target(%arg8 : memref<80x128xf32, #tpu.memory_space<vmem>>) target_semaphore(%run_scoped3A : memref<!tpu.dma_semaphore, #tpu.memory_space<semaphore_mem>>)
      %dma_wait3A = arith.constant 0 : i32
      %dma_wait3A_153 = tpu.memref_slice %arg15[%add3A_62, %dma_wait3A] : memref<10240x128xf32, #tpu.memory_space<vmem_shared>> -> memref<80x128xf32, #tpu.memory_space<vmem_shared>>
      %dma_wait3A_154 = arith.constant 0 : i32
      %dma_wait3A_155 = tpu.memref_slice %arg15[%add3A_62, %dma_wait3A_154] : memref<10240x128xf32, #tpu.memory_space<vmem_shared>> -> memref<80x128xf32, #tpu.memory_space<vmem_shared>>
      tpu.wait_dma2 semaphore(%run_scoped3A : memref<!tpu.dma_semaphore, #tpu.memory_space<semaphore_mem>>) src(%dma_wait3A_155 : memref<80x128xf32, #tpu.memory_space<vmem_shared>>) dst(%arg8 : memref<80x128xf32, #tpu.memory_space<vmem>>)
      tpu.yield
    }) : () -> ()
    %mul3A_63 = arith.constant 10240 : i32
    %mul3A_64 = arith.muli %arg0, %mul3A_63 : i32
    %add3A_65 = arith.addi %mul3A_64, %mul3A_2 : i32
    %add3A_66 = arith.constant 0 : i32
    %add3A_67 = arith.addi %add3A_65, %add3A_66 : i32
    %dma_start3A_68 = arith.constant 0 : i32
    %dma_start3A_69 = tpu.memref_slice %arg5[%add3A_67, %dma_start3A_68] : memref<20480x128xf32, #tpu.memory_space<hbm>> -> memref<80x128xf32, #tpu.memory_space<hbm>>
    %dma_start3A_70 = arith.constant 0 : i32
    %dma_start3A_71 = tpu.memref_slice %arg5[%add3A_67, %dma_start3A_70] : memref<20480x128xf32, #tpu.memory_space<hbm>> -> memref<80x128xf32, #tpu.memory_space<hbm>>
    tpu.enqueue_dma source(%arg8 : memref<80x128xf32, #tpu.memory_space<vmem>>) target(%dma_start3A_71 : memref<80x128xf32, #tpu.memory_space<hbm>>) target_semaphore(%arg10 : memref<!tpu.dma_semaphore, #tpu.memory_space<semaphore_mem>>)
    %add3A_72 = arith.constant 80 : i32
    %add3A_73 = arith.addi %mul3A_2, %add3A_72 : i32
    "tpu.region"() ({
      %run_scoped3A = tpu.sem_alloc : memref<!tpu.dma_semaphore, #tpu.memory_space<semaphore_mem>>
      %dma_start3A_149 = arith.constant 0 : i32
      %dma_start3A_150 = tpu.memref_slice %arg15[%add3A_73, %dma_start3A_149] : memref<10240x128xf32, #tpu.memory_space<vmem_shared>> -> memref<80x128xf32, #tpu.memory_space<vmem_shared>>
      %dma_start3A_151 = arith.constant 0 : i32
      %dma_start3A_152 = tpu.memref_slice %arg15[%add3A_73, %dma_start3A_151] : memref<10240x128xf32, #tpu.memory_space<vmem_shared>> -> memref<80x128xf32, #tpu.memory_space<vmem_shared>>
      tpu.enqueue_dma source(%dma_start3A_152 : memref<80x128xf32, #tpu.memory_space<vmem_shared>>) target(%arg9 : memref<80x128xf32, #tpu.memory_space<vmem>>) target_semaphore(%run_scoped3A : memref<!tpu.dma_semaphore, #tpu.memory_space<semaphore_mem>>)
      %dma_wait3A = arith.constant 0 : i32
      %dma_wait3A_153 = tpu.memref_slice %arg15[%add3A_73, %dma_wait3A] : memref<10240x128xf32, #tpu.memory_space<vmem_shared>> -> memref<80x128xf32, #tpu.memory_space<vmem_shared>>
      %dma_wait3A_154 = arith.constant 0 : i32
      %dma_wait3A_155 = tpu.memref_slice %arg15[%add3A_73, %dma_wait3A_154] : memref<10240x128xf32, #tpu.memory_space<vmem_shared>> -> memref<80x128xf32, #tpu.memory_space<vmem_shared>>
      tpu.wait_dma2 semaphore(%run_scoped3A : memref<!tpu.dma_semaphore, #tpu.memory_space<semaphore_mem>>) src(%dma_wait3A_155 : memref<80x128xf32, #tpu.memory_space<vmem_shared>>) dst(%arg9 : memref<80x128xf32, #tpu.memory_space<vmem>>)
      tpu.yield
    }) : () -> ()
    %mul3A_74 = arith.constant 10240 : i32
    %mul3A_75 = arith.muli %arg0, %mul3A_74 : i32
    %add3A_76 = arith.addi %mul3A_75, %mul3A_2 : i32
    %add3A_77 = arith.constant 80 : i32
    %add3A_78 = arith.addi %add3A_76, %add3A_77 : i32
    %dma_start3A_79 = arith.constant 0 : i32
    %dma_start3A_80 = tpu.memref_slice %arg5[%add3A_78, %dma_start3A_79] : memref<20480x128xf32, #tpu.memory_space<hbm>> -> memref<80x128xf32, #tpu.memory_space<hbm>>
    %dma_start3A_81 = arith.constant 0 : i32
    %dma_start3A_82 = tpu.memref_slice %arg5[%add3A_78, %dma_start3A_81] : memref<20480x128xf32, #tpu.memory_space<hbm>> -> memref<80x128xf32, #tpu.memory_space<hbm>>
    tpu.enqueue_dma source(%arg9 : memref<80x128xf32, #tpu.memory_space<vmem>>) target(%dma_start3A_82 : memref<80x128xf32, #tpu.memory_space<hbm>>) target_semaphore(%arg11 : memref<!tpu.dma_semaphore, #tpu.memory_space<semaphore_mem>>)
    tpu.wait_dma2 semaphore(%arg10 : memref<!tpu.dma_semaphore, #tpu.memory_space<semaphore_mem>>) src(%arg4 : memref<80x128xf32, #tpu.memory_space<hbm>>) dst(%arg8 : memref<80x128xf32, #tpu.memory_space<vmem>>)
    %add3A_83 = arith.constant 160 : i32
    %add3A_84 = arith.addi %mul3A_2, %add3A_83 : i32
    "tpu.region"() ({
      %run_scoped3A = tpu.sem_alloc : memref<!tpu.dma_semaphore, #tpu.memory_space<semaphore_mem>>
      %dma_start3A_149 = arith.constant 0 : i32
      %dma_start3A_150 = tpu.memref_slice %arg15[%add3A_84, %dma_start3A_149] : memref<10240x128xf32, #tpu.memory_space<vmem_shared>> -> memref<80x128xf32, #tpu.memory_space<vmem_shared>>
      %dma_start3A_151 = arith.constant 0 : i32
      %dma_start3A_152 = tpu.memref_slice %arg15[%add3A_84, %dma_start3A_151] : memref<10240x128xf32, #tpu.memory_space<vmem_shared>> -> memref<80x128xf32, #tpu.memory_space<vmem_shared>>
      tpu.enqueue_dma source(%dma_start3A_152 : memref<80x128xf32, #tpu.memory_space<vmem_shared>>) target(%arg8 : memref<80x128xf32, #tpu.memory_space<vmem>>) target_semaphore(%run_scoped3A : memref<!tpu.dma_semaphore, #tpu.memory_space<semaphore_mem>>)
      %dma_wait3A = arith.constant 0 : i32
      %dma_wait3A_153 = tpu.memref_slice %arg15[%add3A_84, %dma_wait3A] : memref<10240x128xf32, #tpu.memory_space<vmem_shared>> -> memref<80x128xf32, #tpu.memory_space<vmem_shared>>
      %dma_wait3A_154 = arith.constant 0 : i32
      %dma_wait3A_155 = tpu.memref_slice %arg15[%add3A_84, %dma_wait3A_154] : memref<10240x128xf32, #tpu.memory_space<vmem_shared>> -> memref<80x128xf32, #tpu.memory_space<vmem_shared>>
      tpu.wait_dma2 semaphore(%run_scoped3A : memref<!tpu.dma_semaphore, #tpu.memory_space<semaphore_mem>>) src(%dma_wait3A_155 : memref<80x128xf32, #tpu.memory_space<vmem_shared>>) dst(%arg8 : memref<80x128xf32, #tpu.memory_space<vmem>>)
      tpu.yield
    }) : () -> ()
    %mul3A_85 = arith.constant 10240 : i32
    %mul3A_86 = arith.muli %arg0, %mul3A_85 : i32
    %add3A_87 = arith.addi %mul3A_86, %mul3A_2 : i32
    %add3A_88 = arith.constant 160 : i32
    %add3A_89 = arith.addi %add3A_87, %add3A_88 : i32
    %dma_start3A_90 = arith.constant 0 : i32
    %dma_start3A_91 = tpu.memref_slice %arg5[%add3A_89, %dma_start3A_90] : memref<20480x128xf32, #tpu.memory_space<hbm>> -> memref<80x128xf32, #tpu.memory_space<hbm>>
    %dma_start3A_92 = arith.constant 0 : i32
    %dma_start3A_93 = tpu.memref_slice %arg5[%add3A_89, %dma_start3A_92] : memref<20480x128xf32, #tpu.memory_space<hbm>> -> memref<80x128xf32, #tpu.memory_space<hbm>>
    tpu.enqueue_dma source(%arg8 : memref<80x128xf32, #tpu.memory_space<vmem>>) target(%dma_start3A_93 : memref<80x128xf32, #tpu.memory_space<hbm>>) target_semaphore(%arg10 : memref<!tpu.dma_semaphore, #tpu.memory_space<semaphore_mem>>)
    tpu.wait_dma2 semaphore(%arg11 : memref<!tpu.dma_semaphore, #tpu.memory_space<semaphore_mem>>) src(%arg4 : memref<80x128xf32, #tpu.memory_space<hbm>>) dst(%arg9 : memref<80x128xf32, #tpu.memory_space<vmem>>)
    %add3A_94 = arith.constant 240 : i32
    %add3A_95 = arith.addi %mul3A_2, %add3A_94 : i32
    "tpu.region"() ({
      %run_scoped3A = tpu.sem_alloc : memref<!tpu.dma_semaphore, #tpu.memory_space<semaphore_mem>>
      %dma_start3A_149 = arith.constant 0 : i32
      %dma_start3A_150 = tpu.memref_slice %arg15[%add3A_95, %dma_start3A_149] : memref<10240x128xf32, #tpu.memory_space<vmem_shared>> -> memref<80x128xf32, #tpu.memory_space<vmem_shared>>
      %dma_start3A_151 = arith.constant 0 : i32
      %dma_start3A_152 = tpu.memref_slice %arg15[%add3A_95, %dma_start3A_151] : memref<10240x128xf32, #tpu.memory_space<vmem_shared>> -> memref<80x128xf32, #tpu.memory_space<vmem_shared>>
      tpu.enqueue_dma source(%dma_start3A_152 : memref<80x128xf32, #tpu.memory_space<vmem_shared>>) target(%arg9 : memref<80x128xf32, #tpu.memory_space<vmem>>) target_semaphore(%run_scoped3A : memref<!tpu.dma_semaphore, #tpu.memory_space<semaphore_mem>>)
      %dma_wait3A = arith.constant 0 : i32
      %dma_wait3A_153 = tpu.memref_slice %arg15[%add3A_95, %dma_wait3A] : memref<10240x128xf32, #tpu.memory_space<vmem_shared>> -> memref<80x128xf32, #tpu.memory_space<vmem_shared>>
      %dma_wait3A_154 = arith.constant 0 : i32
      %dma_wait3A_155 = tpu.memref_slice %arg15[%add3A_95, %dma_wait3A_154] : memref<10240x128xf32, #tpu.memory_space<vmem_shared>> -> memref<80x128xf32, #tpu.memory_space<vmem_shared>>
      tpu.wait_dma2 semaphore(%run_scoped3A : memref<!tpu.dma_semaphore, #tpu.memory_space<semaphore_mem>>) src(%dma_wait3A_155 : memref<80x128xf32, #tpu.memory_space<vmem_shared>>) dst(%arg9 : memref<80x128xf32, #tpu.memory_space<vmem>>)
      tpu.yield
    }) : () -> ()
    %mul3A_96 = arith.constant 10240 : i32
    %mul3A_97 = arith.muli %arg0, %mul3A_96 : i32
    %add3A_98 = arith.addi %mul3A_97, %mul3A_2 : i32
    %add3A_99 = arith.constant 240 : i32
    %add3A_100 = arith.addi %add3A_98, %add3A_99 : i32
    %dma_start3A_101 = arith.constant 0 : i32
    %dma_start3A_102 = tpu.memref_slice %arg5[%add3A_100, %dma_start3A_101] : memref<20480x128xf32, #tpu.memory_space<hbm>> -> memref<80x128xf32, #tpu.memory_space<hbm>>
    %dma_start3A_103 = arith.constant 0 : i32
    %dma_start3A_104 = tpu.memref_slice %arg5[%add3A_100, %dma_start3A_103] : memref<20480x128xf32, #tpu.memory_space<hbm>> -> memref<80x128xf32, #tpu.memory_space<hbm>>
    tpu.enqueue_dma source(%arg9 : memref<80x128xf32, #tpu.memory_space<vmem>>) target(%dma_start3A_104 : memref<80x128xf32, #tpu.memory_space<hbm>>) target_semaphore(%arg11 : memref<!tpu.dma_semaphore, #tpu.memory_space<semaphore_mem>>)
    tpu.wait_dma2 semaphore(%arg10 : memref<!tpu.dma_semaphore, #tpu.memory_space<semaphore_mem>>) src(%arg4 : memref<80x128xf32, #tpu.memory_space<hbm>>) dst(%arg8 : memref<80x128xf32, #tpu.memory_space<vmem>>)
    %add3A_105 = arith.constant 320 : i32
    %add3A_106 = arith.addi %mul3A_2, %add3A_105 : i32
    "tpu.region"() ({
      %run_scoped3A = tpu.sem_alloc : memref<!tpu.dma_semaphore, #tpu.memory_space<semaphore_mem>>
      %dma_start3A_149 = arith.constant 0 : i32
      %dma_start3A_150 = tpu.memref_slice %arg15[%add3A_106, %dma_start3A_149] : memref<10240x128xf32, #tpu.memory_space<vmem_shared>> -> memref<80x128xf32, #tpu.memory_space<vmem_shared>>
      %dma_start3A_151 = arith.constant 0 : i32
      %dma_start3A_152 = tpu.memref_slice %arg15[%add3A_106, %dma_start3A_151] : memref<10240x128xf32, #tpu.memory_space<vmem_shared>> -> memref<80x128xf32, #tpu.memory_space<vmem_shared>>
      tpu.enqueue_dma source(%dma_start3A_152 : memref<80x128xf32, #tpu.memory_space<vmem_shared>>) target(%arg8 : memref<80x128xf32, #tpu.memory_space<vmem>>) target_semaphore(%run_scoped3A : memref<!tpu.dma_semaphore, #tpu.memory_space<semaphore_mem>>)
      %dma_wait3A = arith.constant 0 : i32
      %dma_wait3A_153 = tpu.memref_slice %arg15[%add3A_106, %dma_wait3A] : memref<10240x128xf32, #tpu.memory_space<vmem_shared>> -> memref<80x128xf32, #tpu.memory_space<vmem_shared>>
      %dma_wait3A_154 = arith.constant 0 : i32
      %dma_wait3A_155 = tpu.memref_slice %arg15[%add3A_106, %dma_wait3A_154] : memref<10240x128xf32, #tpu.memory_space<vmem_shared>> -> memref<80x128xf32, #tpu.memory_space<vmem_shared>>
      tpu.wait_dma2 semaphore(%run_scoped3A : memref<!tpu.dma_semaphore, #tpu.memory_space<semaphore_mem>>) src(%dma_wait3A_155 : memref<80x128xf32, #tpu.memory_space<vmem_shared>>) dst(%arg8 : memref<80x128xf32, #tpu.memory_space<vmem>>)
      tpu.yield
    }) : () -> ()
    %mul3A_107 = arith.constant 10240 : i32
    %mul3A_108 = arith.muli %arg0, %mul3A_107 : i32
    %add3A_109 = arith.addi %mul3A_108, %mul3A_2 : i32
    %add3A_110 = arith.constant 320 : i32
    %add3A_111 = arith.addi %add3A_109, %add3A_110 : i32
    %dma_start3A_112 = arith.constant 0 : i32
    %dma_start3A_113 = tpu.memref_slice %arg5[%add3A_111, %dma_start3A_112] : memref<20480x128xf32, #tpu.memory_space<hbm>> -> memref<80x128xf32, #tpu.memory_space<hbm>>
    %dma_start3A_114 = arith.constant 0 : i32
    %dma_start3A_115 = tpu.memref_slice %arg5[%add3A_111, %dma_start3A_114] : memref<20480x128xf32, #tpu.memory_space<hbm>> -> memref<80x128xf32, #tpu.memory_space<hbm>>
    tpu.enqueue_dma source(%arg8 : memref<80x128xf32, #tpu.memory_space<vmem>>) target(%dma_start3A_115 : memref<80x128xf32, #tpu.memory_space<hbm>>) target_semaphore(%arg10 : memref<!tpu.dma_semaphore, #tpu.memory_space<semaphore_mem>>)
    tpu.wait_dma2 semaphore(%arg11 : memref<!tpu.dma_semaphore, #tpu.memory_space<semaphore_mem>>) src(%arg4 : memref<80x128xf32, #tpu.memory_space<hbm>>) dst(%arg9 : memref<80x128xf32, #tpu.memory_space<vmem>>)
    %add3A_116 = arith.constant 400 : i32
    %add3A_117 = arith.addi %mul3A_2, %add3A_116 : i32
    "tpu.region"() ({
      %run_scoped3A = tpu.sem_alloc : memref<!tpu.dma_semaphore, #tpu.memory_space<semaphore_mem>>
      %dma_start3A_149 = arith.constant 0 : i32
      %dma_start3A_150 = tpu.memref_slice %arg15[%add3A_117, %dma_start3A_149] : memref<10240x128xf32, #tpu.memory_space<vmem_shared>> -> memref<80x128xf32, #tpu.memory_space<vmem_shared>>
      %dma_start3A_151 = arith.constant 0 : i32
      %dma_start3A_152 = tpu.memref_slice %arg15[%add3A_117, %dma_start3A_151] : memref<10240x128xf32, #tpu.memory_space<vmem_shared>> -> memref<80x128xf32, #tpu.memory_space<vmem_shared>>
      tpu.enqueue_dma source(%dma_start3A_152 : memref<80x128xf32, #tpu.memory_space<vmem_shared>>) target(%arg9 : memref<80x128xf32, #tpu.memory_space<vmem>>) target_semaphore(%run_scoped3A : memref<!tpu.dma_semaphore, #tpu.memory_space<semaphore_mem>>)
      %dma_wait3A = arith.constant 0 : i32
      %dma_wait3A_153 = tpu.memref_slice %arg15[%add3A_117, %dma_wait3A] : memref<10240x128xf32, #tpu.memory_space<vmem_shared>> -> memref<80x128xf32, #tpu.memory_space<vmem_shared>>
      %dma_wait3A_154 = arith.constant 0 : i32
      %dma_wait3A_155 = tpu.memref_slice %arg15[%add3A_117, %dma_wait3A_154] : memref<10240x128xf32, #tpu.memory_space<vmem_shared>> -> memref<80x128xf32, #tpu.memory_space<vmem_shared>>
      tpu.wait_dma2 semaphore(%run_scoped3A : memref<!tpu.dma_semaphore, #tpu.memory_space<semaphore_mem>>) src(%dma_wait3A_155 : memref<80x128xf32, #tpu.memory_space<vmem_shared>>) dst(%arg9 : memref<80x128xf32, #tpu.memory_space<vmem>>)
      tpu.yield
    }) : () -> ()
    %mul3A_118 = arith.constant 10240 : i32
    %mul3A_119 = arith.muli %arg0, %mul3A_118 : i32
    %add3A_120 = arith.addi %mul3A_119, %mul3A_2 : i32
    %add3A_121 = arith.constant 400 : i32
    %add3A_122 = arith.addi %add3A_120, %add3A_121 : i32
    %dma_start3A_123 = arith.constant 0 : i32
    %dma_start3A_124 = tpu.memref_slice %arg5[%add3A_122, %dma_start3A_123] : memref<20480x128xf32, #tpu.memory_space<hbm>> -> memref<80x128xf32, #tpu.memory_space<hbm>>
    %dma_start3A_125 = arith.constant 0 : i32
    %dma_start3A_126 = tpu.memref_slice %arg5[%add3A_122, %dma_start3A_125] : memref<20480x128xf32, #tpu.memory_space<hbm>> -> memref<80x128xf32, #tpu.memory_space<hbm>>
    tpu.enqueue_dma source(%arg9 : memref<80x128xf32, #tpu.memory_space<vmem>>) target(%dma_start3A_126 : memref<80x128xf32, #tpu.memory_space<hbm>>) target_semaphore(%arg11 : memref<!tpu.dma_semaphore, #tpu.memory_space<semaphore_mem>>)
    tpu.wait_dma2 semaphore(%arg10 : memref<!tpu.dma_semaphore, #tpu.memory_space<semaphore_mem>>) src(%arg4 : memref<80x128xf32, #tpu.memory_space<hbm>>) dst(%arg8 : memref<80x128xf32, #tpu.memory_space<vmem>>)
    %add3A_127 = arith.constant 480 : i32
    %add3A_128 = arith.addi %mul3A_2, %add3A_127 : i32
    "tpu.region"() ({
      %run_scoped3A = tpu.sem_alloc : memref<!tpu.dma_semaphore, #tpu.memory_space<semaphore_mem>>
      %dma_start3A_149 = arith.constant 0 : i32
      %dma_start3A_150 = tpu.memref_slice %arg15[%add3A_128, %dma_start3A_149] : memref<10240x128xf32, #tpu.memory_space<vmem_shared>> -> memref<80x128xf32, #tpu.memory_space<vmem_shared>>
      %dma_start3A_151 = arith.constant 0 : i32
      %dma_start3A_152 = tpu.memref_slice %arg15[%add3A_128, %dma_start3A_151] : memref<10240x128xf32, #tpu.memory_space<vmem_shared>> -> memref<80x128xf32, #tpu.memory_space<vmem_shared>>
      tpu.enqueue_dma source(%dma_start3A_152 : memref<80x128xf32, #tpu.memory_space<vmem_shared>>) target(%arg8 : memref<80x128xf32, #tpu.memory_space<vmem>>) target_semaphore(%run_scoped3A : memref<!tpu.dma_semaphore, #tpu.memory_space<semaphore_mem>>)
      %dma_wait3A = arith.constant 0 : i32
      %dma_wait3A_153 = tpu.memref_slice %arg15[%add3A_128, %dma_wait3A] : memref<10240x128xf32, #tpu.memory_space<vmem_shared>> -> memref<80x128xf32, #tpu.memory_space<vmem_shared>>
      %dma_wait3A_154 = arith.constant 0 : i32
      %dma_wait3A_155 = tpu.memref_slice %arg15[%add3A_128, %dma_wait3A_154] : memref<10240x128xf32, #tpu.memory_space<vmem_shared>> -> memref<80x128xf32, #tpu.memory_space<vmem_shared>>
      tpu.wait_dma2 semaphore(%run_scoped3A : memref<!tpu.dma_semaphore, #tpu.memory_space<semaphore_mem>>) src(%dma_wait3A_155 : memref<80x128xf32, #tpu.memory_space<vmem_shared>>) dst(%arg8 : memref<80x128xf32, #tpu.memory_space<vmem>>)
      tpu.yield
    }) : () -> ()
    %mul3A_129 = arith.constant 10240 : i32
    %mul3A_130 = arith.muli %arg0, %mul3A_129 : i32
    %add3A_131 = arith.addi %mul3A_130, %mul3A_2 : i32
    %add3A_132 = arith.constant 480 : i32
    %add3A_133 = arith.addi %add3A_131, %add3A_132 : i32
    %dma_start3A_134 = arith.constant 0 : i32
    %dma_start3A_135 = tpu.memref_slice %arg5[%add3A_133, %dma_start3A_134] : memref<20480x128xf32, #tpu.memory_space<hbm>> -> memref<80x128xf32, #tpu.memory_space<hbm>>
    %dma_start3A_136 = arith.constant 0 : i32
    %dma_start3A_137 = tpu.memref_slice %arg5[%add3A_133, %dma_start3A_136] : memref<20480x128xf32, #tpu.memory_space<hbm>> -> memref<80x128xf32, #tpu.memory_space<hbm>>
    tpu.enqueue_dma source(%arg8 : memref<80x128xf32, #tpu.memory_space<vmem>>) target(%dma_start3A_137 : memref<80x128xf32, #tpu.memory_space<hbm>>) target_semaphore(%arg10 : memref<!tpu.dma_semaphore, #tpu.memory_space<semaphore_mem>>)
    tpu.wait_dma2 semaphore(%arg11 : memref<!tpu.dma_semaphore, #tpu.memory_space<semaphore_mem>>) src(%arg4 : memref<80x128xf32, #tpu.memory_space<hbm>>) dst(%arg9 : memref<80x128xf32, #tpu.memory_space<vmem>>)
    %add3A_138 = arith.constant 560 : i32
    %add3A_139 = arith.addi %mul3A_2, %add3A_138 : i32
    "tpu.region"() ({
      %run_scoped3A = tpu.sem_alloc : memref<!tpu.dma_semaphore, #tpu.memory_space<semaphore_mem>>
      %dma_start3A_149 = arith.constant 0 : i32
      %dma_start3A_150 = tpu.memref_slice %arg15[%add3A_139, %dma_start3A_149] : memref<10240x128xf32, #tpu.memory_space<vmem_shared>> -> memref<80x128xf32, #tpu.memory_space<vmem_shared>>
      %dma_start3A_151 = arith.constant 0 : i32
      %dma_start3A_152 = tpu.memref_slice %arg15[%add3A_139, %dma_start3A_151] : memref<10240x128xf32, #tpu.memory_space<vmem_shared>> -> memref<80x128xf32, #tpu.memory_space<vmem_shared>>
      tpu.enqueue_dma source(%dma_start3A_152 : memref<80x128xf32, #tpu.memory_space<vmem_shared>>) target(%arg9 : memref<80x128xf32, #tpu.memory_space<vmem>>) target_semaphore(%run_scoped3A : memref<!tpu.dma_semaphore, #tpu.memory_space<semaphore_mem>>)
      %dma_wait3A = arith.constant 0 : i32
      %dma_wait3A_153 = tpu.memref_slice %arg15[%add3A_139, %dma_wait3A] : memref<10240x128xf32, #tpu.memory_space<vmem_shared>> -> memref<80x128xf32, #tpu.memory_space<vmem_shared>>
      %dma_wait3A_154 = arith.constant 0 : i32
      %dma_wait3A_155 = tpu.memref_slice %arg15[%add3A_139, %dma_wait3A_154] : memref<10240x128xf32, #tpu.memory_space<vmem_shared>> -> memref<80x128xf32, #tpu.memory_space<vmem_shared>>
      tpu.wait_dma2 semaphore(%run_scoped3A : memref<!tpu.dma_semaphore, #tpu.memory_space<semaphore_mem>>) src(%dma_wait3A_155 : memref<80x128xf32, #tpu.memory_space<vmem_shared>>) dst(%arg9 : memref<80x128xf32, #tpu.memory_space<vmem>>)
      tpu.yield
    }) : () -> ()
    %mul3A_140 = arith.constant 10240 : i32
    %mul3A_141 = arith.muli %arg0, %mul3A_140 : i32
    %add3A_142 = arith.addi %mul3A_141, %mul3A_2 : i32
    %add3A_143 = arith.constant 560 : i32
    %add3A_144 = arith.addi %add3A_142, %add3A_143 : i32
    %dma_start3A_145 = arith.constant 0 : i32
    %dma_start3A_146 = tpu.memref_slice %arg5[%add3A_144, %dma_start3A_145] : memref<20480x128xf32, #tpu.memory_space<hbm>> -> memref<80x128xf32, #tpu.memory_space<hbm>>
    %dma_start3A_147 = arith.constant 0 : i32
    %dma_start3A_148 = tpu.memref_slice %arg5[%add3A_144, %dma_start3A_147] : memref<20480x128xf32, #tpu.memory_space<hbm>> -> memref<80x128xf32, #tpu.memory_space<hbm>>
    tpu.enqueue_dma source(%arg9 : memref<80x128xf32, #tpu.memory_space<vmem>>) target(%dma_start3A_148 : memref<80x128xf32, #tpu.memory_space<hbm>>) target_semaphore(%arg11 : memref<!tpu.dma_semaphore, #tpu.memory_space<semaphore_mem>>)
    tpu.wait_dma2 semaphore(%arg10 : memref<!tpu.dma_semaphore, #tpu.memory_space<semaphore_mem>>) src(%arg4 : memref<80x128xf32, #tpu.memory_space<hbm>>) dst(%arg8 : memref<80x128xf32, #tpu.memory_space<vmem>>)
    tpu.wait_dma2 semaphore(%arg11 : memref<!tpu.dma_semaphore, #tpu.memory_space<semaphore_mem>>) src(%arg4 : memref<80x128xf32, #tpu.memory_space<hbm>>) dst(%arg9 : memref<80x128xf32, #tpu.memory_space<vmem>>)
    return
  }
}

#map = affine_map<(d0, d1) -> (0, 0)>
#map1 = affine_map<(d0, d1) -> (0)>
module attributes {stable_mosaic.version = 14 : i64} {
  func.func @_agg_kernel(%arg0: i32, %arg1: i32, %arg2: memref<10000x128xf32, #tpu.memory_space<hbm>>, %arg3: memref<320000xi32, #tpu.memory_space<hbm>>, %arg4: memref<320000xi32, #tpu.memory_space<hbm>>, %arg5: memref<80x128xf32, #tpu.memory_space<hbm>>, %arg6: memref<20480x128xf32, #tpu.memory_space<hbm>>, %arg7: memref<10000xi32, #tpu.memory_space<vmem>>, %arg8: memref<80xi32, #tpu.memory_space<vmem>>, %arg9: memref<80xi32, #tpu.memory_space<vmem>>, %arg10: memref<80x128xf32, #tpu.memory_space<vmem>>, %arg11: memref<80x128xf32, #tpu.memory_space<vmem>>, %arg12: memref<!tpu.dma_semaphore, #tpu.memory_space<semaphore_mem>>, %arg13: memref<!tpu.dma_semaphore, #tpu.memory_space<semaphore_mem>>, %arg14: memref<!tpu.dma_semaphore, #tpu.memory_space<semaphore_mem>>, %arg15: memref<!tpu.dma_semaphore, #tpu.memory_space<semaphore_mem>>, %arg16: memref<!tpu.dma_semaphore, #tpu.memory_space<semaphore_mem>>, %arg17: memref<!tpu.dma_semaphore, #tpu.memory_space<semaphore_mem>>, %arg18: memref<!tpu.dma_semaphore, #tpu.memory_space<semaphore_mem>>, %arg19: memref<10240x128xf32, #tpu.memory_space<vmem_shared>>) attributes {dimension_semantics = [#tpu.dimension_semantics<core_parallel>, #tpu.dimension_semantics<subcore_parallel>], iteration_bounds = array<i64: 2, 16>, scalar_prefetch = 0 : i64, scratch_operands = 13 : i64, tpu.core_type = #tpu.core_type<sc_vector_subcore>, window_params = [{transform_indices = #map}, {transform_indices = #map1}, {transform_indices = #map1}, {transform_indices = #map}, {transform_indices = #map}]} {
    %mul3A = arith.constant 16 : i32
    %mul3A_0 = arith.muli %arg0, %mul3A : i32
    %add3A = arith.addi %mul3A_0, %arg1 : i32
    %mul3A_1 = arith.constant 640 : i32
    %mul3A_2 = arith.muli %arg1, %mul3A_1 : i32
    %mul3A_3 = arith.constant 10000 : i32
    %mul3A_4 = arith.muli %add3A, %mul3A_3 : i32
    %multiple_of3A = tpu.assume_multiple %mul3A_4, 8 : i32
    "tpu.region"() ({
      %run_scoped3A = tpu.sem_alloc : memref<!tpu.dma_semaphore, #tpu.memory_space<semaphore_mem>>
      %dma_start3A_154 = tpu.memref_slice %arg3[%multiple_of3A] : memref<320000xi32, #tpu.memory_space<hbm>> -> memref<10000xi32, #tpu.memory_space<hbm>>
      %dma_start3A_155 = tpu.memref_slice %arg3[%multiple_of3A] : memref<320000xi32, #tpu.memory_space<hbm>> -> memref<10000xi32, #tpu.memory_space<hbm>>
      tpu.enqueue_dma source(%dma_start3A_155 : memref<10000xi32, #tpu.memory_space<hbm>>) target(%arg7 : memref<10000xi32, #tpu.memory_space<vmem>>) target_semaphore(%run_scoped3A : memref<!tpu.dma_semaphore, #tpu.memory_space<semaphore_mem>>)
      %dma_wait3A = tpu.memref_slice %arg3[%multiple_of3A] : memref<320000xi32, #tpu.memory_space<hbm>> -> memref<10000xi32, #tpu.memory_space<hbm>>
      %dma_wait3A_156 = tpu.memref_slice %arg3[%multiple_of3A] : memref<320000xi32, #tpu.memory_space<hbm>> -> memref<10000xi32, #tpu.memory_space<hbm>>
      tpu.wait_dma2 semaphore(%run_scoped3A : memref<!tpu.dma_semaphore, #tpu.memory_space<semaphore_mem>>) src(%dma_wait3A_156 : memref<10000xi32, #tpu.memory_space<hbm>>) dst(%arg7 : memref<10000xi32, #tpu.memory_space<vmem>>)
      tpu.yield
    }) : () -> ()
    "tpu.region"() ({
      %run_scoped3A = tpu.sem_alloc : memref<!tpu.dma_semaphore, #tpu.memory_space<semaphore_mem>>
      tpu.enqueue_dma source(%arg5 : memref<80x128xf32, #tpu.memory_space<hbm>>) target(%arg10 : memref<80x128xf32, #tpu.memory_space<vmem>>) target_semaphore(%run_scoped3A : memref<!tpu.dma_semaphore, #tpu.memory_space<semaphore_mem>>)
      tpu.wait_dma2 semaphore(%run_scoped3A : memref<!tpu.dma_semaphore, #tpu.memory_space<semaphore_mem>>) src(%arg5 : memref<80x128xf32, #tpu.memory_space<hbm>>) dst(%arg10 : memref<80x128xf32, #tpu.memory_space<vmem>>)
      tpu.yield
    }) : () -> ()
    %add3A_5 = arith.constant 0 : i32
    %add3A_6 = arith.addi %mul3A_2, %add3A_5 : i32
    %dma_start3A = arith.constant 0 : i32
    %dma_start3A_7 = tpu.memref_slice %arg19[%add3A_6, %dma_start3A] : memref<10240x128xf32, #tpu.memory_space<vmem_shared>> -> memref<80x128xf32, #tpu.memory_space<vmem_shared>>
    %dma_start3A_8 = arith.constant 0 : i32
    %dma_start3A_9 = tpu.memref_slice %arg19[%add3A_6, %dma_start3A_8] : memref<10240x128xf32, #tpu.memory_space<vmem_shared>> -> memref<80x128xf32, #tpu.memory_space<vmem_shared>>
    tpu.enqueue_dma source(%arg10 : memref<80x128xf32, #tpu.memory_space<vmem>>) target(%dma_start3A_9 : memref<80x128xf32, #tpu.memory_space<vmem_shared>>) target_semaphore(%arg18 : memref<!tpu.dma_semaphore, #tpu.memory_space<semaphore_mem>>)
    %add3A_10 = arith.constant 80 : i32
    %add3A_11 = arith.addi %mul3A_2, %add3A_10 : i32
    %dma_start3A_12 = arith.constant 0 : i32
    %dma_start3A_13 = tpu.memref_slice %arg19[%add3A_11, %dma_start3A_12] : memref<10240x128xf32, #tpu.memory_space<vmem_shared>> -> memref<80x128xf32, #tpu.memory_space<vmem_shared>>
    %dma_start3A_14 = arith.constant 0 : i32
    %dma_start3A_15 = tpu.memref_slice %arg19[%add3A_11, %dma_start3A_14] : memref<10240x128xf32, #tpu.memory_space<vmem_shared>> -> memref<80x128xf32, #tpu.memory_space<vmem_shared>>
    tpu.enqueue_dma source(%arg10 : memref<80x128xf32, #tpu.memory_space<vmem>>) target(%dma_start3A_15 : memref<80x128xf32, #tpu.memory_space<vmem_shared>>) target_semaphore(%arg18 : memref<!tpu.dma_semaphore, #tpu.memory_space<semaphore_mem>>)
    %add3A_16 = arith.constant 160 : i32
    %add3A_17 = arith.addi %mul3A_2, %add3A_16 : i32
    %dma_start3A_18 = arith.constant 0 : i32
    %dma_start3A_19 = tpu.memref_slice %arg19[%add3A_17, %dma_start3A_18] : memref<10240x128xf32, #tpu.memory_space<vmem_shared>> -> memref<80x128xf32, #tpu.memory_space<vmem_shared>>
    %dma_start3A_20 = arith.constant 0 : i32
    %dma_start3A_21 = tpu.memref_slice %arg19[%add3A_17, %dma_start3A_20] : memref<10240x128xf32, #tpu.memory_space<vmem_shared>> -> memref<80x128xf32, #tpu.memory_space<vmem_shared>>
    tpu.enqueue_dma source(%arg10 : memref<80x128xf32, #tpu.memory_space<vmem>>) target(%dma_start3A_21 : memref<80x128xf32, #tpu.memory_space<vmem_shared>>) target_semaphore(%arg18 : memref<!tpu.dma_semaphore, #tpu.memory_space<semaphore_mem>>)
    %add3A_22 = arith.constant 240 : i32
    %add3A_23 = arith.addi %mul3A_2, %add3A_22 : i32
    %dma_start3A_24 = arith.constant 0 : i32
    %dma_start3A_25 = tpu.memref_slice %arg19[%add3A_23, %dma_start3A_24] : memref<10240x128xf32, #tpu.memory_space<vmem_shared>> -> memref<80x128xf32, #tpu.memory_space<vmem_shared>>
    %dma_start3A_26 = arith.constant 0 : i32
    %dma_start3A_27 = tpu.memref_slice %arg19[%add3A_23, %dma_start3A_26] : memref<10240x128xf32, #tpu.memory_space<vmem_shared>> -> memref<80x128xf32, #tpu.memory_space<vmem_shared>>
    tpu.enqueue_dma source(%arg10 : memref<80x128xf32, #tpu.memory_space<vmem>>) target(%dma_start3A_27 : memref<80x128xf32, #tpu.memory_space<vmem_shared>>) target_semaphore(%arg18 : memref<!tpu.dma_semaphore, #tpu.memory_space<semaphore_mem>>)
    %add3A_28 = arith.constant 320 : i32
    %add3A_29 = arith.addi %mul3A_2, %add3A_28 : i32
    %dma_start3A_30 = arith.constant 0 : i32
    %dma_start3A_31 = tpu.memref_slice %arg19[%add3A_29, %dma_start3A_30] : memref<10240x128xf32, #tpu.memory_space<vmem_shared>> -> memref<80x128xf32, #tpu.memory_space<vmem_shared>>
    %dma_start3A_32 = arith.constant 0 : i32
    %dma_start3A_33 = tpu.memref_slice %arg19[%add3A_29, %dma_start3A_32] : memref<10240x128xf32, #tpu.memory_space<vmem_shared>> -> memref<80x128xf32, #tpu.memory_space<vmem_shared>>
    tpu.enqueue_dma source(%arg10 : memref<80x128xf32, #tpu.memory_space<vmem>>) target(%dma_start3A_33 : memref<80x128xf32, #tpu.memory_space<vmem_shared>>) target_semaphore(%arg18 : memref<!tpu.dma_semaphore, #tpu.memory_space<semaphore_mem>>)
    %add3A_34 = arith.constant 400 : i32
    %add3A_35 = arith.addi %mul3A_2, %add3A_34 : i32
    %dma_start3A_36 = arith.constant 0 : i32
    %dma_start3A_37 = tpu.memref_slice %arg19[%add3A_35, %dma_start3A_36] : memref<10240x128xf32, #tpu.memory_space<vmem_shared>> -> memref<80x128xf32, #tpu.memory_space<vmem_shared>>
    %dma_start3A_38 = arith.constant 0 : i32
    %dma_start3A_39 = tpu.memref_slice %arg19[%add3A_35, %dma_start3A_38] : memref<10240x128xf32, #tpu.memory_space<vmem_shared>> -> memref<80x128xf32, #tpu.memory_space<vmem_shared>>
    tpu.enqueue_dma source(%arg10 : memref<80x128xf32, #tpu.memory_space<vmem>>) target(%dma_start3A_39 : memref<80x128xf32, #tpu.memory_space<vmem_shared>>) target_semaphore(%arg18 : memref<!tpu.dma_semaphore, #tpu.memory_space<semaphore_mem>>)
    %add3A_40 = arith.constant 480 : i32
    %add3A_41 = arith.addi %mul3A_2, %add3A_40 : i32
    %dma_start3A_42 = arith.constant 0 : i32
    %dma_start3A_43 = tpu.memref_slice %arg19[%add3A_41, %dma_start3A_42] : memref<10240x128xf32, #tpu.memory_space<vmem_shared>> -> memref<80x128xf32, #tpu.memory_space<vmem_shared>>
    %dma_start3A_44 = arith.constant 0 : i32
    %dma_start3A_45 = tpu.memref_slice %arg19[%add3A_41, %dma_start3A_44] : memref<10240x128xf32, #tpu.memory_space<vmem_shared>> -> memref<80x128xf32, #tpu.memory_space<vmem_shared>>
    tpu.enqueue_dma source(%arg10 : memref<80x128xf32, #tpu.memory_space<vmem>>) target(%dma_start3A_45 : memref<80x128xf32, #tpu.memory_space<vmem_shared>>) target_semaphore(%arg18 : memref<!tpu.dma_semaphore, #tpu.memory_space<semaphore_mem>>)
    %add3A_46 = arith.constant 560 : i32
    %add3A_47 = arith.addi %mul3A_2, %add3A_46 : i32
    %dma_start3A_48 = arith.constant 0 : i32
    %dma_start3A_49 = tpu.memref_slice %arg19[%add3A_47, %dma_start3A_48] : memref<10240x128xf32, #tpu.memory_space<vmem_shared>> -> memref<80x128xf32, #tpu.memory_space<vmem_shared>>
    %dma_start3A_50 = arith.constant 0 : i32
    %dma_start3A_51 = tpu.memref_slice %arg19[%add3A_47, %dma_start3A_50] : memref<10240x128xf32, #tpu.memory_space<vmem_shared>> -> memref<80x128xf32, #tpu.memory_space<vmem_shared>>
    tpu.enqueue_dma source(%arg10 : memref<80x128xf32, #tpu.memory_space<vmem>>) target(%dma_start3A_51 : memref<80x128xf32, #tpu.memory_space<vmem_shared>>) target_semaphore(%arg18 : memref<!tpu.dma_semaphore, #tpu.memory_space<semaphore_mem>>)
    tpu.wait_dma2 semaphore(%arg18 : memref<!tpu.dma_semaphore, #tpu.memory_space<semaphore_mem>>) src(%arg5 : memref<80x128xf32, #tpu.memory_space<hbm>>) dst(%arg10 : memref<80x128xf32, #tpu.memory_space<vmem>>)
    tpu.wait_dma2 semaphore(%arg18 : memref<!tpu.dma_semaphore, #tpu.memory_space<semaphore_mem>>) src(%arg5 : memref<80x128xf32, #tpu.memory_space<hbm>>) dst(%arg10 : memref<80x128xf32, #tpu.memory_space<vmem>>)
    tpu.wait_dma2 semaphore(%arg18 : memref<!tpu.dma_semaphore, #tpu.memory_space<semaphore_mem>>) src(%arg5 : memref<80x128xf32, #tpu.memory_space<hbm>>) dst(%arg10 : memref<80x128xf32, #tpu.memory_space<vmem>>)
    tpu.wait_dma2 semaphore(%arg18 : memref<!tpu.dma_semaphore, #tpu.memory_space<semaphore_mem>>) src(%arg5 : memref<80x128xf32, #tpu.memory_space<hbm>>) dst(%arg10 : memref<80x128xf32, #tpu.memory_space<vmem>>)
    tpu.wait_dma2 semaphore(%arg18 : memref<!tpu.dma_semaphore, #tpu.memory_space<semaphore_mem>>) src(%arg5 : memref<80x128xf32, #tpu.memory_space<hbm>>) dst(%arg10 : memref<80x128xf32, #tpu.memory_space<vmem>>)
    tpu.wait_dma2 semaphore(%arg18 : memref<!tpu.dma_semaphore, #tpu.memory_space<semaphore_mem>>) src(%arg5 : memref<80x128xf32, #tpu.memory_space<hbm>>) dst(%arg10 : memref<80x128xf32, #tpu.memory_space<vmem>>)
    tpu.wait_dma2 semaphore(%arg18 : memref<!tpu.dma_semaphore, #tpu.memory_space<semaphore_mem>>) src(%arg5 : memref<80x128xf32, #tpu.memory_space<hbm>>) dst(%arg10 : memref<80x128xf32, #tpu.memory_space<vmem>>)
    tpu.wait_dma2 semaphore(%arg18 : memref<!tpu.dma_semaphore, #tpu.memory_space<semaphore_mem>>) src(%arg5 : memref<80x128xf32, #tpu.memory_space<hbm>>) dst(%arg10 : memref<80x128xf32, #tpu.memory_space<vmem>>)
    %barrier3A = arith.constant 0 : index
    tpu.barrier barrier_id(%barrier3A)
    %add3A_52 = arith.constant 0 : i32
    %add3A_53 = arith.addi %multiple_of3A, %add3A_52 : i32
    %dma_start3A_54 = tpu.memref_slice %arg4[%add3A_53] : memref<320000xi32, #tpu.memory_space<hbm>> -> memref<80xi32, #tpu.memory_space<hbm>>
    %dma_start3A_55 = tpu.memref_slice %arg4[%add3A_53] : memref<320000xi32, #tpu.memory_space<hbm>> -> memref<80xi32, #tpu.memory_space<hbm>>
    tpu.enqueue_dma source(%dma_start3A_55 : memref<80xi32, #tpu.memory_space<hbm>>) target(%arg8 : memref<80xi32, #tpu.memory_space<vmem>>) target_semaphore(%arg14 : memref<!tpu.dma_semaphore, #tpu.memory_space<semaphore_mem>>)
    %dma_start3A_56 = arith.constant 0 : i32
    %dma_start3A_57 = tpu.memref_slice %arg7[%dma_start3A_56] : memref<10000xi32, #tpu.memory_space<vmem>> -> memref<80xi32, #tpu.memory_space<vmem>>
    %dma_start3A_58 = arith.constant 0 : i32
    %dma_start3A_59 = arith.constant 0 : i32
    %dma_start3A_60 = tpu.memref_slice %arg2[%dma_start3A_58, %dma_start3A_59] : memref<10000x128xf32, #tpu.memory_space<hbm>> -> memref<10000x128xf32, #tpu.memory_space<hbm>>
    tpu.enqueue_indirect_dma source(%dma_start3A_60 : memref<10000x128xf32, #tpu.memory_space<hbm>>) target(%arg10 : memref<80x128xf32, #tpu.memory_space<vmem>>) offsets(%dma_start3A_57 : memref<80xi32, #tpu.memory_space<vmem>>) semaphore(%arg12 : memref<!tpu.dma_semaphore, #tpu.memory_space<semaphore_mem>>)
    %scan3A = arith.constant 0 : i32
    %scan3A_61 = arith.constant 63 : i32
    %scan3A_62 = arith.addi %scan3A, %scan3A_61 : i32
    %scan3A_63 = arith.constant 1 : i32
    scf.for %scan3A_154 = %scan3A to %scan3A_62 step %scan3A_63  : i32 {
      %mul3A_155 = arith.constant 2 : i32
      %mul3A_156 = arith.muli %scan3A_154, %mul3A_155 : i32
      %add3A_157 = arith.constant 0 : i32
      %add3A_158 = arith.addi %add3A_157, %mul3A_156 : i32
      %add3A_159 = arith.constant 1 : i32
      %add3A_160 = arith.addi %add3A_158, %add3A_159 : i32
      %lt3A = arith.constant 125 : i32
      %lt3A_161 = arith.cmpi slt, %add3A_160, %lt3A : i32
      %convert_element_type3A = arith.extui %lt3A_161 : i1 to i32
      %cond3A = arith.constant 0 : i32
      %cond3A_162 = arith.cmpi ne, %convert_element_type3A, %cond3A : i32
      scf.if %cond3A_162 {
        %ge3A = arith.constant 2 : i32
        %ge3A_176 = arith.cmpi sge, %add3A_158, %ge3A : i32
        %convert_element_type3A_177 = arith.extui %ge3A_176 : i1 to i32
        %cond3A_178 = arith.constant 0 : i32
        %cond3A_179 = arith.cmpi ne, %convert_element_type3A_177, %cond3A_178 : i32
        scf.if %cond3A_179 {
          tpu.wait_dma2 semaphore(%arg17 : memref<!tpu.dma_semaphore, #tpu.memory_space<semaphore_mem>>) src(%arg5 : memref<80x128xf32, #tpu.memory_space<hbm>>) dst(%arg11 : memref<80x128xf32, #tpu.memory_space<vmem>>)
        } else {
        }
        %add3A_180 = arith.constant 1 : i32
        %add3A_181 = arith.addi %add3A_158, %add3A_180 : i32
        %mul3A_182 = arith.constant 80 : i32
        %mul3A_183 = arith.muli %add3A_181, %mul3A_182 : i32
        %add3A_184 = arith.addi %multiple_of3A, %mul3A_183 : i32
        %dma_start3A_185 = tpu.memref_slice %arg4[%add3A_184] : memref<320000xi32, #tpu.memory_space<hbm>> -> memref<80xi32, #tpu.memory_space<hbm>>
        %dma_start3A_186 = tpu.memref_slice %arg4[%add3A_184] : memref<320000xi32, #tpu.memory_space<hbm>> -> memref<80xi32, #tpu.memory_space<hbm>>
        tpu.enqueue_dma source(%dma_start3A_186 : memref<80xi32, #tpu.memory_space<hbm>>) target(%arg9 : memref<80xi32, #tpu.memory_space<vmem>>) target_semaphore(%arg15 : memref<!tpu.dma_semaphore, #tpu.memory_space<semaphore_mem>>)
        %mul3A_187 = arith.constant 80 : i32
        %mul3A_188 = arith.muli %add3A_181, %mul3A_187 : i32
        %dma_start3A_189 = tpu.memref_slice %arg7[%mul3A_188] : memref<10000xi32, #tpu.memory_space<vmem>> -> memref<80xi32, #tpu.memory_space<vmem>>
        %dma_start3A_190 = arith.constant 0 : i32
        %dma_start3A_191 = arith.constant 0 : i32
        %dma_start3A_192 = tpu.memref_slice %arg2[%dma_start3A_190, %dma_start3A_191] : memref<10000x128xf32, #tpu.memory_space<hbm>> -> memref<10000x128xf32, #tpu.memory_space<hbm>>
        tpu.enqueue_indirect_dma source(%dma_start3A_192 : memref<10000x128xf32, #tpu.memory_space<hbm>>) target(%arg11 : memref<80x128xf32, #tpu.memory_space<vmem>>) offsets(%dma_start3A_189 : memref<80xi32, #tpu.memory_space<vmem>>) semaphore(%arg13 : memref<!tpu.dma_semaphore, #tpu.memory_space<semaphore_mem>>)
      } else {
      }
      tpu.wait_dma2 semaphore(%arg12 : memref<!tpu.dma_semaphore, #tpu.memory_space<semaphore_mem>>) src(%arg5 : memref<80x128xf32, #tpu.memory_space<hbm>>) dst(%arg10 : memref<80x128xf32, #tpu.memory_space<vmem>>)
      %dma_wait3A = arith.constant 0 : i32
      %dma_wait3A_163 = tpu.memref_slice %arg4[%dma_wait3A] : memref<320000xi32, #tpu.memory_space<hbm>> -> memref<80xi32, #tpu.memory_space<hbm>>
      %dma_wait3A_164 = arith.constant 0 : i32
      %dma_wait3A_165 = tpu.memref_slice %arg4[%dma_wait3A_164] : memref<320000xi32, #tpu.memory_space<hbm>> -> memref<80xi32, #tpu.memory_space<hbm>>
      tpu.wait_dma2 semaphore(%arg14 : memref<!tpu.dma_semaphore, #tpu.memory_space<semaphore_mem>>) src(%dma_wait3A_165 : memref<80xi32, #tpu.memory_space<hbm>>) dst(%arg8 : memref<80xi32, #tpu.memory_space<vmem>>)
      %dma_start3A_166 = arith.constant 0 : i32
      %dma_start3A_167 = arith.constant 0 : i32
      %dma_start3A_168 = tpu.memref_slice %arg19[%dma_start3A_166, %dma_start3A_167] : memref<10240x128xf32, #tpu.memory_space<vmem_shared>> -> memref<10240x128xf32, #tpu.memory_space<vmem_shared>>
      tpu.enqueue_indirect_dma source(%arg10 : memref<80x128xf32, #tpu.memory_space<vmem>>) target(%dma_start3A_168 : memref<10240x128xf32, #tpu.memory_space<vmem_shared>>) offsets(%arg8 : memref<80xi32, #tpu.memory_space<vmem>>) semaphore(%arg16 : memref<!tpu.dma_semaphore, #tpu.memory_space<semaphore_mem>>) {add = true}
      %add3A_169 = arith.constant 1 : i32
      %add3A_170 = arith.addi %add3A_158, %add3A_169 : i32
      %lt3A_171 = arith.constant 125 : i32
      %lt3A_172 = arith.cmpi slt, %add3A_170, %lt3A_171 : i32
      %convert_element_type3A_173 = arith.extui %lt3A_172 : i1 to i32
      %cond3A_174 = arith.constant 0 : i32
      %cond3A_175 = arith.cmpi ne, %convert_element_type3A_173, %cond3A_174 : i32
      scf.if %cond3A_175 {
        %add3A_176 = arith.constant 2 : i32
        %add3A_177 = arith.addi %add3A_158, %add3A_176 : i32
        %lt3A_178 = arith.constant 125 : i32
        %lt3A_179 = arith.cmpi slt, %add3A_177, %lt3A_178 : i32
        %convert_element_type3A_180 = arith.extui %lt3A_179 : i1 to i32
        %cond3A_181 = arith.constant 0 : i32
        %cond3A_182 = arith.cmpi ne, %convert_element_type3A_180, %cond3A_181 : i32
        scf.if %cond3A_182 {
          tpu.wait_dma2 semaphore(%arg16 : memref<!tpu.dma_semaphore, #tpu.memory_space<semaphore_mem>>) src(%arg5 : memref<80x128xf32, #tpu.memory_space<hbm>>) dst(%arg10 : memref<80x128xf32, #tpu.memory_space<vmem>>)
          %add3A_190 = arith.constant 2 : i32
          %add3A_191 = arith.addi %add3A_158, %add3A_190 : i32
          %mul3A_192 = arith.constant 80 : i32
          %mul3A_193 = arith.muli %add3A_191, %mul3A_192 : i32
          %add3A_194 = arith.addi %multiple_of3A, %mul3A_193 : i32
          %dma_start3A_195 = tpu.memref_slice %arg4[%add3A_194] : memref<320000xi32, #tpu.memory_space<hbm>> -> memref<80xi32, #tpu.memory_space<hbm>>
          %dma_start3A_196 = tpu.memref_slice %arg4[%add3A_194] : memref<320000xi32, #tpu.memory_space<hbm>> -> memref<80xi32, #tpu.memory_space<hbm>>
          tpu.enqueue_dma source(%dma_start3A_196 : memref<80xi32, #tpu.memory_space<hbm>>) target(%arg8 : memref<80xi32, #tpu.memory_space<vmem>>) target_semaphore(%arg14 : memref<!tpu.dma_semaphore, #tpu.memory_space<semaphore_mem>>)
          %mul3A_197 = arith.constant 80 : i32
          %mul3A_198 = arith.muli %add3A_191, %mul3A_197 : i32
          %dma_start3A_199 = tpu.memref_slice %arg7[%mul3A_198] : memref<10000xi32, #tpu.memory_space<vmem>> -> memref<80xi32, #tpu.memory_space<vmem>>
          %dma_start3A_200 = arith.constant 0 : i32
          %dma_start3A_201 = arith.constant 0 : i32
          %dma_start3A_202 = tpu.memref_slice %arg2[%dma_start3A_200, %dma_start3A_201] : memref<10000x128xf32, #tpu.memory_space<hbm>> -> memref<10000x128xf32, #tpu.memory_space<hbm>>
          tpu.enqueue_indirect_dma source(%dma_start3A_202 : memref<10000x128xf32, #tpu.memory_space<hbm>>) target(%arg10 : memref<80x128xf32, #tpu.memory_space<vmem>>) offsets(%dma_start3A_199 : memref<80xi32, #tpu.memory_space<vmem>>) semaphore(%arg12 : memref<!tpu.dma_semaphore, #tpu.memory_space<semaphore_mem>>)
        } else {
        }
        tpu.wait_dma2 semaphore(%arg13 : memref<!tpu.dma_semaphore, #tpu.memory_space<semaphore_mem>>) src(%arg5 : memref<80x128xf32, #tpu.memory_space<hbm>>) dst(%arg11 : memref<80x128xf32, #tpu.memory_space<vmem>>)
        %dma_wait3A_183 = arith.constant 0 : i32
        %dma_wait3A_184 = tpu.memref_slice %arg4[%dma_wait3A_183] : memref<320000xi32, #tpu.memory_space<hbm>> -> memref<80xi32, #tpu.memory_space<hbm>>
        %dma_wait3A_185 = arith.constant 0 : i32
        %dma_wait3A_186 = tpu.memref_slice %arg4[%dma_wait3A_185] : memref<320000xi32, #tpu.memory_space<hbm>> -> memref<80xi32, #tpu.memory_space<hbm>>
        tpu.wait_dma2 semaphore(%arg15 : memref<!tpu.dma_semaphore, #tpu.memory_space<semaphore_mem>>) src(%dma_wait3A_186 : memref<80xi32, #tpu.memory_space<hbm>>) dst(%arg9 : memref<80xi32, #tpu.memory_space<vmem>>)
        %dma_start3A_187 = arith.constant 0 : i32
        %dma_start3A_188 = arith.constant 0 : i32
        %dma_start3A_189 = tpu.memref_slice %arg19[%dma_start3A_187, %dma_start3A_188] : memref<10240x128xf32, #tpu.memory_space<vmem_shared>> -> memref<10240x128xf32, #tpu.memory_space<vmem_shared>>
        tpu.enqueue_indirect_dma source(%arg11 : memref<80x128xf32, #tpu.memory_space<vmem>>) target(%dma_start3A_189 : memref<10240x128xf32, #tpu.memory_space<vmem_shared>>) offsets(%arg9 : memref<80xi32, #tpu.memory_space<vmem>>) semaphore(%arg17 : memref<!tpu.dma_semaphore, #tpu.memory_space<semaphore_mem>>) {add = true}
      } else {
      }
    }
    %scan3A_64 = arith.constant 63 : i32
    tpu.wait_dma2 semaphore(%arg16 : memref<!tpu.dma_semaphore, #tpu.memory_space<semaphore_mem>>) src(%arg5 : memref<80x128xf32, #tpu.memory_space<hbm>>) dst(%arg10 : memref<80x128xf32, #tpu.memory_space<vmem>>)
    tpu.wait_dma2 semaphore(%arg17 : memref<!tpu.dma_semaphore, #tpu.memory_space<semaphore_mem>>) src(%arg5 : memref<80x128xf32, #tpu.memory_space<hbm>>) dst(%arg11 : memref<80x128xf32, #tpu.memory_space<vmem>>)
    %barrier3A_65 = arith.constant 0 : index
    tpu.barrier barrier_id(%barrier3A_65)
    %add3A_66 = arith.constant 0 : i32
    %add3A_67 = arith.addi %mul3A_2, %add3A_66 : i32
    "tpu.region"() ({
      %run_scoped3A = tpu.sem_alloc : memref<!tpu.dma_semaphore, #tpu.memory_space<semaphore_mem>>
      %dma_start3A_154 = arith.constant 0 : i32
      %dma_start3A_155 = tpu.memref_slice %arg19[%add3A_67, %dma_start3A_154] : memref<10240x128xf32, #tpu.memory_space<vmem_shared>> -> memref<80x128xf32, #tpu.memory_space<vmem_shared>>
      %dma_start3A_156 = arith.constant 0 : i32
      %dma_start3A_157 = tpu.memref_slice %arg19[%add3A_67, %dma_start3A_156] : memref<10240x128xf32, #tpu.memory_space<vmem_shared>> -> memref<80x128xf32, #tpu.memory_space<vmem_shared>>
      tpu.enqueue_dma source(%dma_start3A_157 : memref<80x128xf32, #tpu.memory_space<vmem_shared>>) target(%arg10 : memref<80x128xf32, #tpu.memory_space<vmem>>) target_semaphore(%run_scoped3A : memref<!tpu.dma_semaphore, #tpu.memory_space<semaphore_mem>>)
      %dma_wait3A = arith.constant 0 : i32
      %dma_wait3A_158 = tpu.memref_slice %arg19[%add3A_67, %dma_wait3A] : memref<10240x128xf32, #tpu.memory_space<vmem_shared>> -> memref<80x128xf32, #tpu.memory_space<vmem_shared>>
      %dma_wait3A_159 = arith.constant 0 : i32
      %dma_wait3A_160 = tpu.memref_slice %arg19[%add3A_67, %dma_wait3A_159] : memref<10240x128xf32, #tpu.memory_space<vmem_shared>> -> memref<80x128xf32, #tpu.memory_space<vmem_shared>>
      tpu.wait_dma2 semaphore(%run_scoped3A : memref<!tpu.dma_semaphore, #tpu.memory_space<semaphore_mem>>) src(%dma_wait3A_160 : memref<80x128xf32, #tpu.memory_space<vmem_shared>>) dst(%arg10 : memref<80x128xf32, #tpu.memory_space<vmem>>)
      tpu.yield
    }) : () -> ()
    %mul3A_68 = arith.constant 10240 : i32
    %mul3A_69 = arith.muli %arg0, %mul3A_68 : i32
    %add3A_70 = arith.addi %mul3A_69, %mul3A_2 : i32
    %add3A_71 = arith.constant 0 : i32
    %add3A_72 = arith.addi %add3A_70, %add3A_71 : i32
    %dma_start3A_73 = arith.constant 0 : i32
    %dma_start3A_74 = tpu.memref_slice %arg6[%add3A_72, %dma_start3A_73] : memref<20480x128xf32, #tpu.memory_space<hbm>> -> memref<80x128xf32, #tpu.memory_space<hbm>>
    %dma_start3A_75 = arith.constant 0 : i32
    %dma_start3A_76 = tpu.memref_slice %arg6[%add3A_72, %dma_start3A_75] : memref<20480x128xf32, #tpu.memory_space<hbm>> -> memref<80x128xf32, #tpu.memory_space<hbm>>
    tpu.enqueue_dma source(%arg10 : memref<80x128xf32, #tpu.memory_space<vmem>>) target(%dma_start3A_76 : memref<80x128xf32, #tpu.memory_space<hbm>>) target_semaphore(%arg12 : memref<!tpu.dma_semaphore, #tpu.memory_space<semaphore_mem>>)
    %add3A_77 = arith.constant 80 : i32
    %add3A_78 = arith.addi %mul3A_2, %add3A_77 : i32
    "tpu.region"() ({
      %run_scoped3A = tpu.sem_alloc : memref<!tpu.dma_semaphore, #tpu.memory_space<semaphore_mem>>
      %dma_start3A_154 = arith.constant 0 : i32
      %dma_start3A_155 = tpu.memref_slice %arg19[%add3A_78, %dma_start3A_154] : memref<10240x128xf32, #tpu.memory_space<vmem_shared>> -> memref<80x128xf32, #tpu.memory_space<vmem_shared>>
      %dma_start3A_156 = arith.constant 0 : i32
      %dma_start3A_157 = tpu.memref_slice %arg19[%add3A_78, %dma_start3A_156] : memref<10240x128xf32, #tpu.memory_space<vmem_shared>> -> memref<80x128xf32, #tpu.memory_space<vmem_shared>>
      tpu.enqueue_dma source(%dma_start3A_157 : memref<80x128xf32, #tpu.memory_space<vmem_shared>>) target(%arg11 : memref<80x128xf32, #tpu.memory_space<vmem>>) target_semaphore(%run_scoped3A : memref<!tpu.dma_semaphore, #tpu.memory_space<semaphore_mem>>)
      %dma_wait3A = arith.constant 0 : i32
      %dma_wait3A_158 = tpu.memref_slice %arg19[%add3A_78, %dma_wait3A] : memref<10240x128xf32, #tpu.memory_space<vmem_shared>> -> memref<80x128xf32, #tpu.memory_space<vmem_shared>>
      %dma_wait3A_159 = arith.constant 0 : i32
      %dma_wait3A_160 = tpu.memref_slice %arg19[%add3A_78, %dma_wait3A_159] : memref<10240x128xf32, #tpu.memory_space<vmem_shared>> -> memref<80x128xf32, #tpu.memory_space<vmem_shared>>
      tpu.wait_dma2 semaphore(%run_scoped3A : memref<!tpu.dma_semaphore, #tpu.memory_space<semaphore_mem>>) src(%dma_wait3A_160 : memref<80x128xf32, #tpu.memory_space<vmem_shared>>) dst(%arg11 : memref<80x128xf32, #tpu.memory_space<vmem>>)
      tpu.yield
    }) : () -> ()
    %mul3A_79 = arith.constant 10240 : i32
    %mul3A_80 = arith.muli %arg0, %mul3A_79 : i32
    %add3A_81 = arith.addi %mul3A_80, %mul3A_2 : i32
    %add3A_82 = arith.constant 80 : i32
    %add3A_83 = arith.addi %add3A_81, %add3A_82 : i32
    %dma_start3A_84 = arith.constant 0 : i32
    %dma_start3A_85 = tpu.memref_slice %arg6[%add3A_83, %dma_start3A_84] : memref<20480x128xf32, #tpu.memory_space<hbm>> -> memref<80x128xf32, #tpu.memory_space<hbm>>
    %dma_start3A_86 = arith.constant 0 : i32
    %dma_start3A_87 = tpu.memref_slice %arg6[%add3A_83, %dma_start3A_86] : memref<20480x128xf32, #tpu.memory_space<hbm>> -> memref<80x128xf32, #tpu.memory_space<hbm>>
    tpu.enqueue_dma source(%arg11 : memref<80x128xf32, #tpu.memory_space<vmem>>) target(%dma_start3A_87 : memref<80x128xf32, #tpu.memory_space<hbm>>) target_semaphore(%arg13 : memref<!tpu.dma_semaphore, #tpu.memory_space<semaphore_mem>>)
    tpu.wait_dma2 semaphore(%arg12 : memref<!tpu.dma_semaphore, #tpu.memory_space<semaphore_mem>>) src(%arg5 : memref<80x128xf32, #tpu.memory_space<hbm>>) dst(%arg10 : memref<80x128xf32, #tpu.memory_space<vmem>>)
    %add3A_88 = arith.constant 160 : i32
    %add3A_89 = arith.addi %mul3A_2, %add3A_88 : i32
    "tpu.region"() ({
      %run_scoped3A = tpu.sem_alloc : memref<!tpu.dma_semaphore, #tpu.memory_space<semaphore_mem>>
      %dma_start3A_154 = arith.constant 0 : i32
      %dma_start3A_155 = tpu.memref_slice %arg19[%add3A_89, %dma_start3A_154] : memref<10240x128xf32, #tpu.memory_space<vmem_shared>> -> memref<80x128xf32, #tpu.memory_space<vmem_shared>>
      %dma_start3A_156 = arith.constant 0 : i32
      %dma_start3A_157 = tpu.memref_slice %arg19[%add3A_89, %dma_start3A_156] : memref<10240x128xf32, #tpu.memory_space<vmem_shared>> -> memref<80x128xf32, #tpu.memory_space<vmem_shared>>
      tpu.enqueue_dma source(%dma_start3A_157 : memref<80x128xf32, #tpu.memory_space<vmem_shared>>) target(%arg10 : memref<80x128xf32, #tpu.memory_space<vmem>>) target_semaphore(%run_scoped3A : memref<!tpu.dma_semaphore, #tpu.memory_space<semaphore_mem>>)
      %dma_wait3A = arith.constant 0 : i32
      %dma_wait3A_158 = tpu.memref_slice %arg19[%add3A_89, %dma_wait3A] : memref<10240x128xf32, #tpu.memory_space<vmem_shared>> -> memref<80x128xf32, #tpu.memory_space<vmem_shared>>
      %dma_wait3A_159 = arith.constant 0 : i32
      %dma_wait3A_160 = tpu.memref_slice %arg19[%add3A_89, %dma_wait3A_159] : memref<10240x128xf32, #tpu.memory_space<vmem_shared>> -> memref<80x128xf32, #tpu.memory_space<vmem_shared>>
      tpu.wait_dma2 semaphore(%run_scoped3A : memref<!tpu.dma_semaphore, #tpu.memory_space<semaphore_mem>>) src(%dma_wait3A_160 : memref<80x128xf32, #tpu.memory_space<vmem_shared>>) dst(%arg10 : memref<80x128xf32, #tpu.memory_space<vmem>>)
      tpu.yield
    }) : () -> ()
    %mul3A_90 = arith.constant 10240 : i32
    %mul3A_91 = arith.muli %arg0, %mul3A_90 : i32
    %add3A_92 = arith.addi %mul3A_91, %mul3A_2 : i32
    %add3A_93 = arith.constant 160 : i32
    %add3A_94 = arith.addi %add3A_92, %add3A_93 : i32
    %dma_start3A_95 = arith.constant 0 : i32
    %dma_start3A_96 = tpu.memref_slice %arg6[%add3A_94, %dma_start3A_95] : memref<20480x128xf32, #tpu.memory_space<hbm>> -> memref<80x128xf32, #tpu.memory_space<hbm>>
    %dma_start3A_97 = arith.constant 0 : i32
    %dma_start3A_98 = tpu.memref_slice %arg6[%add3A_94, %dma_start3A_97] : memref<20480x128xf32, #tpu.memory_space<hbm>> -> memref<80x128xf32, #tpu.memory_space<hbm>>
    tpu.enqueue_dma source(%arg10 : memref<80x128xf32, #tpu.memory_space<vmem>>) target(%dma_start3A_98 : memref<80x128xf32, #tpu.memory_space<hbm>>) target_semaphore(%arg12 : memref<!tpu.dma_semaphore, #tpu.memory_space<semaphore_mem>>)
    tpu.wait_dma2 semaphore(%arg13 : memref<!tpu.dma_semaphore, #tpu.memory_space<semaphore_mem>>) src(%arg5 : memref<80x128xf32, #tpu.memory_space<hbm>>) dst(%arg11 : memref<80x128xf32, #tpu.memory_space<vmem>>)
    %add3A_99 = arith.constant 240 : i32
    %add3A_100 = arith.addi %mul3A_2, %add3A_99 : i32
    "tpu.region"() ({
      %run_scoped3A = tpu.sem_alloc : memref<!tpu.dma_semaphore, #tpu.memory_space<semaphore_mem>>
      %dma_start3A_154 = arith.constant 0 : i32
      %dma_start3A_155 = tpu.memref_slice %arg19[%add3A_100, %dma_start3A_154] : memref<10240x128xf32, #tpu.memory_space<vmem_shared>> -> memref<80x128xf32, #tpu.memory_space<vmem_shared>>
      %dma_start3A_156 = arith.constant 0 : i32
      %dma_start3A_157 = tpu.memref_slice %arg19[%add3A_100, %dma_start3A_156] : memref<10240x128xf32, #tpu.memory_space<vmem_shared>> -> memref<80x128xf32, #tpu.memory_space<vmem_shared>>
      tpu.enqueue_dma source(%dma_start3A_157 : memref<80x128xf32, #tpu.memory_space<vmem_shared>>) target(%arg11 : memref<80x128xf32, #tpu.memory_space<vmem>>) target_semaphore(%run_scoped3A : memref<!tpu.dma_semaphore, #tpu.memory_space<semaphore_mem>>)
      %dma_wait3A = arith.constant 0 : i32
      %dma_wait3A_158 = tpu.memref_slice %arg19[%add3A_100, %dma_wait3A] : memref<10240x128xf32, #tpu.memory_space<vmem_shared>> -> memref<80x128xf32, #tpu.memory_space<vmem_shared>>
      %dma_wait3A_159 = arith.constant 0 : i32
      %dma_wait3A_160 = tpu.memref_slice %arg19[%add3A_100, %dma_wait3A_159] : memref<10240x128xf32, #tpu.memory_space<vmem_shared>> -> memref<80x128xf32, #tpu.memory_space<vmem_shared>>
      tpu.wait_dma2 semaphore(%run_scoped3A : memref<!tpu.dma_semaphore, #tpu.memory_space<semaphore_mem>>) src(%dma_wait3A_160 : memref<80x128xf32, #tpu.memory_space<vmem_shared>>) dst(%arg11 : memref<80x128xf32, #tpu.memory_space<vmem>>)
      tpu.yield
    }) : () -> ()
    %mul3A_101 = arith.constant 10240 : i32
    %mul3A_102 = arith.muli %arg0, %mul3A_101 : i32
    %add3A_103 = arith.addi %mul3A_102, %mul3A_2 : i32
    %add3A_104 = arith.constant 240 : i32
    %add3A_105 = arith.addi %add3A_103, %add3A_104 : i32
    %dma_start3A_106 = arith.constant 0 : i32
    %dma_start3A_107 = tpu.memref_slice %arg6[%add3A_105, %dma_start3A_106] : memref<20480x128xf32, #tpu.memory_space<hbm>> -> memref<80x128xf32, #tpu.memory_space<hbm>>
    %dma_start3A_108 = arith.constant 0 : i32
    %dma_start3A_109 = tpu.memref_slice %arg6[%add3A_105, %dma_start3A_108] : memref<20480x128xf32, #tpu.memory_space<hbm>> -> memref<80x128xf32, #tpu.memory_space<hbm>>
    tpu.enqueue_dma source(%arg11 : memref<80x128xf32, #tpu.memory_space<vmem>>) target(%dma_start3A_109 : memref<80x128xf32, #tpu.memory_space<hbm>>) target_semaphore(%arg13 : memref<!tpu.dma_semaphore, #tpu.memory_space<semaphore_mem>>)
    tpu.wait_dma2 semaphore(%arg12 : memref<!tpu.dma_semaphore, #tpu.memory_space<semaphore_mem>>) src(%arg5 : memref<80x128xf32, #tpu.memory_space<hbm>>) dst(%arg10 : memref<80x128xf32, #tpu.memory_space<vmem>>)
    %add3A_110 = arith.constant 320 : i32
    %add3A_111 = arith.addi %mul3A_2, %add3A_110 : i32
    "tpu.region"() ({
      %run_scoped3A = tpu.sem_alloc : memref<!tpu.dma_semaphore, #tpu.memory_space<semaphore_mem>>
      %dma_start3A_154 = arith.constant 0 : i32
      %dma_start3A_155 = tpu.memref_slice %arg19[%add3A_111, %dma_start3A_154] : memref<10240x128xf32, #tpu.memory_space<vmem_shared>> -> memref<80x128xf32, #tpu.memory_space<vmem_shared>>
      %dma_start3A_156 = arith.constant 0 : i32
      %dma_start3A_157 = tpu.memref_slice %arg19[%add3A_111, %dma_start3A_156] : memref<10240x128xf32, #tpu.memory_space<vmem_shared>> -> memref<80x128xf32, #tpu.memory_space<vmem_shared>>
      tpu.enqueue_dma source(%dma_start3A_157 : memref<80x128xf32, #tpu.memory_space<vmem_shared>>) target(%arg10 : memref<80x128xf32, #tpu.memory_space<vmem>>) target_semaphore(%run_scoped3A : memref<!tpu.dma_semaphore, #tpu.memory_space<semaphore_mem>>)
      %dma_wait3A = arith.constant 0 : i32
      %dma_wait3A_158 = tpu.memref_slice %arg19[%add3A_111, %dma_wait3A] : memref<10240x128xf32, #tpu.memory_space<vmem_shared>> -> memref<80x128xf32, #tpu.memory_space<vmem_shared>>
      %dma_wait3A_159 = arith.constant 0 : i32
      %dma_wait3A_160 = tpu.memref_slice %arg19[%add3A_111, %dma_wait3A_159] : memref<10240x128xf32, #tpu.memory_space<vmem_shared>> -> memref<80x128xf32, #tpu.memory_space<vmem_shared>>
      tpu.wait_dma2 semaphore(%run_scoped3A : memref<!tpu.dma_semaphore, #tpu.memory_space<semaphore_mem>>) src(%dma_wait3A_160 : memref<80x128xf32, #tpu.memory_space<vmem_shared>>) dst(%arg10 : memref<80x128xf32, #tpu.memory_space<vmem>>)
      tpu.yield
    }) : () -> ()
    %mul3A_112 = arith.constant 10240 : i32
    %mul3A_113 = arith.muli %arg0, %mul3A_112 : i32
    %add3A_114 = arith.addi %mul3A_113, %mul3A_2 : i32
    %add3A_115 = arith.constant 320 : i32
    %add3A_116 = arith.addi %add3A_114, %add3A_115 : i32
    %dma_start3A_117 = arith.constant 0 : i32
    %dma_start3A_118 = tpu.memref_slice %arg6[%add3A_116, %dma_start3A_117] : memref<20480x128xf32, #tpu.memory_space<hbm>> -> memref<80x128xf32, #tpu.memory_space<hbm>>
    %dma_start3A_119 = arith.constant 0 : i32
    %dma_start3A_120 = tpu.memref_slice %arg6[%add3A_116, %dma_start3A_119] : memref<20480x128xf32, #tpu.memory_space<hbm>> -> memref<80x128xf32, #tpu.memory_space<hbm>>
    tpu.enqueue_dma source(%arg10 : memref<80x128xf32, #tpu.memory_space<vmem>>) target(%dma_start3A_120 : memref<80x128xf32, #tpu.memory_space<hbm>>) target_semaphore(%arg12 : memref<!tpu.dma_semaphore, #tpu.memory_space<semaphore_mem>>)
    tpu.wait_dma2 semaphore(%arg13 : memref<!tpu.dma_semaphore, #tpu.memory_space<semaphore_mem>>) src(%arg5 : memref<80x128xf32, #tpu.memory_space<hbm>>) dst(%arg11 : memref<80x128xf32, #tpu.memory_space<vmem>>)
    %add3A_121 = arith.constant 400 : i32
    %add3A_122 = arith.addi %mul3A_2, %add3A_121 : i32
    "tpu.region"() ({
      %run_scoped3A = tpu.sem_alloc : memref<!tpu.dma_semaphore, #tpu.memory_space<semaphore_mem>>
      %dma_start3A_154 = arith.constant 0 : i32
      %dma_start3A_155 = tpu.memref_slice %arg19[%add3A_122, %dma_start3A_154] : memref<10240x128xf32, #tpu.memory_space<vmem_shared>> -> memref<80x128xf32, #tpu.memory_space<vmem_shared>>
      %dma_start3A_156 = arith.constant 0 : i32
      %dma_start3A_157 = tpu.memref_slice %arg19[%add3A_122, %dma_start3A_156] : memref<10240x128xf32, #tpu.memory_space<vmem_shared>> -> memref<80x128xf32, #tpu.memory_space<vmem_shared>>
      tpu.enqueue_dma source(%dma_start3A_157 : memref<80x128xf32, #tpu.memory_space<vmem_shared>>) target(%arg11 : memref<80x128xf32, #tpu.memory_space<vmem>>) target_semaphore(%run_scoped3A : memref<!tpu.dma_semaphore, #tpu.memory_space<semaphore_mem>>)
      %dma_wait3A = arith.constant 0 : i32
      %dma_wait3A_158 = tpu.memref_slice %arg19[%add3A_122, %dma_wait3A] : memref<10240x128xf32, #tpu.memory_space<vmem_shared>> -> memref<80x128xf32, #tpu.memory_space<vmem_shared>>
      %dma_wait3A_159 = arith.constant 0 : i32
      %dma_wait3A_160 = tpu.memref_slice %arg19[%add3A_122, %dma_wait3A_159] : memref<10240x128xf32, #tpu.memory_space<vmem_shared>> -> memref<80x128xf32, #tpu.memory_space<vmem_shared>>
      tpu.wait_dma2 semaphore(%run_scoped3A : memref<!tpu.dma_semaphore, #tpu.memory_space<semaphore_mem>>) src(%dma_wait3A_160 : memref<80x128xf32, #tpu.memory_space<vmem_shared>>) dst(%arg11 : memref<80x128xf32, #tpu.memory_space<vmem>>)
      tpu.yield
    }) : () -> ()
    %mul3A_123 = arith.constant 10240 : i32
    %mul3A_124 = arith.muli %arg0, %mul3A_123 : i32
    %add3A_125 = arith.addi %mul3A_124, %mul3A_2 : i32
    %add3A_126 = arith.constant 400 : i32
    %add3A_127 = arith.addi %add3A_125, %add3A_126 : i32
    %dma_start3A_128 = arith.constant 0 : i32
    %dma_start3A_129 = tpu.memref_slice %arg6[%add3A_127, %dma_start3A_128] : memref<20480x128xf32, #tpu.memory_space<hbm>> -> memref<80x128xf32, #tpu.memory_space<hbm>>
    %dma_start3A_130 = arith.constant 0 : i32
    %dma_start3A_131 = tpu.memref_slice %arg6[%add3A_127, %dma_start3A_130] : memref<20480x128xf32, #tpu.memory_space<hbm>> -> memref<80x128xf32, #tpu.memory_space<hbm>>
    tpu.enqueue_dma source(%arg11 : memref<80x128xf32, #tpu.memory_space<vmem>>) target(%dma_start3A_131 : memref<80x128xf32, #tpu.memory_space<hbm>>) target_semaphore(%arg13 : memref<!tpu.dma_semaphore, #tpu.memory_space<semaphore_mem>>)
    tpu.wait_dma2 semaphore(%arg12 : memref<!tpu.dma_semaphore, #tpu.memory_space<semaphore_mem>>) src(%arg5 : memref<80x128xf32, #tpu.memory_space<hbm>>) dst(%arg10 : memref<80x128xf32, #tpu.memory_space<vmem>>)
    %add3A_132 = arith.constant 480 : i32
    %add3A_133 = arith.addi %mul3A_2, %add3A_132 : i32
    "tpu.region"() ({
      %run_scoped3A = tpu.sem_alloc : memref<!tpu.dma_semaphore, #tpu.memory_space<semaphore_mem>>
      %dma_start3A_154 = arith.constant 0 : i32
      %dma_start3A_155 = tpu.memref_slice %arg19[%add3A_133, %dma_start3A_154] : memref<10240x128xf32, #tpu.memory_space<vmem_shared>> -> memref<80x128xf32, #tpu.memory_space<vmem_shared>>
      %dma_start3A_156 = arith.constant 0 : i32
      %dma_start3A_157 = tpu.memref_slice %arg19[%add3A_133, %dma_start3A_156] : memref<10240x128xf32, #tpu.memory_space<vmem_shared>> -> memref<80x128xf32, #tpu.memory_space<vmem_shared>>
      tpu.enqueue_dma source(%dma_start3A_157 : memref<80x128xf32, #tpu.memory_space<vmem_shared>>) target(%arg10 : memref<80x128xf32, #tpu.memory_space<vmem>>) target_semaphore(%run_scoped3A : memref<!tpu.dma_semaphore, #tpu.memory_space<semaphore_mem>>)
      %dma_wait3A = arith.constant 0 : i32
      %dma_wait3A_158 = tpu.memref_slice %arg19[%add3A_133, %dma_wait3A] : memref<10240x128xf32, #tpu.memory_space<vmem_shared>> -> memref<80x128xf32, #tpu.memory_space<vmem_shared>>
      %dma_wait3A_159 = arith.constant 0 : i32
      %dma_wait3A_160 = tpu.memref_slice %arg19[%add3A_133, %dma_wait3A_159] : memref<10240x128xf32, #tpu.memory_space<vmem_shared>> -> memref<80x128xf32, #tpu.memory_space<vmem_shared>>
      tpu.wait_dma2 semaphore(%run_scoped3A : memref<!tpu.dma_semaphore, #tpu.memory_space<semaphore_mem>>) src(%dma_wait3A_160 : memref<80x128xf32, #tpu.memory_space<vmem_shared>>) dst(%arg10 : memref<80x128xf32, #tpu.memory_space<vmem>>)
      tpu.yield
    }) : () -> ()
    %mul3A_134 = arith.constant 10240 : i32
    %mul3A_135 = arith.muli %arg0, %mul3A_134 : i32
    %add3A_136 = arith.addi %mul3A_135, %mul3A_2 : i32
    %add3A_137 = arith.constant 480 : i32
    %add3A_138 = arith.addi %add3A_136, %add3A_137 : i32
    %dma_start3A_139 = arith.constant 0 : i32
    %dma_start3A_140 = tpu.memref_slice %arg6[%add3A_138, %dma_start3A_139] : memref<20480x128xf32, #tpu.memory_space<hbm>> -> memref<80x128xf32, #tpu.memory_space<hbm>>
    %dma_start3A_141 = arith.constant 0 : i32
    %dma_start3A_142 = tpu.memref_slice %arg6[%add3A_138, %dma_start3A_141] : memref<20480x128xf32, #tpu.memory_space<hbm>> -> memref<80x128xf32, #tpu.memory_space<hbm>>
    tpu.enqueue_dma source(%arg10 : memref<80x128xf32, #tpu.memory_space<vmem>>) target(%dma_start3A_142 : memref<80x128xf32, #tpu.memory_space<hbm>>) target_semaphore(%arg12 : memref<!tpu.dma_semaphore, #tpu.memory_space<semaphore_mem>>)
    tpu.wait_dma2 semaphore(%arg13 : memref<!tpu.dma_semaphore, #tpu.memory_space<semaphore_mem>>) src(%arg5 : memref<80x128xf32, #tpu.memory_space<hbm>>) dst(%arg11 : memref<80x128xf32, #tpu.memory_space<vmem>>)
    %add3A_143 = arith.constant 560 : i32
    %add3A_144 = arith.addi %mul3A_2, %add3A_143 : i32
    "tpu.region"() ({
      %run_scoped3A = tpu.sem_alloc : memref<!tpu.dma_semaphore, #tpu.memory_space<semaphore_mem>>
      %dma_start3A_154 = arith.constant 0 : i32
      %dma_start3A_155 = tpu.memref_slice %arg19[%add3A_144, %dma_start3A_154] : memref<10240x128xf32, #tpu.memory_space<vmem_shared>> -> memref<80x128xf32, #tpu.memory_space<vmem_shared>>
      %dma_start3A_156 = arith.constant 0 : i32
      %dma_start3A_157 = tpu.memref_slice %arg19[%add3A_144, %dma_start3A_156] : memref<10240x128xf32, #tpu.memory_space<vmem_shared>> -> memref<80x128xf32, #tpu.memory_space<vmem_shared>>
      tpu.enqueue_dma source(%dma_start3A_157 : memref<80x128xf32, #tpu.memory_space<vmem_shared>>) target(%arg11 : memref<80x128xf32, #tpu.memory_space<vmem>>) target_semaphore(%run_scoped3A : memref<!tpu.dma_semaphore, #tpu.memory_space<semaphore_mem>>)
      %dma_wait3A = arith.constant 0 : i32
      %dma_wait3A_158 = tpu.memref_slice %arg19[%add3A_144, %dma_wait3A] : memref<10240x128xf32, #tpu.memory_space<vmem_shared>> -> memref<80x128xf32, #tpu.memory_space<vmem_shared>>
      %dma_wait3A_159 = arith.constant 0 : i32
      %dma_wait3A_160 = tpu.memref_slice %arg19[%add3A_144, %dma_wait3A_159] : memref<10240x128xf32, #tpu.memory_space<vmem_shared>> -> memref<80x128xf32, #tpu.memory_space<vmem_shared>>
      tpu.wait_dma2 semaphore(%run_scoped3A : memref<!tpu.dma_semaphore, #tpu.memory_space<semaphore_mem>>) src(%dma_wait3A_160 : memref<80x128xf32, #tpu.memory_space<vmem_shared>>) dst(%arg11 : memref<80x128xf32, #tpu.memory_space<vmem>>)
      tpu.yield
    }) : () -> ()
    %mul3A_145 = arith.constant 10240 : i32
    %mul3A_146 = arith.muli %arg0, %mul3A_145 : i32
    %add3A_147 = arith.addi %mul3A_146, %mul3A_2 : i32
    %add3A_148 = arith.constant 560 : i32
    %add3A_149 = arith.addi %add3A_147, %add3A_148 : i32
    %dma_start3A_150 = arith.constant 0 : i32
    %dma_start3A_151 = tpu.memref_slice %arg6[%add3A_149, %dma_start3A_150] : memref<20480x128xf32, #tpu.memory_space<hbm>> -> memref<80x128xf32, #tpu.memory_space<hbm>>
    %dma_start3A_152 = arith.constant 0 : i32
    %dma_start3A_153 = tpu.memref_slice %arg6[%add3A_149, %dma_start3A_152] : memref<20480x128xf32, #tpu.memory_space<hbm>> -> memref<80x128xf32, #tpu.memory_space<hbm>>
    tpu.enqueue_dma source(%arg11 : memref<80x128xf32, #tpu.memory_space<vmem>>) target(%dma_start3A_153 : memref<80x128xf32, #tpu.memory_space<hbm>>) target_semaphore(%arg13 : memref<!tpu.dma_semaphore, #tpu.memory_space<semaphore_mem>>)
    tpu.wait_dma2 semaphore(%arg12 : memref<!tpu.dma_semaphore, #tpu.memory_space<semaphore_mem>>) src(%arg5 : memref<80x128xf32, #tpu.memory_space<hbm>>) dst(%arg10 : memref<80x128xf32, #tpu.memory_space<vmem>>)
    tpu.wait_dma2 semaphore(%arg13 : memref<!tpu.dma_semaphore, #tpu.memory_space<semaphore_mem>>) src(%arg5 : memref<80x128xf32, #tpu.memory_space<hbm>>) dst(%arg11 : memref<80x128xf32, #tpu.memory_space<vmem>>)
    return
  }
}

#map = affine_map<(d0, d1) -> (0, 0)>
#map1 = affine_map<(d0, d1) -> (0)>
module attributes {stable_mosaic.version = 14 : i64} {
  func.func @_agg_kernel(%arg0: i32, %arg1: i32, %arg2: memref<10000x128xf32, #tpu.memory_space<hbm>>, %arg3: memref<320000xi32, #tpu.memory_space<hbm>>, %arg4: memref<320000xi32, #tpu.memory_space<hbm>>, %arg5: memref<80x128xf32, #tpu.memory_space<hbm>>, %arg6: memref<20480x128xf32, #tpu.memory_space<hbm>>, %arg7: memref<10000xi32, #tpu.memory_space<vmem>>, %arg8: memref<80xi32, #tpu.memory_space<vmem>>, %arg9: memref<80xi32, #tpu.memory_space<vmem>>, %arg10: memref<80x128xf32, #tpu.memory_space<vmem>>, %arg11: memref<80x128xf32, #tpu.memory_space<vmem>>, %arg12: memref<!tpu.dma_semaphore, #tpu.memory_space<semaphore_mem>>, %arg13: memref<!tpu.dma_semaphore, #tpu.memory_space<semaphore_mem>>, %arg14: memref<!tpu.dma_semaphore, #tpu.memory_space<semaphore_mem>>, %arg15: memref<!tpu.dma_semaphore, #tpu.memory_space<semaphore_mem>>, %arg16: memref<!tpu.dma_semaphore, #tpu.memory_space<semaphore_mem>>, %arg17: memref<!tpu.dma_semaphore, #tpu.memory_space<semaphore_mem>>, %arg18: memref<!tpu.dma_semaphore, #tpu.memory_space<semaphore_mem>>, %arg19: memref<10240x128xf32, #tpu.memory_space<vmem_shared>>) attributes {dimension_semantics = [#tpu.dimension_semantics<core_parallel>, #tpu.dimension_semantics<subcore_parallel>], iteration_bounds = array<i64: 2, 16>, scalar_prefetch = 0 : i64, scratch_operands = 13 : i64, tpu.core_type = #tpu.core_type<sc_vector_subcore>, window_params = [{transform_indices = #map}, {transform_indices = #map1}, {transform_indices = #map1}, {transform_indices = #map}, {transform_indices = #map}]} {
    %mul3A = arith.constant 16 : i32
    %mul3A_0 = arith.muli %arg0, %mul3A : i32
    %add3A = arith.addi %mul3A_0, %arg1 : i32
    %mul3A_1 = arith.constant 640 : i32
    %mul3A_2 = arith.muli %arg1, %mul3A_1 : i32
    %mul3A_3 = arith.constant 10000 : i32
    %mul3A_4 = arith.muli %add3A, %mul3A_3 : i32
    %multiple_of3A = tpu.assume_multiple %mul3A_4, 8 : i32
    "tpu.region"() ({
      %run_scoped3A = tpu.sem_alloc : memref<!tpu.dma_semaphore, #tpu.memory_space<semaphore_mem>>
      %dma_start3A_154 = tpu.memref_slice %arg3[%multiple_of3A] : memref<320000xi32, #tpu.memory_space<hbm>> -> memref<10000xi32, #tpu.memory_space<hbm>>
      %dma_start3A_155 = tpu.memref_slice %arg3[%multiple_of3A] : memref<320000xi32, #tpu.memory_space<hbm>> -> memref<10000xi32, #tpu.memory_space<hbm>>
      tpu.enqueue_dma source(%dma_start3A_155 : memref<10000xi32, #tpu.memory_space<hbm>>) target(%arg7 : memref<10000xi32, #tpu.memory_space<vmem>>) target_semaphore(%run_scoped3A : memref<!tpu.dma_semaphore, #tpu.memory_space<semaphore_mem>>)
      %dma_wait3A = tpu.memref_slice %arg3[%multiple_of3A] : memref<320000xi32, #tpu.memory_space<hbm>> -> memref<10000xi32, #tpu.memory_space<hbm>>
      %dma_wait3A_156 = tpu.memref_slice %arg3[%multiple_of3A] : memref<320000xi32, #tpu.memory_space<hbm>> -> memref<10000xi32, #tpu.memory_space<hbm>>
      tpu.wait_dma2 semaphore(%run_scoped3A : memref<!tpu.dma_semaphore, #tpu.memory_space<semaphore_mem>>) src(%dma_wait3A_156 : memref<10000xi32, #tpu.memory_space<hbm>>) dst(%arg7 : memref<10000xi32, #tpu.memory_space<vmem>>)
      tpu.yield
    }) : () -> ()
    "tpu.region"() ({
      %run_scoped3A = tpu.sem_alloc : memref<!tpu.dma_semaphore, #tpu.memory_space<semaphore_mem>>
      tpu.enqueue_dma source(%arg5 : memref<80x128xf32, #tpu.memory_space<hbm>>) target(%arg10 : memref<80x128xf32, #tpu.memory_space<vmem>>) target_semaphore(%run_scoped3A : memref<!tpu.dma_semaphore, #tpu.memory_space<semaphore_mem>>)
      tpu.wait_dma2 semaphore(%run_scoped3A : memref<!tpu.dma_semaphore, #tpu.memory_space<semaphore_mem>>) src(%arg5 : memref<80x128xf32, #tpu.memory_space<hbm>>) dst(%arg10 : memref<80x128xf32, #tpu.memory_space<vmem>>)
      tpu.yield
    }) : () -> ()
    %add3A_5 = arith.constant 0 : i32
    %add3A_6 = arith.addi %mul3A_2, %add3A_5 : i32
    %dma_start3A = arith.constant 0 : i32
    %dma_start3A_7 = tpu.memref_slice %arg19[%add3A_6, %dma_start3A] : memref<10240x128xf32, #tpu.memory_space<vmem_shared>> -> memref<80x128xf32, #tpu.memory_space<vmem_shared>>
    %dma_start3A_8 = arith.constant 0 : i32
    %dma_start3A_9 = tpu.memref_slice %arg19[%add3A_6, %dma_start3A_8] : memref<10240x128xf32, #tpu.memory_space<vmem_shared>> -> memref<80x128xf32, #tpu.memory_space<vmem_shared>>
    tpu.enqueue_dma source(%arg10 : memref<80x128xf32, #tpu.memory_space<vmem>>) target(%dma_start3A_9 : memref<80x128xf32, #tpu.memory_space<vmem_shared>>) target_semaphore(%arg18 : memref<!tpu.dma_semaphore, #tpu.memory_space<semaphore_mem>>)
    %add3A_10 = arith.constant 80 : i32
    %add3A_11 = arith.addi %mul3A_2, %add3A_10 : i32
    %dma_start3A_12 = arith.constant 0 : i32
    %dma_start3A_13 = tpu.memref_slice %arg19[%add3A_11, %dma_start3A_12] : memref<10240x128xf32, #tpu.memory_space<vmem_shared>> -> memref<80x128xf32, #tpu.memory_space<vmem_shared>>
    %dma_start3A_14 = arith.constant 0 : i32
    %dma_start3A_15 = tpu.memref_slice %arg19[%add3A_11, %dma_start3A_14] : memref<10240x128xf32, #tpu.memory_space<vmem_shared>> -> memref<80x128xf32, #tpu.memory_space<vmem_shared>>
    tpu.enqueue_dma source(%arg10 : memref<80x128xf32, #tpu.memory_space<vmem>>) target(%dma_start3A_15 : memref<80x128xf32, #tpu.memory_space<vmem_shared>>) target_semaphore(%arg18 : memref<!tpu.dma_semaphore, #tpu.memory_space<semaphore_mem>>)
    %add3A_16 = arith.constant 160 : i32
    %add3A_17 = arith.addi %mul3A_2, %add3A_16 : i32
    %dma_start3A_18 = arith.constant 0 : i32
    %dma_start3A_19 = tpu.memref_slice %arg19[%add3A_17, %dma_start3A_18] : memref<10240x128xf32, #tpu.memory_space<vmem_shared>> -> memref<80x128xf32, #tpu.memory_space<vmem_shared>>
    %dma_start3A_20 = arith.constant 0 : i32
    %dma_start3A_21 = tpu.memref_slice %arg19[%add3A_17, %dma_start3A_20] : memref<10240x128xf32, #tpu.memory_space<vmem_shared>> -> memref<80x128xf32, #tpu.memory_space<vmem_shared>>
    tpu.enqueue_dma source(%arg10 : memref<80x128xf32, #tpu.memory_space<vmem>>) target(%dma_start3A_21 : memref<80x128xf32, #tpu.memory_space<vmem_shared>>) target_semaphore(%arg18 : memref<!tpu.dma_semaphore, #tpu.memory_space<semaphore_mem>>)
    %add3A_22 = arith.constant 240 : i32
    %add3A_23 = arith.addi %mul3A_2, %add3A_22 : i32
    %dma_start3A_24 = arith.constant 0 : i32
    %dma_start3A_25 = tpu.memref_slice %arg19[%add3A_23, %dma_start3A_24] : memref<10240x128xf32, #tpu.memory_space<vmem_shared>> -> memref<80x128xf32, #tpu.memory_space<vmem_shared>>
    %dma_start3A_26 = arith.constant 0 : i32
    %dma_start3A_27 = tpu.memref_slice %arg19[%add3A_23, %dma_start3A_26] : memref<10240x128xf32, #tpu.memory_space<vmem_shared>> -> memref<80x128xf32, #tpu.memory_space<vmem_shared>>
    tpu.enqueue_dma source(%arg10 : memref<80x128xf32, #tpu.memory_space<vmem>>) target(%dma_start3A_27 : memref<80x128xf32, #tpu.memory_space<vmem_shared>>) target_semaphore(%arg18 : memref<!tpu.dma_semaphore, #tpu.memory_space<semaphore_mem>>)
    %add3A_28 = arith.constant 320 : i32
    %add3A_29 = arith.addi %mul3A_2, %add3A_28 : i32
    %dma_start3A_30 = arith.constant 0 : i32
    %dma_start3A_31 = tpu.memref_slice %arg19[%add3A_29, %dma_start3A_30] : memref<10240x128xf32, #tpu.memory_space<vmem_shared>> -> memref<80x128xf32, #tpu.memory_space<vmem_shared>>
    %dma_start3A_32 = arith.constant 0 : i32
    %dma_start3A_33 = tpu.memref_slice %arg19[%add3A_29, %dma_start3A_32] : memref<10240x128xf32, #tpu.memory_space<vmem_shared>> -> memref<80x128xf32, #tpu.memory_space<vmem_shared>>
    tpu.enqueue_dma source(%arg10 : memref<80x128xf32, #tpu.memory_space<vmem>>) target(%dma_start3A_33 : memref<80x128xf32, #tpu.memory_space<vmem_shared>>) target_semaphore(%arg18 : memref<!tpu.dma_semaphore, #tpu.memory_space<semaphore_mem>>)
    %add3A_34 = arith.constant 400 : i32
    %add3A_35 = arith.addi %mul3A_2, %add3A_34 : i32
    %dma_start3A_36 = arith.constant 0 : i32
    %dma_start3A_37 = tpu.memref_slice %arg19[%add3A_35, %dma_start3A_36] : memref<10240x128xf32, #tpu.memory_space<vmem_shared>> -> memref<80x128xf32, #tpu.memory_space<vmem_shared>>
    %dma_start3A_38 = arith.constant 0 : i32
    %dma_start3A_39 = tpu.memref_slice %arg19[%add3A_35, %dma_start3A_38] : memref<10240x128xf32, #tpu.memory_space<vmem_shared>> -> memref<80x128xf32, #tpu.memory_space<vmem_shared>>
    tpu.enqueue_dma source(%arg10 : memref<80x128xf32, #tpu.memory_space<vmem>>) target(%dma_start3A_39 : memref<80x128xf32, #tpu.memory_space<vmem_shared>>) target_semaphore(%arg18 : memref<!tpu.dma_semaphore, #tpu.memory_space<semaphore_mem>>)
    %add3A_40 = arith.constant 480 : i32
    %add3A_41 = arith.addi %mul3A_2, %add3A_40 : i32
    %dma_start3A_42 = arith.constant 0 : i32
    %dma_start3A_43 = tpu.memref_slice %arg19[%add3A_41, %dma_start3A_42] : memref<10240x128xf32, #tpu.memory_space<vmem_shared>> -> memref<80x128xf32, #tpu.memory_space<vmem_shared>>
    %dma_start3A_44 = arith.constant 0 : i32
    %dma_start3A_45 = tpu.memref_slice %arg19[%add3A_41, %dma_start3A_44] : memref<10240x128xf32, #tpu.memory_space<vmem_shared>> -> memref<80x128xf32, #tpu.memory_space<vmem_shared>>
    tpu.enqueue_dma source(%arg10 : memref<80x128xf32, #tpu.memory_space<vmem>>) target(%dma_start3A_45 : memref<80x128xf32, #tpu.memory_space<vmem_shared>>) target_semaphore(%arg18 : memref<!tpu.dma_semaphore, #tpu.memory_space<semaphore_mem>>)
    %add3A_46 = arith.constant 560 : i32
    %add3A_47 = arith.addi %mul3A_2, %add3A_46 : i32
    %dma_start3A_48 = arith.constant 0 : i32
    %dma_start3A_49 = tpu.memref_slice %arg19[%add3A_47, %dma_start3A_48] : memref<10240x128xf32, #tpu.memory_space<vmem_shared>> -> memref<80x128xf32, #tpu.memory_space<vmem_shared>>
    %dma_start3A_50 = arith.constant 0 : i32
    %dma_start3A_51 = tpu.memref_slice %arg19[%add3A_47, %dma_start3A_50] : memref<10240x128xf32, #tpu.memory_space<vmem_shared>> -> memref<80x128xf32, #tpu.memory_space<vmem_shared>>
    tpu.enqueue_dma source(%arg10 : memref<80x128xf32, #tpu.memory_space<vmem>>) target(%dma_start3A_51 : memref<80x128xf32, #tpu.memory_space<vmem_shared>>) target_semaphore(%arg18 : memref<!tpu.dma_semaphore, #tpu.memory_space<semaphore_mem>>)
    tpu.wait_dma2 semaphore(%arg18 : memref<!tpu.dma_semaphore, #tpu.memory_space<semaphore_mem>>) src(%arg5 : memref<80x128xf32, #tpu.memory_space<hbm>>) dst(%arg10 : memref<80x128xf32, #tpu.memory_space<vmem>>)
    tpu.wait_dma2 semaphore(%arg18 : memref<!tpu.dma_semaphore, #tpu.memory_space<semaphore_mem>>) src(%arg5 : memref<80x128xf32, #tpu.memory_space<hbm>>) dst(%arg10 : memref<80x128xf32, #tpu.memory_space<vmem>>)
    tpu.wait_dma2 semaphore(%arg18 : memref<!tpu.dma_semaphore, #tpu.memory_space<semaphore_mem>>) src(%arg5 : memref<80x128xf32, #tpu.memory_space<hbm>>) dst(%arg10 : memref<80x128xf32, #tpu.memory_space<vmem>>)
    tpu.wait_dma2 semaphore(%arg18 : memref<!tpu.dma_semaphore, #tpu.memory_space<semaphore_mem>>) src(%arg5 : memref<80x128xf32, #tpu.memory_space<hbm>>) dst(%arg10 : memref<80x128xf32, #tpu.memory_space<vmem>>)
    tpu.wait_dma2 semaphore(%arg18 : memref<!tpu.dma_semaphore, #tpu.memory_space<semaphore_mem>>) src(%arg5 : memref<80x128xf32, #tpu.memory_space<hbm>>) dst(%arg10 : memref<80x128xf32, #tpu.memory_space<vmem>>)
    tpu.wait_dma2 semaphore(%arg18 : memref<!tpu.dma_semaphore, #tpu.memory_space<semaphore_mem>>) src(%arg5 : memref<80x128xf32, #tpu.memory_space<hbm>>) dst(%arg10 : memref<80x128xf32, #tpu.memory_space<vmem>>)
    tpu.wait_dma2 semaphore(%arg18 : memref<!tpu.dma_semaphore, #tpu.memory_space<semaphore_mem>>) src(%arg5 : memref<80x128xf32, #tpu.memory_space<hbm>>) dst(%arg10 : memref<80x128xf32, #tpu.memory_space<vmem>>)
    tpu.wait_dma2 semaphore(%arg18 : memref<!tpu.dma_semaphore, #tpu.memory_space<semaphore_mem>>) src(%arg5 : memref<80x128xf32, #tpu.memory_space<hbm>>) dst(%arg10 : memref<80x128xf32, #tpu.memory_space<vmem>>)
    %barrier3A = arith.constant 0 : index
    tpu.barrier barrier_id(%barrier3A)
    %add3A_52 = arith.constant 0 : i32
    %add3A_53 = arith.addi %multiple_of3A, %add3A_52 : i32
    %dma_start3A_54 = tpu.memref_slice %arg4[%add3A_53] : memref<320000xi32, #tpu.memory_space<hbm>> -> memref<80xi32, #tpu.memory_space<hbm>>
    %dma_start3A_55 = tpu.memref_slice %arg4[%add3A_53] : memref<320000xi32, #tpu.memory_space<hbm>> -> memref<80xi32, #tpu.memory_space<hbm>>
    tpu.enqueue_dma source(%dma_start3A_55 : memref<80xi32, #tpu.memory_space<hbm>>) target(%arg8 : memref<80xi32, #tpu.memory_space<vmem>>) target_semaphore(%arg14 : memref<!tpu.dma_semaphore, #tpu.memory_space<semaphore_mem>>)
    %dma_start3A_56 = arith.constant 0 : i32
    %dma_start3A_57 = tpu.memref_slice %arg7[%dma_start3A_56] : memref<10000xi32, #tpu.memory_space<vmem>> -> memref<80xi32, #tpu.memory_space<vmem>>
    %dma_start3A_58 = arith.constant 0 : i32
    %dma_start3A_59 = arith.constant 0 : i32
    %dma_start3A_60 = tpu.memref_slice %arg2[%dma_start3A_58, %dma_start3A_59] : memref<10000x128xf32, #tpu.memory_space<hbm>> -> memref<10000x128xf32, #tpu.memory_space<hbm>>
    tpu.enqueue_indirect_dma source(%dma_start3A_60 : memref<10000x128xf32, #tpu.memory_space<hbm>>) target(%arg10 : memref<80x128xf32, #tpu.memory_space<vmem>>) offsets(%dma_start3A_57 : memref<80xi32, #tpu.memory_space<vmem>>) semaphore(%arg12 : memref<!tpu.dma_semaphore, #tpu.memory_space<semaphore_mem>>)
    %scan3A = arith.constant 0 : i32
    %scan3A_61 = arith.constant 63 : i32
    %scan3A_62 = arith.addi %scan3A, %scan3A_61 : i32
    %scan3A_63 = arith.constant 1 : i32
    scf.for %scan3A_154 = %scan3A to %scan3A_62 step %scan3A_63  : i32 {
      %mul3A_155 = arith.constant 2 : i32
      %mul3A_156 = arith.muli %scan3A_154, %mul3A_155 : i32
      %add3A_157 = arith.constant 0 : i32
      %add3A_158 = arith.addi %add3A_157, %mul3A_156 : i32
      %add3A_159 = arith.constant 1 : i32
      %add3A_160 = arith.addi %add3A_158, %add3A_159 : i32
      %lt3A = arith.constant 125 : i32
      %lt3A_161 = arith.cmpi slt, %add3A_160, %lt3A : i32
      %convert_element_type3A = arith.extui %lt3A_161 : i1 to i32
      %cond3A = arith.constant 0 : i32
      %cond3A_162 = arith.cmpi ne, %convert_element_type3A, %cond3A : i32
      scf.if %cond3A_162 {
        %ge3A = arith.constant 2 : i32
        %ge3A_176 = arith.cmpi sge, %add3A_158, %ge3A : i32
        %convert_element_type3A_177 = arith.extui %ge3A_176 : i1 to i32
        %cond3A_178 = arith.constant 0 : i32
        %cond3A_179 = arith.cmpi ne, %convert_element_type3A_177, %cond3A_178 : i32
        scf.if %cond3A_179 {
          tpu.wait_dma2 semaphore(%arg17 : memref<!tpu.dma_semaphore, #tpu.memory_space<semaphore_mem>>) src(%arg5 : memref<80x128xf32, #tpu.memory_space<hbm>>) dst(%arg11 : memref<80x128xf32, #tpu.memory_space<vmem>>)
        } else {
        }
        %add3A_180 = arith.constant 1 : i32
        %add3A_181 = arith.addi %add3A_158, %add3A_180 : i32
        %mul3A_182 = arith.constant 80 : i32
        %mul3A_183 = arith.muli %add3A_181, %mul3A_182 : i32
        %add3A_184 = arith.addi %multiple_of3A, %mul3A_183 : i32
        %dma_start3A_185 = tpu.memref_slice %arg4[%add3A_184] : memref<320000xi32, #tpu.memory_space<hbm>> -> memref<80xi32, #tpu.memory_space<hbm>>
        %dma_start3A_186 = tpu.memref_slice %arg4[%add3A_184] : memref<320000xi32, #tpu.memory_space<hbm>> -> memref<80xi32, #tpu.memory_space<hbm>>
        tpu.enqueue_dma source(%dma_start3A_186 : memref<80xi32, #tpu.memory_space<hbm>>) target(%arg9 : memref<80xi32, #tpu.memory_space<vmem>>) target_semaphore(%arg15 : memref<!tpu.dma_semaphore, #tpu.memory_space<semaphore_mem>>)
        %mul3A_187 = arith.constant 80 : i32
        %mul3A_188 = arith.muli %add3A_181, %mul3A_187 : i32
        %dma_start3A_189 = tpu.memref_slice %arg7[%mul3A_188] : memref<10000xi32, #tpu.memory_space<vmem>> -> memref<80xi32, #tpu.memory_space<vmem>>
        %dma_start3A_190 = arith.constant 0 : i32
        %dma_start3A_191 = arith.constant 0 : i32
        %dma_start3A_192 = tpu.memref_slice %arg2[%dma_start3A_190, %dma_start3A_191] : memref<10000x128xf32, #tpu.memory_space<hbm>> -> memref<10000x128xf32, #tpu.memory_space<hbm>>
        tpu.enqueue_indirect_dma source(%dma_start3A_192 : memref<10000x128xf32, #tpu.memory_space<hbm>>) target(%arg11 : memref<80x128xf32, #tpu.memory_space<vmem>>) offsets(%dma_start3A_189 : memref<80xi32, #tpu.memory_space<vmem>>) semaphore(%arg13 : memref<!tpu.dma_semaphore, #tpu.memory_space<semaphore_mem>>)
      } else {
      }
      tpu.wait_dma2 semaphore(%arg12 : memref<!tpu.dma_semaphore, #tpu.memory_space<semaphore_mem>>) src(%arg5 : memref<80x128xf32, #tpu.memory_space<hbm>>) dst(%arg10 : memref<80x128xf32, #tpu.memory_space<vmem>>)
      %dma_wait3A = arith.constant 0 : i32
      %dma_wait3A_163 = tpu.memref_slice %arg4[%dma_wait3A] : memref<320000xi32, #tpu.memory_space<hbm>> -> memref<80xi32, #tpu.memory_space<hbm>>
      %dma_wait3A_164 = arith.constant 0 : i32
      %dma_wait3A_165 = tpu.memref_slice %arg4[%dma_wait3A_164] : memref<320000xi32, #tpu.memory_space<hbm>> -> memref<80xi32, #tpu.memory_space<hbm>>
      tpu.wait_dma2 semaphore(%arg14 : memref<!tpu.dma_semaphore, #tpu.memory_space<semaphore_mem>>) src(%dma_wait3A_165 : memref<80xi32, #tpu.memory_space<hbm>>) dst(%arg8 : memref<80xi32, #tpu.memory_space<vmem>>)
      %dma_start3A_166 = arith.constant 0 : i32
      %dma_start3A_167 = arith.constant 0 : i32
      %dma_start3A_168 = tpu.memref_slice %arg19[%dma_start3A_166, %dma_start3A_167] : memref<10240x128xf32, #tpu.memory_space<vmem_shared>> -> memref<10240x128xf32, #tpu.memory_space<vmem_shared>>
      tpu.enqueue_indirect_dma source(%arg10 : memref<80x128xf32, #tpu.memory_space<vmem>>) target(%dma_start3A_168 : memref<10240x128xf32, #tpu.memory_space<vmem_shared>>) offsets(%arg8 : memref<80xi32, #tpu.memory_space<vmem>>) semaphore(%arg16 : memref<!tpu.dma_semaphore, #tpu.memory_space<semaphore_mem>>) {add = true}
      %add3A_169 = arith.constant 1 : i32
      %add3A_170 = arith.addi %add3A_158, %add3A_169 : i32
      %lt3A_171 = arith.constant 125 : i32
      %lt3A_172 = arith.cmpi slt, %add3A_170, %lt3A_171 : i32
      %convert_element_type3A_173 = arith.extui %lt3A_172 : i1 to i32
      %cond3A_174 = arith.constant 0 : i32
      %cond3A_175 = arith.cmpi ne, %convert_element_type3A_173, %cond3A_174 : i32
      scf.if %cond3A_175 {
        %add3A_176 = arith.constant 2 : i32
        %add3A_177 = arith.addi %add3A_158, %add3A_176 : i32
        %lt3A_178 = arith.constant 125 : i32
        %lt3A_179 = arith.cmpi slt, %add3A_177, %lt3A_178 : i32
        %convert_element_type3A_180 = arith.extui %lt3A_179 : i1 to i32
        %cond3A_181 = arith.constant 0 : i32
        %cond3A_182 = arith.cmpi ne, %convert_element_type3A_180, %cond3A_181 : i32
        scf.if %cond3A_182 {
          tpu.wait_dma2 semaphore(%arg16 : memref<!tpu.dma_semaphore, #tpu.memory_space<semaphore_mem>>) src(%arg5 : memref<80x128xf32, #tpu.memory_space<hbm>>) dst(%arg10 : memref<80x128xf32, #tpu.memory_space<vmem>>)
          %add3A_190 = arith.constant 2 : i32
          %add3A_191 = arith.addi %add3A_158, %add3A_190 : i32
          %mul3A_192 = arith.constant 80 : i32
          %mul3A_193 = arith.muli %add3A_191, %mul3A_192 : i32
          %add3A_194 = arith.addi %multiple_of3A, %mul3A_193 : i32
          %dma_start3A_195 = tpu.memref_slice %arg4[%add3A_194] : memref<320000xi32, #tpu.memory_space<hbm>> -> memref<80xi32, #tpu.memory_space<hbm>>
          %dma_start3A_196 = tpu.memref_slice %arg4[%add3A_194] : memref<320000xi32, #tpu.memory_space<hbm>> -> memref<80xi32, #tpu.memory_space<hbm>>
          tpu.enqueue_dma source(%dma_start3A_196 : memref<80xi32, #tpu.memory_space<hbm>>) target(%arg8 : memref<80xi32, #tpu.memory_space<vmem>>) target_semaphore(%arg14 : memref<!tpu.dma_semaphore, #tpu.memory_space<semaphore_mem>>)
          %mul3A_197 = arith.constant 80 : i32
          %mul3A_198 = arith.muli %add3A_191, %mul3A_197 : i32
          %dma_start3A_199 = tpu.memref_slice %arg7[%mul3A_198] : memref<10000xi32, #tpu.memory_space<vmem>> -> memref<80xi32, #tpu.memory_space<vmem>>
          %dma_start3A_200 = arith.constant 0 : i32
          %dma_start3A_201 = arith.constant 0 : i32
          %dma_start3A_202 = tpu.memref_slice %arg2[%dma_start3A_200, %dma_start3A_201] : memref<10000x128xf32, #tpu.memory_space<hbm>> -> memref<10000x128xf32, #tpu.memory_space<hbm>>
          tpu.enqueue_indirect_dma source(%dma_start3A_202 : memref<10000x128xf32, #tpu.memory_space<hbm>>) target(%arg10 : memref<80x128xf32, #tpu.memory_space<vmem>>) offsets(%dma_start3A_199 : memref<80xi32, #tpu.memory_space<vmem>>) semaphore(%arg12 : memref<!tpu.dma_semaphore, #tpu.memory_space<semaphore_mem>>)
        } else {
        }
        tpu.wait_dma2 semaphore(%arg13 : memref<!tpu.dma_semaphore, #tpu.memory_space<semaphore_mem>>) src(%arg5 : memref<80x128xf32, #tpu.memory_space<hbm>>) dst(%arg11 : memref<80x128xf32, #tpu.memory_space<vmem>>)
        %dma_wait3A_183 = arith.constant 0 : i32
        %dma_wait3A_184 = tpu.memref_slice %arg4[%dma_wait3A_183] : memref<320000xi32, #tpu.memory_space<hbm>> -> memref<80xi32, #tpu.memory_space<hbm>>
        %dma_wait3A_185 = arith.constant 0 : i32
        %dma_wait3A_186 = tpu.memref_slice %arg4[%dma_wait3A_185] : memref<320000xi32, #tpu.memory_space<hbm>> -> memref<80xi32, #tpu.memory_space<hbm>>
        tpu.wait_dma2 semaphore(%arg15 : memref<!tpu.dma_semaphore, #tpu.memory_space<semaphore_mem>>) src(%dma_wait3A_186 : memref<80xi32, #tpu.memory_space<hbm>>) dst(%arg9 : memref<80xi32, #tpu.memory_space<vmem>>)
        %dma_start3A_187 = arith.constant 0 : i32
        %dma_start3A_188 = arith.constant 0 : i32
        %dma_start3A_189 = tpu.memref_slice %arg19[%dma_start3A_187, %dma_start3A_188] : memref<10240x128xf32, #tpu.memory_space<vmem_shared>> -> memref<10240x128xf32, #tpu.memory_space<vmem_shared>>
        tpu.enqueue_indirect_dma source(%arg11 : memref<80x128xf32, #tpu.memory_space<vmem>>) target(%dma_start3A_189 : memref<10240x128xf32, #tpu.memory_space<vmem_shared>>) offsets(%arg9 : memref<80xi32, #tpu.memory_space<vmem>>) semaphore(%arg17 : memref<!tpu.dma_semaphore, #tpu.memory_space<semaphore_mem>>) {add = true}
      } else {
      }
    }
    %scan3A_64 = arith.constant 63 : i32
    tpu.wait_dma2 semaphore(%arg16 : memref<!tpu.dma_semaphore, #tpu.memory_space<semaphore_mem>>) src(%arg5 : memref<80x128xf32, #tpu.memory_space<hbm>>) dst(%arg10 : memref<80x128xf32, #tpu.memory_space<vmem>>)
    tpu.wait_dma2 semaphore(%arg17 : memref<!tpu.dma_semaphore, #tpu.memory_space<semaphore_mem>>) src(%arg5 : memref<80x128xf32, #tpu.memory_space<hbm>>) dst(%arg11 : memref<80x128xf32, #tpu.memory_space<vmem>>)
    %barrier3A_65 = arith.constant 0 : index
    tpu.barrier barrier_id(%barrier3A_65)
    %add3A_66 = arith.constant 0 : i32
    %add3A_67 = arith.addi %mul3A_2, %add3A_66 : i32
    "tpu.region"() ({
      %run_scoped3A = tpu.sem_alloc : memref<!tpu.dma_semaphore, #tpu.memory_space<semaphore_mem>>
      %dma_start3A_154 = arith.constant 0 : i32
      %dma_start3A_155 = tpu.memref_slice %arg19[%add3A_67, %dma_start3A_154] : memref<10240x128xf32, #tpu.memory_space<vmem_shared>> -> memref<80x128xf32, #tpu.memory_space<vmem_shared>>
      %dma_start3A_156 = arith.constant 0 : i32
      %dma_start3A_157 = tpu.memref_slice %arg19[%add3A_67, %dma_start3A_156] : memref<10240x128xf32, #tpu.memory_space<vmem_shared>> -> memref<80x128xf32, #tpu.memory_space<vmem_shared>>
      tpu.enqueue_dma source(%dma_start3A_157 : memref<80x128xf32, #tpu.memory_space<vmem_shared>>) target(%arg10 : memref<80x128xf32, #tpu.memory_space<vmem>>) target_semaphore(%run_scoped3A : memref<!tpu.dma_semaphore, #tpu.memory_space<semaphore_mem>>)
      %dma_wait3A = arith.constant 0 : i32
      %dma_wait3A_158 = tpu.memref_slice %arg19[%add3A_67, %dma_wait3A] : memref<10240x128xf32, #tpu.memory_space<vmem_shared>> -> memref<80x128xf32, #tpu.memory_space<vmem_shared>>
      %dma_wait3A_159 = arith.constant 0 : i32
      %dma_wait3A_160 = tpu.memref_slice %arg19[%add3A_67, %dma_wait3A_159] : memref<10240x128xf32, #tpu.memory_space<vmem_shared>> -> memref<80x128xf32, #tpu.memory_space<vmem_shared>>
      tpu.wait_dma2 semaphore(%run_scoped3A : memref<!tpu.dma_semaphore, #tpu.memory_space<semaphore_mem>>) src(%dma_wait3A_160 : memref<80x128xf32, #tpu.memory_space<vmem_shared>>) dst(%arg10 : memref<80x128xf32, #tpu.memory_space<vmem>>)
      tpu.yield
    }) : () -> ()
    %mul3A_68 = arith.constant 10240 : i32
    %mul3A_69 = arith.muli %arg0, %mul3A_68 : i32
    %add3A_70 = arith.addi %mul3A_69, %mul3A_2 : i32
    %add3A_71 = arith.constant 0 : i32
    %add3A_72 = arith.addi %add3A_70, %add3A_71 : i32
    %dma_start3A_73 = arith.constant 0 : i32
    %dma_start3A_74 = tpu.memref_slice %arg6[%add3A_72, %dma_start3A_73] : memref<20480x128xf32, #tpu.memory_space<hbm>> -> memref<80x128xf32, #tpu.memory_space<hbm>>
    %dma_start3A_75 = arith.constant 0 : i32
    %dma_start3A_76 = tpu.memref_slice %arg6[%add3A_72, %dma_start3A_75] : memref<20480x128xf32, #tpu.memory_space<hbm>> -> memref<80x128xf32, #tpu.memory_space<hbm>>
    tpu.enqueue_dma source(%arg10 : memref<80x128xf32, #tpu.memory_space<vmem>>) target(%dma_start3A_76 : memref<80x128xf32, #tpu.memory_space<hbm>>) target_semaphore(%arg12 : memref<!tpu.dma_semaphore, #tpu.memory_space<semaphore_mem>>)
    %add3A_77 = arith.constant 80 : i32
    %add3A_78 = arith.addi %mul3A_2, %add3A_77 : i32
    "tpu.region"() ({
      %run_scoped3A = tpu.sem_alloc : memref<!tpu.dma_semaphore, #tpu.memory_space<semaphore_mem>>
      %dma_start3A_154 = arith.constant 0 : i32
      %dma_start3A_155 = tpu.memref_slice %arg19[%add3A_78, %dma_start3A_154] : memref<10240x128xf32, #tpu.memory_space<vmem_shared>> -> memref<80x128xf32, #tpu.memory_space<vmem_shared>>
      %dma_start3A_156 = arith.constant 0 : i32
      %dma_start3A_157 = tpu.memref_slice %arg19[%add3A_78, %dma_start3A_156] : memref<10240x128xf32, #tpu.memory_space<vmem_shared>> -> memref<80x128xf32, #tpu.memory_space<vmem_shared>>
      tpu.enqueue_dma source(%dma_start3A_157 : memref<80x128xf32, #tpu.memory_space<vmem_shared>>) target(%arg11 : memref<80x128xf32, #tpu.memory_space<vmem>>) target_semaphore(%run_scoped3A : memref<!tpu.dma_semaphore, #tpu.memory_space<semaphore_mem>>)
      %dma_wait3A = arith.constant 0 : i32
      %dma_wait3A_158 = tpu.memref_slice %arg19[%add3A_78, %dma_wait3A] : memref<10240x128xf32, #tpu.memory_space<vmem_shared>> -> memref<80x128xf32, #tpu.memory_space<vmem_shared>>
      %dma_wait3A_159 = arith.constant 0 : i32
      %dma_wait3A_160 = tpu.memref_slice %arg19[%add3A_78, %dma_wait3A_159] : memref<10240x128xf32, #tpu.memory_space<vmem_shared>> -> memref<80x128xf32, #tpu.memory_space<vmem_shared>>
      tpu.wait_dma2 semaphore(%run_scoped3A : memref<!tpu.dma_semaphore, #tpu.memory_space<semaphore_mem>>) src(%dma_wait3A_160 : memref<80x128xf32, #tpu.memory_space<vmem_shared>>) dst(%arg11 : memref<80x128xf32, #tpu.memory_space<vmem>>)
      tpu.yield
    }) : () -> ()
    %mul3A_79 = arith.constant 10240 : i32
    %mul3A_80 = arith.muli %arg0, %mul3A_79 : i32
    %add3A_81 = arith.addi %mul3A_80, %mul3A_2 : i32
    %add3A_82 = arith.constant 80 : i32
    %add3A_83 = arith.addi %add3A_81, %add3A_82 : i32
    %dma_start3A_84 = arith.constant 0 : i32
    %dma_start3A_85 = tpu.memref_slice %arg6[%add3A_83, %dma_start3A_84] : memref<20480x128xf32, #tpu.memory_space<hbm>> -> memref<80x128xf32, #tpu.memory_space<hbm>>
    %dma_start3A_86 = arith.constant 0 : i32
    %dma_start3A_87 = tpu.memref_slice %arg6[%add3A_83, %dma_start3A_86] : memref<20480x128xf32, #tpu.memory_space<hbm>> -> memref<80x128xf32, #tpu.memory_space<hbm>>
    tpu.enqueue_dma source(%arg11 : memref<80x128xf32, #tpu.memory_space<vmem>>) target(%dma_start3A_87 : memref<80x128xf32, #tpu.memory_space<hbm>>) target_semaphore(%arg13 : memref<!tpu.dma_semaphore, #tpu.memory_space<semaphore_mem>>)
    tpu.wait_dma2 semaphore(%arg12 : memref<!tpu.dma_semaphore, #tpu.memory_space<semaphore_mem>>) src(%arg5 : memref<80x128xf32, #tpu.memory_space<hbm>>) dst(%arg10 : memref<80x128xf32, #tpu.memory_space<vmem>>)
    %add3A_88 = arith.constant 160 : i32
    %add3A_89 = arith.addi %mul3A_2, %add3A_88 : i32
    "tpu.region"() ({
      %run_scoped3A = tpu.sem_alloc : memref<!tpu.dma_semaphore, #tpu.memory_space<semaphore_mem>>
      %dma_start3A_154 = arith.constant 0 : i32
      %dma_start3A_155 = tpu.memref_slice %arg19[%add3A_89, %dma_start3A_154] : memref<10240x128xf32, #tpu.memory_space<vmem_shared>> -> memref<80x128xf32, #tpu.memory_space<vmem_shared>>
      %dma_start3A_156 = arith.constant 0 : i32
      %dma_start3A_157 = tpu.memref_slice %arg19[%add3A_89, %dma_start3A_156] : memref<10240x128xf32, #tpu.memory_space<vmem_shared>> -> memref<80x128xf32, #tpu.memory_space<vmem_shared>>
      tpu.enqueue_dma source(%dma_start3A_157 : memref<80x128xf32, #tpu.memory_space<vmem_shared>>) target(%arg10 : memref<80x128xf32, #tpu.memory_space<vmem>>) target_semaphore(%run_scoped3A : memref<!tpu.dma_semaphore, #tpu.memory_space<semaphore_mem>>)
      %dma_wait3A = arith.constant 0 : i32
      %dma_wait3A_158 = tpu.memref_slice %arg19[%add3A_89, %dma_wait3A] : memref<10240x128xf32, #tpu.memory_space<vmem_shared>> -> memref<80x128xf32, #tpu.memory_space<vmem_shared>>
      %dma_wait3A_159 = arith.constant 0 : i32
      %dma_wait3A_160 = tpu.memref_slice %arg19[%add3A_89, %dma_wait3A_159] : memref<10240x128xf32, #tpu.memory_space<vmem_shared>> -> memref<80x128xf32, #tpu.memory_space<vmem_shared>>
      tpu.wait_dma2 semaphore(%run_scoped3A : memref<!tpu.dma_semaphore, #tpu.memory_space<semaphore_mem>>) src(%dma_wait3A_160 : memref<80x128xf32, #tpu.memory_space<vmem_shared>>) dst(%arg10 : memref<80x128xf32, #tpu.memory_space<vmem>>)
      tpu.yield
    }) : () -> ()
    %mul3A_90 = arith.constant 10240 : i32
    %mul3A_91 = arith.muli %arg0, %mul3A_90 : i32
    %add3A_92 = arith.addi %mul3A_91, %mul3A_2 : i32
    %add3A_93 = arith.constant 160 : i32
    %add3A_94 = arith.addi %add3A_92, %add3A_93 : i32
    %dma_start3A_95 = arith.constant 0 : i32
    %dma_start3A_96 = tpu.memref_slice %arg6[%add3A_94, %dma_start3A_95] : memref<20480x128xf32, #tpu.memory_space<hbm>> -> memref<80x128xf32, #tpu.memory_space<hbm>>
    %dma_start3A_97 = arith.constant 0 : i32
    %dma_start3A_98 = tpu.memref_slice %arg6[%add3A_94, %dma_start3A_97] : memref<20480x128xf32, #tpu.memory_space<hbm>> -> memref<80x128xf32, #tpu.memory_space<hbm>>
    tpu.enqueue_dma source(%arg10 : memref<80x128xf32, #tpu.memory_space<vmem>>) target(%dma_start3A_98 : memref<80x128xf32, #tpu.memory_space<hbm>>) target_semaphore(%arg12 : memref<!tpu.dma_semaphore, #tpu.memory_space<semaphore_mem>>)
    tpu.wait_dma2 semaphore(%arg13 : memref<!tpu.dma_semaphore, #tpu.memory_space<semaphore_mem>>) src(%arg5 : memref<80x128xf32, #tpu.memory_space<hbm>>) dst(%arg11 : memref<80x128xf32, #tpu.memory_space<vmem>>)
    %add3A_99 = arith.constant 240 : i32
    %add3A_100 = arith.addi %mul3A_2, %add3A_99 : i32
    "tpu.region"() ({
      %run_scoped3A = tpu.sem_alloc : memref<!tpu.dma_semaphore, #tpu.memory_space<semaphore_mem>>
      %dma_start3A_154 = arith.constant 0 : i32
      %dma_start3A_155 = tpu.memref_slice %arg19[%add3A_100, %dma_start3A_154] : memref<10240x128xf32, #tpu.memory_space<vmem_shared>> -> memref<80x128xf32, #tpu.memory_space<vmem_shared>>
      %dma_start3A_156 = arith.constant 0 : i32
      %dma_start3A_157 = tpu.memref_slice %arg19[%add3A_100, %dma_start3A_156] : memref<10240x128xf32, #tpu.memory_space<vmem_shared>> -> memref<80x128xf32, #tpu.memory_space<vmem_shared>>
      tpu.enqueue_dma source(%dma_start3A_157 : memref<80x128xf32, #tpu.memory_space<vmem_shared>>) target(%arg11 : memref<80x128xf32, #tpu.memory_space<vmem>>) target_semaphore(%run_scoped3A : memref<!tpu.dma_semaphore, #tpu.memory_space<semaphore_mem>>)
      %dma_wait3A = arith.constant 0 : i32
      %dma_wait3A_158 = tpu.memref_slice %arg19[%add3A_100, %dma_wait3A] : memref<10240x128xf32, #tpu.memory_space<vmem_shared>> -> memref<80x128xf32, #tpu.memory_space<vmem_shared>>
      %dma_wait3A_159 = arith.constant 0 : i32
      %dma_wait3A_160 = tpu.memref_slice %arg19[%add3A_100, %dma_wait3A_159] : memref<10240x128xf32, #tpu.memory_space<vmem_shared>> -> memref<80x128xf32, #tpu.memory_space<vmem_shared>>
      tpu.wait_dma2 semaphore(%run_scoped3A : memref<!tpu.dma_semaphore, #tpu.memory_space<semaphore_mem>>) src(%dma_wait3A_160 : memref<80x128xf32, #tpu.memory_space<vmem_shared>>) dst(%arg11 : memref<80x128xf32, #tpu.memory_space<vmem>>)
      tpu.yield
    }) : () -> ()
    %mul3A_101 = arith.constant 10240 : i32
    %mul3A_102 = arith.muli %arg0, %mul3A_101 : i32
    %add3A_103 = arith.addi %mul3A_102, %mul3A_2 : i32
    %add3A_104 = arith.constant 240 : i32
    %add3A_105 = arith.addi %add3A_103, %add3A_104 : i32
    %dma_start3A_106 = arith.constant 0 : i32
    %dma_start3A_107 = tpu.memref_slice %arg6[%add3A_105, %dma_start3A_106] : memref<20480x128xf32, #tpu.memory_space<hbm>> -> memref<80x128xf32, #tpu.memory_space<hbm>>
    %dma_start3A_108 = arith.constant 0 : i32
    %dma_start3A_109 = tpu.memref_slice %arg6[%add3A_105, %dma_start3A_108] : memref<20480x128xf32, #tpu.memory_space<hbm>> -> memref<80x128xf32, #tpu.memory_space<hbm>>
    tpu.enqueue_dma source(%arg11 : memref<80x128xf32, #tpu.memory_space<vmem>>) target(%dma_start3A_109 : memref<80x128xf32, #tpu.memory_space<hbm>>) target_semaphore(%arg13 : memref<!tpu.dma_semaphore, #tpu.memory_space<semaphore_mem>>)
    tpu.wait_dma2 semaphore(%arg12 : memref<!tpu.dma_semaphore, #tpu.memory_space<semaphore_mem>>) src(%arg5 : memref<80x128xf32, #tpu.memory_space<hbm>>) dst(%arg10 : memref<80x128xf32, #tpu.memory_space<vmem>>)
    %add3A_110 = arith.constant 320 : i32
    %add3A_111 = arith.addi %mul3A_2, %add3A_110 : i32
    "tpu.region"() ({
      %run_scoped3A = tpu.sem_alloc : memref<!tpu.dma_semaphore, #tpu.memory_space<semaphore_mem>>
      %dma_start3A_154 = arith.constant 0 : i32
      %dma_start3A_155 = tpu.memref_slice %arg19[%add3A_111, %dma_start3A_154] : memref<10240x128xf32, #tpu.memory_space<vmem_shared>> -> memref<80x128xf32, #tpu.memory_space<vmem_shared>>
      %dma_start3A_156 = arith.constant 0 : i32
      %dma_start3A_157 = tpu.memref_slice %arg19[%add3A_111, %dma_start3A_156] : memref<10240x128xf32, #tpu.memory_space<vmem_shared>> -> memref<80x128xf32, #tpu.memory_space<vmem_shared>>
      tpu.enqueue_dma source(%dma_start3A_157 : memref<80x128xf32, #tpu.memory_space<vmem_shared>>) target(%arg10 : memref<80x128xf32, #tpu.memory_space<vmem>>) target_semaphore(%run_scoped3A : memref<!tpu.dma_semaphore, #tpu.memory_space<semaphore_mem>>)
      %dma_wait3A = arith.constant 0 : i32
      %dma_wait3A_158 = tpu.memref_slice %arg19[%add3A_111, %dma_wait3A] : memref<10240x128xf32, #tpu.memory_space<vmem_shared>> -> memref<80x128xf32, #tpu.memory_space<vmem_shared>>
      %dma_wait3A_159 = arith.constant 0 : i32
      %dma_wait3A_160 = tpu.memref_slice %arg19[%add3A_111, %dma_wait3A_159] : memref<10240x128xf32, #tpu.memory_space<vmem_shared>> -> memref<80x128xf32, #tpu.memory_space<vmem_shared>>
      tpu.wait_dma2 semaphore(%run_scoped3A : memref<!tpu.dma_semaphore, #tpu.memory_space<semaphore_mem>>) src(%dma_wait3A_160 : memref<80x128xf32, #tpu.memory_space<vmem_shared>>) dst(%arg10 : memref<80x128xf32, #tpu.memory_space<vmem>>)
      tpu.yield
    }) : () -> ()
    %mul3A_112 = arith.constant 10240 : i32
    %mul3A_113 = arith.muli %arg0, %mul3A_112 : i32
    %add3A_114 = arith.addi %mul3A_113, %mul3A_2 : i32
    %add3A_115 = arith.constant 320 : i32
    %add3A_116 = arith.addi %add3A_114, %add3A_115 : i32
    %dma_start3A_117 = arith.constant 0 : i32
    %dma_start3A_118 = tpu.memref_slice %arg6[%add3A_116, %dma_start3A_117] : memref<20480x128xf32, #tpu.memory_space<hbm>> -> memref<80x128xf32, #tpu.memory_space<hbm>>
    %dma_start3A_119 = arith.constant 0 : i32
    %dma_start3A_120 = tpu.memref_slice %arg6[%add3A_116, %dma_start3A_119] : memref<20480x128xf32, #tpu.memory_space<hbm>> -> memref<80x128xf32, #tpu.memory_space<hbm>>
    tpu.enqueue_dma source(%arg10 : memref<80x128xf32, #tpu.memory_space<vmem>>) target(%dma_start3A_120 : memref<80x128xf32, #tpu.memory_space<hbm>>) target_semaphore(%arg12 : memref<!tpu.dma_semaphore, #tpu.memory_space<semaphore_mem>>)
    tpu.wait_dma2 semaphore(%arg13 : memref<!tpu.dma_semaphore, #tpu.memory_space<semaphore_mem>>) src(%arg5 : memref<80x128xf32, #tpu.memory_space<hbm>>) dst(%arg11 : memref<80x128xf32, #tpu.memory_space<vmem>>)
    %add3A_121 = arith.constant 400 : i32
    %add3A_122 = arith.addi %mul3A_2, %add3A_121 : i32
    "tpu.region"() ({
      %run_scoped3A = tpu.sem_alloc : memref<!tpu.dma_semaphore, #tpu.memory_space<semaphore_mem>>
      %dma_start3A_154 = arith.constant 0 : i32
      %dma_start3A_155 = tpu.memref_slice %arg19[%add3A_122, %dma_start3A_154] : memref<10240x128xf32, #tpu.memory_space<vmem_shared>> -> memref<80x128xf32, #tpu.memory_space<vmem_shared>>
      %dma_start3A_156 = arith.constant 0 : i32
      %dma_start3A_157 = tpu.memref_slice %arg19[%add3A_122, %dma_start3A_156] : memref<10240x128xf32, #tpu.memory_space<vmem_shared>> -> memref<80x128xf32, #tpu.memory_space<vmem_shared>>
      tpu.enqueue_dma source(%dma_start3A_157 : memref<80x128xf32, #tpu.memory_space<vmem_shared>>) target(%arg11 : memref<80x128xf32, #tpu.memory_space<vmem>>) target_semaphore(%run_scoped3A : memref<!tpu.dma_semaphore, #tpu.memory_space<semaphore_mem>>)
      %dma_wait3A = arith.constant 0 : i32
      %dma_wait3A_158 = tpu.memref_slice %arg19[%add3A_122, %dma_wait3A] : memref<10240x128xf32, #tpu.memory_space<vmem_shared>> -> memref<80x128xf32, #tpu.memory_space<vmem_shared>>
      %dma_wait3A_159 = arith.constant 0 : i32
      %dma_wait3A_160 = tpu.memref_slice %arg19[%add3A_122, %dma_wait3A_159] : memref<10240x128xf32, #tpu.memory_space<vmem_shared>> -> memref<80x128xf32, #tpu.memory_space<vmem_shared>>
      tpu.wait_dma2 semaphore(%run_scoped3A : memref<!tpu.dma_semaphore, #tpu.memory_space<semaphore_mem>>) src(%dma_wait3A_160 : memref<80x128xf32, #tpu.memory_space<vmem_shared>>) dst(%arg11 : memref<80x128xf32, #tpu.memory_space<vmem>>)
      tpu.yield
    }) : () -> ()
    %mul3A_123 = arith.constant 10240 : i32
    %mul3A_124 = arith.muli %arg0, %mul3A_123 : i32
    %add3A_125 = arith.addi %mul3A_124, %mul3A_2 : i32
    %add3A_126 = arith.constant 400 : i32
    %add3A_127 = arith.addi %add3A_125, %add3A_126 : i32
    %dma_start3A_128 = arith.constant 0 : i32
    %dma_start3A_129 = tpu.memref_slice %arg6[%add3A_127, %dma_start3A_128] : memref<20480x128xf32, #tpu.memory_space<hbm>> -> memref<80x128xf32, #tpu.memory_space<hbm>>
    %dma_start3A_130 = arith.constant 0 : i32
    %dma_start3A_131 = tpu.memref_slice %arg6[%add3A_127, %dma_start3A_130] : memref<20480x128xf32, #tpu.memory_space<hbm>> -> memref<80x128xf32, #tpu.memory_space<hbm>>
    tpu.enqueue_dma source(%arg11 : memref<80x128xf32, #tpu.memory_space<vmem>>) target(%dma_start3A_131 : memref<80x128xf32, #tpu.memory_space<hbm>>) target_semaphore(%arg13 : memref<!tpu.dma_semaphore, #tpu.memory_space<semaphore_mem>>)
    tpu.wait_dma2 semaphore(%arg12 : memref<!tpu.dma_semaphore, #tpu.memory_space<semaphore_mem>>) src(%arg5 : memref<80x128xf32, #tpu.memory_space<hbm>>) dst(%arg10 : memref<80x128xf32, #tpu.memory_space<vmem>>)
    %add3A_132 = arith.constant 480 : i32
    %add3A_133 = arith.addi %mul3A_2, %add3A_132 : i32
    "tpu.region"() ({
      %run_scoped3A = tpu.sem_alloc : memref<!tpu.dma_semaphore, #tpu.memory_space<semaphore_mem>>
      %dma_start3A_154 = arith.constant 0 : i32
      %dma_start3A_155 = tpu.memref_slice %arg19[%add3A_133, %dma_start3A_154] : memref<10240x128xf32, #tpu.memory_space<vmem_shared>> -> memref<80x128xf32, #tpu.memory_space<vmem_shared>>
      %dma_start3A_156 = arith.constant 0 : i32
      %dma_start3A_157 = tpu.memref_slice %arg19[%add3A_133, %dma_start3A_156] : memref<10240x128xf32, #tpu.memory_space<vmem_shared>> -> memref<80x128xf32, #tpu.memory_space<vmem_shared>>
      tpu.enqueue_dma source(%dma_start3A_157 : memref<80x128xf32, #tpu.memory_space<vmem_shared>>) target(%arg10 : memref<80x128xf32, #tpu.memory_space<vmem>>) target_semaphore(%run_scoped3A : memref<!tpu.dma_semaphore, #tpu.memory_space<semaphore_mem>>)
      %dma_wait3A = arith.constant 0 : i32
      %dma_wait3A_158 = tpu.memref_slice %arg19[%add3A_133, %dma_wait3A] : memref<10240x128xf32, #tpu.memory_space<vmem_shared>> -> memref<80x128xf32, #tpu.memory_space<vmem_shared>>
      %dma_wait3A_159 = arith.constant 0 : i32
      %dma_wait3A_160 = tpu.memref_slice %arg19[%add3A_133, %dma_wait3A_159] : memref<10240x128xf32, #tpu.memory_space<vmem_shared>> -> memref<80x128xf32, #tpu.memory_space<vmem_shared>>
      tpu.wait_dma2 semaphore(%run_scoped3A : memref<!tpu.dma_semaphore, #tpu.memory_space<semaphore_mem>>) src(%dma_wait3A_160 : memref<80x128xf32, #tpu.memory_space<vmem_shared>>) dst(%arg10 : memref<80x128xf32, #tpu.memory_space<vmem>>)
      tpu.yield
    }) : () -> ()
    %mul3A_134 = arith.constant 10240 : i32
    %mul3A_135 = arith.muli %arg0, %mul3A_134 : i32
    %add3A_136 = arith.addi %mul3A_135, %mul3A_2 : i32
    %add3A_137 = arith.constant 480 : i32
    %add3A_138 = arith.addi %add3A_136, %add3A_137 : i32
    %dma_start3A_139 = arith.constant 0 : i32
    %dma_start3A_140 = tpu.memref_slice %arg6[%add3A_138, %dma_start3A_139] : memref<20480x128xf32, #tpu.memory_space<hbm>> -> memref<80x128xf32, #tpu.memory_space<hbm>>
    %dma_start3A_141 = arith.constant 0 : i32
    %dma_start3A_142 = tpu.memref_slice %arg6[%add3A_138, %dma_start3A_141] : memref<20480x128xf32, #tpu.memory_space<hbm>> -> memref<80x128xf32, #tpu.memory_space<hbm>>
    tpu.enqueue_dma source(%arg10 : memref<80x128xf32, #tpu.memory_space<vmem>>) target(%dma_start3A_142 : memref<80x128xf32, #tpu.memory_space<hbm>>) target_semaphore(%arg12 : memref<!tpu.dma_semaphore, #tpu.memory_space<semaphore_mem>>)
    tpu.wait_dma2 semaphore(%arg13 : memref<!tpu.dma_semaphore, #tpu.memory_space<semaphore_mem>>) src(%arg5 : memref<80x128xf32, #tpu.memory_space<hbm>>) dst(%arg11 : memref<80x128xf32, #tpu.memory_space<vmem>>)
    %add3A_143 = arith.constant 560 : i32
    %add3A_144 = arith.addi %mul3A_2, %add3A_143 : i32
    "tpu.region"() ({
      %run_scoped3A = tpu.sem_alloc : memref<!tpu.dma_semaphore, #tpu.memory_space<semaphore_mem>>
      %dma_start3A_154 = arith.constant 0 : i32
      %dma_start3A_155 = tpu.memref_slice %arg19[%add3A_144, %dma_start3A_154] : memref<10240x128xf32, #tpu.memory_space<vmem_shared>> -> memref<80x128xf32, #tpu.memory_space<vmem_shared>>
      %dma_start3A_156 = arith.constant 0 : i32
      %dma_start3A_157 = tpu.memref_slice %arg19[%add3A_144, %dma_start3A_156] : memref<10240x128xf32, #tpu.memory_space<vmem_shared>> -> memref<80x128xf32, #tpu.memory_space<vmem_shared>>
      tpu.enqueue_dma source(%dma_start3A_157 : memref<80x128xf32, #tpu.memory_space<vmem_shared>>) target(%arg11 : memref<80x128xf32, #tpu.memory_space<vmem>>) target_semaphore(%run_scoped3A : memref<!tpu.dma_semaphore, #tpu.memory_space<semaphore_mem>>)
      %dma_wait3A = arith.constant 0 : i32
      %dma_wait3A_158 = tpu.memref_slice %arg19[%add3A_144, %dma_wait3A] : memref<10240x128xf32, #tpu.memory_space<vmem_shared>> -> memref<80x128xf32, #tpu.memory_space<vmem_shared>>
      %dma_wait3A_159 = arith.constant 0 : i32
      %dma_wait3A_160 = tpu.memref_slice %arg19[%add3A_144, %dma_wait3A_159] : memref<10240x128xf32, #tpu.memory_space<vmem_shared>> -> memref<80x128xf32, #tpu.memory_space<vmem_shared>>
      tpu.wait_dma2 semaphore(%run_scoped3A : memref<!tpu.dma_semaphore, #tpu.memory_space<semaphore_mem>>) src(%dma_wait3A_160 : memref<80x128xf32, #tpu.memory_space<vmem_shared>>) dst(%arg11 : memref<80x128xf32, #tpu.memory_space<vmem>>)
      tpu.yield
    }) : () -> ()
    %mul3A_145 = arith.constant 10240 : i32
    %mul3A_146 = arith.muli %arg0, %mul3A_145 : i32
    %add3A_147 = arith.addi %mul3A_146, %mul3A_2 : i32
    %add3A_148 = arith.constant 560 : i32
    %add3A_149 = arith.addi %add3A_147, %add3A_148 : i32
    %dma_start3A_150 = arith.constant 0 : i32
    %dma_start3A_151 = tpu.memref_slice %arg6[%add3A_149, %dma_start3A_150] : memref<20480x128xf32, #tpu.memory_space<hbm>> -> memref<80x128xf32, #tpu.memory_space<hbm>>
    %dma_start3A_152 = arith.constant 0 : i32
    %dma_start3A_153 = tpu.memref_slice %arg6[%add3A_149, %dma_start3A_152] : memref<20480x128xf32, #tpu.memory_space<hbm>> -> memref<80x128xf32, #tpu.memory_space<hbm>>
    tpu.enqueue_dma source(%arg11 : memref<80x128xf32, #tpu.memory_space<vmem>>) target(%dma_start3A_153 : memref<80x128xf32, #tpu.memory_space<hbm>>) target_semaphore(%arg13 : memref<!tpu.dma_semaphore, #tpu.memory_space<semaphore_mem>>)
    tpu.wait_dma2 semaphore(%arg12 : memref<!tpu.dma_semaphore, #tpu.memory_space<semaphore_mem>>) src(%arg5 : memref<80x128xf32, #tpu.memory_space<hbm>>) dst(%arg10 : memref<80x128xf32, #tpu.memory_space<vmem>>)
    tpu.wait_dma2 semaphore(%arg13 : memref<!tpu.dma_semaphore, #tpu.memory_space<semaphore_mem>>) src(%arg5 : memref<80x128xf32, #tpu.memory_space<hbm>>) dst(%arg11 : memref<80x128xf32, #tpu.memory_space<vmem>>)
    return
  }
}

#map = affine_map<(d0, d1) -> (0, 0)>
#map1 = affine_map<(d0, d1) -> (0)>
module attributes {stable_mosaic.version = 14 : i64} {
  func.func @_agg_kernel(%arg0: i32, %arg1: i32, %arg2: memref<10000x128xf32, #tpu.memory_space<hbm>>, %arg3: memref<320000xi32, #tpu.memory_space<hbm>>, %arg4: memref<320000xi32, #tpu.memory_space<hbm>>, %arg5: memref<80x128xf32, #tpu.memory_space<hbm>>, %arg6: memref<20480x128xf32, #tpu.memory_space<hbm>>, %arg7: memref<10000xi32, #tpu.memory_space<vmem>>, %arg8: memref<80xi32, #tpu.memory_space<vmem>>, %arg9: memref<80xi32, #tpu.memory_space<vmem>>, %arg10: memref<80x128xf32, #tpu.memory_space<vmem>>, %arg11: memref<80x128xf32, #tpu.memory_space<vmem>>, %arg12: memref<!tpu.dma_semaphore, #tpu.memory_space<semaphore_mem>>, %arg13: memref<!tpu.dma_semaphore, #tpu.memory_space<semaphore_mem>>, %arg14: memref<!tpu.dma_semaphore, #tpu.memory_space<semaphore_mem>>, %arg15: memref<!tpu.dma_semaphore, #tpu.memory_space<semaphore_mem>>, %arg16: memref<!tpu.dma_semaphore, #tpu.memory_space<semaphore_mem>>, %arg17: memref<!tpu.dma_semaphore, #tpu.memory_space<semaphore_mem>>, %arg18: memref<!tpu.dma_semaphore, #tpu.memory_space<semaphore_mem>>, %arg19: memref<10240x128xf32, #tpu.memory_space<vmem_shared>>) attributes {dimension_semantics = [#tpu.dimension_semantics<core_parallel>, #tpu.dimension_semantics<subcore_parallel>], iteration_bounds = array<i64: 2, 16>, scalar_prefetch = 0 : i64, scratch_operands = 13 : i64, tpu.core_type = #tpu.core_type<sc_vector_subcore>, window_params = [{transform_indices = #map}, {transform_indices = #map1}, {transform_indices = #map1}, {transform_indices = #map}, {transform_indices = #map}]} {
    %mul3A = arith.constant 16 : i32
    %mul3A_0 = arith.muli %arg0, %mul3A : i32
    %add3A = arith.addi %mul3A_0, %arg1 : i32
    %mul3A_1 = arith.constant 640 : i32
    %mul3A_2 = arith.muli %arg1, %mul3A_1 : i32
    %mul3A_3 = arith.constant 10000 : i32
    %mul3A_4 = arith.muli %add3A, %mul3A_3 : i32
    %multiple_of3A = tpu.assume_multiple %mul3A_4, 8 : i32
    "tpu.region"() ({
      %run_scoped3A = tpu.sem_alloc : memref<!tpu.dma_semaphore, #tpu.memory_space<semaphore_mem>>
      %dma_start3A_154 = tpu.memref_slice %arg3[%multiple_of3A] : memref<320000xi32, #tpu.memory_space<hbm>> -> memref<10000xi32, #tpu.memory_space<hbm>>
      %dma_start3A_155 = tpu.memref_slice %arg3[%multiple_of3A] : memref<320000xi32, #tpu.memory_space<hbm>> -> memref<10000xi32, #tpu.memory_space<hbm>>
      tpu.enqueue_dma source(%dma_start3A_155 : memref<10000xi32, #tpu.memory_space<hbm>>) target(%arg7 : memref<10000xi32, #tpu.memory_space<vmem>>) target_semaphore(%run_scoped3A : memref<!tpu.dma_semaphore, #tpu.memory_space<semaphore_mem>>)
      %dma_wait3A = tpu.memref_slice %arg3[%multiple_of3A] : memref<320000xi32, #tpu.memory_space<hbm>> -> memref<10000xi32, #tpu.memory_space<hbm>>
      %dma_wait3A_156 = tpu.memref_slice %arg3[%multiple_of3A] : memref<320000xi32, #tpu.memory_space<hbm>> -> memref<10000xi32, #tpu.memory_space<hbm>>
      tpu.wait_dma2 semaphore(%run_scoped3A : memref<!tpu.dma_semaphore, #tpu.memory_space<semaphore_mem>>) src(%dma_wait3A_156 : memref<10000xi32, #tpu.memory_space<hbm>>) dst(%arg7 : memref<10000xi32, #tpu.memory_space<vmem>>)
      tpu.yield
    }) : () -> ()
    "tpu.region"() ({
      %run_scoped3A = tpu.sem_alloc : memref<!tpu.dma_semaphore, #tpu.memory_space<semaphore_mem>>
      tpu.enqueue_dma source(%arg5 : memref<80x128xf32, #tpu.memory_space<hbm>>) target(%arg10 : memref<80x128xf32, #tpu.memory_space<vmem>>) target_semaphore(%run_scoped3A : memref<!tpu.dma_semaphore, #tpu.memory_space<semaphore_mem>>)
      tpu.wait_dma2 semaphore(%run_scoped3A : memref<!tpu.dma_semaphore, #tpu.memory_space<semaphore_mem>>) src(%arg5 : memref<80x128xf32, #tpu.memory_space<hbm>>) dst(%arg10 : memref<80x128xf32, #tpu.memory_space<vmem>>)
      tpu.yield
    }) : () -> ()
    %add3A_5 = arith.constant 0 : i32
    %add3A_6 = arith.addi %mul3A_2, %add3A_5 : i32
    %dma_start3A = arith.constant 0 : i32
    %dma_start3A_7 = tpu.memref_slice %arg19[%add3A_6, %dma_start3A] : memref<10240x128xf32, #tpu.memory_space<vmem_shared>> -> memref<80x128xf32, #tpu.memory_space<vmem_shared>>
    %dma_start3A_8 = arith.constant 0 : i32
    %dma_start3A_9 = tpu.memref_slice %arg19[%add3A_6, %dma_start3A_8] : memref<10240x128xf32, #tpu.memory_space<vmem_shared>> -> memref<80x128xf32, #tpu.memory_space<vmem_shared>>
    tpu.enqueue_dma source(%arg10 : memref<80x128xf32, #tpu.memory_space<vmem>>) target(%dma_start3A_9 : memref<80x128xf32, #tpu.memory_space<vmem_shared>>) target_semaphore(%arg18 : memref<!tpu.dma_semaphore, #tpu.memory_space<semaphore_mem>>)
    %add3A_10 = arith.constant 80 : i32
    %add3A_11 = arith.addi %mul3A_2, %add3A_10 : i32
    %dma_start3A_12 = arith.constant 0 : i32
    %dma_start3A_13 = tpu.memref_slice %arg19[%add3A_11, %dma_start3A_12] : memref<10240x128xf32, #tpu.memory_space<vmem_shared>> -> memref<80x128xf32, #tpu.memory_space<vmem_shared>>
    %dma_start3A_14 = arith.constant 0 : i32
    %dma_start3A_15 = tpu.memref_slice %arg19[%add3A_11, %dma_start3A_14] : memref<10240x128xf32, #tpu.memory_space<vmem_shared>> -> memref<80x128xf32, #tpu.memory_space<vmem_shared>>
    tpu.enqueue_dma source(%arg10 : memref<80x128xf32, #tpu.memory_space<vmem>>) target(%dma_start3A_15 : memref<80x128xf32, #tpu.memory_space<vmem_shared>>) target_semaphore(%arg18 : memref<!tpu.dma_semaphore, #tpu.memory_space<semaphore_mem>>)
    %add3A_16 = arith.constant 160 : i32
    %add3A_17 = arith.addi %mul3A_2, %add3A_16 : i32
    %dma_start3A_18 = arith.constant 0 : i32
    %dma_start3A_19 = tpu.memref_slice %arg19[%add3A_17, %dma_start3A_18] : memref<10240x128xf32, #tpu.memory_space<vmem_shared>> -> memref<80x128xf32, #tpu.memory_space<vmem_shared>>
    %dma_start3A_20 = arith.constant 0 : i32
    %dma_start3A_21 = tpu.memref_slice %arg19[%add3A_17, %dma_start3A_20] : memref<10240x128xf32, #tpu.memory_space<vmem_shared>> -> memref<80x128xf32, #tpu.memory_space<vmem_shared>>
    tpu.enqueue_dma source(%arg10 : memref<80x128xf32, #tpu.memory_space<vmem>>) target(%dma_start3A_21 : memref<80x128xf32, #tpu.memory_space<vmem_shared>>) target_semaphore(%arg18 : memref<!tpu.dma_semaphore, #tpu.memory_space<semaphore_mem>>)
    %add3A_22 = arith.constant 240 : i32
    %add3A_23 = arith.addi %mul3A_2, %add3A_22 : i32
    %dma_start3A_24 = arith.constant 0 : i32
    %dma_start3A_25 = tpu.memref_slice %arg19[%add3A_23, %dma_start3A_24] : memref<10240x128xf32, #tpu.memory_space<vmem_shared>> -> memref<80x128xf32, #tpu.memory_space<vmem_shared>>
    %dma_start3A_26 = arith.constant 0 : i32
    %dma_start3A_27 = tpu.memref_slice %arg19[%add3A_23, %dma_start3A_26] : memref<10240x128xf32, #tpu.memory_space<vmem_shared>> -> memref<80x128xf32, #tpu.memory_space<vmem_shared>>
    tpu.enqueue_dma source(%arg10 : memref<80x128xf32, #tpu.memory_space<vmem>>) target(%dma_start3A_27 : memref<80x128xf32, #tpu.memory_space<vmem_shared>>) target_semaphore(%arg18 : memref<!tpu.dma_semaphore, #tpu.memory_space<semaphore_mem>>)
    %add3A_28 = arith.constant 320 : i32
    %add3A_29 = arith.addi %mul3A_2, %add3A_28 : i32
    %dma_start3A_30 = arith.constant 0 : i32
    %dma_start3A_31 = tpu.memref_slice %arg19[%add3A_29, %dma_start3A_30] : memref<10240x128xf32, #tpu.memory_space<vmem_shared>> -> memref<80x128xf32, #tpu.memory_space<vmem_shared>>
    %dma_start3A_32 = arith.constant 0 : i32
    %dma_start3A_33 = tpu.memref_slice %arg19[%add3A_29, %dma_start3A_32] : memref<10240x128xf32, #tpu.memory_space<vmem_shared>> -> memref<80x128xf32, #tpu.memory_space<vmem_shared>>
    tpu.enqueue_dma source(%arg10 : memref<80x128xf32, #tpu.memory_space<vmem>>) target(%dma_start3A_33 : memref<80x128xf32, #tpu.memory_space<vmem_shared>>) target_semaphore(%arg18 : memref<!tpu.dma_semaphore, #tpu.memory_space<semaphore_mem>>)
    %add3A_34 = arith.constant 400 : i32
    %add3A_35 = arith.addi %mul3A_2, %add3A_34 : i32
    %dma_start3A_36 = arith.constant 0 : i32
    %dma_start3A_37 = tpu.memref_slice %arg19[%add3A_35, %dma_start3A_36] : memref<10240x128xf32, #tpu.memory_space<vmem_shared>> -> memref<80x128xf32, #tpu.memory_space<vmem_shared>>
    %dma_start3A_38 = arith.constant 0 : i32
    %dma_start3A_39 = tpu.memref_slice %arg19[%add3A_35, %dma_start3A_38] : memref<10240x128xf32, #tpu.memory_space<vmem_shared>> -> memref<80x128xf32, #tpu.memory_space<vmem_shared>>
    tpu.enqueue_dma source(%arg10 : memref<80x128xf32, #tpu.memory_space<vmem>>) target(%dma_start3A_39 : memref<80x128xf32, #tpu.memory_space<vmem_shared>>) target_semaphore(%arg18 : memref<!tpu.dma_semaphore, #tpu.memory_space<semaphore_mem>>)
    %add3A_40 = arith.constant 480 : i32
    %add3A_41 = arith.addi %mul3A_2, %add3A_40 : i32
    %dma_start3A_42 = arith.constant 0 : i32
    %dma_start3A_43 = tpu.memref_slice %arg19[%add3A_41, %dma_start3A_42] : memref<10240x128xf32, #tpu.memory_space<vmem_shared>> -> memref<80x128xf32, #tpu.memory_space<vmem_shared>>
    %dma_start3A_44 = arith.constant 0 : i32
    %dma_start3A_45 = tpu.memref_slice %arg19[%add3A_41, %dma_start3A_44] : memref<10240x128xf32, #tpu.memory_space<vmem_shared>> -> memref<80x128xf32, #tpu.memory_space<vmem_shared>>
    tpu.enqueue_dma source(%arg10 : memref<80x128xf32, #tpu.memory_space<vmem>>) target(%dma_start3A_45 : memref<80x128xf32, #tpu.memory_space<vmem_shared>>) target_semaphore(%arg18 : memref<!tpu.dma_semaphore, #tpu.memory_space<semaphore_mem>>)
    %add3A_46 = arith.constant 560 : i32
    %add3A_47 = arith.addi %mul3A_2, %add3A_46 : i32
    %dma_start3A_48 = arith.constant 0 : i32
    %dma_start3A_49 = tpu.memref_slice %arg19[%add3A_47, %dma_start3A_48] : memref<10240x128xf32, #tpu.memory_space<vmem_shared>> -> memref<80x128xf32, #tpu.memory_space<vmem_shared>>
    %dma_start3A_50 = arith.constant 0 : i32
    %dma_start3A_51 = tpu.memref_slice %arg19[%add3A_47, %dma_start3A_50] : memref<10240x128xf32, #tpu.memory_space<vmem_shared>> -> memref<80x128xf32, #tpu.memory_space<vmem_shared>>
    tpu.enqueue_dma source(%arg10 : memref<80x128xf32, #tpu.memory_space<vmem>>) target(%dma_start3A_51 : memref<80x128xf32, #tpu.memory_space<vmem_shared>>) target_semaphore(%arg18 : memref<!tpu.dma_semaphore, #tpu.memory_space<semaphore_mem>>)
    tpu.wait_dma2 semaphore(%arg18 : memref<!tpu.dma_semaphore, #tpu.memory_space<semaphore_mem>>) src(%arg5 : memref<80x128xf32, #tpu.memory_space<hbm>>) dst(%arg10 : memref<80x128xf32, #tpu.memory_space<vmem>>)
    tpu.wait_dma2 semaphore(%arg18 : memref<!tpu.dma_semaphore, #tpu.memory_space<semaphore_mem>>) src(%arg5 : memref<80x128xf32, #tpu.memory_space<hbm>>) dst(%arg10 : memref<80x128xf32, #tpu.memory_space<vmem>>)
    tpu.wait_dma2 semaphore(%arg18 : memref<!tpu.dma_semaphore, #tpu.memory_space<semaphore_mem>>) src(%arg5 : memref<80x128xf32, #tpu.memory_space<hbm>>) dst(%arg10 : memref<80x128xf32, #tpu.memory_space<vmem>>)
    tpu.wait_dma2 semaphore(%arg18 : memref<!tpu.dma_semaphore, #tpu.memory_space<semaphore_mem>>) src(%arg5 : memref<80x128xf32, #tpu.memory_space<hbm>>) dst(%arg10 : memref<80x128xf32, #tpu.memory_space<vmem>>)
    tpu.wait_dma2 semaphore(%arg18 : memref<!tpu.dma_semaphore, #tpu.memory_space<semaphore_mem>>) src(%arg5 : memref<80x128xf32, #tpu.memory_space<hbm>>) dst(%arg10 : memref<80x128xf32, #tpu.memory_space<vmem>>)
    tpu.wait_dma2 semaphore(%arg18 : memref<!tpu.dma_semaphore, #tpu.memory_space<semaphore_mem>>) src(%arg5 : memref<80x128xf32, #tpu.memory_space<hbm>>) dst(%arg10 : memref<80x128xf32, #tpu.memory_space<vmem>>)
    tpu.wait_dma2 semaphore(%arg18 : memref<!tpu.dma_semaphore, #tpu.memory_space<semaphore_mem>>) src(%arg5 : memref<80x128xf32, #tpu.memory_space<hbm>>) dst(%arg10 : memref<80x128xf32, #tpu.memory_space<vmem>>)
    tpu.wait_dma2 semaphore(%arg18 : memref<!tpu.dma_semaphore, #tpu.memory_space<semaphore_mem>>) src(%arg5 : memref<80x128xf32, #tpu.memory_space<hbm>>) dst(%arg10 : memref<80x128xf32, #tpu.memory_space<vmem>>)
    %barrier3A = arith.constant 0 : index
    tpu.barrier barrier_id(%barrier3A)
    %add3A_52 = arith.constant 0 : i32
    %add3A_53 = arith.addi %multiple_of3A, %add3A_52 : i32
    %dma_start3A_54 = tpu.memref_slice %arg4[%add3A_53] : memref<320000xi32, #tpu.memory_space<hbm>> -> memref<80xi32, #tpu.memory_space<hbm>>
    %dma_start3A_55 = tpu.memref_slice %arg4[%add3A_53] : memref<320000xi32, #tpu.memory_space<hbm>> -> memref<80xi32, #tpu.memory_space<hbm>>
    tpu.enqueue_dma source(%dma_start3A_55 : memref<80xi32, #tpu.memory_space<hbm>>) target(%arg8 : memref<80xi32, #tpu.memory_space<vmem>>) target_semaphore(%arg14 : memref<!tpu.dma_semaphore, #tpu.memory_space<semaphore_mem>>)
    %dma_start3A_56 = arith.constant 0 : i32
    %dma_start3A_57 = tpu.memref_slice %arg7[%dma_start3A_56] : memref<10000xi32, #tpu.memory_space<vmem>> -> memref<80xi32, #tpu.memory_space<vmem>>
    %dma_start3A_58 = arith.constant 0 : i32
    %dma_start3A_59 = arith.constant 0 : i32
    %dma_start3A_60 = tpu.memref_slice %arg2[%dma_start3A_58, %dma_start3A_59] : memref<10000x128xf32, #tpu.memory_space<hbm>> -> memref<10000x128xf32, #tpu.memory_space<hbm>>
    tpu.enqueue_indirect_dma source(%dma_start3A_60 : memref<10000x128xf32, #tpu.memory_space<hbm>>) target(%arg10 : memref<80x128xf32, #tpu.memory_space<vmem>>) offsets(%dma_start3A_57 : memref<80xi32, #tpu.memory_space<vmem>>) semaphore(%arg12 : memref<!tpu.dma_semaphore, #tpu.memory_space<semaphore_mem>>)
    %scan3A = arith.constant 0 : i32
    %scan3A_61 = arith.constant 63 : i32
    %scan3A_62 = arith.addi %scan3A, %scan3A_61 : i32
    %scan3A_63 = arith.constant 1 : i32
    scf.for %scan3A_154 = %scan3A to %scan3A_62 step %scan3A_63  : i32 {
      %mul3A_155 = arith.constant 2 : i32
      %mul3A_156 = arith.muli %scan3A_154, %mul3A_155 : i32
      %add3A_157 = arith.constant 0 : i32
      %add3A_158 = arith.addi %add3A_157, %mul3A_156 : i32
      %add3A_159 = arith.constant 1 : i32
      %add3A_160 = arith.addi %add3A_158, %add3A_159 : i32
      %lt3A = arith.constant 125 : i32
      %lt3A_161 = arith.cmpi slt, %add3A_160, %lt3A : i32
      %convert_element_type3A = arith.extui %lt3A_161 : i1 to i32
      %cond3A = arith.constant 0 : i32
      %cond3A_162 = arith.cmpi ne, %convert_element_type3A, %cond3A : i32
      scf.if %cond3A_162 {
        %ge3A = arith.constant 2 : i32
        %ge3A_176 = arith.cmpi sge, %add3A_158, %ge3A : i32
        %convert_element_type3A_177 = arith.extui %ge3A_176 : i1 to i32
        %cond3A_178 = arith.constant 0 : i32
        %cond3A_179 = arith.cmpi ne, %convert_element_type3A_177, %cond3A_178 : i32
        scf.if %cond3A_179 {
          tpu.wait_dma2 semaphore(%arg17 : memref<!tpu.dma_semaphore, #tpu.memory_space<semaphore_mem>>) src(%arg5 : memref<80x128xf32, #tpu.memory_space<hbm>>) dst(%arg11 : memref<80x128xf32, #tpu.memory_space<vmem>>)
        } else {
        }
        %add3A_180 = arith.constant 1 : i32
        %add3A_181 = arith.addi %add3A_158, %add3A_180 : i32
        %mul3A_182 = arith.constant 80 : i32
        %mul3A_183 = arith.muli %add3A_181, %mul3A_182 : i32
        %add3A_184 = arith.addi %multiple_of3A, %mul3A_183 : i32
        %dma_start3A_185 = tpu.memref_slice %arg4[%add3A_184] : memref<320000xi32, #tpu.memory_space<hbm>> -> memref<80xi32, #tpu.memory_space<hbm>>
        %dma_start3A_186 = tpu.memref_slice %arg4[%add3A_184] : memref<320000xi32, #tpu.memory_space<hbm>> -> memref<80xi32, #tpu.memory_space<hbm>>
        tpu.enqueue_dma source(%dma_start3A_186 : memref<80xi32, #tpu.memory_space<hbm>>) target(%arg9 : memref<80xi32, #tpu.memory_space<vmem>>) target_semaphore(%arg15 : memref<!tpu.dma_semaphore, #tpu.memory_space<semaphore_mem>>)
        %mul3A_187 = arith.constant 80 : i32
        %mul3A_188 = arith.muli %add3A_181, %mul3A_187 : i32
        %dma_start3A_189 = tpu.memref_slice %arg7[%mul3A_188] : memref<10000xi32, #tpu.memory_space<vmem>> -> memref<80xi32, #tpu.memory_space<vmem>>
        %dma_start3A_190 = arith.constant 0 : i32
        %dma_start3A_191 = arith.constant 0 : i32
        %dma_start3A_192 = tpu.memref_slice %arg2[%dma_start3A_190, %dma_start3A_191] : memref<10000x128xf32, #tpu.memory_space<hbm>> -> memref<10000x128xf32, #tpu.memory_space<hbm>>
        tpu.enqueue_indirect_dma source(%dma_start3A_192 : memref<10000x128xf32, #tpu.memory_space<hbm>>) target(%arg11 : memref<80x128xf32, #tpu.memory_space<vmem>>) offsets(%dma_start3A_189 : memref<80xi32, #tpu.memory_space<vmem>>) semaphore(%arg13 : memref<!tpu.dma_semaphore, #tpu.memory_space<semaphore_mem>>)
      } else {
      }
      tpu.wait_dma2 semaphore(%arg12 : memref<!tpu.dma_semaphore, #tpu.memory_space<semaphore_mem>>) src(%arg5 : memref<80x128xf32, #tpu.memory_space<hbm>>) dst(%arg10 : memref<80x128xf32, #tpu.memory_space<vmem>>)
      %dma_wait3A = arith.constant 0 : i32
      %dma_wait3A_163 = tpu.memref_slice %arg4[%dma_wait3A] : memref<320000xi32, #tpu.memory_space<hbm>> -> memref<80xi32, #tpu.memory_space<hbm>>
      %dma_wait3A_164 = arith.constant 0 : i32
      %dma_wait3A_165 = tpu.memref_slice %arg4[%dma_wait3A_164] : memref<320000xi32, #tpu.memory_space<hbm>> -> memref<80xi32, #tpu.memory_space<hbm>>
      tpu.wait_dma2 semaphore(%arg14 : memref<!tpu.dma_semaphore, #tpu.memory_space<semaphore_mem>>) src(%dma_wait3A_165 : memref<80xi32, #tpu.memory_space<hbm>>) dst(%arg8 : memref<80xi32, #tpu.memory_space<vmem>>)
      %dma_start3A_166 = arith.constant 0 : i32
      %dma_start3A_167 = arith.constant 0 : i32
      %dma_start3A_168 = tpu.memref_slice %arg19[%dma_start3A_166, %dma_start3A_167] : memref<10240x128xf32, #tpu.memory_space<vmem_shared>> -> memref<10240x128xf32, #tpu.memory_space<vmem_shared>>
      tpu.enqueue_indirect_dma source(%arg10 : memref<80x128xf32, #tpu.memory_space<vmem>>) target(%dma_start3A_168 : memref<10240x128xf32, #tpu.memory_space<vmem_shared>>) offsets(%arg8 : memref<80xi32, #tpu.memory_space<vmem>>) semaphore(%arg16 : memref<!tpu.dma_semaphore, #tpu.memory_space<semaphore_mem>>) {add = true}
      %add3A_169 = arith.constant 1 : i32
      %add3A_170 = arith.addi %add3A_158, %add3A_169 : i32
      %lt3A_171 = arith.constant 125 : i32
      %lt3A_172 = arith.cmpi slt, %add3A_170, %lt3A_171 : i32
      %convert_element_type3A_173 = arith.extui %lt3A_172 : i1 to i32
      %cond3A_174 = arith.constant 0 : i32
      %cond3A_175 = arith.cmpi ne, %convert_element_type3A_173, %cond3A_174 : i32
      scf.if %cond3A_175 {
        %add3A_176 = arith.constant 2 : i32
        %add3A_177 = arith.addi %add3A_158, %add3A_176 : i32
        %lt3A_178 = arith.constant 125 : i32
        %lt3A_179 = arith.cmpi slt, %add3A_177, %lt3A_178 : i32
        %convert_element_type3A_180 = arith.extui %lt3A_179 : i1 to i32
        %cond3A_181 = arith.constant 0 : i32
        %cond3A_182 = arith.cmpi ne, %convert_element_type3A_180, %cond3A_181 : i32
        scf.if %cond3A_182 {
          tpu.wait_dma2 semaphore(%arg16 : memref<!tpu.dma_semaphore, #tpu.memory_space<semaphore_mem>>) src(%arg5 : memref<80x128xf32, #tpu.memory_space<hbm>>) dst(%arg10 : memref<80x128xf32, #tpu.memory_space<vmem>>)
          %add3A_190 = arith.constant 2 : i32
          %add3A_191 = arith.addi %add3A_158, %add3A_190 : i32
          %mul3A_192 = arith.constant 80 : i32
          %mul3A_193 = arith.muli %add3A_191, %mul3A_192 : i32
          %add3A_194 = arith.addi %multiple_of3A, %mul3A_193 : i32
          %dma_start3A_195 = tpu.memref_slice %arg4[%add3A_194] : memref<320000xi32, #tpu.memory_space<hbm>> -> memref<80xi32, #tpu.memory_space<hbm>>
          %dma_start3A_196 = tpu.memref_slice %arg4[%add3A_194] : memref<320000xi32, #tpu.memory_space<hbm>> -> memref<80xi32, #tpu.memory_space<hbm>>
          tpu.enqueue_dma source(%dma_start3A_196 : memref<80xi32, #tpu.memory_space<hbm>>) target(%arg8 : memref<80xi32, #tpu.memory_space<vmem>>) target_semaphore(%arg14 : memref<!tpu.dma_semaphore, #tpu.memory_space<semaphore_mem>>)
          %mul3A_197 = arith.constant 80 : i32
          %mul3A_198 = arith.muli %add3A_191, %mul3A_197 : i32
          %dma_start3A_199 = tpu.memref_slice %arg7[%mul3A_198] : memref<10000xi32, #tpu.memory_space<vmem>> -> memref<80xi32, #tpu.memory_space<vmem>>
          %dma_start3A_200 = arith.constant 0 : i32
          %dma_start3A_201 = arith.constant 0 : i32
          %dma_start3A_202 = tpu.memref_slice %arg2[%dma_start3A_200, %dma_start3A_201] : memref<10000x128xf32, #tpu.memory_space<hbm>> -> memref<10000x128xf32, #tpu.memory_space<hbm>>
          tpu.enqueue_indirect_dma source(%dma_start3A_202 : memref<10000x128xf32, #tpu.memory_space<hbm>>) target(%arg10 : memref<80x128xf32, #tpu.memory_space<vmem>>) offsets(%dma_start3A_199 : memref<80xi32, #tpu.memory_space<vmem>>) semaphore(%arg12 : memref<!tpu.dma_semaphore, #tpu.memory_space<semaphore_mem>>)
        } else {
        }
        tpu.wait_dma2 semaphore(%arg13 : memref<!tpu.dma_semaphore, #tpu.memory_space<semaphore_mem>>) src(%arg5 : memref<80x128xf32, #tpu.memory_space<hbm>>) dst(%arg11 : memref<80x128xf32, #tpu.memory_space<vmem>>)
        %dma_wait3A_183 = arith.constant 0 : i32
        %dma_wait3A_184 = tpu.memref_slice %arg4[%dma_wait3A_183] : memref<320000xi32, #tpu.memory_space<hbm>> -> memref<80xi32, #tpu.memory_space<hbm>>
        %dma_wait3A_185 = arith.constant 0 : i32
        %dma_wait3A_186 = tpu.memref_slice %arg4[%dma_wait3A_185] : memref<320000xi32, #tpu.memory_space<hbm>> -> memref<80xi32, #tpu.memory_space<hbm>>
        tpu.wait_dma2 semaphore(%arg15 : memref<!tpu.dma_semaphore, #tpu.memory_space<semaphore_mem>>) src(%dma_wait3A_186 : memref<80xi32, #tpu.memory_space<hbm>>) dst(%arg9 : memref<80xi32, #tpu.memory_space<vmem>>)
        %dma_start3A_187 = arith.constant 0 : i32
        %dma_start3A_188 = arith.constant 0 : i32
        %dma_start3A_189 = tpu.memref_slice %arg19[%dma_start3A_187, %dma_start3A_188] : memref<10240x128xf32, #tpu.memory_space<vmem_shared>> -> memref<10240x128xf32, #tpu.memory_space<vmem_shared>>
        tpu.enqueue_indirect_dma source(%arg11 : memref<80x128xf32, #tpu.memory_space<vmem>>) target(%dma_start3A_189 : memref<10240x128xf32, #tpu.memory_space<vmem_shared>>) offsets(%arg9 : memref<80xi32, #tpu.memory_space<vmem>>) semaphore(%arg17 : memref<!tpu.dma_semaphore, #tpu.memory_space<semaphore_mem>>) {add = true}
      } else {
      }
    }
    %scan3A_64 = arith.constant 63 : i32
    tpu.wait_dma2 semaphore(%arg16 : memref<!tpu.dma_semaphore, #tpu.memory_space<semaphore_mem>>) src(%arg5 : memref<80x128xf32, #tpu.memory_space<hbm>>) dst(%arg10 : memref<80x128xf32, #tpu.memory_space<vmem>>)
    tpu.wait_dma2 semaphore(%arg17 : memref<!tpu.dma_semaphore, #tpu.memory_space<semaphore_mem>>) src(%arg5 : memref<80x128xf32, #tpu.memory_space<hbm>>) dst(%arg11 : memref<80x128xf32, #tpu.memory_space<vmem>>)
    %barrier3A_65 = arith.constant 0 : index
    tpu.barrier barrier_id(%barrier3A_65)
    %add3A_66 = arith.constant 0 : i32
    %add3A_67 = arith.addi %mul3A_2, %add3A_66 : i32
    "tpu.region"() ({
      %run_scoped3A = tpu.sem_alloc : memref<!tpu.dma_semaphore, #tpu.memory_space<semaphore_mem>>
      %dma_start3A_154 = arith.constant 0 : i32
      %dma_start3A_155 = tpu.memref_slice %arg19[%add3A_67, %dma_start3A_154] : memref<10240x128xf32, #tpu.memory_space<vmem_shared>> -> memref<80x128xf32, #tpu.memory_space<vmem_shared>>
      %dma_start3A_156 = arith.constant 0 : i32
      %dma_start3A_157 = tpu.memref_slice %arg19[%add3A_67, %dma_start3A_156] : memref<10240x128xf32, #tpu.memory_space<vmem_shared>> -> memref<80x128xf32, #tpu.memory_space<vmem_shared>>
      tpu.enqueue_dma source(%dma_start3A_157 : memref<80x128xf32, #tpu.memory_space<vmem_shared>>) target(%arg10 : memref<80x128xf32, #tpu.memory_space<vmem>>) target_semaphore(%run_scoped3A : memref<!tpu.dma_semaphore, #tpu.memory_space<semaphore_mem>>)
      %dma_wait3A = arith.constant 0 : i32
      %dma_wait3A_158 = tpu.memref_slice %arg19[%add3A_67, %dma_wait3A] : memref<10240x128xf32, #tpu.memory_space<vmem_shared>> -> memref<80x128xf32, #tpu.memory_space<vmem_shared>>
      %dma_wait3A_159 = arith.constant 0 : i32
      %dma_wait3A_160 = tpu.memref_slice %arg19[%add3A_67, %dma_wait3A_159] : memref<10240x128xf32, #tpu.memory_space<vmem_shared>> -> memref<80x128xf32, #tpu.memory_space<vmem_shared>>
      tpu.wait_dma2 semaphore(%run_scoped3A : memref<!tpu.dma_semaphore, #tpu.memory_space<semaphore_mem>>) src(%dma_wait3A_160 : memref<80x128xf32, #tpu.memory_space<vmem_shared>>) dst(%arg10 : memref<80x128xf32, #tpu.memory_space<vmem>>)
      tpu.yield
    }) : () -> ()
    %mul3A_68 = arith.constant 10240 : i32
    %mul3A_69 = arith.muli %arg0, %mul3A_68 : i32
    %add3A_70 = arith.addi %mul3A_69, %mul3A_2 : i32
    %add3A_71 = arith.constant 0 : i32
    %add3A_72 = arith.addi %add3A_70, %add3A_71 : i32
    %dma_start3A_73 = arith.constant 0 : i32
    %dma_start3A_74 = tpu.memref_slice %arg6[%add3A_72, %dma_start3A_73] : memref<20480x128xf32, #tpu.memory_space<hbm>> -> memref<80x128xf32, #tpu.memory_space<hbm>>
    %dma_start3A_75 = arith.constant 0 : i32
    %dma_start3A_76 = tpu.memref_slice %arg6[%add3A_72, %dma_start3A_75] : memref<20480x128xf32, #tpu.memory_space<hbm>> -> memref<80x128xf32, #tpu.memory_space<hbm>>
    tpu.enqueue_dma source(%arg10 : memref<80x128xf32, #tpu.memory_space<vmem>>) target(%dma_start3A_76 : memref<80x128xf32, #tpu.memory_space<hbm>>) target_semaphore(%arg12 : memref<!tpu.dma_semaphore, #tpu.memory_space<semaphore_mem>>)
    %add3A_77 = arith.constant 80 : i32
    %add3A_78 = arith.addi %mul3A_2, %add3A_77 : i32
    "tpu.region"() ({
      %run_scoped3A = tpu.sem_alloc : memref<!tpu.dma_semaphore, #tpu.memory_space<semaphore_mem>>
      %dma_start3A_154 = arith.constant 0 : i32
      %dma_start3A_155 = tpu.memref_slice %arg19[%add3A_78, %dma_start3A_154] : memref<10240x128xf32, #tpu.memory_space<vmem_shared>> -> memref<80x128xf32, #tpu.memory_space<vmem_shared>>
      %dma_start3A_156 = arith.constant 0 : i32
      %dma_start3A_157 = tpu.memref_slice %arg19[%add3A_78, %dma_start3A_156] : memref<10240x128xf32, #tpu.memory_space<vmem_shared>> -> memref<80x128xf32, #tpu.memory_space<vmem_shared>>
      tpu.enqueue_dma source(%dma_start3A_157 : memref<80x128xf32, #tpu.memory_space<vmem_shared>>) target(%arg11 : memref<80x128xf32, #tpu.memory_space<vmem>>) target_semaphore(%run_scoped3A : memref<!tpu.dma_semaphore, #tpu.memory_space<semaphore_mem>>)
      %dma_wait3A = arith.constant 0 : i32
      %dma_wait3A_158 = tpu.memref_slice %arg19[%add3A_78, %dma_wait3A] : memref<10240x128xf32, #tpu.memory_space<vmem_shared>> -> memref<80x128xf32, #tpu.memory_space<vmem_shared>>
      %dma_wait3A_159 = arith.constant 0 : i32
      %dma_wait3A_160 = tpu.memref_slice %arg19[%add3A_78, %dma_wait3A_159] : memref<10240x128xf32, #tpu.memory_space<vmem_shared>> -> memref<80x128xf32, #tpu.memory_space<vmem_shared>>
      tpu.wait_dma2 semaphore(%run_scoped3A : memref<!tpu.dma_semaphore, #tpu.memory_space<semaphore_mem>>) src(%dma_wait3A_160 : memref<80x128xf32, #tpu.memory_space<vmem_shared>>) dst(%arg11 : memref<80x128xf32, #tpu.memory_space<vmem>>)
      tpu.yield
    }) : () -> ()
    %mul3A_79 = arith.constant 10240 : i32
    %mul3A_80 = arith.muli %arg0, %mul3A_79 : i32
    %add3A_81 = arith.addi %mul3A_80, %mul3A_2 : i32
    %add3A_82 = arith.constant 80 : i32
    %add3A_83 = arith.addi %add3A_81, %add3A_82 : i32
    %dma_start3A_84 = arith.constant 0 : i32
    %dma_start3A_85 = tpu.memref_slice %arg6[%add3A_83, %dma_start3A_84] : memref<20480x128xf32, #tpu.memory_space<hbm>> -> memref<80x128xf32, #tpu.memory_space<hbm>>
    %dma_start3A_86 = arith.constant 0 : i32
    %dma_start3A_87 = tpu.memref_slice %arg6[%add3A_83, %dma_start3A_86] : memref<20480x128xf32, #tpu.memory_space<hbm>> -> memref<80x128xf32, #tpu.memory_space<hbm>>
    tpu.enqueue_dma source(%arg11 : memref<80x128xf32, #tpu.memory_space<vmem>>) target(%dma_start3A_87 : memref<80x128xf32, #tpu.memory_space<hbm>>) target_semaphore(%arg13 : memref<!tpu.dma_semaphore, #tpu.memory_space<semaphore_mem>>)
    tpu.wait_dma2 semaphore(%arg12 : memref<!tpu.dma_semaphore, #tpu.memory_space<semaphore_mem>>) src(%arg5 : memref<80x128xf32, #tpu.memory_space<hbm>>) dst(%arg10 : memref<80x128xf32, #tpu.memory_space<vmem>>)
    %add3A_88 = arith.constant 160 : i32
    %add3A_89 = arith.addi %mul3A_2, %add3A_88 : i32
    "tpu.region"() ({
      %run_scoped3A = tpu.sem_alloc : memref<!tpu.dma_semaphore, #tpu.memory_space<semaphore_mem>>
      %dma_start3A_154 = arith.constant 0 : i32
      %dma_start3A_155 = tpu.memref_slice %arg19[%add3A_89, %dma_start3A_154] : memref<10240x128xf32, #tpu.memory_space<vmem_shared>> -> memref<80x128xf32, #tpu.memory_space<vmem_shared>>
      %dma_start3A_156 = arith.constant 0 : i32
      %dma_start3A_157 = tpu.memref_slice %arg19[%add3A_89, %dma_start3A_156] : memref<10240x128xf32, #tpu.memory_space<vmem_shared>> -> memref<80x128xf32, #tpu.memory_space<vmem_shared>>
      tpu.enqueue_dma source(%dma_start3A_157 : memref<80x128xf32, #tpu.memory_space<vmem_shared>>) target(%arg10 : memref<80x128xf32, #tpu.memory_space<vmem>>) target_semaphore(%run_scoped3A : memref<!tpu.dma_semaphore, #tpu.memory_space<semaphore_mem>>)
      %dma_wait3A = arith.constant 0 : i32
      %dma_wait3A_158 = tpu.memref_slice %arg19[%add3A_89, %dma_wait3A] : memref<10240x128xf32, #tpu.memory_space<vmem_shared>> -> memref<80x128xf32, #tpu.memory_space<vmem_shared>>
      %dma_wait3A_159 = arith.constant 0 : i32
      %dma_wait3A_160 = tpu.memref_slice %arg19[%add3A_89, %dma_wait3A_159] : memref<10240x128xf32, #tpu.memory_space<vmem_shared>> -> memref<80x128xf32, #tpu.memory_space<vmem_shared>>
      tpu.wait_dma2 semaphore(%run_scoped3A : memref<!tpu.dma_semaphore, #tpu.memory_space<semaphore_mem>>) src(%dma_wait3A_160 : memref<80x128xf32, #tpu.memory_space<vmem_shared>>) dst(%arg10 : memref<80x128xf32, #tpu.memory_space<vmem>>)
      tpu.yield
    }) : () -> ()
    %mul3A_90 = arith.constant 10240 : i32
    %mul3A_91 = arith.muli %arg0, %mul3A_90 : i32
    %add3A_92 = arith.addi %mul3A_91, %mul3A_2 : i32
    %add3A_93 = arith.constant 160 : i32
    %add3A_94 = arith.addi %add3A_92, %add3A_93 : i32
    %dma_start3A_95 = arith.constant 0 : i32
    %dma_start3A_96 = tpu.memref_slice %arg6[%add3A_94, %dma_start3A_95] : memref<20480x128xf32, #tpu.memory_space<hbm>> -> memref<80x128xf32, #tpu.memory_space<hbm>>
    %dma_start3A_97 = arith.constant 0 : i32
    %dma_start3A_98 = tpu.memref_slice %arg6[%add3A_94, %dma_start3A_97] : memref<20480x128xf32, #tpu.memory_space<hbm>> -> memref<80x128xf32, #tpu.memory_space<hbm>>
    tpu.enqueue_dma source(%arg10 : memref<80x128xf32, #tpu.memory_space<vmem>>) target(%dma_start3A_98 : memref<80x128xf32, #tpu.memory_space<hbm>>) target_semaphore(%arg12 : memref<!tpu.dma_semaphore, #tpu.memory_space<semaphore_mem>>)
    tpu.wait_dma2 semaphore(%arg13 : memref<!tpu.dma_semaphore, #tpu.memory_space<semaphore_mem>>) src(%arg5 : memref<80x128xf32, #tpu.memory_space<hbm>>) dst(%arg11 : memref<80x128xf32, #tpu.memory_space<vmem>>)
    %add3A_99 = arith.constant 240 : i32
    %add3A_100 = arith.addi %mul3A_2, %add3A_99 : i32
    "tpu.region"() ({
      %run_scoped3A = tpu.sem_alloc : memref<!tpu.dma_semaphore, #tpu.memory_space<semaphore_mem>>
      %dma_start3A_154 = arith.constant 0 : i32
      %dma_start3A_155 = tpu.memref_slice %arg19[%add3A_100, %dma_start3A_154] : memref<10240x128xf32, #tpu.memory_space<vmem_shared>> -> memref<80x128xf32, #tpu.memory_space<vmem_shared>>
      %dma_start3A_156 = arith.constant 0 : i32
      %dma_start3A_157 = tpu.memref_slice %arg19[%add3A_100, %dma_start3A_156] : memref<10240x128xf32, #tpu.memory_space<vmem_shared>> -> memref<80x128xf32, #tpu.memory_space<vmem_shared>>
      tpu.enqueue_dma source(%dma_start3A_157 : memref<80x128xf32, #tpu.memory_space<vmem_shared>>) target(%arg11 : memref<80x128xf32, #tpu.memory_space<vmem>>) target_semaphore(%run_scoped3A : memref<!tpu.dma_semaphore, #tpu.memory_space<semaphore_mem>>)
      %dma_wait3A = arith.constant 0 : i32
      %dma_wait3A_158 = tpu.memref_slice %arg19[%add3A_100, %dma_wait3A] : memref<10240x128xf32, #tpu.memory_space<vmem_shared>> -> memref<80x128xf32, #tpu.memory_space<vmem_shared>>
      %dma_wait3A_159 = arith.constant 0 : i32
      %dma_wait3A_160 = tpu.memref_slice %arg19[%add3A_100, %dma_wait3A_159] : memref<10240x128xf32, #tpu.memory_space<vmem_shared>> -> memref<80x128xf32, #tpu.memory_space<vmem_shared>>
      tpu.wait_dma2 semaphore(%run_scoped3A : memref<!tpu.dma_semaphore, #tpu.memory_space<semaphore_mem>>) src(%dma_wait3A_160 : memref<80x128xf32, #tpu.memory_space<vmem_shared>>) dst(%arg11 : memref<80x128xf32, #tpu.memory_space<vmem>>)
      tpu.yield
    }) : () -> ()
    %mul3A_101 = arith.constant 10240 : i32
    %mul3A_102 = arith.muli %arg0, %mul3A_101 : i32
    %add3A_103 = arith.addi %mul3A_102, %mul3A_2 : i32
    %add3A_104 = arith.constant 240 : i32
    %add3A_105 = arith.addi %add3A_103, %add3A_104 : i32
    %dma_start3A_106 = arith.constant 0 : i32
    %dma_start3A_107 = tpu.memref_slice %arg6[%add3A_105, %dma_start3A_106] : memref<20480x128xf32, #tpu.memory_space<hbm>> -> memref<80x128xf32, #tpu.memory_space<hbm>>
    %dma_start3A_108 = arith.constant 0 : i32
    %dma_start3A_109 = tpu.memref_slice %arg6[%add3A_105, %dma_start3A_108] : memref<20480x128xf32, #tpu.memory_space<hbm>> -> memref<80x128xf32, #tpu.memory_space<hbm>>
    tpu.enqueue_dma source(%arg11 : memref<80x128xf32, #tpu.memory_space<vmem>>) target(%dma_start3A_109 : memref<80x128xf32, #tpu.memory_space<hbm>>) target_semaphore(%arg13 : memref<!tpu.dma_semaphore, #tpu.memory_space<semaphore_mem>>)
    tpu.wait_dma2 semaphore(%arg12 : memref<!tpu.dma_semaphore, #tpu.memory_space<semaphore_mem>>) src(%arg5 : memref<80x128xf32, #tpu.memory_space<hbm>>) dst(%arg10 : memref<80x128xf32, #tpu.memory_space<vmem>>)
    %add3A_110 = arith.constant 320 : i32
    %add3A_111 = arith.addi %mul3A_2, %add3A_110 : i32
    "tpu.region"() ({
      %run_scoped3A = tpu.sem_alloc : memref<!tpu.dma_semaphore, #tpu.memory_space<semaphore_mem>>
      %dma_start3A_154 = arith.constant 0 : i32
      %dma_start3A_155 = tpu.memref_slice %arg19[%add3A_111, %dma_start3A_154] : memref<10240x128xf32, #tpu.memory_space<vmem_shared>> -> memref<80x128xf32, #tpu.memory_space<vmem_shared>>
      %dma_start3A_156 = arith.constant 0 : i32
      %dma_start3A_157 = tpu.memref_slice %arg19[%add3A_111, %dma_start3A_156] : memref<10240x128xf32, #tpu.memory_space<vmem_shared>> -> memref<80x128xf32, #tpu.memory_space<vmem_shared>>
      tpu.enqueue_dma source(%dma_start3A_157 : memref<80x128xf32, #tpu.memory_space<vmem_shared>>) target(%arg10 : memref<80x128xf32, #tpu.memory_space<vmem>>) target_semaphore(%run_scoped3A : memref<!tpu.dma_semaphore, #tpu.memory_space<semaphore_mem>>)
      %dma_wait3A = arith.constant 0 : i32
      %dma_wait3A_158 = tpu.memref_slice %arg19[%add3A_111, %dma_wait3A] : memref<10240x128xf32, #tpu.memory_space<vmem_shared>> -> memref<80x128xf32, #tpu.memory_space<vmem_shared>>
      %dma_wait3A_159 = arith.constant 0 : i32
      %dma_wait3A_160 = tpu.memref_slice %arg19[%add3A_111, %dma_wait3A_159] : memref<10240x128xf32, #tpu.memory_space<vmem_shared>> -> memref<80x128xf32, #tpu.memory_space<vmem_shared>>
      tpu.wait_dma2 semaphore(%run_scoped3A : memref<!tpu.dma_semaphore, #tpu.memory_space<semaphore_mem>>) src(%dma_wait3A_160 : memref<80x128xf32, #tpu.memory_space<vmem_shared>>) dst(%arg10 : memref<80x128xf32, #tpu.memory_space<vmem>>)
      tpu.yield
    }) : () -> ()
    %mul3A_112 = arith.constant 10240 : i32
    %mul3A_113 = arith.muli %arg0, %mul3A_112 : i32
    %add3A_114 = arith.addi %mul3A_113, %mul3A_2 : i32
    %add3A_115 = arith.constant 320 : i32
    %add3A_116 = arith.addi %add3A_114, %add3A_115 : i32
    %dma_start3A_117 = arith.constant 0 : i32
    %dma_start3A_118 = tpu.memref_slice %arg6[%add3A_116, %dma_start3A_117] : memref<20480x128xf32, #tpu.memory_space<hbm>> -> memref<80x128xf32, #tpu.memory_space<hbm>>
    %dma_start3A_119 = arith.constant 0 : i32
    %dma_start3A_120 = tpu.memref_slice %arg6[%add3A_116, %dma_start3A_119] : memref<20480x128xf32, #tpu.memory_space<hbm>> -> memref<80x128xf32, #tpu.memory_space<hbm>>
    tpu.enqueue_dma source(%arg10 : memref<80x128xf32, #tpu.memory_space<vmem>>) target(%dma_start3A_120 : memref<80x128xf32, #tpu.memory_space<hbm>>) target_semaphore(%arg12 : memref<!tpu.dma_semaphore, #tpu.memory_space<semaphore_mem>>)
    tpu.wait_dma2 semaphore(%arg13 : memref<!tpu.dma_semaphore, #tpu.memory_space<semaphore_mem>>) src(%arg5 : memref<80x128xf32, #tpu.memory_space<hbm>>) dst(%arg11 : memref<80x128xf32, #tpu.memory_space<vmem>>)
    %add3A_121 = arith.constant 400 : i32
    %add3A_122 = arith.addi %mul3A_2, %add3A_121 : i32
    "tpu.region"() ({
      %run_scoped3A = tpu.sem_alloc : memref<!tpu.dma_semaphore, #tpu.memory_space<semaphore_mem>>
      %dma_start3A_154 = arith.constant 0 : i32
      %dma_start3A_155 = tpu.memref_slice %arg19[%add3A_122, %dma_start3A_154] : memref<10240x128xf32, #tpu.memory_space<vmem_shared>> -> memref<80x128xf32, #tpu.memory_space<vmem_shared>>
      %dma_start3A_156 = arith.constant 0 : i32
      %dma_start3A_157 = tpu.memref_slice %arg19[%add3A_122, %dma_start3A_156] : memref<10240x128xf32, #tpu.memory_space<vmem_shared>> -> memref<80x128xf32, #tpu.memory_space<vmem_shared>>
      tpu.enqueue_dma source(%dma_start3A_157 : memref<80x128xf32, #tpu.memory_space<vmem_shared>>) target(%arg11 : memref<80x128xf32, #tpu.memory_space<vmem>>) target_semaphore(%run_scoped3A : memref<!tpu.dma_semaphore, #tpu.memory_space<semaphore_mem>>)
      %dma_wait3A = arith.constant 0 : i32
      %dma_wait3A_158 = tpu.memref_slice %arg19[%add3A_122, %dma_wait3A] : memref<10240x128xf32, #tpu.memory_space<vmem_shared>> -> memref<80x128xf32, #tpu.memory_space<vmem_shared>>
      %dma_wait3A_159 = arith.constant 0 : i32
      %dma_wait3A_160 = tpu.memref_slice %arg19[%add3A_122, %dma_wait3A_159] : memref<10240x128xf32, #tpu.memory_space<vmem_shared>> -> memref<80x128xf32, #tpu.memory_space<vmem_shared>>
      tpu.wait_dma2 semaphore(%run_scoped3A : memref<!tpu.dma_semaphore, #tpu.memory_space<semaphore_mem>>) src(%dma_wait3A_160 : memref<80x128xf32, #tpu.memory_space<vmem_shared>>) dst(%arg11 : memref<80x128xf32, #tpu.memory_space<vmem>>)
      tpu.yield
    }) : () -> ()
    %mul3A_123 = arith.constant 10240 : i32
    %mul3A_124 = arith.muli %arg0, %mul3A_123 : i32
    %add3A_125 = arith.addi %mul3A_124, %mul3A_2 : i32
    %add3A_126 = arith.constant 400 : i32
    %add3A_127 = arith.addi %add3A_125, %add3A_126 : i32
    %dma_start3A_128 = arith.constant 0 : i32
    %dma_start3A_129 = tpu.memref_slice %arg6[%add3A_127, %dma_start3A_128] : memref<20480x128xf32, #tpu.memory_space<hbm>> -> memref<80x128xf32, #tpu.memory_space<hbm>>
    %dma_start3A_130 = arith.constant 0 : i32
    %dma_start3A_131 = tpu.memref_slice %arg6[%add3A_127, %dma_start3A_130] : memref<20480x128xf32, #tpu.memory_space<hbm>> -> memref<80x128xf32, #tpu.memory_space<hbm>>
    tpu.enqueue_dma source(%arg11 : memref<80x128xf32, #tpu.memory_space<vmem>>) target(%dma_start3A_131 : memref<80x128xf32, #tpu.memory_space<hbm>>) target_semaphore(%arg13 : memref<!tpu.dma_semaphore, #tpu.memory_space<semaphore_mem>>)
    tpu.wait_dma2 semaphore(%arg12 : memref<!tpu.dma_semaphore, #tpu.memory_space<semaphore_mem>>) src(%arg5 : memref<80x128xf32, #tpu.memory_space<hbm>>) dst(%arg10 : memref<80x128xf32, #tpu.memory_space<vmem>>)
    %add3A_132 = arith.constant 480 : i32
    %add3A_133 = arith.addi %mul3A_2, %add3A_132 : i32
    "tpu.region"() ({
      %run_scoped3A = tpu.sem_alloc : memref<!tpu.dma_semaphore, #tpu.memory_space<semaphore_mem>>
      %dma_start3A_154 = arith.constant 0 : i32
      %dma_start3A_155 = tpu.memref_slice %arg19[%add3A_133, %dma_start3A_154] : memref<10240x128xf32, #tpu.memory_space<vmem_shared>> -> memref<80x128xf32, #tpu.memory_space<vmem_shared>>
      %dma_start3A_156 = arith.constant 0 : i32
      %dma_start3A_157 = tpu.memref_slice %arg19[%add3A_133, %dma_start3A_156] : memref<10240x128xf32, #tpu.memory_space<vmem_shared>> -> memref<80x128xf32, #tpu.memory_space<vmem_shared>>
      tpu.enqueue_dma source(%dma_start3A_157 : memref<80x128xf32, #tpu.memory_space<vmem_shared>>) target(%arg10 : memref<80x128xf32, #tpu.memory_space<vmem>>) target_semaphore(%run_scoped3A : memref<!tpu.dma_semaphore, #tpu.memory_space<semaphore_mem>>)
      %dma_wait3A = arith.constant 0 : i32
      %dma_wait3A_158 = tpu.memref_slice %arg19[%add3A_133, %dma_wait3A] : memref<10240x128xf32, #tpu.memory_space<vmem_shared>> -> memref<80x128xf32, #tpu.memory_space<vmem_shared>>
      %dma_wait3A_159 = arith.constant 0 : i32
      %dma_wait3A_160 = tpu.memref_slice %arg19[%add3A_133, %dma_wait3A_159] : memref<10240x128xf32, #tpu.memory_space<vmem_shared>> -> memref<80x128xf32, #tpu.memory_space<vmem_shared>>
      tpu.wait_dma2 semaphore(%run_scoped3A : memref<!tpu.dma_semaphore, #tpu.memory_space<semaphore_mem>>) src(%dma_wait3A_160 : memref<80x128xf32, #tpu.memory_space<vmem_shared>>) dst(%arg10 : memref<80x128xf32, #tpu.memory_space<vmem>>)
      tpu.yield
    }) : () -> ()
    %mul3A_134 = arith.constant 10240 : i32
    %mul3A_135 = arith.muli %arg0, %mul3A_134 : i32
    %add3A_136 = arith.addi %mul3A_135, %mul3A_2 : i32
    %add3A_137 = arith.constant 480 : i32
    %add3A_138 = arith.addi %add3A_136, %add3A_137 : i32
    %dma_start3A_139 = arith.constant 0 : i32
    %dma_start3A_140 = tpu.memref_slice %arg6[%add3A_138, %dma_start3A_139] : memref<20480x128xf32, #tpu.memory_space<hbm>> -> memref<80x128xf32, #tpu.memory_space<hbm>>
    %dma_start3A_141 = arith.constant 0 : i32
    %dma_start3A_142 = tpu.memref_slice %arg6[%add3A_138, %dma_start3A_141] : memref<20480x128xf32, #tpu.memory_space<hbm>> -> memref<80x128xf32, #tpu.memory_space<hbm>>
    tpu.enqueue_dma source(%arg10 : memref<80x128xf32, #tpu.memory_space<vmem>>) target(%dma_start3A_142 : memref<80x128xf32, #tpu.memory_space<hbm>>) target_semaphore(%arg12 : memref<!tpu.dma_semaphore, #tpu.memory_space<semaphore_mem>>)
    tpu.wait_dma2 semaphore(%arg13 : memref<!tpu.dma_semaphore, #tpu.memory_space<semaphore_mem>>) src(%arg5 : memref<80x128xf32, #tpu.memory_space<hbm>>) dst(%arg11 : memref<80x128xf32, #tpu.memory_space<vmem>>)
    %add3A_143 = arith.constant 560 : i32
    %add3A_144 = arith.addi %mul3A_2, %add3A_143 : i32
    "tpu.region"() ({
      %run_scoped3A = tpu.sem_alloc : memref<!tpu.dma_semaphore, #tpu.memory_space<semaphore_mem>>
      %dma_start3A_154 = arith.constant 0 : i32
      %dma_start3A_155 = tpu.memref_slice %arg19[%add3A_144, %dma_start3A_154] : memref<10240x128xf32, #tpu.memory_space<vmem_shared>> -> memref<80x128xf32, #tpu.memory_space<vmem_shared>>
      %dma_start3A_156 = arith.constant 0 : i32
      %dma_start3A_157 = tpu.memref_slice %arg19[%add3A_144, %dma_start3A_156] : memref<10240x128xf32, #tpu.memory_space<vmem_shared>> -> memref<80x128xf32, #tpu.memory_space<vmem_shared>>
      tpu.enqueue_dma source(%dma_start3A_157 : memref<80x128xf32, #tpu.memory_space<vmem_shared>>) target(%arg11 : memref<80x128xf32, #tpu.memory_space<vmem>>) target_semaphore(%run_scoped3A : memref<!tpu.dma_semaphore, #tpu.memory_space<semaphore_mem>>)
      %dma_wait3A = arith.constant 0 : i32
      %dma_wait3A_158 = tpu.memref_slice %arg19[%add3A_144, %dma_wait3A] : memref<10240x128xf32, #tpu.memory_space<vmem_shared>> -> memref<80x128xf32, #tpu.memory_space<vmem_shared>>
      %dma_wait3A_159 = arith.constant 0 : i32
      %dma_wait3A_160 = tpu.memref_slice %arg19[%add3A_144, %dma_wait3A_159] : memref<10240x128xf32, #tpu.memory_space<vmem_shared>> -> memref<80x128xf32, #tpu.memory_space<vmem_shared>>
      tpu.wait_dma2 semaphore(%run_scoped3A : memref<!tpu.dma_semaphore, #tpu.memory_space<semaphore_mem>>) src(%dma_wait3A_160 : memref<80x128xf32, #tpu.memory_space<vmem_shared>>) dst(%arg11 : memref<80x128xf32, #tpu.memory_space<vmem>>)
      tpu.yield
    }) : () -> ()
    %mul3A_145 = arith.constant 10240 : i32
    %mul3A_146 = arith.muli %arg0, %mul3A_145 : i32
    %add3A_147 = arith.addi %mul3A_146, %mul3A_2 : i32
    %add3A_148 = arith.constant 560 : i32
    %add3A_149 = arith.addi %add3A_147, %add3A_148 : i32
    %dma_start3A_150 = arith.constant 0 : i32
    %dma_start3A_151 = tpu.memref_slice %arg6[%add3A_149, %dma_start3A_150] : memref<20480x128xf32, #tpu.memory_space<hbm>> -> memref<80x128xf32, #tpu.memory_space<hbm>>
    %dma_start3A_152 = arith.constant 0 : i32
    %dma_start3A_153 = tpu.memref_slice %arg6[%add3A_149, %dma_start3A_152] : memref<20480x128xf32, #tpu.memory_space<hbm>> -> memref<80x128xf32, #tpu.memory_space<hbm>>
    tpu.enqueue_dma source(%arg11 : memref<80x128xf32, #tpu.memory_space<vmem>>) target(%dma_start3A_153 : memref<80x128xf32, #tpu.memory_space<hbm>>) target_semaphore(%arg13 : memref<!tpu.dma_semaphore, #tpu.memory_space<semaphore_mem>>)
    tpu.wait_dma2 semaphore(%arg12 : memref<!tpu.dma_semaphore, #tpu.memory_space<semaphore_mem>>) src(%arg5 : memref<80x128xf32, #tpu.memory_space<hbm>>) dst(%arg10 : memref<80x128xf32, #tpu.memory_space<vmem>>)
    tpu.wait_dma2 semaphore(%arg13 : memref<!tpu.dma_semaphore, #tpu.memory_space<semaphore_mem>>) src(%arg5 : memref<80x128xf32, #tpu.memory_space<hbm>>) dst(%arg11 : memref<80x128xf32, #tpu.memory_space<vmem>>)
    return
  }
}

module attributes {stable_mosaic.version = 14 : i64} {
  func.func @_mid_body(%arg0: memref<20480x128xf32, #tpu.memory_space<vmem>>, %arg1: memref<10000x128xf32, #tpu.memory_space<vmem>>, %arg2: memref<10000x1xf32, #tpu.memory_space<vmem>>, %arg3: memref<1x128xf32, #tpu.memory_space<vmem>>, %arg4: memref<128x128xf32, #tpu.memory_space<vmem>>, %arg5: memref<10000x128xf32, #tpu.memory_space<vmem>>) attributes {dimension_semantics = [], scalar_prefetch = 0 : i64, scratch_operands = 0 : i64, tpu.core_type = #tpu.core_type<tc>} {
    %get3A = arith.constant 0 : index
    %get3A_0 = arith.constant 0 : index
    %get3A_1 = vector.load %arg2[%get3A, %get3A_0] : memref<10000x1xf32, #tpu.memory_space<vmem>>, vector<10000x1xf32>
    %get3A_2 = arith.constant 0 : index
    %get3A_3 = arith.constant 0 : index
    %get3A_4 = vector.load %arg0[%get3A_2, %get3A_3] : memref<20480x128xf32, #tpu.memory_space<vmem>>, vector<10000x128xf32>
    %get3A_5 = arith.constant 10240 : index
    %get3A_6 = arith.constant 0 : index
    %get3A_7 = vector.load %arg0[%get3A_5, %get3A_6] : memref<20480x128xf32, #tpu.memory_space<vmem>>, vector<10000x128xf32>
    %add3A = arith.addf %get3A_4, %get3A_7 : vector<10000x128xf32>
    %get3A_8 = arith.constant 0 : index
    %get3A_9 = arith.constant 0 : index
    %get3A_10 = vector.load %arg1[%get3A_8, %get3A_9] : memref<10000x128xf32, #tpu.memory_space<vmem>>, vector<10000x128xf32>
    %add3A_11 = arith.addf %add3A, %get3A_10 : vector<10000x128xf32>
    %mul3A = vector.broadcast %get3A_1 : vector<10000x1xf32> to vector<10000x128xf32>
    %mul3A_12 = arith.mulf %add3A_11, %mul3A : vector<10000x128xf32>
    %get3A_13 = arith.constant 0 : index
    %get3A_14 = arith.constant 0 : index
    %get3A_15 = vector.load %arg3[%get3A_13, %get3A_14] : memref<1x128xf32, #tpu.memory_space<vmem>>, vector<1x128xf32>
    %add3A_16 = vector.broadcast %get3A_15 : vector<1x128xf32> to vector<10000x128xf32>
    %add3A_17 = arith.addf %mul3A_12, %add3A_16 : vector<10000x128xf32>
    %max3A = arith.constant 0.000000e+00 : f32
    %max3A_18 = vector.broadcast %max3A : f32 to vector<10000x128xf32>
    %max3A_19 = arith.maximumf %add3A_17, %max3A_18 : vector<10000x128xf32>
    %get3A_20 = arith.constant 0 : index
    %get3A_21 = arith.constant 0 : index
    %get3A_22 = vector.load %arg4[%get3A_20, %get3A_21] : memref<128x128xf32, #tpu.memory_space<vmem>>, vector<128x128xf32>
    %dot_general3A = arith.constant dense<0.000000e+00> : vector<10000x128xf32>
    %dot_general3A_23 = tpu.matmul %max3A_19, %get3A_22, %dot_general3A {dimension_numbers = #tpu.dot_dimension_numbers<[1], [0], [0], [1], [0, 0, 1, 1], [], []>, transpose_lhs_hint = false} : vector<10000x128xf32>, vector<128x128xf32>, vector<10000x128xf32> -> vector<10000x128xf32>
    %mul3A_24 = vector.broadcast %get3A_1 : vector<10000x1xf32> to vector<10000x128xf32>
    %mul3A_25 = arith.mulf %dot_general3A_23, %mul3A_24 : vector<10000x128xf32>
    %swap3A = arith.constant 0 : index
    %swap3A_26 = arith.constant 0 : index
    %swap3A_27 = vector.load %arg5[%swap3A, %swap3A_26] : memref<10000x128xf32, #tpu.memory_space<vmem>>, vector<10000x128xf32>
    tpu.vector_store %arg5[%swap3A, %swap3A_26], %mul3A_25 {strides = array<i32>} : memref<10000x128xf32, #tpu.memory_space<vmem>>, vector<10000x128xf32>,
    return
  }
}

module attributes {stable_mosaic.version = 14 : i64} {
  func.func @_pre_body(%arg0: memref<20480x128xf32, #tpu.memory_space<vmem>>, %arg1: memref<10000x128xf32, #tpu.memory_space<vmem>>, %arg2: memref<128x128xf32, #tpu.memory_space<vmem>>, %arg3: memref<10000x1xf32, #tpu.memory_space<vmem>>, %arg4: memref<10000x128xf32, #tpu.memory_space<vmem>>) attributes {dimension_semantics = [], scalar_prefetch = 0 : i64, scratch_operands = 0 : i64, tpu.core_type = #tpu.core_type<tc>} {
    %get3A = arith.constant 0 : index
    %get3A_0 = arith.constant 0 : index
    %get3A_1 = vector.load %arg0[%get3A, %get3A_0] : memref<20480x128xf32, #tpu.memory_space<vmem>>, vector<10000x1xf32>
    %get3A_2 = arith.constant 10240 : index
    %get3A_3 = arith.constant 0 : index
    %get3A_4 = vector.load %arg0[%get3A_2, %get3A_3] : memref<20480x128xf32, #tpu.memory_space<vmem>>, vector<10000x1xf32>
    %add3A = arith.addf %get3A_1, %get3A_4 : vector<10000x1xf32>
    %add3A_5 = arith.constant 1.000000e+00 : f32
    %add3A_6 = vector.broadcast %add3A_5 : f32 to vector<10000x1xf32>
    %add3A_7 = arith.addf %add3A, %add3A_6 : vector<10000x1xf32>
    %rsqrt3A = math.rsqrt %add3A_7 : vector<10000x1xf32>
    %swap3A = arith.constant 0 : index
    %swap3A_8 = arith.constant 0 : index
    %swap3A_9 = vector.load %arg3[%swap3A, %swap3A_8] : memref<10000x1xf32, #tpu.memory_space<vmem>>, vector<10000x1xf32>
    tpu.vector_store %arg3[%swap3A, %swap3A_8], %rsqrt3A {strides = array<i32>} : memref<10000x1xf32, #tpu.memory_space<vmem>>, vector<10000x1xf32>,
    %get3A_10 = arith.constant 0 : index
    %get3A_11 = arith.constant 0 : index
    %get3A_12 = vector.load %arg1[%get3A_10, %get3A_11] : memref<10000x128xf32, #tpu.memory_space<vmem>>, vector<10000x128xf32>
    %get3A_13 = arith.constant 0 : index
    %get3A_14 = arith.constant 0 : index
    %get3A_15 = vector.load %arg2[%get3A_13, %get3A_14] : memref<128x128xf32, #tpu.memory_space<vmem>>, vector<128x128xf32>
    %dot_general3A = arith.constant dense<0.000000e+00> : vector<10000x128xf32>
    %dot_general3A_16 = tpu.matmul %get3A_12, %get3A_15, %dot_general3A {dimension_numbers = #tpu.dot_dimension_numbers<[1], [0], [0], [1], [0, 0, 1, 1], [], []>, transpose_lhs_hint = false} : vector<10000x128xf32>, vector<128x128xf32>, vector<10000x128xf32> -> vector<10000x128xf32>
    %mul3A = vector.broadcast %rsqrt3A : vector<10000x1xf32> to vector<10000x128xf32>
    %mul3A_17 = arith.mulf %dot_general3A_16, %mul3A : vector<10000x128xf32>
    %swap3A_18 = arith.constant 0 : index
    %swap3A_19 = arith.constant 0 : index
    %swap3A_20 = vector.load %arg4[%swap3A_18, %swap3A_19] : memref<10000x128xf32, #tpu.memory_space<vmem>>, vector<10000x128xf32>
    tpu.vector_store %arg4[%swap3A_18, %swap3A_19], %mul3A_17 {strides = array<i32>} : memref<10000x128xf32, #tpu.memory_space<vmem>>, vector<10000x128xf32>,
    return
  }
}

module attributes {stable_mosaic.version = 14 : i64} {
  func.func @_post_body(%arg0: memref<20480x128xf32, #tpu.memory_space<vmem>>, %arg1: memref<10000x128xf32, #tpu.memory_space<vmem>>, %arg2: memref<10000x1xf32, #tpu.memory_space<vmem>>, %arg3: memref<1x128xf32, #tpu.memory_space<vmem>>, %arg4: memref<10000x128xf32, #tpu.memory_space<vmem>>) attributes {dimension_semantics = [], scalar_prefetch = 0 : i64, scratch_operands = 0 : i64, tpu.core_type = #tpu.core_type<tc>} {
    %get3A = arith.constant 0 : index
    %get3A_0 = arith.constant 0 : index
    %get3A_1 = vector.load %arg0[%get3A, %get3A_0] : memref<20480x128xf32, #tpu.memory_space<vmem>>, vector<10000x128xf32>
    %get3A_2 = arith.constant 10240 : index
    %get3A_3 = arith.constant 0 : index
    %get3A_4 = vector.load %arg0[%get3A_2, %get3A_3] : memref<20480x128xf32, #tpu.memory_space<vmem>>, vector<10000x128xf32>
    %add3A = arith.addf %get3A_1, %get3A_4 : vector<10000x128xf32>
    %get3A_5 = arith.constant 0 : index
    %get3A_6 = arith.constant 0 : index
    %get3A_7 = vector.load %arg1[%get3A_5, %get3A_6] : memref<10000x128xf32, #tpu.memory_space<vmem>>, vector<10000x128xf32>
    %add3A_8 = arith.addf %add3A, %get3A_7 : vector<10000x128xf32>
    %get3A_9 = arith.constant 0 : index
    %get3A_10 = arith.constant 0 : index
    %get3A_11 = vector.load %arg2[%get3A_9, %get3A_10] : memref<10000x1xf32, #tpu.memory_space<vmem>>, vector<10000x1xf32>
    %mul3A = vector.broadcast %get3A_11 : vector<10000x1xf32> to vector<10000x128xf32>
    %mul3A_12 = arith.mulf %add3A_8, %mul3A : vector<10000x128xf32>
    %get3A_13 = arith.constant 0 : index
    %get3A_14 = arith.constant 0 : index
    %get3A_15 = vector.load %arg3[%get3A_13, %get3A_14] : memref<1x128xf32, #tpu.memory_space<vmem>>, vector<1x128xf32>
    %add3A_16 = vector.broadcast %get3A_15 : vector<1x128xf32> to vector<10000x128xf32>
    %add3A_17 = arith.addf %mul3A_12, %add3A_16 : vector<10000x128xf32>
    %swap3A = arith.constant 0 : index
    %swap3A_18 = arith.constant 0 : index
    %swap3A_19 = vector.load %arg4[%swap3A, %swap3A_18] : memref<10000x128xf32, #tpu.memory_space<vmem>>, vector<10000x128xf32>
    tpu.vector_store %arg4[%swap3A, %swap3A_18], %add3A_17 {strides = array<i32>} : memref<10000x128xf32, #tpu.memory_space<vmem>>, vector<10000x128xf32>,
    return
  }
}

</mosaic_0001>

<sc_bundles>
// kernel: kernel.10.cloned.1.call-start
scs
__scs_entry_jumppad:
0x0: {  	(pc) =	sbr.rel $0x88, $3  }
0x1: {  	(tag) =	ssettag $0x0;
	lr =	simm.s32 $0x1  }
0x2: {  	[smem:$0x3F99] =	sst lr;
	_ =	strace $0xD0000000  }
0x3: {  	_ = 	snop  }
0x4: {  	_ = 	snop  }
0x5: {  	_ = 	snop  }
0x6: {  	_ = 	snop  }
0x7: {  	_ = 	snop  }
__scs_overlays_trampoline_lowered:
0x8: {  	[smem:$0x3FA8] =	sst s0  }
0x9: {  	[smem:$0x3FA9] =	sst s1  }
0xa: {  	[smem:$0x3FAA] =	sst s2  }
0xb: {  	[smem:$0x3FAB] =	sst s3  }
0xc: {  	[smem:$0x3FAC] =	sst s4  }
0xd: {  	[smem:$0x3FAD] =	sst s5  }
0xe: {  	[smem:$0x3FAE] =	sst s6  }
0xf: {  	[smem:$0x3FAF] =	sst s7  }
0x10: {  	[smem:$0x3FB0] =	sst s8  }
0x11: {  	[smem:$0x3FB1] =	sst s9;
	s0 =	simm.s32 @!p0 $0x0  }
0x12: {  	s1 =	sld [smem:$0x3F97];
	s0 =	simm.s32 @p0 $0x1  }
0x13: {  	[smem:$0x3FB2] =	sst s0;
	s0 =	simm.s32 @!p1 $0x0  }
0x14: {  	s2 =	sld [smem:$0x3F96];
	s0 =	simm.s32 @p1 $0x1  }
0x15: {  	[smem:$0x3FB3] =	sst s0;
	s0 =	simm.s32 @!p2 $0x0  }
0x16: {  	s3 =	sld [smem:$0x3FDB];
	s0 =	simm.s32 @p2 $0x1  }
0x17: {  	s4 =	simm.s32 $0x1BF5;
	[smem:$0x3FB5] =	sst s0  }
0x18: {  	s0 =	sld [smem:$0x3F98];
	_ =	swait.ge [sflag:s4], $0x0  }
0x19: {  	s7 =	sld [smem:$0x3F99]  }
0x1a: {  	s8 =	sadd.s32 $0xFFFFE003, lr  }
0x1b: {  	s9 =	sadd.s32 $0xFFFFFEF7, lr;
	s5 =	simm.s32 $0xFFFFFFFF;
	p2 =	slt.u32 s8, $0xFFFFF086  }
0x1c: {  	p1 =	slt.u32 s9, $0xF7A;
	s5 =	simm.s32 @!p2 $0x0  }
0x1d: {  	s5 =	simm.s32 @p1 $0x1;
	p0 =	seq.s32 s7, s2  }
0x1e: {  	s7 =	smul.u32 @!p0 $0xF7A, s2;
	p2 =	seq.s32 @!p0 s5, $0x0  }
0x1f: {  	s9 =	smul.u32 $0xF7A, s1;
	s8 =	simm.s32 @!p0 $0x1BF5;
	p2 =	por !p2, p0  }
0x20: {  	[sflag:s8] =	ssyncset.s32 @!p0 $0xFFFFF086;
	s6 =	sadd.s32 @!p0 s3, s7;
	s7 =	simm.s32 @!p0 $0x108  }
0x21: {  	s3 =	sadd.s32 s3, s9;
	s6 =	sadd.s32 @!p0 $0x88, s6;
	s7 =	simm.s32 @p2 $0x1082  }
0x22: {  	[simem:s7], [sflag:s8] =	dma.local @!p0 [hbm:s6], $0xF7A  }
0x23: {  	s9 =	sor.u32 $0xD0000000, s2;
	s6 =	simm.s32 $0x108;
	_ =	swait.ge @!p0 [sflag:s8], $0x0  }
0x24: {  	s3 =	sadd.s32 $0x88, s3;
	s6 =	simm.s32 @!p1 $0x1082;
	[sflag:s4] =	ssyncset.s32 $0xFFFFF086  }
0x25: {  	[simem:s6], [sflag:s4] =	dma.local [hbm:s3], $0xF7A  }
0x26: {  	[smem:$0x3F99] =	sst s1;
	(tag) =	ssettag s2;
	_ =	strace s9  }
0x27: {  	s1 =	sld [smem:$0x3FA9]  }
0x28: {  	s2 =	sld [smem:$0x3FAA]  }
0x29: {  	s4 =	sld [smem:$0x3FAC]  }
0x2a: {  	p0 =	seq.s32 s5, $0x0;
	s5 =	sld [smem:$0x3FAD]  }
0x2b: {  	s6 =	sld [smem:$0x3FAE]  }
0x2c: {  	s7 =	sld [smem:$0x3FAF]  }
0x2d: {  	s3 =	simm.s32 $0x108;
	s8 =	sld [smem:$0x3FB0]  }
0x2e: {  	s3 =	simm.s32 @!p0 $0x1082;
	s9 =	sld [smem:$0x3FB1]  }
0x2f: {  	lr =	sadd.s32 s0, s3;
	s0 =	sld [smem:$0x3FA8]  }
0x30: {  	s3 =	sld [smem:$0x3FAB]  }
0x31: {  	[smem:$0x3FB4] =	sst s10  }
0x32: {  	s10 =	sld [smem:$0x3FB2];
	_ =	sdelay $0x3  }
0x33: {  	p0 =	seq.s32 s10, $0x1;
	s10 =	sld [smem:$0x3FB4];
	_ =	sdelay $0x3  }
0x34: {  	[smem:$0x3FB4] =	sst s10  }
0x35: {  	s10 =	sld [smem:$0x3FB3];
	_ =	sdelay $0x3  }
0x36: {  	p1 =	seq.s32 s10, $0x1;
	s10 =	sld [smem:$0x3FB4];
	_ =	sdelay $0x3  }
0x37: {  	[smem:$0x3FB4] =	sst s10  }
0x38: {  	s10 =	sld [smem:$0x3FB5]  }
0x39: {  	_ = 	snop;
	(pc) =	sbr.ind lr, $3  }
0x3a: {  	_ = 	snop  }
0x3b: {  	_ = 	snop  }
0x3c: {  	p2 =	seq.s32 s10, $0x1;
	s10 =	sld [smem:$0x3FB4]  }
0x3d: {  	_ =	shalt  }
0x3e: {  	_ =	shalt  }
0x3f: {  	_ =	shalt  }
0x40: {  	_ =	shalt  }
0x41: {  	_ =	shalt  }
0x42: {  	_ =	shalt  }
0x43: {  	_ =	shalt  }
0x44: {  	_ =	shalt  }
0x45: {  	_ =	shalt  }
0x46: {  	_ =	shalt  }
0x47: {  	_ =	shalt  }
0x48: {  	_ =	shalt  }
0x49: {  	_ =	shalt  }
0x4a: {  	_ =	shalt  }
0x4b: {  	_ =	shalt  }
0x4c: {  	_ =	shalt  }
0x4d: {  	_ =	shalt  }
0x4e: {  	_ =	shalt  }
0x4f: {  	_ =	shalt  }
0x50: {  	_ =	shalt  }
0x51: {  	_ =	shalt  }
0x52: {  	_ =	shalt  }
0x53: {  	_ =	shalt  }
0x54: {  	_ =	shalt  }
0x55: {  	_ =	shalt  }
0x56: {  	_ =	shalt  }
0x57: {  	_ =	shalt  }
0x58: {  	_ =	shalt  }
0x59: {  	_ =	shalt  }
0x5a: {  	_ =	shalt  }
0x5b: {  	_ =	shalt  }
0x5c: {  	_ =	shalt  }
0x5d: {  	_ =	shalt  }
0x5e: {  	_ =	shalt  }
0x5f: {  	_ =	shalt  }
0x60: {  	_ =	shalt  }
0x61: {  	_ =	shalt  }
0x62: {  	_ =	shalt  }
0x63: {  	_ =	shalt  }
0x64: {  	_ =	shalt  }
0x65: {  	_ =	shalt  }
0x66: {  	_ =	shalt  }
0x67: {  	_ =	shalt  }
0x68: {  	_ =	shalt  }
0x69: {  	_ =	shalt  }
0x6a: {  	_ =	shalt  }
0x6b: {  	_ =	shalt  }
0x6c: {  	_ =	shalt  }
0x6d: {  	_ =	shalt  }
0x6e: {  	_ =	shalt  }
0x6f: {  	_ =	shalt  }
0x70: {  	_ =	shalt  }
0x71: {  	_ =	shalt  }
0x72: {  	_ =	shalt  }
0x73: {  	_ =	shalt  }
0x74: {  	_ =	shalt  }
0x75: {  	_ =	shalt  }
0x76: {  	_ =	shalt  }
0x77: {  	_ =	shalt  }
0x78: {  	_ =	shalt  }
0x79: {  	_ =	shalt  }
0x7a: {  	_ =	shalt  }
0x7b: {  	_ =	shalt  }
0x7c: {  	_ =	shalt  }
0x7d: {  	_ =	shalt  }
0x7e: {  	_ =	shalt  }
0x7f: {  	_ =	shalt  }
0x80: {  	_ =	shalt  }
0x81: {  	_ =	shalt  }
0x82: {  	_ =	shalt  }
0x83: {  	_ =	shalt  }
0x84: {  	_ =	shalt  }
0x85: {  	_ =	shalt  }
0x86: {  	_ =	shalt  }
0x87: {  	_ =	shalt  }
.Lfunc_end0:
.L_simem_size_0:
called_computation_lowered:
.L_overlay_start_0:
0x88: {  	s2 =	sld [smem:$0x3FD9]  }
0x89: {  	s3 =	sld [smem:$0x3FFE];
	_ =	sdelay $0x1  }
0x8a: {  	s1 =	srdreg.scid  }
0x8b: {  	s0 =	sand.u32 $0x1, s1  }
0x8c: {  	s17 =	sshll.u32 s0, $0xA;
	s2 =	sadd.s32 s3, s2  }
0x8d: {  	s2 =	sadd.s32 s2, s17  }
0x8e: {  	[smem:$0x3FC0] =	sst s2  }
0x8f: {  	_ = 	snop  }
0x90: {  	s2 =	sld [smem:$0x3FD0];
	(tm) =	ssettm $0x1  }
0x91: {  	s18 =	sld [smem:$0x3FFB];
	_ =	sdelay $0x3  }
0x92: {  	_ =	strace s18  }
0x93: {  	s3 =	sld [smem:$0x3FFC];
	_ =	sdelay $0x3  }
0x94: {  	_ =	strace s3  }
0x95: {  	s3 =	sld [smem:$0x3FFD];
	_ =	sdelay $0x3  }
0x96: {  	_ =	strace s3  }
0x97: {  	_ =	strace $0x8FFFFFFF  }
0x98: {  	s19 =	sld [smem:$0x3FDB];
	_ =	sdelay $0x1  }
0x99: {  	s4 =	simm.s32 $_scs_section_size  }
0x9a: {  	s5 =	simm.s32 $_size__tile_overlayer_lowered;
	s6 =	simm.s32 $_tile_overlayer_lowered  }
0x9b: {  	s22 =	simm.s32 $0x1BFF;
	s21 =	sshll.u32 s6, $0x1;
	s3 =	sadd.s32 s4, s19  }
0x9c: {  	s7 =	simm.s32 $0x0;
	s20 =	sshll.u32 s5, $0x1;
	s5 =	sadd.s32 s21, s3  }
0x9d: {  	[timem:s7], [sflag:s22] =	dma.local [hbm:s5], s20  }
0x9e: {  	_ =	swait.ge [sflag:s22], s20  }
0x9f: {  	s4 =	ssub.s32 $0x0, s20;
	[sflag:s22] =	ssyncset.done $0x0  }
0xa0: {  	[sflag:s22] =	ssyncadd.s32 s4;
	_ =	sdelay $0x1  }
0xa1: {  	s23 =	simm.s32 $0x1B8B  }
0xa2: {  	_ =	swait.ge [sflag:s23], $0x1  }
0xa3: {  	[sflag:s23] =	ssyncset.done $0x0  }
0xa4: {  	s25 =	simm.s32 $0x1B8E;
	s24 =	sld [smem:$0x3FFE];
	[sflag:s23] =	ssyncadd.s32 $0xFFFFFFFF  }
0xa5: {  	s26 =	simm.s32 $execute0_lowered;
	[smem:$0x3FD2] =	sst s25  }
0xa6: {  	s5 =	sshll.u32 s26, $0x1;
	_ =	strace $0x80000046;
	[dreg:$0x1] =	wrdreg $0xFFFFFFFF  }
0xa7: {  	s28 =	simm.s32 $_size_execute0_lowered;
	s3 =	sadd.s32 s3, s5;
	[dreg:$0x0] =	wrdreg $0x0  }
0xa8: {  	s5 =	sshll.u32 s28, $0x1;
	[dreg:$0x2] =	wrdreg s3  }
0xa9: {  	[dreg:$0x3] =	wrdreg s5  }
0xaa: {  	[dreg:$0x4] =	wrdreg $0xC0  }
0xab: {  	_ =	task [dreg:s7], $0x5FFFF  }
0xac: {  	[dreg:$0x1] =	wrdreg $0xFFFFFFFF  }
0xad: {  	[dreg:$0x0] =	wrdreg $0x60  }
0xae: {  	[dreg:$0x2] =	wrdreg s24  }
0xaf: {  	[dreg:$0x3] =	wrdreg s2  }
0xb0: {  	[dreg:$0x4] =	wrdreg $0x50A00  }
0xb1: {  	[dreg:$0x5] =	wrdreg $0x9  }
0xb2: {  	_ =	task.clear_ibuf [dreg:s7], $0x6FFFF;
	_ =	strace $0x90000046  }
0xb3: {  	s29 =	simm.s32 $0x9;
	_ =	strace $0x80000048  }
0xb4: {  	_ =	swait.ge [sflag:s29], $0x1  }
0xb5: {  	[sflag:s29] =	ssyncadd.s32 $0xFFFFFFFF  }
0xb6: {  	_ =	strace $0x90000048  }
0xb7: {  	_ =	sfence  }
0xb8: {  	s30 =	sld [smem:$0x0];
	_ =	sdelay $0x2  }
0xb9: {  	s31 =	sshll.u32 s1, $0xD;
	s1 =	sshrl.u32 s1, $0x2  }
0xba: {  	s3 =	sand.u32 $0x4000, s31;
	s1 =	sadd.s32 s1, s30  }
0xbb: {  	s0 =	sor.u32 s3, s0;
	s1 =	sshll.u32 s1, $0x11  }
0xbc: {  	s0 =	sor.u32 s1, s0  }
0xbd: {  	s0 =	sadd.s32 $0x8F2B, s0  }
0xbe: {  	[sflag:s0] =	ssyncadd.remote.s32 $0x1  }
0xbf: {  	_ =	sfence.sel $0xFFFF  }
0xc0: {  	[dreg:$0x0] =	wrdreg $0xFFFFFFFF;
	(pc) =	sbr.abs _section_cstart, $3  }
0xc1: {  	[dreg:$0x1] =	wrdreg $0xFFFFFFFF  }
0xc2: {  	_ =	task.clear_ibuf [dreg:s7], $0x2FFFF;
	_ =	strace $0x9FFFFFFF  }
0xc3: {  	(tm) =	ssettm $0x7FFFFFFF  }
tec
execute0_lowered:
.L_overlay_start_1:
0x0: {  	(tag) =	ssettag $0x1  }
0x1: {  	s0 =	rddreg [dreg:$0x0];
	s1 =	srdreg.scid  }
0x2: {  	s14 =	stileid.u32;
	s3 =	rddreg [dreg:$0x2]  }
0x3: {  	s4 =	simm.s32 $0x0;
	s29 =	simm.s32 $0x28A0;
	s30 =	simm.s32 $0x6  }
0x4: {  	s31 =	simm.s32 $0x5;
	s1 =	sand.u32 $0x1, s1;
	s2 =	smul.u32 $0x280, s14  }
0x5: {  	[smem:$0x7FF] =	sst s4;
	s15 =	sadd.s32 $0xCA00, s0;
	s17 =	smul.u32 $0x50000, s14  }
0x6: {  	s16 =	sadd.s32 $0x16800, s0;
	s5 =	smul.u32 $0x2800, s1;
	_ =	strace $0x80000047  }
0x7: {  	s18 =	ssub.s32 $0x2, s1;
	s6 =	sshll.u32 s1, $0x4;
	s1 =	smul.u32 $0x27100, s1  }
0x8: {  	[dreg:$0x4] =	wrdreg s16;
	s16 =	smul.u32 $0x2710, s14;
	s7 =	sshrl.u32 s18, $0x1  }
0x9: {  	s6 =	sor.u32 s14, s6;
	s2 =	sadd.s32 s2, s5;
	s5 =	sshrl.u32 s17, $0x2  }
0xa: {  	s13 =	smul.u32 $0x2710, s6;
	s1 =	sadd.s32 s16, s1;
	s16 =	simm.s32 $0x4  }
0xb: {  	s17 =	simm.s32 $0x0;
	s2 =	sshll.u32 s2, $0x4;
	s6 =	sadd.s32 s5, s3  }
0xc: {  	s24 =	sadd.s32 $0x140, s1;
	s1 =	sadd.s32 $0xF0, s1;
	s0 =	sadd.s32 s2, s0  }
0xd: {  	s2 =	ssub.s32 s18, s7;
	s7 =	sadd.s32 $0x2800, s6;
	s8 =	sadd.s32 $0x5000, s6  }
0xe: {  	s9 =	sadd.s32 $0x7800, s6;
	s10 =	sadd.s32 $0xA000, s6;
	s11 =	sadd.s32 $0xC800, s6  }
0xf: {  	s12 =	sadd.s32 $0xF000, s6;
	s19 =	sshrl.u32 s13, $0x3;
	s20 =	sadd.s32 $0x16E00, s0  }
0x10: {  	s13 =	sadd.s32 $0x11800, s6;
	s21 =	sadd.s32 $0x17300, s0;
	[dreg:$0x5] =	wrdreg s20  }
0x11: {  	s5 =	sshrl.u32 s24, $0x3;
	s22 =	sadd.s32 $0x17800, s0;
	[dreg:$0x6] =	wrdreg s21  }
0x12: {  	s1 =	sshrl.u32 s1, $0x3;
	s23 =	sadd.s32 $0x17D00, s0;
	[dreg:$0x7] =	wrdreg s22  }
0x13: {  	s14 =	sadd.s32 s15, s19;
	s25 =	sadd.s32 $0x18200, s0;
	[dreg:$0x8] =	wrdreg s23  }
0x14: {  	s26 =	sadd.s32 $0x18700, s0;
	s24 =	sadd.s32 $0x19100, s0;
	[dreg:$0x9] =	wrdreg s25  }
0x15: {  	[dreg:$0xa] =	wrdreg s26;
	s21 =	sadd.s32 s5, s15;
	s22 =	sadd.s32 s1, s15  }
0x16: {  	s23 =	sadd.s32 $0x18C00, s0;
	s25 =	smax.u32 s2, $0x1;
	s26 =	sadd.s32 $0xA, s14  }
0x17: {  	s28 =	sadd.s32 $0x14, s14;
	s1 =	simm.s32 $0xA0;
	s0 =	simm.s32 $0x50  }
0x18: {  	s2 =	simm.s32 $0x1;
	s5 =	simm.s32 $0x3;
	s15 =	simm.s32 $0x2  }
.LBB2_1:
0x19: {  	s18 =	rddreg [dreg:$0x4]  }
0x1a: {  	[tilespmem:s29], [sflag:$0x6] =	stream.linear.gather [hbm4b:s18+s4], $0x2800, $0x38;
	[tilespmem:$0x190A0] =	vst v63  }
0x1b: {  	_ =	swait.ge [sflag:s30], $0x2800  }
0x1c: {  	[sflag:s30] =	ssyncset.done $0x0  }
0x1d: {  	[sflag:s30] =	ssyncadd.s32 $0xFFFFD800  }
0x1e: {  	[spmem:s6] =	stream.linear.scatter [tilespmem:s29], [sflag:$0x5], $0x2800, $0x38;
	[tilespmem:$0x190A0] =	vst v63  }
0x1f: {  	_ = 	snop  }
0x20: {  	[spmem:s7] =	stream.linear.scatter [tilespmem:s29], [sflag:$0x5], $0x2800, $0x38;
	[tilespmem:$0x190A0] =	vst v63  }
0x21: {  	_ = 	snop  }
0x22: {  	[spmem:s8] =	stream.linear.scatter [tilespmem:s29], [sflag:$0x5], $0x2800, $0x38;
	[tilespmem:$0x190A0] =	vst v63  }
0x23: {  	_ = 	snop  }
0x24: {  	[spmem:s9] =	stream.linear.scatter [tilespmem:s29], [sflag:$0x5], $0x2800, $0x38;
	[tilespmem:$0x190A0] =	vst v63  }
0x25: {  	_ = 	snop  }
0x26: {  	[spmem:s10] =	stream.linear.scatter [tilespmem:s29], [sflag:$0x5], $0x2800, $0x38;
	[tilespmem:$0x190A0] =	vst v63  }
0x27: {  	_ = 	snop  }
0x28: {  	[spmem:s11] =	stream.linear.scatter [tilespmem:s29], [sflag:$0x5], $0x2800, $0x38;
	[tilespmem:$0x190A0] =	vst v63  }
0x29: {  	_ = 	snop  }
0x2a: {  	[spmem:s12] =	stream.linear.scatter [tilespmem:s29], [sflag:$0x5], $0x2800, $0x38;
	[tilespmem:$0x190A0] =	vst v63  }
0x2b: {  	_ = 	snop  }
0x2c: {  	[spmem:s13] =	stream.linear.scatter [tilespmem:s29], [sflag:$0x5], $0x2800, $0x38;
	[tilespmem:$0x190A0] =	vst v63  }
0x2d: {  	_ =	swait.ge [sflag:s31], $0x2800  }
0x2e: {  	[sflag:s31] =	ssyncset.done $0x0  }
0x2f: {  	[sflag:s31] =	ssyncadd.s32 $0xFFFFD800  }
0x30: {  	_ =	swait.ge [sflag:s31], $0x2800  }
0x31: {  	[sflag:s31] =	ssyncset.done $0x0  }
0x32: {  	[sflag:s31] =	ssyncadd.s32 $0xFFFFD800  }
0x33: {  	_ =	swait.ge [sflag:s31], $0x2800  }
0x34: {  	[sflag:s31] =	ssyncset.done $0x0  }
0x35: {  	[sflag:s31] =	ssyncadd.s32 $0xFFFFD800  }
0x36: {  	_ =	swait.ge [sflag:s31], $0x2800  }
0x37: {  	[sflag:s31] =	ssyncset.done $0x0  }
0x38: {  	[sflag:s31] =	ssyncadd.s32 $0xFFFFD800  }
0x39: {  	_ =	swait.ge [sflag:s31], $0x2800  }
0x3a: {  	[sflag:s31] =	ssyncset.done $0x0  }
0x3b: {  	[sflag:s31] =	ssyncadd.s32 $0xFFFFD800  }
0x3c: {  	_ =	swait.ge [sflag:s31], $0x2800  }
0x3d: {  	[sflag:s31] =	ssyncset.done $0x0  }
0x3e: {  	[sflag:s31] =	ssyncadd.s32 $0xFFFFD800  }
0x3f: {  	_ =	swait.ge [sflag:s31], $0x2800  }
0x40: {  	[sflag:s31] =	ssyncset.done $0x0  }
0x41: {  	[sflag:s31] =	ssyncadd.s32 $0xFFFFD800  }
0x42: {  	_ =	swait.ge [sflag:s31], $0x2800  }
0x43: {  	[sflag:s31] =	ssyncset.done $0x0  }
0x44: {  	[sflag:s31] =	ssyncadd.s32 $0xFFFFD800  }
0x45: {  	s20 =	rddreg [dreg:$0x1]  }
0x46: {  	[tilespmem:s1], [sflag:$0x6] =	stream.linear.gather [hbm4b:s20+s4], $0x2800, $0x38;
	[tilespmem:$0x190A0] =	vst v63  }
0x47: {  	_ =	swait.ge [sflag:s30], $0x2800  }
0x48: {  	[sflag:s30] =	ssyncset.done $0x0  }
0x49: {  	[sflag:s30] =	ssyncadd.s32 $0xFFFFD800  }
0x4a: {  	[bflag:$0x0] =	sbarrier.arrive $0xFFFF  }
0x4b: {  	[tilespmem:s4], [sflag:$0x1] =	stream.linear.gather [hbm4b:s14+s4], $0x50, $0x38;
	[tilespmem:$0x190A0] =	vst v63  }
0x4c: {  	_ = 	snop  }
0x4d: {  	[tilespmem:s0], [sflag:$0x2] =	stream.linear.gather [hbm4b:s26+s4], $0x50, $0x38;
	[tilespmem:$0x190A0] =	vst v63  }
0x4e: {  	_ =	swait.ge [sflag:s2], $0x50  }
0x4f: {  	[sflag:s2] =	ssyncset.done $0x0  }
0x50: {  	[sflag:s2] =	ssyncadd.s32 $0xFFFFFFB0  }
0x51: {  	[spmem:s3] =	stream.indirect.scatter.add.f32 [tilespmem:s1], [sflag:$0x3], $0x80, s4, s0, $0xb8;
	[tilespmem:$0x190A0] =	vst v63  }
0x52: {  	_ =	swait.ge [sflag:s5], $0x2800  }
0x53: {  	[sflag:s5] =	ssyncset.done $0x0  }
0x54: {  	[sflag:s5] =	ssyncadd.s32 $0xFFFFD800  }
0x55: {  	[tilespmem:s4], [sflag:$0x1] =	stream.linear.gather [hbm4b:s28+s4], $0x50, $0x38;
	[tilespmem:$0x190A0] =	vst v63  }
0x56: {  	_ =	swait.ge [sflag:s15], $0x50  }
0x57: {  	[sflag:s15] =	ssyncset.done $0x0  }
0x58: {  	[sflag:s15] =	ssyncadd.s32 $0xFFFFFFB0  }
0x59: {  	[spmem:s3] =	stream.indirect.scatter.add.f32 [tilespmem:s1], [sflag:$0x4], $0x80, s0, s0, $0xb8;
	[tilespmem:$0x190A0] =	vst v63  }
0x5a: {  	_ =	swait.ge [sflag:s16], $0x2800  }
0x5b: {  	[sflag:s16] =	ssyncset.done $0x0  }
0x5c: {  	s19 =	sadd.s32 $0x0, s22;
	[sflag:s16] =	ssyncadd.s32 $0xFFFFD800  }
0x5d: {  	[tilespmem:s0], [sflag:$0x2] =	stream.linear.gather [hbm4b:s19+s4], $0x50, $0x38;
	[tilespmem:$0x190A0] =	vst v63  }
0x5e: {  	_ =	swait.ge [sflag:s2], $0x50  }
0x5f: {  	[sflag:s2] =	ssyncset.done $0x0  }
0x60: {  	[sflag:s2] =	ssyncadd.s32 $0xFFFFFFB0  }
0x61: {  	[spmem:s3] =	stream.indirect.scatter.add.f32 [tilespmem:s1], [sflag:$0x3], $0x80, s4, s0, $0xb8;
	[tilespmem:$0x190A0] =	vst v63  }
0x62: {  	_ =	swait.ge [sflag:s5], $0x2800  }
0x63: {  	[sflag:s5] =	ssyncset.done $0x0  }
0x64: {  	s20 =	sadd.s32 $0x0, s21;
	[sflag:s5] =	ssyncadd.s32 $0xFFFFD800  }
0x65: {  	[tilespmem:s4], [sflag:$0x1] =	stream.linear.gather [hbm4b:s20+s4], $0x50, $0x38;
	[tilespmem:$0x190A0] =	vst v63  }
0x66: {  	_ =	swait.ge [sflag:s15], $0x50  }
0x67: {  	[sflag:s15] =	ssyncset.done $0x0  }
0x68: {  	s18 =	simm.s32 $0x14;
	[sflag:s15] =	ssyncadd.s32 $0xFFFFFFB0  }
.LBB2_2:
0x69: {  	[spmem:s3] =	stream.indirect.scatter.add.f32 [tilespmem:s1], [sflag:$0x4], $0x80, s0, s0, $0xb8;
	[tilespmem:$0x190A0] =	vst v63  }
0x6a: {  	s19 =	smov.u32 s18  }
0x6b: {  	p0 =	sne.s32 s18, $0x4B0;
	s18 =	sadd.s32 $0x14, s18;
	_ =	swait.ge [sflag:s16], $0x2800  }
0x6c: {  	[sflag:s16] =	ssyncset.done $0x0  }
0x6d: {  	s20 =	sadd.s32 s19, s22;
	[sflag:s16] =	ssyncadd.s32 $0xFFFFD800  }
0x6e: {  	[tilespmem:s0], [sflag:$0x2] =	stream.linear.gather [hbm4b:s20+s4], $0x50, $0x38;
	[tilespmem:$0x190A0] =	vst v63  }
0x6f: {  	_ =	swait.ge [sflag:s2], $0x50  }
0x70: {  	[sflag:s2] =	ssyncset.done $0x0  }
0x71: {  	[sflag:s2] =	ssyncadd.s32 $0xFFFFFFB0  }
0x72: {  	[spmem:s3] =	stream.indirect.scatter.add.f32 [tilespmem:s1], [sflag:$0x3], $0x80, s4, s0, $0xb8;
	[tilespmem:$0x190A0] =	vst v63  }
0x73: {  	_ =	swait.ge [sflag:s5], $0x2800  }
0x74: {  	[sflag:s5] =	ssyncset.done $0x0  }
.Ltmp0:
0x75: {  	s19 =	sadd.s32 s19, s21;
	[sflag:s5] =	ssyncadd.s32 $0xFFFFD800;
	(pc) =	sbr.rel @p0 .LBB2_2-.Ltmp0, $4  }
0x76: {  	[tilespmem:s4], [sflag:$0x1] =	stream.linear.gather [hbm4b:s19+s4], $0x50, $0x38;
	[tilespmem:$0x190A0] =	vst v63  }
0x77: {  	_ =	swait.ge [sflag:s15], $0x50  }
0x78: {  	[sflag:s15] =	ssyncset.done $0x0  }
0x79: {  	[sflag:s15] =	ssyncadd.s32 $0xFFFFFFB0  }
0x7a: {  	[spmem:s3] =	stream.indirect.scatter.add.f32 [tilespmem:s1], [sflag:$0x4], $0x80, s0, s0, $0xb8;
	[tilespmem:$0x190A0] =	vst v63  }
0x7b: {  	_ =	swait.ge [sflag:s2], $0x50  }
0x7c: {  	[sflag:s2] =	ssyncset.done $0x0  }
0x7d: {  	[sflag:s2] =	ssyncadd.s32 $0xFFFFFFB0  }
0x7e: {  	[spmem:s3] =	stream.indirect.scatter.add.f32 [tilespmem:s1], [sflag:$0x3], $0x80, s4, s0, $0xb8;
	[tilespmem:$0x190A0] =	vst v63  }
0x7f: {  	_ =	swait.ge [sflag:s5], $0x2800  }
0x80: {  	[sflag:s5] =	ssyncset.done $0x0  }
0x81: {  	[sflag:s5] =	ssyncadd.s32 $0xFFFFD800  }
0x82: {  	_ =	swait.ge [sflag:s16], $0x2800  }
0x83: {  	[sflag:s16] =	ssyncset.done $0x0  }
0x84: {  	[sflag:s16] =	ssyncadd.s32 $0xFFFFD800  }
0x85: {  	[bflag:$0x0] =	sbarrier.arrive $0xFFFF  }
0x86: {  	[tilespmem:s1], [sflag:$0x6] =	stream.linear.gather [spmem:s6], $0x2800, $0x38;
	[tilespmem:$0x190A0] =	vst v63  }
0x87: {  	_ =	swait.ge [sflag:s30], $0x2800  }
0x88: {  	[sflag:s30] =	ssyncset.done $0x0  }
0x89: {  	s18 =	rddreg [dreg:$0x5];
	[sflag:s30] =	ssyncadd.s32 $0xFFFFD800  }
0x8a: {  	[hbm4b:s18+s4] =	stream.linear.scatter [tilespmem:s1], [sflag:$0x1], $0x2800, $0x38;
	[tilespmem:$0x190A0] =	vst v63  }
0x8b: {  	_ = 	snop  }
0x8c: {  	[tilespmem:s29], [sflag:$0x6] =	stream.linear.gather [spmem:s7], $0x2800, $0x38;
	[tilespmem:$0x190A0] =	vst v63  }
0x8d: {  	_ =	swait.ge [sflag:s30], $0x2800  }
0x8e: {  	[sflag:s30] =	ssyncset.done $0x0  }
0x8f: {  	s20 =	rddreg [dreg:$0x6];
	[sflag:s30] =	ssyncadd.s32 $0xFFFFD800  }
0x90: {  	[hbm4b:s20+s4] =	stream.linear.scatter [tilespmem:s29], [sflag:$0x2], $0x2800, $0x38;
	[tilespmem:$0x190A0] =	vst v63  }
0x91: {  	_ =	swait.ge [sflag:s2], $0x2800  }
0x92: {  	[sflag:s2] =	ssyncset.done $0x0  }
0x93: {  	[sflag:s2] =	ssyncadd.s32 $0xFFFFD800  }
0x94: {  	[tilespmem:s1], [sflag:$0x6] =	stream.linear.gather [spmem:s8], $0x2800, $0x38;
	[tilespmem:$0x190A0] =	vst v63  }
0x95: {  	_ =	swait.ge [sflag:s30], $0x2800  }
0x96: {  	[sflag:s30] =	ssyncset.done $0x0  }
0x97: {  	s19 =	rddreg [dreg:$0x7];
	[sflag:s30] =	ssyncadd.s32 $0xFFFFD800  }
0x98: {  	[hbm4b:s19+s4] =	stream.linear.scatter [tilespmem:s1], [sflag:$0x1], $0x2800, $0x38;
	[tilespmem:$0x190A0] =	vst v63  }
0x99: {  	_ =	swait.ge [sflag:s15], $0x2800  }
0x9a: {  	[sflag:s15] =	ssyncset.done $0x0  }
0x9b: {  	[sflag:s15] =	ssyncadd.s32 $0xFFFFD800  }
0x9c: {  	[tilespmem:s29], [sflag:$0x6] =	stream.linear.gather [spmem:s9], $0x2800, $0x38;
	[tilespmem:$0x190A0] =	vst v63  }
0x9d: {  	_ =	swait.ge [sflag:s30], $0x2800  }
0x9e: {  	[sflag:s30] =	ssyncset.done $0x0  }
0x9f: {  	s20 =	rddreg [dreg:$0x8];
	[sflag:s30] =	ssyncadd.s32 $0xFFFFD800  }
0xa0: {  	[hbm4b:s20+s4] =	stream.linear.scatter [tilespmem:s29], [sflag:$0x2], $0x2800, $0x38;
	[tilespmem:$0x190A0] =	vst v63  }
0xa1: {  	_ =	swait.ge [sflag:s2], $0x2800  }
0xa2: {  	[sflag:s2] =	ssyncset.done $0x0  }
0xa3: {  	[sflag:s2] =	ssyncadd.s32 $0xFFFFD800  }
0xa4: {  	[tilespmem:s1], [sflag:$0x6] =	stream.linear.gather [spmem:s10], $0x2800, $0x38;
	[tilespmem:$0x190A0] =	vst v63  }
0xa5: {  	_ =	swait.ge [sflag:s30], $0x2800  }
0xa6: {  	[sflag:s30] =	ssyncset.done $0x0  }
0xa7: {  	s19 =	rddreg [dreg:$0x9];
	[sflag:s30] =	ssyncadd.s32 $0xFFFFD800  }
0xa8: {  	[hbm4b:s19+s4] =	stream.linear.scatter [tilespmem:s1], [sflag:$0x1], $0x2800, $0x38;
	[tilespmem:$0x190A0] =	vst v63  }
0xa9: {  	_ =	swait.ge [sflag:s15], $0x2800  }
0xaa: {  	[sflag:s15] =	ssyncset.done $0x0  }
0xab: {  	[sflag:s15] =	ssyncadd.s32 $0xFFFFD800  }
0xac: {  	[tilespmem:s29], [sflag:$0x6] =	stream.linear.gather [spmem:s11], $0x2800, $0x38;
	[tilespmem:$0x190A0] =	vst v63  }
0xad: {  	_ =	swait.ge [sflag:s30], $0x2800  }
0xae: {  	[sflag:s30] =	ssyncset.done $0x0  }
0xaf: {  	s20 =	rddreg [dreg:$0xa];
	[sflag:s30] =	ssyncadd.s32 $0xFFFFD800  }
0xb0: {  	[hbm4b:s20+s4] =	stream.linear.scatter [tilespmem:s29], [sflag:$0x2], $0x2800, $0x38;
	[tilespmem:$0x190A0] =	vst v63  }
0xb1: {  	_ =	swait.ge [sflag:s2], $0x2800  }
0xb2: {  	[sflag:s2] =	ssyncset.done $0x0  }
0xb3: {  	[sflag:s2] =	ssyncadd.s32 $0xFFFFD800  }
0xb4: {  	[tilespmem:s1], [sflag:$0x6] =	stream.linear.gather [spmem:s12], $0x2800, $0x38;
	[tilespmem:$0x190A0] =	vst v63  }
0xb5: {  	_ =	swait.ge [sflag:s30], $0x2800  }
0xb6: {  	[sflag:s30] =	ssyncset.done $0x0  }
0xb7: {  	[sflag:s30] =	ssyncadd.s32 $0xFFFFD800  }
0xb8: {  	[hbm4b:s23+s4] =	stream.linear.scatter [tilespmem:s1], [sflag:$0x1], $0x2800, $0x38;
	[tilespmem:$0x190A0] =	vst v63  }
0xb9: {  	_ =	swait.ge [sflag:s15], $0x2800  }
0xba: {  	[sflag:s15] =	ssyncset.done $0x0  }
0xbb: {  	[sflag:s15] =	ssyncadd.s32 $0xFFFFD800  }
0xbc: {  	[tilespmem:s29], [sflag:$0x6] =	stream.linear.gather [spmem:s13], $0x2800, $0x38;
	[tilespmem:$0x190A0] =	vst v63  }
0xbd: {  	_ =	swait.ge [sflag:s30], $0x2800  }
0xbe: {  	[sflag:s30] =	ssyncset.done $0x0  }
0xbf: {  	s17 =	sadd.s32 $0x1, s17;
	[sflag:s30] =	ssyncadd.s32 $0xFFFFD800  }
0xc0: {  	[hbm4b:s24+s4] =	stream.linear.scatter [tilespmem:s29], [sflag:$0x2], $0x2800, $0x38;
	[tilespmem:$0x190A0] =	vst v63  }
0xc1: {  	p0 =	sne.s32 s17, s25;
	_ =	swait.ge [sflag:s2], $0x2800  }
.Ltmp1:
0xc2: {  	[sflag:s2] =	ssyncset.done $0x0;
	(pc) =	sbr.rel @p0 .LBB2_1-.Ltmp1, $4  }
0xc3: {  	[sflag:s2] =	ssyncadd.s32 $0xFFFFD800  }
0xc4: {  	_ =	swait.ge [sflag:s15], $0x2800  }
0xc5: {  	[sflag:s15] =	ssyncset.done $0x0  }
0xc6: {  	[sflag:s15] =	ssyncadd.s32 $0xFFFFD800  }
0xc7: {  	_ =	sfence.sel $0x180000  }
0xc8: {  	[bflag:$0x0] =	sbarrier.arrive $0xFFFF  }
0xc9: {  	_ =	strace $0x90000047  }
0xca: {  	s0 =	stileid.u32;
	[bflag:$0x2] =	sbarrier.arrive $0xFFFF  }
0xcb: {  	p0 =	sne.s32 s0, $0x0;
	s0 =	rddreg [dreg:$0x3]  }
0xcc: {  	s0 =	sadd.s32 @!p0 $0x100000, s0  }
0xcd: {  	[sflag:s0] =	ssyncadd.tile.s32 @!p0 $0x1;
	_ =	shalt  }
.Lfunc_end2:
_tile_overlayer_lowered:
.L_overlay_start_2:
0xce: {  	(tag) =	ssettag $0x2  }
0xcf: {  	s0 =	rddreg [dreg:$0x0];
	s2 =	stileid.u32  }
0xd0: {  	s1 =	rddreg [dreg:$0x1];
	p0 =	sne.s32 s2, $0x0  }
0xd1: {  	s3 =	rddreg [dreg:$0x2];
	[bflag:$0x3] =	sbarrier.arrive $0xFFFF;
	s2 =	simm.s32 @!p0 $0x1C06  }
0xd2: {  	[timem:s3], [sflag:s2] =	dma.local @!p0 [hbm:s0], s1  }
0xd3: {  	s0 =	simm.s32 @!p0 $0x6  }
0xd4: {  	_ =	swait.ge @!p0 [sflag:s0], s1  }
0xd5: {  	s1 =	ssub.s32 @!p0 $0x0, s1;
	[sflag:s0] =	ssyncset.done @!p0 $0x0  }
0xd6: {  	[sflag:s0] =	ssyncadd.s32 @!p0 s1  }
0xd7: {  	[bflag:$0x3] =	sbarrier.arrive $0xFFFF  }
0xd8: {  	_ =	shalt  }

// kernel: kernel.13.cloned.1.call-start
scs
__scs_entry_jumppad:
0x0: {  	(pc) =	sbr.rel $0x88, $3  }
0x1: {  	(tag) =	ssettag $0x0;
	lr =	simm.s32 $0x1  }
0x2: {  	[smem:$0x3F99] =	sst lr;
	_ =	strace $0xD0000000  }
0x3: {  	_ = 	snop  }
0x4: {  	_ = 	snop  }
0x5: {  	_ = 	snop  }
0x6: {  	_ = 	snop  }
0x7: {  	_ = 	snop  }
__scs_overlays_trampoline_lowered:
0x8: {  	[smem:$0x3FA8] =	sst s0  }
0x9: {  	[smem:$0x3FA9] =	sst s1  }
0xa: {  	[smem:$0x3FAA] =	sst s2  }
0xb: {  	[smem:$0x3FAB] =	sst s3  }
0xc: {  	[smem:$0x3FAC] =	sst s4  }
0xd: {  	[smem:$0x3FAD] =	sst s5  }
0xe: {  	[smem:$0x3FAE] =	sst s6  }
0xf: {  	[smem:$0x3FAF] =	sst s7  }
0x10: {  	[smem:$0x3FB0] =	sst s8  }
0x11: {  	[smem:$0x3FB1] =	sst s9;
	s0 =	simm.s32 @!p0 $0x0  }
0x12: {  	s1 =	sld [smem:$0x3F97];
	s0 =	simm.s32 @p0 $0x1  }
0x13: {  	[smem:$0x3FB2] =	sst s0;
	s0 =	simm.s32 @!p1 $0x0  }
0x14: {  	s2 =	sld [smem:$0x3F96];
	s0 =	simm.s32 @p1 $0x1  }
0x15: {  	[smem:$0x3FB3] =	sst s0;
	s0 =	simm.s32 @!p2 $0x0  }
0x16: {  	s3 =	sld [smem:$0x3FDB];
	s0 =	simm.s32 @p2 $0x1  }
0x17: {  	s4 =	simm.s32 $0x1BF5;
	[smem:$0x3FB5] =	sst s0  }
0x18: {  	s0 =	sld [smem:$0x3F98];
	_ =	swait.ge [sflag:s4], $0x0  }
0x19: {  	s7 =	sld [smem:$0x3F99]  }
0x1a: {  	s8 =	sadd.s32 $0xFFFFE003, lr  }
0x1b: {  	s9 =	sadd.s32 $0xFFFFFEF7, lr;
	s5 =	simm.s32 $0xFFFFFFFF;
	p2 =	slt.u32 s8, $0xFFFFF086  }
0x1c: {  	p1 =	slt.u32 s9, $0xF7A;
	s5 =	simm.s32 @!p2 $0x0  }
0x1d: {  	s5 =	simm.s32 @p1 $0x1;
	p0 =	seq.s32 s7, s2  }
0x1e: {  	s7 =	smul.u32 @!p0 $0xF7A, s2;
	p2 =	seq.s32 @!p0 s5, $0x0  }
0x1f: {  	s9 =	smul.u32 $0xF7A, s1;
	s8 =	simm.s32 @!p0 $0x1BF5;
	p2 =	por !p2, p0  }
0x20: {  	[sflag:s8] =	ssyncset.s32 @!p0 $0xFFFFF086;
	s6 =	sadd.s32 @!p0 s3, s7;
	s7 =	simm.s32 @!p0 $0x108  }
0x21: {  	s3 =	sadd.s32 s3, s9;
	s6 =	sadd.s32 @!p0 $0x88, s6;
	s7 =	simm.s32 @p2 $0x1082  }
0x22: {  	[simem:s7], [sflag:s8] =	dma.local @!p0 [hbm:s6], $0xF7A  }
0x23: {  	s9 =	sor.u32 $0xD0000000, s2;
	s6 =	simm.s32 $0x108;
	_ =	swait.ge @!p0 [sflag:s8], $0x0  }
0x24: {  	s3 =	sadd.s32 $0x88, s3;
	s6 =	simm.s32 @!p1 $0x1082;
	[sflag:s4] =	ssyncset.s32 $0xFFFFF086  }
0x25: {  	[simem:s6], [sflag:s4] =	dma.local [hbm:s3], $0xF7A  }
0x26: {  	[smem:$0x3F99] =	sst s1;
	(tag) =	ssettag s2;
	_ =	strace s9  }
0x27: {  	s1 =	sld [smem:$0x3FA9]  }
0x28: {  	s2 =	sld [smem:$0x3FAA]  }
0x29: {  	s4 =	sld [smem:$0x3FAC]  }
0x2a: {  	p0 =	seq.s32 s5, $0x0;
	s5 =	sld [smem:$0x3FAD]  }
0x2b: {  	s6 =	sld [smem:$0x3FAE]  }
0x2c: {  	s7 =	sld [smem:$0x3FAF]  }
0x2d: {  	s3 =	simm.s32 $0x108;
	s8 =	sld [smem:$0x3FB0]  }
0x2e: {  	s3 =	simm.s32 @!p0 $0x1082;
	s9 =	sld [smem:$0x3FB1]  }
0x2f: {  	lr =	sadd.s32 s0, s3;
	s0 =	sld [smem:$0x3FA8]  }
0x30: {  	s3 =	sld [smem:$0x3FAB]  }
0x31: {  	[smem:$0x3FB4] =	sst s10  }
0x32: {  	s10 =	sld [smem:$0x3FB2];
	_ =	sdelay $0x3  }
0x33: {  	p0 =	seq.s32 s10, $0x1;
	s10 =	sld [smem:$0x3FB4];
	_ =	sdelay $0x3  }
0x34: {  	[smem:$0x3FB4] =	sst s10  }
0x35: {  	s10 =	sld [smem:$0x3FB3];
	_ =	sdelay $0x3  }
0x36: {  	p1 =	seq.s32 s10, $0x1;
	s10 =	sld [smem:$0x3FB4];
	_ =	sdelay $0x3  }
0x37: {  	[smem:$0x3FB4] =	sst s10  }
0x38: {  	s10 =	sld [smem:$0x3FB5]  }
0x39: {  	_ = 	snop;
	(pc) =	sbr.ind lr, $3  }
0x3a: {  	_ = 	snop  }
0x3b: {  	_ = 	snop  }
0x3c: {  	p2 =	seq.s32 s10, $0x1;
	s10 =	sld [smem:$0x3FB4]  }
0x3d: {  	_ =	shalt  }
0x3e: {  	_ =	shalt  }
0x3f: {  	_ =	shalt  }
0x40: {  	_ =	shalt  }
0x41: {  	_ =	shalt  }
0x42: {  	_ =	shalt  }
0x43: {  	_ =	shalt  }
0x44: {  	_ =	shalt  }
0x45: {  	_ =	shalt  }
0x46: {  	_ =	shalt  }
0x47: {  	_ =	shalt  }
0x48: {  	_ =	shalt  }
0x49: {  	_ =	shalt  }
0x4a: {  	_ =	shalt  }
0x4b: {  	_ =	shalt  }
0x4c: {  	_ =	shalt  }
0x4d: {  	_ =	shalt  }
0x4e: {  	_ =	shalt  }
0x4f: {  	_ =	shalt  }
0x50: {  	_ =	shalt  }
0x51: {  	_ =	shalt  }
0x52: {  	_ =	shalt  }
0x53: {  	_ =	shalt  }
0x54: {  	_ =	shalt  }
0x55: {  	_ =	shalt  }
0x56: {  	_ =	shalt  }
0x57: {  	_ =	shalt  }
0x58: {  	_ =	shalt  }
0x59: {  	_ =	shalt  }
0x5a: {  	_ =	shalt  }
0x5b: {  	_ =	shalt  }
0x5c: {  	_ =	shalt  }
0x5d: {  	_ =	shalt  }
0x5e: {  	_ =	shalt  }
0x5f: {  	_ =	shalt  }
0x60: {  	_ =	shalt  }
0x61: {  	_ =	shalt  }
0x62: {  	_ =	shalt  }
0x63: {  	_ =	shalt  }
0x64: {  	_ =	shalt  }
0x65: {  	_ =	shalt  }
0x66: {  	_ =	shalt  }
0x67: {  	_ =	shalt  }
0x68: {  	_ =	shalt  }
0x69: {  	_ =	shalt  }
0x6a: {  	_ =	shalt  }
0x6b: {  	_ =	shalt  }
0x6c: {  	_ =	shalt  }
0x6d: {  	_ =	shalt  }
0x6e: {  	_ =	shalt  }
0x6f: {  	_ =	shalt  }
0x70: {  	_ =	shalt  }
0x71: {  	_ =	shalt  }
0x72: {  	_ =	shalt  }
0x73: {  	_ =	shalt  }
0x74: {  	_ =	shalt  }
0x75: {  	_ =	shalt  }
0x76: {  	_ =	shalt  }
0x77: {  	_ =	shalt  }
0x78: {  	_ =	shalt  }
0x79: {  	_ =	shalt  }
0x7a: {  	_ =	shalt  }
0x7b: {  	_ =	shalt  }
0x7c: {  	_ =	shalt  }
0x7d: {  	_ =	shalt  }
0x7e: {  	_ =	shalt  }
0x7f: {  	_ =	shalt  }
0x80: {  	_ =	shalt  }
0x81: {  	_ =	shalt  }
0x82: {  	_ =	shalt  }
0x83: {  	_ =	shalt  }
0x84: {  	_ =	shalt  }
0x85: {  	_ =	shalt  }
0x86: {  	_ =	shalt  }
0x87: {  	_ =	shalt  }
.Lfunc_end0:
.L_simem_size_0:
called_computation.1_lowered:
.L_overlay_start_0:
0x88: {  	s2 =	sld [smem:$0x3FD9]  }
0x89: {  	s3 =	sld [smem:$0x3FFE];
	_ =	sdelay $0x1  }
0x8a: {  	s1 =	srdreg.scid  }
0x8b: {  	s0 =	sand.u32 $0x1, s1  }
0x8c: {  	s17 =	sshll.u32 s0, $0xA;
	s2 =	sadd.s32 s3, s2  }
0x8d: {  	s2 =	sadd.s32 s2, s17  }
0x8e: {  	[smem:$0x3FC0] =	sst s2  }
0x8f: {  	_ = 	snop  }
0x90: {  	s2 =	sld [smem:$0x3FD0];
	(tm) =	ssettm $0x1  }
0x91: {  	s18 =	sld [smem:$0x3FFB];
	_ =	sdelay $0x3  }
0x92: {  	_ =	strace s18  }
0x93: {  	s3 =	sld [smem:$0x3FFC];
	_ =	sdelay $0x3  }
0x94: {  	_ =	strace s3  }
0x95: {  	s3 =	sld [smem:$0x3FFD];
	_ =	sdelay $0x3  }
0x96: {  	_ =	strace s3  }
0x97: {  	_ =	strace $0x8FFFFFFF  }
0x98: {  	s19 =	sld [smem:$0x3FDB];
	_ =	sdelay $0x1  }
0x99: {  	s4 =	simm.s32 $_scs_section_size  }
0x9a: {  	s5 =	simm.s32 $_size__tile_overlayer_lowered;
	s6 =	simm.s32 $_tile_overlayer_lowered  }
0x9b: {  	s22 =	simm.s32 $0x1BFF;
	s21 =	sshll.u32 s6, $0x1;
	s3 =	sadd.s32 s4, s19  }
0x9c: {  	s7 =	simm.s32 $0x0;
	s20 =	sshll.u32 s5, $0x1;
	s5 =	sadd.s32 s21, s3  }
0x9d: {  	[timem:s7], [sflag:s22] =	dma.local [hbm:s5], s20  }
0x9e: {  	_ =	swait.ge [sflag:s22], s20  }
0x9f: {  	s4 =	ssub.s32 $0x0, s20;
	[sflag:s22] =	ssyncset.done $0x0  }
0xa0: {  	[sflag:s22] =	ssyncadd.s32 s4;
	_ =	sdelay $0x1  }
0xa1: {  	s23 =	simm.s32 $0x1B8B  }
0xa2: {  	_ =	swait.ge [sflag:s23], $0x1  }
0xa3: {  	[sflag:s23] =	ssyncset.done $0x0  }
0xa4: {  	s25 =	simm.s32 $0x1B8E;
	s24 =	sld [smem:$0x3FFE];
	[sflag:s23] =	ssyncadd.s32 $0xFFFFFFFF  }
0xa5: {  	s26 =	simm.s32 $execute0_lowered;
	[smem:$0x3FD2] =	sst s25  }
0xa6: {  	s5 =	sshll.u32 s26, $0x1;
	_ =	strace $0x80000049;
	[dreg:$0x1] =	wrdreg $0xFFFFFFFF  }
0xa7: {  	s28 =	simm.s32 $_size_execute0_lowered;
	s3 =	sadd.s32 s3, s5;
	[dreg:$0x0] =	wrdreg $0x0  }
0xa8: {  	s5 =	sshll.u32 s28, $0x1;
	[dreg:$0x2] =	wrdreg s3  }
0xa9: {  	[dreg:$0x3] =	wrdreg s5  }
0xaa: {  	[dreg:$0x4] =	wrdreg $0xC0  }
0xab: {  	_ =	task [dreg:s7], $0x5FFFF  }
0xac: {  	[dreg:$0x1] =	wrdreg $0xFFFFFFFF  }
0xad: {  	[dreg:$0x0] =	wrdreg $0x60  }
0xae: {  	[dreg:$0x2] =	wrdreg s2  }
0xaf: {  	[dreg:$0x3] =	wrdreg s24  }
0xb0: {  	[dreg:$0x4] =	wrdreg $0x77B00  }
0xb1: {  	[dreg:$0x5] =	wrdreg $0x9  }
0xb2: {  	_ =	task.clear_ibuf [dreg:s7], $0x6FFFF;
	_ =	strace $0x90000049  }
0xb3: {  	s29 =	simm.s32 $0x9;
	_ =	strace $0x8000004B  }
0xb4: {  	_ =	swait.ge [sflag:s29], $0x1  }
0xb5: {  	[sflag:s29] =	ssyncadd.s32 $0xFFFFFFFF  }
0xb6: {  	_ =	strace $0x9000004B  }
0xb7: {  	_ =	sfence  }
0xb8: {  	s30 =	sld [smem:$0x0];
	_ =	sdelay $0x2  }
0xb9: {  	s31 =	sshll.u32 s1, $0xD;
	s1 =	sshrl.u32 s1, $0x2  }
0xba: {  	s3 =	sand.u32 $0x4000, s31;
	s1 =	sadd.s32 s1, s30  }
0xbb: {  	s0 =	sor.u32 s3, s0;
	s1 =	sshll.u32 s1, $0x11  }
0xbc: {  	s0 =	sor.u32 s1, s0  }
0xbd: {  	s0 =	sadd.s32 $0x8F2B, s0  }
0xbe: {  	[sflag:s0] =	ssyncadd.remote.s32 $0x1  }
0xbf: {  	_ =	sfence.sel $0xFFFF  }
0xc0: {  	[dreg:$0x0] =	wrdreg $0xFFFFFFFF;
	(pc) =	sbr.abs _section_cstart, $3  }
0xc1: {  	[dreg:$0x1] =	wrdreg $0xFFFFFFFF  }
0xc2: {  	_ =	task.clear_ibuf [dreg:s7], $0x2FFFF;
	_ =	strace $0x9FFFFFFF  }
0xc3: {  	(tm) =	ssettm $0x7FFFFFFF  }
tec
execute0_lowered:
.L_overlay_start_1:
0x0: {  	(tag) =	ssettag $0x1  }
0x1: {  	s1 =	rddreg [dreg:$0x0]  }
0x2: {  	s0 =	srdreg.scid;
	s5 =	rddreg [dreg:$0x1]  }
0x3: {  	s13 =	stileid.u32;
	s3 =	rddreg [dreg:$0x2];
	s4 =	simm.s32 $0x0  }
0x4: {  	s30 =	simm.s32 $0x8;
	s31 =	simm.s32 $0x27B0;
	s6 =	smul.u32 $0x280, s13  }
0x5: {  	s0 =	sand.u32 $0x1, s0;
	[smem:$0x7FF] =	sst s4;
	s9 =	smul.u32 $0x50000, s13  }
0x6: {  	s14 =	sadd.s32 $0xCA00, s5;
	s10 =	sadd.s32 $0x16800, s5;
	s2 =	sshll.u32 s0, $0x4  }
0x7: {  	s7 =	smul.u32 $0x2800, s0;
	_ =	strace $0x8000004A;
	[dreg:$0x4] =	wrdreg s10  }
0x8: {  	s15 =	ssub.s32 $0x2, s0;
	s0 =	smul.u32 $0x27100, s0;
	s2 =	sor.u32 s13, s2  }
0x9: {  	s9 =	sshrl.u32 s9, $0x2;
	s16 =	sshrl.u32 s15, $0x1;
	s2 =	smul.u32 $0x2710, s2  }
0xa: {  	s6 =	sadd.s32 s6, s7;
	s7 =	ssub.s32 s15, s16;
	s15 =	smul.u32 $0x2710, s13  }
0xb: {  	s6 =	sshll.u32 s6, $0x4;
	s26 =	smax.u32 s7, $0x1;
	s7 =	simm.s32 $0x2760  }
0xc: {  	s2 =	sshrl.u32 s2, $0x3;
	s0 =	sadd.s32 s15, s0;
	[dreg:$0xf] =	wrdreg s26  }
0xd: {  	s15 =	simm.s32 $0x4FB0;
	s8 =	sadd.s32 s2, s5;
	s5 =	sadd.s32 s6, s5  }
0xe: {  	s6 =	sadd.s32 s9, s3;
	s16 =	sadd.s32 s14, s2;
	s21 =	sadd.s32 $0x140, s0  }
0xf: {  	s0 =	sadd.s32 $0xF0, s0;
	s8 =	sadd.s32 $0x2C00, s8;
	s9 =	sadd.s32 $0x5000, s6  }
0x10: {  	s10 =	sadd.s32 $0x7800, s6;
	s11 =	sadd.s32 $0xA000, s6;
	[dreg:$0x6] =	wrdreg s16  }
0x11: {  	s12 =	sadd.s32 $0xC800, s6;
	s17 =	sadd.s32 $0x16E00, s5;
	[dreg:$0x5] =	wrdreg s8  }
0x12: {  	s13 =	sadd.s32 $0xF000, s6;
	s18 =	sadd.s32 $0x17300, s5;
	[dreg:$0x7] =	wrdreg s17  }
0x13: {  	s19 =	sadd.s32 $0x17800, s5;
	s20 =	sadd.s32 $0x17D00, s5;
	[dreg:$0x8] =	wrdreg s18  }
0x14: {  	s22 =	sadd.s32 $0x18200, s5;
	s2 =	sshrl.u32 s21, $0x3;
	[dreg:$0x9] =	wrdreg s19  }
0x15: {  	s0 =	sshrl.u32 s0, $0x3;
	s23 =	sadd.s32 $0x18700, s5;
	[dreg:$0xa] =	wrdreg s20  }
0x16: {  	s24 =	sadd.s32 $0x18C00, s5;
	s25 =	sadd.s32 $0x19100, s5;
	[dreg:$0xb] =	wrdreg s22  }
0x17: {  	s26 =	sadd.s32 $0x11800, s6;
	s28 =	sadd.s32 $0xA, s16;
	[dreg:$0xc] =	wrdreg s23  }
0x18: {  	s29 =	sadd.s32 $0x14, s16;
	s5 =	simm.s32 $0x50;
	[dreg:$0xd] =	wrdreg s24  }
0x19: {  	s16 =	simm.s32 $0x1;
	s8 =	sadd.s32 $0x2800, s6;
	[dreg:$0xe] =	wrdreg s25  }
0x1a: {  	s21 =	sadd.s32 s2, s14;
	s22 =	sadd.s32 s0, s14;
	[dreg:$0x10] =	wrdreg s28  }
0x1b: {  	[dreg:$0x11] =	wrdreg s29;
	s2 =	simm.s32 $0x7;
	s0 =	simm.s32 $0x2710  }
0x1c: {  	s17 =	simm.s32 $0x3;
	s18 =	simm.s32 $0x5;
	s19 =	simm.s32 $0x2  }
0x1d: {  	s20 =	simm.s32 $0x4;
	s23 =	simm.s32 $0x6;
	s24 =	simm.s32 $0x0  }
.LBB2_1:
0x1e: {  	s14 =	rddreg [dreg:$0x5]  }
0x1f: {  	[tilespmem:s4], [sflag:$0x8] =	stream.linear.gather [hbm4b:s14+s4], $0x2710, $0x38;
	[tilespmem:$0x1B7B0] =	vst v63  }
0x20: {  	_ =	swait.ge [sflag:s30], $0x2710  }
0x21: {  	[sflag:s30] =	ssyncset.done $0x0  }
0x22: {  	s25 =	rddreg [dreg:$0x4];
	[sflag:s30] =	ssyncadd.s32 $0xFFFFD8F0  }
0x23: {  	[tilespmem:s31], [sflag:$0x8] =	stream.linear.gather [hbm4b:s25+s4], $0x2800, $0x38;
	[tilespmem:$0x1B7B0] =	vst v63  }
0x24: {  	_ =	swait.ge [sflag:s30], $0x2800  }
0x25: {  	[sflag:s30] =	ssyncset.done $0x0  }
0x26: {  	[sflag:s30] =	ssyncadd.s32 $0xFFFFD800  }
0x27: {  	[spmem:s6] =	stream.linear.scatter [tilespmem:s31], [sflag:$0x7], $0x2800, $0x38;
	[tilespmem:$0x1B7B0] =	vst v63  }
0x28: {  	_ = 	snop  }
0x29: {  	[spmem:s8] =	stream.linear.scatter [tilespmem:s31], [sflag:$0x7], $0x2800, $0x38;
	[tilespmem:$0x1B7B0] =	vst v63  }
0x2a: {  	_ = 	snop  }
0x2b: {  	[spmem:s9] =	stream.linear.scatter [tilespmem:s31], [sflag:$0x7], $0x2800, $0x38;
	[tilespmem:$0x1B7B0] =	vst v63  }
0x2c: {  	_ = 	snop  }
0x2d: {  	[spmem:s10] =	stream.linear.scatter [tilespmem:s31], [sflag:$0x7], $0x2800, $0x38;
	[tilespmem:$0x1B7B0] =	vst v63  }
0x2e: {  	_ = 	snop  }
0x2f: {  	[spmem:s11] =	stream.linear.scatter [tilespmem:s31], [sflag:$0x7], $0x2800, $0x38;
	[tilespmem:$0x1B7B0] =	vst v63  }
0x30: {  	_ = 	snop  }
0x31: {  	[spmem:s12] =	stream.linear.scatter [tilespmem:s31], [sflag:$0x7], $0x2800, $0x38;
	[tilespmem:$0x1B7B0] =	vst v63  }
0x32: {  	_ = 	snop  }
0x33: {  	[spmem:s13] =	stream.linear.scatter [tilespmem:s31], [sflag:$0x7], $0x2800, $0x38;
	[tilespmem:$0x1B7B0] =	vst v63  }
0x34: {  	_ = 	snop  }
0x35: {  	[spmem:s26] =	stream.linear.scatter [tilespmem:s31], [sflag:$0x7], $0x2800, $0x38;
	[tilespmem:$0x1B7B0] =	vst v63  }
0x36: {  	_ =	swait.ge [sflag:s2], $0x2800  }
0x37: {  	[sflag:s2] =	ssyncset.done $0x0  }
0x38: {  	[sflag:s2] =	ssyncadd.s32 $0xFFFFD800  }
0x39: {  	_ =	swait.ge [sflag:s2], $0x2800  }
0x3a: {  	[sflag:s2] =	ssyncset.done $0x0  }
0x3b: {  	[sflag:s2] =	ssyncadd.s32 $0xFFFFD800  }
0x3c: {  	_ =	swait.ge [sflag:s2], $0x2800  }
0x3d: {  	[sflag:s2] =	ssyncset.done $0x0  }
0x3e: {  	[sflag:s2] =	ssyncadd.s32 $0xFFFFD800  }
0x3f: {  	_ =	swait.ge [sflag:s2], $0x2800  }
0x40: {  	[sflag:s2] =	ssyncset.done $0x0  }
0x41: {  	[sflag:s2] =	ssyncadd.s32 $0xFFFFD800  }
0x42: {  	_ =	swait.ge [sflag:s2], $0x2800  }
0x43: {  	[sflag:s2] =	ssyncset.done $0x0  }
0x44: {  	[sflag:s2] =	ssyncadd.s32 $0xFFFFD800  }
0x45: {  	_ =	swait.ge [sflag:s2], $0x2800  }
0x46: {  	[sflag:s2] =	ssyncset.done $0x0  }
0x47: {  	[sflag:s2] =	ssyncadd.s32 $0xFFFFD800  }
0x48: {  	_ =	swait.ge [sflag:s2], $0x2800  }
0x49: {  	[sflag:s2] =	ssyncset.done $0x0  }
0x4a: {  	[sflag:s2] =	ssyncadd.s32 $0xFFFFD800  }
0x4b: {  	_ =	swait.ge [sflag:s2], $0x2800  }
0x4c: {  	[sflag:s2] =	ssyncset.done $0x0  }
0x4d: {  	[sflag:s2] =	ssyncadd.s32 $0xFFFFD800  }
0x4e: {  	[bflag:$0x0] =	sbarrier.arrive $0xFFFF  }
0x4f: {  	s28 =	rddreg [dreg:$0x6]  }
0x50: {  	[tilespmem:s0], [sflag:$0x3] =	stream.linear.gather [hbm4b:s28+s4], $0x50, $0x38;
	[tilespmem:$0x1B7B0] =	vst v63  }
0x51: {  	_ = 	snop  }
0x52: {  	[tilespmem:s31], [sflag:$0x1] =	stream.indirect.gather [hbm4b:s1+s5], $0x80, s4, s5, $0xb8;
	[tilespmem:$0x1B7B0] =	vst v63  }
0x53: {  	s29 =	rddreg [dreg:$0x10]  }
0x54: {  	[tilespmem:s7], [sflag:$0x4] =	stream.linear.gather [hbm4b:s29+s4], $0x50, $0x38;
	[tilespmem:$0x1B7B0] =	vst v63  }
0x55: {  	_ = 	snop  }
0x56: {  	[tilespmem:s15], [sflag:$0x2] =	stream.indirect.gather [hbm4b:s1+s5], $0x80, s5, s5, $0xb8;
	[tilespmem:$0x1B7B0] =	vst v63  }
0x57: {  	_ =	swait.ge [sflag:s16], $0x2800  }
0x58: {  	[sflag:s16] =	ssyncset.done $0x0  }
0x59: {  	[sflag:s16] =	ssyncadd.s32 $0xFFFFD800  }
0x5a: {  	_ =	swait.ge [sflag:s17], $0x50  }
0x5b: {  	[sflag:s17] =	ssyncset.done $0x0  }
0x5c: {  	[sflag:s17] =	ssyncadd.s32 $0xFFFFFFB0  }
0x5d: {  	[spmem:s3] =	stream.indirect.scatter.add.f32 [tilespmem:s31], [sflag:$0x5], $0x80, s0, s5, $0xb8;
	[tilespmem:$0x1B7B0] =	vst v63  }
0x5e: {  	_ =	swait.ge [sflag:s18], $0x2800  }
0x5f: {  	[sflag:s18] =	ssyncset.done $0x0  }
0x60: {  	s25 =	rddreg [dreg:$0x11];
	[sflag:s18] =	ssyncadd.s32 $0xFFFFD800  }
0x61: {  	[tilespmem:s0], [sflag:$0x3] =	stream.linear.gather [hbm4b:s25+s4], $0x50, $0x38;
	[tilespmem:$0x1B7B0] =	vst v63  }
0x62: {  	s28 =	simm.s32 $0xA0  }
0x63: {  	[tilespmem:s31], [sflag:$0x1] =	stream.indirect.gather [hbm4b:s1+s5], $0x80, s28, s5, $0xb8;
	[tilespmem:$0x1B7B0] =	vst v63  }
0x64: {  	_ =	swait.ge [sflag:s19], $0x2800  }
0x65: {  	[sflag:s19] =	ssyncset.done $0x0  }
0x66: {  	[sflag:s19] =	ssyncadd.s32 $0xFFFFD800  }
0x67: {  	_ =	swait.ge [sflag:s20], $0x50  }
0x68: {  	[sflag:s20] =	ssyncset.done $0x0  }
0x69: {  	[sflag:s20] =	ssyncadd.s32 $0xFFFFFFB0  }
0x6a: {  	[spmem:s3] =	stream.indirect.scatter.add.f32 [tilespmem:s15], [sflag:$0x6], $0x80, s7, s5, $0xb8;
	[tilespmem:$0x1B7B0] =	vst v63  }
0x6b: {  	_ =	swait.ge [sflag:s23], $0x2800  }
0x6c: {  	[sflag:s23] =	ssyncset.done $0x0  }
0x6d: {  	s29 =	sadd.s32 $0x0, s22;
	[sflag:s23] =	ssyncadd.s32 $0xFFFFD800  }
0x6e: {  	[tilespmem:s7], [sflag:$0x4] =	stream.linear.gather [hbm4b:s29+s4], $0x50, $0x38;
	[tilespmem:$0x1B7B0] =	vst v63  }
0x6f: {  	s25 =	simm.s32 $0xF0  }
0x70: {  	[tilespmem:s15], [sflag:$0x2] =	stream.indirect.gather [hbm4b:s1+s5], $0x80, s25, s5, $0xb8;
	[tilespmem:$0x1B7B0] =	vst v63  }
0x71: {  	_ =	swait.ge [sflag:s16], $0x2800  }
0x72: {  	[sflag:s16] =	ssyncset.done $0x0  }
0x73: {  	[sflag:s16] =	ssyncadd.s32 $0xFFFFD800  }
0x74: {  	_ =	swait.ge [sflag:s17], $0x50  }
0x75: {  	[sflag:s17] =	ssyncset.done $0x0  }
0x76: {  	[sflag:s17] =	ssyncadd.s32 $0xFFFFFFB0  }
0x77: {  	[spmem:s3] =	stream.indirect.scatter.add.f32 [tilespmem:s31], [sflag:$0x5], $0x80, s0, s5, $0xb8;
	[tilespmem:$0x1B7B0] =	vst v63  }
0x78: {  	_ =	swait.ge [sflag:s18], $0x2800  }
0x79: {  	[sflag:s18] =	ssyncset.done $0x0  }
0x7a: {  	s28 =	sadd.s32 $0x0, s21;
	[sflag:s18] =	ssyncadd.s32 $0xFFFFD800  }
0x7b: {  	[tilespmem:s0], [sflag:$0x3] =	stream.linear.gather [hbm4b:s28+s4], $0x50, $0x38;
	[tilespmem:$0x1B7B0] =	vst v63  }
0x7c: {  	s29 =	simm.s32 $0x140  }
0x7d: {  	[tilespmem:s31], [sflag:$0x1] =	stream.indirect.gather [hbm4b:s1+s5], $0x80, s29, s5, $0xb8;
	[tilespmem:$0x1B7B0] =	vst v63  }
0x7e: {  	_ =	swait.ge [sflag:s19], $0x2800  }
0x7f: {  	[sflag:s19] =	ssyncset.done $0x0  }
0x80: {  	[sflag:s19] =	ssyncadd.s32 $0xFFFFD800  }
0x81: {  	_ =	swait.ge [sflag:s20], $0x50  }
0x82: {  	[sflag:s20] =	ssyncset.done $0x0  }
0x83: {  	s14 =	simm.s32 $0x1E0;
	s25 =	simm.s32 $0x14;
	[sflag:s20] =	ssyncadd.s32 $0xFFFFFFB0  }
.LBB2_2:
0x84: {  	[spmem:s3] =	stream.indirect.scatter.add.f32 [tilespmem:s15], [sflag:$0x6], $0x80, s7, s5, $0xb8;
	[tilespmem:$0x1B7B0] =	vst v63  }
0x85: {  	s28 =	smov.u32 s25  }
0x86: {  	p0 =	sne.s32 s25, $0x4B0;
	s25 =	sadd.s32 $0x14, s25;
	_ =	swait.ge [sflag:s23], $0x2800  }
0x87: {  	[sflag:s23] =	ssyncset.done $0x0  }
0x88: {  	s29 =	sadd.s32 s28, s22;
	[sflag:s23] =	ssyncadd.s32 $0xFFFFD800  }
0x89: {  	[tilespmem:s7], [sflag:$0x4] =	stream.linear.gather [hbm4b:s29+s4], $0x50, $0x38;
	[tilespmem:$0x1B7B0] =	vst v63  }
0x8a: {  	s29 =	sadd.s32 $0xFFFFFFB0, s14  }
0x8b: {  	[tilespmem:s15], [sflag:$0x2] =	stream.indirect.gather [hbm4b:s1+s5], $0x80, s29, s5, $0xb8;
	[tilespmem:$0x1B7B0] =	vst v63  }
0x8c: {  	_ =	swait.ge [sflag:s16], $0x2800  }
0x8d: {  	[sflag:s16] =	ssyncset.done $0x0  }
0x8e: {  	[sflag:s16] =	ssyncadd.s32 $0xFFFFD800  }
0x8f: {  	_ =	swait.ge [sflag:s17], $0x50  }
0x90: {  	[sflag:s17] =	ssyncset.done $0x0  }
0x91: {  	[sflag:s17] =	ssyncadd.s32 $0xFFFFFFB0  }
0x92: {  	[spmem:s3] =	stream.indirect.scatter.add.f32 [tilespmem:s31], [sflag:$0x5], $0x80, s0, s5, $0xb8;
	[tilespmem:$0x1B7B0] =	vst v63  }
0x93: {  	_ =	swait.ge [sflag:s18], $0x2800  }
0x94: {  	[sflag:s18] =	ssyncset.done $0x0  }
0x95: {  	s28 =	sadd.s32 s28, s21;
	[sflag:s18] =	ssyncadd.s32 $0xFFFFD800  }
0x96: {  	[tilespmem:s0], [sflag:$0x3] =	stream.linear.gather [hbm4b:s28+s4], $0x50, $0x38;
	[tilespmem:$0x1B7B0] =	vst v63  }
0x97: {  	_ = 	snop  }
0x98: {  	[tilespmem:s31], [sflag:$0x1] =	stream.indirect.gather [hbm4b:s1+s5], $0x80, s14, s5, $0xb8;
	[tilespmem:$0x1B7B0] =	vst v63  }
0x99: {  	_ =	swait.ge [sflag:s19], $0x2800  }
.Ltmp0:
0x9a: {  	[sflag:s19] =	ssyncset.done $0x0;
	(pc) =	sbr.rel @p0 .LBB2_2-.Ltmp0, $4  }
0x9b: {  	[sflag:s19] =	ssyncadd.s32 $0xFFFFD800  }
0x9c: {  	_ =	swait.ge [sflag:s20], $0x50  }
0x9d: {  	[sflag:s20] =	ssyncset.done $0x0  }
0x9e: {  	s14 =	sadd.s32 $0xA0, s14;
	[sflag:s20] =	ssyncadd.s32 $0xFFFFFFB0  }
0x9f: {  	[spmem:s3] =	stream.indirect.scatter.add.f32 [tilespmem:s15], [sflag:$0x6], $0x80, s7, s5, $0xb8;
	[tilespmem:$0x1B7B0] =	vst v63  }
0xa0: {  	_ =	swait.ge [sflag:s16], $0x2800  }
0xa1: {  	[sflag:s16] =	ssyncset.done $0x0  }
0xa2: {  	[sflag:s16] =	ssyncadd.s32 $0xFFFFD800  }
0xa3: {  	_ =	swait.ge [sflag:s17], $0x50  }
0xa4: {  	[sflag:s17] =	ssyncset.done $0x0  }
0xa5: {  	[sflag:s17] =	ssyncadd.s32 $0xFFFFFFB0  }
0xa6: {  	[spmem:s3] =	stream.indirect.scatter.add.f32 [tilespmem:s31], [sflag:$0x5], $0x80, s0, s5, $0xb8;
	[tilespmem:$0x1B7B0] =	vst v63  }
0xa7: {  	_ =	swait.ge [sflag:s18], $0x2800  }
0xa8: {  	[sflag:s18] =	ssyncset.done $0x0  }
0xa9: {  	[sflag:s18] =	ssyncadd.s32 $0xFFFFD800  }
0xaa: {  	_ =	swait.ge [sflag:s23], $0x2800  }
0xab: {  	[sflag:s23] =	ssyncset.done $0x0  }
0xac: {  	[sflag:s23] =	ssyncadd.s32 $0xFFFFD800  }
0xad: {  	[bflag:$0x0] =	sbarrier.arrive $0xFFFF  }
0xae: {  	[tilespmem:s31], [sflag:$0x8] =	stream.linear.gather [spmem:s6], $0x2800, $0x38;
	[tilespmem:$0x1B7B0] =	vst v63  }
0xaf: {  	_ =	swait.ge [sflag:s30], $0x2800  }
0xb0: {  	[sflag:s30] =	ssyncset.done $0x0  }
0xb1: {  	s14 =	rddreg [dreg:$0x7];
	[sflag:s30] =	ssyncadd.s32 $0xFFFFD800  }
0xb2: {  	[hbm4b:s14+s4] =	stream.linear.scatter [tilespmem:s31], [sflag:$0x1], $0x2800, $0x38;
	[tilespmem:$0x1B7B0] =	vst v63  }
0xb3: {  	_ = 	snop  }
0xb4: {  	[tilespmem:s15], [sflag:$0x8] =	stream.linear.gather [spmem:s8], $0x2800, $0x38;
	[tilespmem:$0x1B7B0] =	vst v63  }
0xb5: {  	_ =	swait.ge [sflag:s30], $0x2800  }
0xb6: {  	[sflag:s30] =	ssyncset.done $0x0  }
0xb7: {  	s28 =	rddreg [dreg:$0x8];
	[sflag:s30] =	ssyncadd.s32 $0xFFFFD800  }
0xb8: {  	[hbm4b:s28+s4] =	stream.linear.scatter [tilespmem:s15], [sflag:$0x2], $0x2800, $0x38;
	[tilespmem:$0x1B7B0] =	vst v63  }
0xb9: {  	_ =	swait.ge [sflag:s16], $0x2800  }
0xba: {  	[sflag:s16] =	ssyncset.done $0x0  }
0xbb: {  	[sflag:s16] =	ssyncadd.s32 $0xFFFFD800  }
0xbc: {  	[tilespmem:s31], [sflag:$0x8] =	stream.linear.gather [spmem:s9], $0x2800, $0x38;
	[tilespmem:$0x1B7B0] =	vst v63  }
0xbd: {  	_ =	swait.ge [sflag:s30], $0x2800  }
0xbe: {  	[sflag:s30] =	ssyncset.done $0x0  }
0xbf: {  	s29 =	rddreg [dreg:$0x9];
	[sflag:s30] =	ssyncadd.s32 $0xFFFFD800  }
0xc0: {  	[hbm4b:s29+s4] =	stream.linear.scatter [tilespmem:s31], [sflag:$0x1], $0x2800, $0x38;
	[tilespmem:$0x1B7B0] =	vst v63  }
0xc1: {  	_ =	swait.ge [sflag:s19], $0x2800  }
0xc2: {  	[sflag:s19] =	ssyncset.done $0x0  }
0xc3: {  	[sflag:s19] =	ssyncadd.s32 $0xFFFFD800  }
0xc4: {  	[tilespmem:s15], [sflag:$0x8] =	stream.linear.gather [spmem:s10], $0x2800, $0x38;
	[tilespmem:$0x1B7B0] =	vst v63  }
0xc5: {  	_ =	swait.ge [sflag:s30], $0x2800  }
0xc6: {  	[sflag:s30] =	ssyncset.done $0x0  }
0xc7: {  	s25 =	rddreg [dreg:$0xa];
	[sflag:s30] =	ssyncadd.s32 $0xFFFFD800  }
0xc8: {  	[hbm4b:s25+s4] =	stream.linear.scatter [tilespmem:s15], [sflag:$0x2], $0x2800, $0x38;
	[tilespmem:$0x1B7B0] =	vst v63  }
0xc9: {  	_ =	swait.ge [sflag:s16], $0x2800  }
0xca: {  	[sflag:s16] =	ssyncset.done $0x0  }
0xcb: {  	[sflag:s16] =	ssyncadd.s32 $0xFFFFD800  }
0xcc: {  	[tilespmem:s31], [sflag:$0x8] =	stream.linear.gather [spmem:s11], $0x2800, $0x38;
	[tilespmem:$0x1B7B0] =	vst v63  }
0xcd: {  	_ =	swait.ge [sflag:s30], $0x2800  }
0xce: {  	[sflag:s30] =	ssyncset.done $0x0  }
0xcf: {  	s28 =	rddreg [dreg:$0xb];
	[sflag:s30] =	ssyncadd.s32 $0xFFFFD800  }
0xd0: {  	[hbm4b:s28+s4] =	stream.linear.scatter [tilespmem:s31], [sflag:$0x1], $0x2800, $0x38;
	[tilespmem:$0x1B7B0] =	vst v63  }
0xd1: {  	_ =	swait.ge [sflag:s19], $0x2800  }
0xd2: {  	[sflag:s19] =	ssyncset.done $0x0  }
0xd3: {  	[sflag:s19] =	ssyncadd.s32 $0xFFFFD800  }
0xd4: {  	[tilespmem:s15], [sflag:$0x8] =	stream.linear.gather [spmem:s12], $0x2800, $0x38;
	[tilespmem:$0x1B7B0] =	vst v63  }
0xd5: {  	_ =	swait.ge [sflag:s30], $0x2800  }
0xd6: {  	[sflag:s30] =	ssyncset.done $0x0  }
0xd7: {  	s29 =	rddreg [dreg:$0xc];
	[sflag:s30] =	ssyncadd.s32 $0xFFFFD800  }
0xd8: {  	[hbm4b:s29+s4] =	stream.linear.scatter [tilespmem:s15], [sflag:$0x2], $0x2800, $0x38;
	[tilespmem:$0x1B7B0] =	vst v63  }
0xd9: {  	_ =	swait.ge [sflag:s16], $0x2800  }
0xda: {  	[sflag:s16] =	ssyncset.done $0x0  }
0xdb: {  	[sflag:s16] =	ssyncadd.s32 $0xFFFFD800  }
0xdc: {  	[tilespmem:s31], [sflag:$0x8] =	stream.linear.gather [spmem:s13], $0x2800, $0x38;
	[tilespmem:$0x1B7B0] =	vst v63  }
0xdd: {  	_ =	swait.ge [sflag:s30], $0x2800  }
0xde: {  	[sflag:s30] =	ssyncset.done $0x0  }
0xdf: {  	s25 =	rddreg [dreg:$0xd];
	[sflag:s30] =	ssyncadd.s32 $0xFFFFD800  }
0xe0: {  	[hbm4b:s25+s4] =	stream.linear.scatter [tilespmem:s31], [sflag:$0x1], $0x2800, $0x38;
	[tilespmem:$0x1B7B0] =	vst v63  }
0xe1: {  	_ =	swait.ge [sflag:s19], $0x2800  }
0xe2: {  	[sflag:s19] =	ssyncset.done $0x0  }
0xe3: {  	[sflag:s19] =	ssyncadd.s32 $0xFFFFD800  }
0xe4: {  	[tilespmem:s15], [sflag:$0x8] =	stream.linear.gather [spmem:s26], $0x2800, $0x38;
	[tilespmem:$0x1B7B0] =	vst v63  }
0xe5: {  	_ =	swait.ge [sflag:s30], $0x2800  }
0xe6: {  	[sflag:s30] =	ssyncset.done $0x0  }
0xe7: {  	s28 =	rddreg [dreg:$0xe];
	[sflag:s30] =	ssyncadd.s32 $0xFFFFD800  }
0xe8: {  	[hbm4b:s28+s4] =	stream.linear.scatter [tilespmem:s15], [sflag:$0x2], $0x2800, $0x38;
	[tilespmem:$0x1B7B0] =	vst v63  }
0xe9: {  	_ =	swait.ge [sflag:s16], $0x2800  }
0xea: {  	[sflag:s16] =	ssyncset.done $0x0  }
0xeb: {  	[sflag:s16] =	ssyncadd.s32 $0xFFFFD800  }
0xec: {  	_ =	swait.ge [sflag:s19], $0x2800  }
0xed: {  	s24 =	sadd.s32 $0x1, s24;
	s29 =	rddreg [dreg:$0xf]  }
0xee: {  	p0 =	sne.s32 s24, s29  }
.Ltmp1:
0xef: {  	_ = 	snop;
	(pc) =	sbr.rel @p0 .LBB2_1-.Ltmp1, $3  }
0xf0: {  	_ =	sdelay $0x1  }
0xf1: {  	[sflag:s19] =	ssyncset.done $0x0  }
0xf2: {  	[sflag:s19] =	ssyncadd.s32 $0xFFFFD800  }
0xf3: {  	_ =	sfence.sel $0x180000  }
0xf4: {  	[bflag:$0x0] =	sbarrier.arrive $0xFFFF  }
0xf5: {  	_ =	strace $0x9000004A  }
0xf6: {  	s0 =	stileid.u32;
	[bflag:$0x2] =	sbarrier.arrive $0xFFFF  }
0xf7: {  	p0 =	sne.s32 s0, $0x0;
	s0 =	rddreg [dreg:$0x3]  }
0xf8: {  	s0 =	sadd.s32 @!p0 $0x100000, s0  }
0xf9: {  	[sflag:s0] =	ssyncadd.tile.s32 @!p0 $0x1;
	_ =	shalt  }
.Lfunc_end2:
_tile_overlayer_lowered:
.L_overlay_start_2:
0xfa: {  	(tag) =	ssettag $0x2  }
0xfb: {  	s0 =	rddreg [dreg:$0x0];
	s2 =	stileid.u32  }
0xfc: {  	s1 =	rddreg [dreg:$0x1];
	p0 =	sne.s32 s2, $0x0  }
0xfd: {  	s3 =	rddreg [dreg:$0x2];
	[bflag:$0x3] =	sbarrier.arrive $0xFFFF;
	s2 =	simm.s32 @!p0 $0x1C08  }
0xfe: {  	[timem:s3], [sflag:s2] =	dma.local @!p0 [hbm:s0], s1  }
0xff: {  	s0 =	simm.s32 @!p0 $0x8  }
0x100: {  	_ =	swait.ge @!p0 [sflag:s0], s1  }
0x101: {  	s1 =	ssub.s32 @!p0 $0x0, s1;
	[sflag:s0] =	ssyncset.done @!p0 $0x0  }
0x102: {  	[sflag:s0] =	ssyncadd.s32 @!p0 s1  }
0x103: {  	[bflag:$0x3] =	sbarrier.arrive $0xFFFF  }
0x104: {  	_ =	shalt  }

// kernel: kernel.16.cloned.1.call-start
scs
__scs_entry_jumppad:
0x0: {  	(pc) =	sbr.rel $0x88, $3  }
0x1: {  	(tag) =	ssettag $0x0;
	lr =	simm.s32 $0x1  }
0x2: {  	[smem:$0x3F99] =	sst lr;
	_ =	strace $0xD0000000  }
0x3: {  	_ = 	snop  }
0x4: {  	_ = 	snop  }
0x5: {  	_ = 	snop  }
0x6: {  	_ = 	snop  }
0x7: {  	_ = 	snop  }
__scs_overlays_trampoline_lowered:
0x8: {  	[smem:$0x3FA8] =	sst s0  }
0x9: {  	[smem:$0x3FA9] =	sst s1  }
0xa: {  	[smem:$0x3FAA] =	sst s2  }
0xb: {  	[smem:$0x3FAB] =	sst s3  }
0xc: {  	[smem:$0x3FAC] =	sst s4  }
0xd: {  	[smem:$0x3FAD] =	sst s5  }
0xe: {  	[smem:$0x3FAE] =	sst s6  }
0xf: {  	[smem:$0x3FAF] =	sst s7  }
0x10: {  	[smem:$0x3FB0] =	sst s8  }
0x11: {  	[smem:$0x3FB1] =	sst s9;
	s0 =	simm.s32 @!p0 $0x0  }
0x12: {  	s1 =	sld [smem:$0x3F97];
	s0 =	simm.s32 @p0 $0x1  }
0x13: {  	[smem:$0x3FB2] =	sst s0;
	s0 =	simm.s32 @!p1 $0x0  }
0x14: {  	s2 =	sld [smem:$0x3F96];
	s0 =	simm.s32 @p1 $0x1  }
0x15: {  	[smem:$0x3FB3] =	sst s0;
	s0 =	simm.s32 @!p2 $0x0  }
0x16: {  	s3 =	sld [smem:$0x3FDB];
	s0 =	simm.s32 @p2 $0x1  }
0x17: {  	s4 =	simm.s32 $0x1BF5;
	[smem:$0x3FB5] =	sst s0  }
0x18: {  	s0 =	sld [smem:$0x3F98];
	_ =	swait.ge [sflag:s4], $0x0  }
0x19: {  	s7 =	sld [smem:$0x3F99]  }
0x1a: {  	s8 =	sadd.s32 $0xFFFFE003, lr  }
0x1b: {  	s9 =	sadd.s32 $0xFFFFFEF7, lr;
	s5 =	simm.s32 $0xFFFFFFFF;
	p2 =	slt.u32 s8, $0xFFFFF086  }
0x1c: {  	p1 =	slt.u32 s9, $0xF7A;
	s5 =	simm.s32 @!p2 $0x0  }
0x1d: {  	s5 =	simm.s32 @p1 $0x1;
	p0 =	seq.s32 s7, s2  }
0x1e: {  	s7 =	smul.u32 @!p0 $0xF7A, s2;
	p2 =	seq.s32 @!p0 s5, $0x0  }
0x1f: {  	s9 =	smul.u32 $0xF7A, s1;
	s8 =	simm.s32 @!p0 $0x1BF5;
	p2 =	por !p2, p0  }
0x20: {  	[sflag:s8] =	ssyncset.s32 @!p0 $0xFFFFF086;
	s6 =	sadd.s32 @!p0 s3, s7;
	s7 =	simm.s32 @!p0 $0x108  }
0x21: {  	s3 =	sadd.s32 s3, s9;
	s6 =	sadd.s32 @!p0 $0x88, s6;
	s7 =	simm.s32 @p2 $0x1082  }
0x22: {  	[simem:s7], [sflag:s8] =	dma.local @!p0 [hbm:s6], $0xF7A  }
0x23: {  	s9 =	sor.u32 $0xD0000000, s2;
	s6 =	simm.s32 $0x108;
	_ =	swait.ge @!p0 [sflag:s8], $0x0  }
0x24: {  	s3 =	sadd.s32 $0x88, s3;
	s6 =	simm.s32 @!p1 $0x1082;
	[sflag:s4] =	ssyncset.s32 $0xFFFFF086  }
0x25: {  	[simem:s6], [sflag:s4] =	dma.local [hbm:s3], $0xF7A  }
0x26: {  	[smem:$0x3F99] =	sst s1;
	(tag) =	ssettag s2;
	_ =	strace s9  }
0x27: {  	s1 =	sld [smem:$0x3FA9]  }
0x28: {  	s2 =	sld [smem:$0x3FAA]  }
0x29: {  	s4 =	sld [smem:$0x3FAC]  }
0x2a: {  	p0 =	seq.s32 s5, $0x0;
	s5 =	sld [smem:$0x3FAD]  }
0x2b: {  	s6 =	sld [smem:$0x3FAE]  }
0x2c: {  	s7 =	sld [smem:$0x3FAF]  }
0x2d: {  	s3 =	simm.s32 $0x108;
	s8 =	sld [smem:$0x3FB0]  }
0x2e: {  	s3 =	simm.s32 @!p0 $0x1082;
	s9 =	sld [smem:$0x3FB1]  }
0x2f: {  	lr =	sadd.s32 s0, s3;
	s0 =	sld [smem:$0x3FA8]  }
0x30: {  	s3 =	sld [smem:$0x3FAB]  }
0x31: {  	[smem:$0x3FB4] =	sst s10  }
0x32: {  	s10 =	sld [smem:$0x3FB2];
	_ =	sdelay $0x3  }
0x33: {  	p0 =	seq.s32 s10, $0x1;
	s10 =	sld [smem:$0x3FB4];
	_ =	sdelay $0x3  }
0x34: {  	[smem:$0x3FB4] =	sst s10  }
0x35: {  	s10 =	sld [smem:$0x3FB3];
	_ =	sdelay $0x3  }
0x36: {  	p1 =	seq.s32 s10, $0x1;
	s10 =	sld [smem:$0x3FB4];
	_ =	sdelay $0x3  }
0x37: {  	[smem:$0x3FB4] =	sst s10  }
0x38: {  	s10 =	sld [smem:$0x3FB5]  }
0x39: {  	_ = 	snop;
	(pc) =	sbr.ind lr, $3  }
0x3a: {  	_ = 	snop  }
0x3b: {  	_ = 	snop  }
0x3c: {  	p2 =	seq.s32 s10, $0x1;
	s10 =	sld [smem:$0x3FB4]  }
0x3d: {  	_ =	shalt  }
0x3e: {  	_ =	shalt  }
0x3f: {  	_ =	shalt  }
0x40: {  	_ =	shalt  }
0x41: {  	_ =	shalt  }
0x42: {  	_ =	shalt  }
0x43: {  	_ =	shalt  }
0x44: {  	_ =	shalt  }
0x45: {  	_ =	shalt  }
0x46: {  	_ =	shalt  }
0x47: {  	_ =	shalt  }
0x48: {  	_ =	shalt  }
0x49: {  	_ =	shalt  }
0x4a: {  	_ =	shalt  }
0x4b: {  	_ =	shalt  }
0x4c: {  	_ =	shalt  }
0x4d: {  	_ =	shalt  }
0x4e: {  	_ =	shalt  }
0x4f: {  	_ =	shalt  }
0x50: {  	_ =	shalt  }
0x51: {  	_ =	shalt  }
0x52: {  	_ =	shalt  }
0x53: {  	_ =	shalt  }
0x54: {  	_ =	shalt  }
0x55: {  	_ =	shalt  }
0x56: {  	_ =	shalt  }
0x57: {  	_ =	shalt  }
0x58: {  	_ =	shalt  }
0x59: {  	_ =	shalt  }
0x5a: {  	_ =	shalt  }
0x5b: {  	_ =	shalt  }
0x5c: {  	_ =	shalt  }
0x5d: {  	_ =	shalt  }
0x5e: {  	_ =	shalt  }
0x5f: {  	_ =	shalt  }
0x60: {  	_ =	shalt  }
0x61: {  	_ =	shalt  }
0x62: {  	_ =	shalt  }
0x63: {  	_ =	shalt  }
0x64: {  	_ =	shalt  }
0x65: {  	_ =	shalt  }
0x66: {  	_ =	shalt  }
0x67: {  	_ =	shalt  }
0x68: {  	_ =	shalt  }
0x69: {  	_ =	shalt  }
0x6a: {  	_ =	shalt  }
0x6b: {  	_ =	shalt  }
0x6c: {  	_ =	shalt  }
0x6d: {  	_ =	shalt  }
0x6e: {  	_ =	shalt  }
0x6f: {  	_ =	shalt  }
0x70: {  	_ =	shalt  }
0x71: {  	_ =	shalt  }
0x72: {  	_ =	shalt  }
0x73: {  	_ =	shalt  }
0x74: {  	_ =	shalt  }
0x75: {  	_ =	shalt  }
0x76: {  	_ =	shalt  }
0x77: {  	_ =	shalt  }
0x78: {  	_ =	shalt  }
0x79: {  	_ =	shalt  }
0x7a: {  	_ =	shalt  }
0x7b: {  	_ =	shalt  }
0x7c: {  	_ =	shalt  }
0x7d: {  	_ =	shalt  }
0x7e: {  	_ =	shalt  }
0x7f: {  	_ =	shalt  }
0x80: {  	_ =	shalt  }
0x81: {  	_ =	shalt  }
0x82: {  	_ =	shalt  }
0x83: {  	_ =	shalt  }
0x84: {  	_ =	shalt  }
0x85: {  	_ =	shalt  }
0x86: {  	_ =	shalt  }
0x87: {  	_ =	shalt  }
.Lfunc_end0:
.L_simem_size_0:
called_computation.2_lowered:
.L_overlay_start_0:
0x88: {  	s2 =	sld [smem:$0x3FD9]  }
0x89: {  	s3 =	sld [smem:$0x3FFE];
	_ =	sdelay $0x1  }
0x8a: {  	s1 =	srdreg.scid  }
0x8b: {  	s0 =	sand.u32 $0x1, s1  }
0x8c: {  	s17 =	sshll.u32 s0, $0xA;
	s2 =	sadd.s32 s3, s2  }
0x8d: {  	s2 =	sadd.s32 s2, s17  }
0x8e: {  	[smem:$0x3FC0] =	sst s2  }
0x8f: {  	_ = 	snop  }
0x90: {  	s2 =	sld [smem:$0x3FD0];
	(tm) =	ssettm $0x1  }
0x91: {  	s18 =	sld [smem:$0x3FFB];
	_ =	sdelay $0x3  }
0x92: {  	_ =	strace s18  }
0x93: {  	s3 =	sld [smem:$0x3FFC];
	_ =	sdelay $0x3  }
0x94: {  	_ =	strace s3  }
0x95: {  	s3 =	sld [smem:$0x3FFD];
	_ =	sdelay $0x3  }
0x96: {  	_ =	strace s3  }
0x97: {  	_ =	strace $0x8FFFFFFF  }
0x98: {  	s19 =	sld [smem:$0x3FDB];
	_ =	sdelay $0x1  }
0x99: {  	s4 =	simm.s32 $_scs_section_size  }
0x9a: {  	s5 =	simm.s32 $_size__tile_overlayer_lowered;
	s6 =	simm.s32 $_tile_overlayer_lowered  }
0x9b: {  	s22 =	simm.s32 $0x1BFF;
	s21 =	sshll.u32 s6, $0x1;
	s3 =	sadd.s32 s4, s19  }
0x9c: {  	s7 =	simm.s32 $0x0;
	s20 =	sshll.u32 s5, $0x1;
	s5 =	sadd.s32 s21, s3  }
0x9d: {  	[timem:s7], [sflag:s22] =	dma.local [hbm:s5], s20  }
0x9e: {  	_ =	swait.ge [sflag:s22], s20  }
0x9f: {  	s4 =	ssub.s32 $0x0, s20;
	[sflag:s22] =	ssyncset.done $0x0  }
0xa0: {  	[sflag:s22] =	ssyncadd.s32 s4;
	_ =	sdelay $0x1  }
0xa1: {  	s23 =	simm.s32 $0x1B8B  }
0xa2: {  	_ =	swait.ge [sflag:s23], $0x1  }
0xa3: {  	[sflag:s23] =	ssyncset.done $0x0  }
0xa4: {  	s25 =	simm.s32 $0x1B8E;
	s24 =	sld [smem:$0x3FFE];
	[sflag:s23] =	ssyncadd.s32 $0xFFFFFFFF  }
0xa5: {  	s26 =	simm.s32 $execute0_lowered;
	[smem:$0x3FD2] =	sst s25  }
0xa6: {  	s5 =	sshll.u32 s26, $0x1;
	_ =	strace $0x8000004C;
	[dreg:$0x1] =	wrdreg $0xFFFFFFFF  }
0xa7: {  	s28 =	simm.s32 $_size_execute0_lowered;
	s3 =	sadd.s32 s3, s5;
	[dreg:$0x0] =	wrdreg $0x0  }
0xa8: {  	s5 =	sshll.u32 s28, $0x1;
	[dreg:$0x2] =	wrdreg s3  }
0xa9: {  	[dreg:$0x3] =	wrdreg s5  }
0xaa: {  	[dreg:$0x4] =	wrdreg $0xC0  }
0xab: {  	_ =	task [dreg:s7], $0x5FFFF  }
0xac: {  	[dreg:$0x1] =	wrdreg $0xFFFFFFFF  }
0xad: {  	[dreg:$0x0] =	wrdreg $0x60  }
0xae: {  	[dreg:$0x2] =	wrdreg s2  }
0xaf: {  	[dreg:$0x3] =	wrdreg s24  }
0xb0: {  	[dreg:$0x4] =	wrdreg $0x77B00  }
0xb1: {  	[dreg:$0x5] =	wrdreg $0x9  }
0xb2: {  	_ =	task.clear_ibuf [dreg:s7], $0x6FFFF;
	_ =	strace $0x9000004C  }
0xb3: {  	s29 =	simm.s32 $0x9;
	_ =	strace $0x8000004E  }
0xb4: {  	_ =	swait.ge [sflag:s29], $0x1  }
0xb5: {  	[sflag:s29] =	ssyncadd.s32 $0xFFFFFFFF  }
0xb6: {  	_ =	strace $0x9000004E  }
0xb7: {  	_ =	sfence  }
0xb8: {  	s30 =	sld [smem:$0x0];
	_ =	sdelay $0x2  }
0xb9: {  	s31 =	sshll.u32 s1, $0xD;
	s1 =	sshrl.u32 s1, $0x2  }
0xba: {  	s3 =	sand.u32 $0x4000, s31;
	s1 =	sadd.s32 s1, s30  }
0xbb: {  	s0 =	sor.u32 s3, s0;
	s1 =	sshll.u32 s1, $0x11  }
0xbc: {  	s0 =	sor.u32 s1, s0  }
0xbd: {  	s0 =	sadd.s32 $0x8F2B, s0  }
0xbe: {  	[sflag:s0] =	ssyncadd.remote.s32 $0x1  }
0xbf: {  	_ =	sfence.sel $0xFFFF  }
0xc0: {  	[dreg:$0x0] =	wrdreg $0xFFFFFFFF;
	(pc) =	sbr.abs _section_cstart, $3  }
0xc1: {  	[dreg:$0x1] =	wrdreg $0xFFFFFFFF  }
0xc2: {  	_ =	task.clear_ibuf [dreg:s7], $0x2FFFF;
	_ =	strace $0x9FFFFFFF  }
0xc3: {  	(tm) =	ssettm $0x7FFFFFFF  }
tec
execute0_lowered:
.L_overlay_start_1:
0x0: {  	(tag) =	ssettag $0x1  }
0x1: {  	s1 =	rddreg [dreg:$0x0]  }
0x2: {  	s0 =	srdreg.scid;
	s5 =	rddreg [dreg:$0x1]  }
0x3: {  	s13 =	stileid.u32;
	s3 =	rddreg [dreg:$0x2];
	s4 =	simm.s32 $0x0  }
0x4: {  	s30 =	simm.s32 $0x8;
	s31 =	simm.s32 $0x27B0;
	s6 =	smul.u32 $0x280, s13  }
0x5: {  	s0 =	sand.u32 $0x1, s0;
	[smem:$0x7FF] =	sst s4;
	s9 =	smul.u32 $0x50000, s13  }
0x6: {  	s14 =	sadd.s32 $0xCA00, s5;
	s10 =	sadd.s32 $0x16800, s5;
	s2 =	sshll.u32 s0, $0x4  }
0x7: {  	s7 =	smul.u32 $0x2800, s0;
	_ =	strace $0x8000004D;
	[dreg:$0x4] =	wrdreg s10  }
0x8: {  	s15 =	ssub.s32 $0x2, s0;
	s0 =	smul.u32 $0x27100, s0;
	s2 =	sor.u32 s13, s2  }
0x9: {  	s9 =	sshrl.u32 s9, $0x2;
	s16 =	sshrl.u32 s15, $0x1;
	s2 =	smul.u32 $0x2710, s2  }
0xa: {  	s6 =	sadd.s32 s6, s7;
	s7 =	ssub.s32 s15, s16;
	s15 =	smul.u32 $0x2710, s13  }
0xb: {  	s6 =	sshll.u32 s6, $0x4;
	s26 =	smax.u32 s7, $0x1;
	s7 =	simm.s32 $0x2760  }
0xc: {  	s2 =	sshrl.u32 s2, $0x3;
	s0 =	sadd.s32 s15, s0;
	[dreg:$0xf] =	wrdreg s26  }
0xd: {  	s15 =	simm.s32 $0x4FB0;
	s8 =	sadd.s32 s2, s5;
	s5 =	sadd.s32 s6, s5  }
0xe: {  	s6 =	sadd.s32 s9, s3;
	s16 =	sadd.s32 s14, s2;
	s21 =	sadd.s32 $0x140, s0  }
0xf: {  	s0 =	sadd.s32 $0xF0, s0;
	s8 =	sadd.s32 $0x2C00, s8;
	s9 =	sadd.s32 $0x5000, s6  }
0x10: {  	s10 =	sadd.s32 $0x7800, s6;
	s11 =	sadd.s32 $0xA000, s6;
	[dreg:$0x6] =	wrdreg s16  }
0x11: {  	s12 =	sadd.s32 $0xC800, s6;
	s17 =	sadd.s32 $0x16E00, s5;
	[dreg:$0x5] =	wrdreg s8  }
0x12: {  	s13 =	sadd.s32 $0xF000, s6;
	s18 =	sadd.s32 $0x17300, s5;
	[dreg:$0x7] =	wrdreg s17  }
0x13: {  	s19 =	sadd.s32 $0x17800, s5;
	s20 =	sadd.s32 $0x17D00, s5;
	[dreg:$0x8] =	wrdreg s18  }
0x14: {  	s22 =	sadd.s32 $0x18200, s5;
	s2 =	sshrl.u32 s21, $0x3;
	[dreg:$0x9] =	wrdreg s19  }
0x15: {  	s0 =	sshrl.u32 s0, $0x3;
	s23 =	sadd.s32 $0x18700, s5;
	[dreg:$0xa] =	wrdreg s20  }
0x16: {  	s24 =	sadd.s32 $0x18C00, s5;
	s25 =	sadd.s32 $0x19100, s5;
	[dreg:$0xb] =	wrdreg s22  }
0x17: {  	s26 =	sadd.s32 $0x11800, s6;
	s28 =	sadd.s32 $0xA, s16;
	[dreg:$0xc] =	wrdreg s23  }
0x18: {  	s29 =	sadd.s32 $0x14, s16;
	s5 =	simm.s32 $0x50;
	[dreg:$0xd] =	wrdreg s24  }
0x19: {  	s16 =	simm.s32 $0x1;
	s8 =	sadd.s32 $0x2800, s6;
	[dreg:$0xe] =	wrdreg s25  }
0x1a: {  	s21 =	sadd.s32 s2, s14;
	s22 =	sadd.s32 s0, s14;
	[dreg:$0x10] =	wrdreg s28  }
0x1b: {  	[dreg:$0x11] =	wrdreg s29;
	s2 =	simm.s32 $0x7;
	s0 =	simm.s32 $0x2710  }
0x1c: {  	s17 =	simm.s32 $0x3;
	s18 =	simm.s32 $0x5;
	s19 =	simm.s32 $0x2  }
0x1d: {  	s20 =	simm.s32 $0x4;
	s23 =	simm.s32 $0x6;
	s24 =	simm.s32 $0x0  }
.LBB2_1:
0x1e: {  	s14 =	rddreg [dreg:$0x5]  }
0x1f: {  	[tilespmem:s4], [sflag:$0x8] =	stream.linear.gather [hbm4b:s14+s4], $0x2710, $0x38;
	[tilespmem:$0x1B7B0] =	vst v63  }
0x20: {  	_ =	swait.ge [sflag:s30], $0x2710  }
0x21: {  	[sflag:s30] =	ssyncset.done $0x0  }
0x22: {  	s25 =	rddreg [dreg:$0x4];
	[sflag:s30] =	ssyncadd.s32 $0xFFFFD8F0  }
0x23: {  	[tilespmem:s31], [sflag:$0x8] =	stream.linear.gather [hbm4b:s25+s4], $0x2800, $0x38;
	[tilespmem:$0x1B7B0] =	vst v63  }
0x24: {  	_ =	swait.ge [sflag:s30], $0x2800  }
0x25: {  	[sflag:s30] =	ssyncset.done $0x0  }
0x26: {  	[sflag:s30] =	ssyncadd.s32 $0xFFFFD800  }
0x27: {  	[spmem:s6] =	stream.linear.scatter [tilespmem:s31], [sflag:$0x7], $0x2800, $0x38;
	[tilespmem:$0x1B7B0] =	vst v63  }
0x28: {  	_ = 	snop  }
0x29: {  	[spmem:s8] =	stream.linear.scatter [tilespmem:s31], [sflag:$0x7], $0x2800, $0x38;
	[tilespmem:$0x1B7B0] =	vst v63  }
0x2a: {  	_ = 	snop  }
0x2b: {  	[spmem:s9] =	stream.linear.scatter [tilespmem:s31], [sflag:$0x7], $0x2800, $0x38;
	[tilespmem:$0x1B7B0] =	vst v63  }
0x2c: {  	_ = 	snop  }
0x2d: {  	[spmem:s10] =	stream.linear.scatter [tilespmem:s31], [sflag:$0x7], $0x2800, $0x38;
	[tilespmem:$0x1B7B0] =	vst v63  }
0x2e: {  	_ = 	snop  }
0x2f: {  	[spmem:s11] =	stream.linear.scatter [tilespmem:s31], [sflag:$0x7], $0x2800, $0x38;
	[tilespmem:$0x1B7B0] =	vst v63  }
0x30: {  	_ = 	snop  }
0x31: {  	[spmem:s12] =	stream.linear.scatter [tilespmem:s31], [sflag:$0x7], $0x2800, $0x38;
	[tilespmem:$0x1B7B0] =	vst v63  }
0x32: {  	_ = 	snop  }
0x33: {  	[spmem:s13] =	stream.linear.scatter [tilespmem:s31], [sflag:$0x7], $0x2800, $0x38;
	[tilespmem:$0x1B7B0] =	vst v63  }
0x34: {  	_ = 	snop  }
0x35: {  	[spmem:s26] =	stream.linear.scatter [tilespmem:s31], [sflag:$0x7], $0x2800, $0x38;
	[tilespmem:$0x1B7B0] =	vst v63  }
0x36: {  	_ =	swait.ge [sflag:s2], $0x2800  }
0x37: {  	[sflag:s2] =	ssyncset.done $0x0  }
0x38: {  	[sflag:s2] =	ssyncadd.s32 $0xFFFFD800  }
0x39: {  	_ =	swait.ge [sflag:s2], $0x2800  }
0x3a: {  	[sflag:s2] =	ssyncset.done $0x0  }
0x3b: {  	[sflag:s2] =	ssyncadd.s32 $0xFFFFD800  }
0x3c: {  	_ =	swait.ge [sflag:s2], $0x2800  }
0x3d: {  	[sflag:s2] =	ssyncset.done $0x0  }
0x3e: {  	[sflag:s2] =	ssyncadd.s32 $0xFFFFD800  }
0x3f: {  	_ =	swait.ge [sflag:s2], $0x2800  }
0x40: {  	[sflag:s2] =	ssyncset.done $0x0  }
0x41: {  	[sflag:s2] =	ssyncadd.s32 $0xFFFFD800  }
0x42: {  	_ =	swait.ge [sflag:s2], $0x2800  }
0x43: {  	[sflag:s2] =	ssyncset.done $0x0  }
0x44: {  	[sflag:s2] =	ssyncadd.s32 $0xFFFFD800  }
0x45: {  	_ =	swait.ge [sflag:s2], $0x2800  }
0x46: {  	[sflag:s2] =	ssyncset.done $0x0  }
0x47: {  	[sflag:s2] =	ssyncadd.s32 $0xFFFFD800  }
0x48: {  	_ =	swait.ge [sflag:s2], $0x2800  }
0x49: {  	[sflag:s2] =	ssyncset.done $0x0  }
0x4a: {  	[sflag:s2] =	ssyncadd.s32 $0xFFFFD800  }
0x4b: {  	_ =	swait.ge [sflag:s2], $0x2800  }
0x4c: {  	[sflag:s2] =	ssyncset.done $0x0  }
0x4d: {  	[sflag:s2] =	ssyncadd.s32 $0xFFFFD800  }
0x4e: {  	[bflag:$0x0] =	sbarrier.arrive $0xFFFF  }
0x4f: {  	s28 =	rddreg [dreg:$0x6]  }
0x50: {  	[tilespmem:s0], [sflag:$0x3] =	stream.linear.gather [hbm4b:s28+s4], $0x50, $0x38;
	[tilespmem:$0x1B7B0] =	vst v63  }
0x51: {  	_ = 	snop  }
0x52: {  	[tilespmem:s31], [sflag:$0x1] =	stream.indirect.gather [hbm4b:s1+s5], $0x80, s4, s5, $0xb8;
	[tilespmem:$0x1B7B0] =	vst v63  }
0x53: {  	s29 =	rddreg [dreg:$0x10]  }
0x54: {  	[tilespmem:s7], [sflag:$0x4] =	stream.linear.gather [hbm4b:s29+s4], $0x50, $0x38;
	[tilespmem:$0x1B7B0] =	vst v63  }
0x55: {  	_ = 	snop  }
0x56: {  	[tilespmem:s15], [sflag:$0x2] =	stream.indirect.gather [hbm4b:s1+s5], $0x80, s5, s5, $0xb8;
	[tilespmem:$0x1B7B0] =	vst v63  }
0x57: {  	_ =	swait.ge [sflag:s16], $0x2800  }
0x58: {  	[sflag:s16] =	ssyncset.done $0x0  }
0x59: {  	[sflag:s16] =	ssyncadd.s32 $0xFFFFD800  }
0x5a: {  	_ =	swait.ge [sflag:s17], $0x50  }
0x5b: {  	[sflag:s17] =	ssyncset.done $0x0  }
0x5c: {  	[sflag:s17] =	ssyncadd.s32 $0xFFFFFFB0  }
0x5d: {  	[spmem:s3] =	stream.indirect.scatter.add.f32 [tilespmem:s31], [sflag:$0x5], $0x80, s0, s5, $0xb8;
	[tilespmem:$0x1B7B0] =	vst v63  }
0x5e: {  	_ =	swait.ge [sflag:s18], $0x2800  }
0x5f: {  	[sflag:s18] =	ssyncset.done $0x0  }
0x60: {  	s25 =	rddreg [dreg:$0x11];
	[sflag:s18] =	ssyncadd.s32 $0xFFFFD800  }
0x61: {  	[tilespmem:s0], [sflag:$0x3] =	stream.linear.gather [hbm4b:s25+s4], $0x50, $0x38;
	[tilespmem:$0x1B7B0] =	vst v63  }
0x62: {  	s28 =	simm.s32 $0xA0  }
0x63: {  	[tilespmem:s31], [sflag:$0x1] =	stream.indirect.gather [hbm4b:s1+s5], $0x80, s28, s5, $0xb8;
	[tilespmem:$0x1B7B0] =	vst v63  }
0x64: {  	_ =	swait.ge [sflag:s19], $0x2800  }
0x65: {  	[sflag:s19] =	ssyncset.done $0x0  }
0x66: {  	[sflag:s19] =	ssyncadd.s32 $0xFFFFD800  }
0x67: {  	_ =	swait.ge [sflag:s20], $0x50  }
0x68: {  	[sflag:s20] =	ssyncset.done $0x0  }
0x69: {  	[sflag:s20] =	ssyncadd.s32 $0xFFFFFFB0  }
0x6a: {  	[spmem:s3] =	stream.indirect.scatter.add.f32 [tilespmem:s15], [sflag:$0x6], $0x80, s7, s5, $0xb8;
	[tilespmem:$0x1B7B0] =	vst v63  }
0x6b: {  	_ =	swait.ge [sflag:s23], $0x2800  }
0x6c: {  	[sflag:s23] =	ssyncset.done $0x0  }
0x6d: {  	s29 =	sadd.s32 $0x0, s22;
	[sflag:s23] =	ssyncadd.s32 $0xFFFFD800  }
0x6e: {  	[tilespmem:s7], [sflag:$0x4] =	stream.linear.gather [hbm4b:s29+s4], $0x50, $0x38;
	[tilespmem:$0x1B7B0] =	vst v63  }
0x6f: {  	s25 =	simm.s32 $0xF0  }
0x70: {  	[tilespmem:s15], [sflag:$0x2] =	stream.indirect.gather [hbm4b:s1+s5], $0x80, s25, s5, $0xb8;
	[tilespmem:$0x1B7B0] =	vst v63  }
0x71: {  	_ =	swait.ge [sflag:s16], $0x2800  }
0x72: {  	[sflag:s16] =	ssyncset.done $0x0  }
0x73: {  	[sflag:s16] =	ssyncadd.s32 $0xFFFFD800  }
0x74: {  	_ =	swait.ge [sflag:s17], $0x50  }
0x75: {  	[sflag:s17] =	ssyncset.done $0x0  }
0x76: {  	[sflag:s17] =	ssyncadd.s32 $0xFFFFFFB0  }
0x77: {  	[spmem:s3] =	stream.indirect.scatter.add.f32 [tilespmem:s31], [sflag:$0x5], $0x80, s0, s5, $0xb8;
	[tilespmem:$0x1B7B0] =	vst v63  }
0x78: {  	_ =	swait.ge [sflag:s18], $0x2800  }
0x79: {  	[sflag:s18] =	ssyncset.done $0x0  }
0x7a: {  	s28 =	sadd.s32 $0x0, s21;
	[sflag:s18] =	ssyncadd.s32 $0xFFFFD800  }
0x7b: {  	[tilespmem:s0], [sflag:$0x3] =	stream.linear.gather [hbm4b:s28+s4], $0x50, $0x38;
	[tilespmem:$0x1B7B0] =	vst v63  }
0x7c: {  	s29 =	simm.s32 $0x140  }
0x7d: {  	[tilespmem:s31], [sflag:$0x1] =	stream.indirect.gather [hbm4b:s1+s5], $0x80, s29, s5, $0xb8;
	[tilespmem:$0x1B7B0] =	vst v63  }
0x7e: {  	_ =	swait.ge [sflag:s19], $0x2800  }
0x7f: {  	[sflag:s19] =	ssyncset.done $0x0  }
0x80: {  	[sflag:s19] =	ssyncadd.s32 $0xFFFFD800  }
0x81: {  	_ =	swait.ge [sflag:s20], $0x50  }
0x82: {  	[sflag:s20] =	ssyncset.done $0x0  }
0x83: {  	s14 =	simm.s32 $0x1E0;
	s25 =	simm.s32 $0x14;
	[sflag:s20] =	ssyncadd.s32 $0xFFFFFFB0  }
.LBB2_2:
0x84: {  	[spmem:s3] =	stream.indirect.scatter.add.f32 [tilespmem:s15], [sflag:$0x6], $0x80, s7, s5, $0xb8;
	[tilespmem:$0x1B7B0] =	vst v63  }
0x85: {  	s28 =	smov.u32 s25  }
0x86: {  	p0 =	sne.s32 s25, $0x4B0;
	s25 =	sadd.s32 $0x14, s25;
	_ =	swait.ge [sflag:s23], $0x2800  }
0x87: {  	[sflag:s23] =	ssyncset.done $0x0  }
0x88: {  	s29 =	sadd.s32 s28, s22;
	[sflag:s23] =	ssyncadd.s32 $0xFFFFD800  }
0x89: {  	[tilespmem:s7], [sflag:$0x4] =	stream.linear.gather [hbm4b:s29+s4], $0x50, $0x38;
	[tilespmem:$0x1B7B0] =	vst v63  }
0x8a: {  	s29 =	sadd.s32 $0xFFFFFFB0, s14  }
0x8b: {  	[tilespmem:s15], [sflag:$0x2] =	stream.indirect.gather [hbm4b:s1+s5], $0x80, s29, s5, $0xb8;
	[tilespmem:$0x1B7B0] =	vst v63  }
0x8c: {  	_ =	swait.ge [sflag:s16], $0x2800  }
0x8d: {  	[sflag:s16] =	ssyncset.done $0x0  }
0x8e: {  	[sflag:s16] =	ssyncadd.s32 $0xFFFFD800  }
0x8f: {  	_ =	swait.ge [sflag:s17], $0x50  }
0x90: {  	[sflag:s17] =	ssyncset.done $0x0  }
0x91: {  	[sflag:s17] =	ssyncadd.s32 $0xFFFFFFB0  }
0x92: {  	[spmem:s3] =	stream.indirect.scatter.add.f32 [tilespmem:s31], [sflag:$0x5], $0x80, s0, s5, $0xb8;
	[tilespmem:$0x1B7B0] =	vst v63  }
0x93: {  	_ =	swait.ge [sflag:s18], $0x2800  }
0x94: {  	[sflag:s18] =	ssyncset.done $0x0  }
0x95: {  	s28 =	sadd.s32 s28, s21;
	[sflag:s18] =	ssyncadd.s32 $0xFFFFD800  }
0x96: {  	[tilespmem:s0], [sflag:$0x3] =	stream.linear.gather [hbm4b:s28+s4], $0x50, $0x38;
	[tilespmem:$0x1B7B0] =	vst v63  }
0x97: {  	_ = 	snop  }
0x98: {  	[tilespmem:s31], [sflag:$0x1] =	stream.indirect.gather [hbm4b:s1+s5], $0x80, s14, s5, $0xb8;
	[tilespmem:$0x1B7B0] =	vst v63  }
0x99: {  	_ =	swait.ge [sflag:s19], $0x2800  }
.Ltmp0:
0x9a: {  	[sflag:s19] =	ssyncset.done $0x0;
	(pc) =	sbr.rel @p0 .LBB2_2-.Ltmp0, $4  }
0x9b: {  	[sflag:s19] =	ssyncadd.s32 $0xFFFFD800  }
0x9c: {  	_ =	swait.ge [sflag:s20], $0x50  }
0x9d: {  	[sflag:s20] =	ssyncset.done $0x0  }
0x9e: {  	s14 =	sadd.s32 $0xA0, s14;
	[sflag:s20] =	ssyncadd.s32 $0xFFFFFFB0  }
0x9f: {  	[spmem:s3] =	stream.indirect.scatter.add.f32 [tilespmem:s15], [sflag:$0x6], $0x80, s7, s5, $0xb8;
	[tilespmem:$0x1B7B0] =	vst v63  }
0xa0: {  	_ =	swait.ge [sflag:s16], $0x2800  }
0xa1: {  	[sflag:s16] =	ssyncset.done $0x0  }
0xa2: {  	[sflag:s16] =	ssyncadd.s32 $0xFFFFD800  }
0xa3: {  	_ =	swait.ge [sflag:s17], $0x50  }
0xa4: {  	[sflag:s17] =	ssyncset.done $0x0  }
0xa5: {  	[sflag:s17] =	ssyncadd.s32 $0xFFFFFFB0  }
0xa6: {  	[spmem:s3] =	stream.indirect.scatter.add.f32 [tilespmem:s31], [sflag:$0x5], $0x80, s0, s5, $0xb8;
	[tilespmem:$0x1B7B0] =	vst v63  }
0xa7: {  	_ =	swait.ge [sflag:s18], $0x2800  }
0xa8: {  	[sflag:s18] =	ssyncset.done $0x0  }
0xa9: {  	[sflag:s18] =	ssyncadd.s32 $0xFFFFD800  }
0xaa: {  	_ =	swait.ge [sflag:s23], $0x2800  }
0xab: {  	[sflag:s23] =	ssyncset.done $0x0  }
0xac: {  	[sflag:s23] =	ssyncadd.s32 $0xFFFFD800  }
0xad: {  	[bflag:$0x0] =	sbarrier.arrive $0xFFFF  }
0xae: {  	[tilespmem:s31], [sflag:$0x8] =	stream.linear.gather [spmem:s6], $0x2800, $0x38;
	[tilespmem:$0x1B7B0] =	vst v63  }
0xaf: {  	_ =	swait.ge [sflag:s30], $0x2800  }
0xb0: {  	[sflag:s30] =	ssyncset.done $0x0  }
0xb1: {  	s14 =	rddreg [dreg:$0x7];
	[sflag:s30] =	ssyncadd.s32 $0xFFFFD800  }
0xb2: {  	[hbm4b:s14+s4] =	stream.linear.scatter [tilespmem:s31], [sflag:$0x1], $0x2800, $0x38;
	[tilespmem:$0x1B7B0] =	vst v63  }
0xb3: {  	_ = 	snop  }
0xb4: {  	[tilespmem:s15], [sflag:$0x8] =	stream.linear.gather [spmem:s8], $0x2800, $0x38;
	[tilespmem:$0x1B7B0] =	vst v63  }
0xb5: {  	_ =	swait.ge [sflag:s30], $0x2800  }
0xb6: {  	[sflag:s30] =	ssyncset.done $0x0  }
0xb7: {  	s28 =	rddreg [dreg:$0x8];
	[sflag:s30] =	ssyncadd.s32 $0xFFFFD800  }
0xb8: {  	[hbm4b:s28+s4] =	stream.linear.scatter [tilespmem:s15], [sflag:$0x2], $0x2800, $0x38;
	[tilespmem:$0x1B7B0] =	vst v63  }
0xb9: {  	_ =	swait.ge [sflag:s16], $0x2800  }
0xba: {  	[sflag:s16] =	ssyncset.done $0x0  }
0xbb: {  	[sflag:s16] =	ssyncadd.s32 $0xFFFFD800  }
0xbc: {  	[tilespmem:s31], [sflag:$0x8] =	stream.linear.gather [spmem:s9], $0x2800, $0x38;
	[tilespmem:$0x1B7B0] =	vst v63  }
0xbd: {  	_ =	swait.ge [sflag:s30], $0x2800  }
0xbe: {  	[sflag:s30] =	ssyncset.done $0x0  }
0xbf: {  	s29 =	rddreg [dreg:$0x9];
	[sflag:s30] =	ssyncadd.s32 $0xFFFFD800  }
0xc0: {  	[hbm4b:s29+s4] =	stream.linear.scatter [tilespmem:s31], [sflag:$0x1], $0x2800, $0x38;
	[tilespmem:$0x1B7B0] =	vst v63  }
0xc1: {  	_ =	swait.ge [sflag:s19], $0x2800  }
0xc2: {  	[sflag:s19] =	ssyncset.done $0x0  }
0xc3: {  	[sflag:s19] =	ssyncadd.s32 $0xFFFFD800  }
0xc4: {  	[tilespmem:s15], [sflag:$0x8] =	stream.linear.gather [spmem:s10], $0x2800, $0x38;
	[tilespmem:$0x1B7B0] =	vst v63  }
0xc5: {  	_ =	swait.ge [sflag:s30], $0x2800  }
0xc6: {  	[sflag:s30] =	ssyncset.done $0x0  }
0xc7: {  	s25 =	rddreg [dreg:$0xa];
	[sflag:s30] =	ssyncadd.s32 $0xFFFFD800  }
0xc8: {  	[hbm4b:s25+s4] =	stream.linear.scatter [tilespmem:s15], [sflag:$0x2], $0x2800, $0x38;
	[tilespmem:$0x1B7B0] =	vst v63  }
0xc9: {  	_ =	swait.ge [sflag:s16], $0x2800  }
0xca: {  	[sflag:s16] =	ssyncset.done $0x0  }
0xcb: {  	[sflag:s16] =	ssyncadd.s32 $0xFFFFD800  }
0xcc: {  	[tilespmem:s31], [sflag:$0x8] =	stream.linear.gather [spmem:s11], $0x2800, $0x38;
	[tilespmem:$0x1B7B0] =	vst v63  }
0xcd: {  	_ =	swait.ge [sflag:s30], $0x2800  }
0xce: {  	[sflag:s30] =	ssyncset.done $0x0  }
0xcf: {  	s28 =	rddreg [dreg:$0xb];
	[sflag:s30] =	ssyncadd.s32 $0xFFFFD800  }
0xd0: {  	[hbm4b:s28+s4] =	stream.linear.scatter [tilespmem:s31], [sflag:$0x1], $0x2800, $0x38;
	[tilespmem:$0x1B7B0] =	vst v63  }
0xd1: {  	_ =	swait.ge [sflag:s19], $0x2800  }
0xd2: {  	[sflag:s19] =	ssyncset.done $0x0  }
0xd3: {  	[sflag:s19] =	ssyncadd.s32 $0xFFFFD800  }
0xd4: {  	[tilespmem:s15], [sflag:$0x8] =	stream.linear.gather [spmem:s12], $0x2800, $0x38;
	[tilespmem:$0x1B7B0] =	vst v63  }
0xd5: {  	_ =	swait.ge [sflag:s30], $0x2800  }
0xd6: {  	[sflag:s30] =	ssyncset.done $0x0  }
0xd7: {  	s29 =	rddreg [dreg:$0xc];
	[sflag:s30] =	ssyncadd.s32 $0xFFFFD800  }
0xd8: {  	[hbm4b:s29+s4] =	stream.linear.scatter [tilespmem:s15], [sflag:$0x2], $0x2800, $0x38;
	[tilespmem:$0x1B7B0] =	vst v63  }
0xd9: {  	_ =	swait.ge [sflag:s16], $0x2800  }
0xda: {  	[sflag:s16] =	ssyncset.done $0x0  }
0xdb: {  	[sflag:s16] =	ssyncadd.s32 $0xFFFFD800  }
0xdc: {  	[tilespmem:s31], [sflag:$0x8] =	stream.linear.gather [spmem:s13], $0x2800, $0x38;
	[tilespmem:$0x1B7B0] =	vst v63  }
0xdd: {  	_ =	swait.ge [sflag:s30], $0x2800  }
0xde: {  	[sflag:s30] =	ssyncset.done $0x0  }
0xdf: {  	s25 =	rddreg [dreg:$0xd];
	[sflag:s30] =	ssyncadd.s32 $0xFFFFD800  }
0xe0: {  	[hbm4b:s25+s4] =	stream.linear.scatter [tilespmem:s31], [sflag:$0x1], $0x2800, $0x38;
	[tilespmem:$0x1B7B0] =	vst v63  }
0xe1: {  	_ =	swait.ge [sflag:s19], $0x2800  }
0xe2: {  	[sflag:s19] =	ssyncset.done $0x0  }
0xe3: {  	[sflag:s19] =	ssyncadd.s32 $0xFFFFD800  }
0xe4: {  	[tilespmem:s15], [sflag:$0x8] =	stream.linear.gather [spmem:s26], $0x2800, $0x38;
	[tilespmem:$0x1B7B0] =	vst v63  }
0xe5: {  	_ =	swait.ge [sflag:s30], $0x2800  }
0xe6: {  	[sflag:s30] =	ssyncset.done $0x0  }
0xe7: {  	s28 =	rddreg [dreg:$0xe];
	[sflag:s30] =	ssyncadd.s32 $0xFFFFD800  }
0xe8: {  	[hbm4b:s28+s4] =	stream.linear.scatter [tilespmem:s15], [sflag:$0x2], $0x2800, $0x38;
	[tilespmem:$0x1B7B0] =	vst v63  }
0xe9: {  	_ =	swait.ge [sflag:s16], $0x2800  }
0xea: {  	[sflag:s16] =	ssyncset.done $0x0  }
0xeb: {  	[sflag:s16] =	ssyncadd.s32 $0xFFFFD800  }
0xec: {  	_ =	swait.ge [sflag:s19], $0x2800  }
0xed: {  	s24 =	sadd.s32 $0x1, s24;
	s29 =	rddreg [dreg:$0xf]  }
0xee: {  	p0 =	sne.s32 s24, s29  }
.Ltmp1:
0xef: {  	_ = 	snop;
	(pc) =	sbr.rel @p0 .LBB2_1-.Ltmp1, $3  }
0xf0: {  	_ =	sdelay $0x1  }
0xf1: {  	[sflag:s19] =	ssyncset.done $0x0  }
0xf2: {  	[sflag:s19] =	ssyncadd.s32 $0xFFFFD800  }
0xf3: {  	_ =	sfence.sel $0x180000  }
0xf4: {  	[bflag:$0x0] =	sbarrier.arrive $0xFFFF  }
0xf5: {  	_ =	strace $0x9000004D  }
0xf6: {  	s0 =	stileid.u32;
	[bflag:$0x2] =	sbarrier.arrive $0xFFFF  }
0xf7: {  	p0 =	sne.s32 s0, $0x0;
	s0 =	rddreg [dreg:$0x3]  }
0xf8: {  	s0 =	sadd.s32 @!p0 $0x100000, s0  }
0xf9: {  	[sflag:s0] =	ssyncadd.tile.s32 @!p0 $0x1;
	_ =	shalt  }
.Lfunc_end2:
_tile_overlayer_lowered:
.L_overlay_start_2:
0xfa: {  	(tag) =	ssettag $0x2  }
0xfb: {  	s0 =	rddreg [dreg:$0x0];
	s2 =	stileid.u32  }
0xfc: {  	s1 =	rddreg [dreg:$0x1];
	p0 =	sne.s32 s2, $0x0  }
0xfd: {  	s3 =	rddreg [dreg:$0x2];
	[bflag:$0x3] =	sbarrier.arrive $0xFFFF;
	s2 =	simm.s32 @!p0 $0x1C08  }
0xfe: {  	[timem:s3], [sflag:s2] =	dma.local @!p0 [hbm:s0], s1  }
0xff: {  	s0 =	simm.s32 @!p0 $0x8  }
0x100: {  	_ =	swait.ge @!p0 [sflag:s0], s1  }
0x101: {  	s1 =	ssub.s32 @!p0 $0x0, s1;
	[sflag:s0] =	ssyncset.done @!p0 $0x0  }
0x102: {  	[sflag:s0] =	ssyncadd.s32 @!p0 s1  }
0x103: {  	[bflag:$0x3] =	sbarrier.arrive $0xFFFF  }
0x104: {  	_ =	shalt  }

// kernel: kernel.19.cloned.1.call-start
scs
__scs_entry_jumppad:
0x0: {  	(pc) =	sbr.rel $0x88, $3  }
0x1: {  	(tag) =	ssettag $0x0;
	lr =	simm.s32 $0x1  }
0x2: {  	[smem:$0x3F99] =	sst lr;
	_ =	strace $0xD0000000  }
0x3: {  	_ = 	snop  }
0x4: {  	_ = 	snop  }
0x5: {  	_ = 	snop  }
0x6: {  	_ = 	snop  }
0x7: {  	_ = 	snop  }
__scs_overlays_trampoline_lowered:
0x8: {  	[smem:$0x3FA8] =	sst s0  }
0x9: {  	[smem:$0x3FA9] =	sst s1  }
0xa: {  	[smem:$0x3FAA] =	sst s2  }
0xb: {  	[smem:$0x3FAB] =	sst s3  }
0xc: {  	[smem:$0x3FAC] =	sst s4  }
0xd: {  	[smem:$0x3FAD] =	sst s5  }
0xe: {  	[smem:$0x3FAE] =	sst s6  }
0xf: {  	[smem:$0x3FAF] =	sst s7  }
0x10: {  	[smem:$0x3FB0] =	sst s8  }
0x11: {  	[smem:$0x3FB1] =	sst s9;
	s0 =	simm.s32 @!p0 $0x0  }
0x12: {  	s1 =	sld [smem:$0x3F97];
	s0 =	simm.s32 @p0 $0x1  }
0x13: {  	[smem:$0x3FB2] =	sst s0;
	s0 =	simm.s32 @!p1 $0x0  }
0x14: {  	s2 =	sld [smem:$0x3F96];
	s0 =	simm.s32 @p1 $0x1  }
0x15: {  	[smem:$0x3FB3] =	sst s0;
	s0 =	simm.s32 @!p2 $0x0  }
0x16: {  	s3 =	sld [smem:$0x3FDB];
	s0 =	simm.s32 @p2 $0x1  }
0x17: {  	s4 =	simm.s32 $0x1BF5;
	[smem:$0x3FB5] =	sst s0  }
0x18: {  	s0 =	sld [smem:$0x3F98];
	_ =	swait.ge [sflag:s4], $0x0  }
0x19: {  	s7 =	sld [smem:$0x3F99]  }
0x1a: {  	s8 =	sadd.s32 $0xFFFFE003, lr  }
0x1b: {  	s9 =	sadd.s32 $0xFFFFFEF7, lr;
	s5 =	simm.s32 $0xFFFFFFFF;
	p2 =	slt.u32 s8, $0xFFFFF086  }
0x1c: {  	p1 =	slt.u32 s9, $0xF7A;
	s5 =	simm.s32 @!p2 $0x0  }
0x1d: {  	s5 =	simm.s32 @p1 $0x1;
	p0 =	seq.s32 s7, s2  }
0x1e: {  	s7 =	smul.u32 @!p0 $0xF7A, s2;
	p2 =	seq.s32 @!p0 s5, $0x0  }
0x1f: {  	s9 =	smul.u32 $0xF7A, s1;
	s8 =	simm.s32 @!p0 $0x1BF5;
	p2 =	por !p2, p0  }
0x20: {  	[sflag:s8] =	ssyncset.s32 @!p0 $0xFFFFF086;
	s6 =	sadd.s32 @!p0 s3, s7;
	s7 =	simm.s32 @!p0 $0x108  }
0x21: {  	s3 =	sadd.s32 s3, s9;
	s6 =	sadd.s32 @!p0 $0x88, s6;
	s7 =	simm.s32 @p2 $0x1082  }
0x22: {  	[simem:s7], [sflag:s8] =	dma.local @!p0 [hbm:s6], $0xF7A  }
0x23: {  	s9 =	sor.u32 $0xD0000000, s2;
	s6 =	simm.s32 $0x108;
	_ =	swait.ge @!p0 [sflag:s8], $0x0  }
0x24: {  	s3 =	sadd.s32 $0x88, s3;
	s6 =	simm.s32 @!p1 $0x1082;
	[sflag:s4] =	ssyncset.s32 $0xFFFFF086  }
0x25: {  	[simem:s6], [sflag:s4] =	dma.local [hbm:s3], $0xF7A  }
0x26: {  	[smem:$0x3F99] =	sst s1;
	(tag) =	ssettag s2;
	_ =	strace s9  }
0x27: {  	s1 =	sld [smem:$0x3FA9]  }
0x28: {  	s2 =	sld [smem:$0x3FAA]  }
0x29: {  	s4 =	sld [smem:$0x3FAC]  }
0x2a: {  	p0 =	seq.s32 s5, $0x0;
	s5 =	sld [smem:$0x3FAD]  }
0x2b: {  	s6 =	sld [smem:$0x3FAE]  }
0x2c: {  	s7 =	sld [smem:$0x3FAF]  }
0x2d: {  	s3 =	simm.s32 $0x108;
	s8 =	sld [smem:$0x3FB0]  }
0x2e: {  	s3 =	simm.s32 @!p0 $0x1082;
	s9 =	sld [smem:$0x3FB1]  }
0x2f: {  	lr =	sadd.s32 s0, s3;
	s0 =	sld [smem:$0x3FA8]  }
0x30: {  	s3 =	sld [smem:$0x3FAB]  }
0x31: {  	[smem:$0x3FB4] =	sst s10  }
0x32: {  	s10 =	sld [smem:$0x3FB2];
	_ =	sdelay $0x3  }
0x33: {  	p0 =	seq.s32 s10, $0x1;
	s10 =	sld [smem:$0x3FB4];
	_ =	sdelay $0x3  }
0x34: {  	[smem:$0x3FB4] =	sst s10  }
0x35: {  	s10 =	sld [smem:$0x3FB3];
	_ =	sdelay $0x3  }
0x36: {  	p1 =	seq.s32 s10, $0x1;
	s10 =	sld [smem:$0x3FB4];
	_ =	sdelay $0x3  }
0x37: {  	[smem:$0x3FB4] =	sst s10  }
0x38: {  	s10 =	sld [smem:$0x3FB5]  }
0x39: {  	_ = 	snop;
	(pc) =	sbr.ind lr, $3  }
0x3a: {  	_ = 	snop  }
0x3b: {  	_ = 	snop  }
0x3c: {  	p2 =	seq.s32 s10, $0x1;
	s10 =	sld [smem:$0x3FB4]  }
0x3d: {  	_ =	shalt  }
0x3e: {  	_ =	shalt  }
0x3f: {  	_ =	shalt  }
0x40: {  	_ =	shalt  }
0x41: {  	_ =	shalt  }
0x42: {  	_ =	shalt  }
0x43: {  	_ =	shalt  }
0x44: {  	_ =	shalt  }
0x45: {  	_ =	shalt  }
0x46: {  	_ =	shalt  }
0x47: {  	_ =	shalt  }
0x48: {  	_ =	shalt  }
0x49: {  	_ =	shalt  }
0x4a: {  	_ =	shalt  }
0x4b: {  	_ =	shalt  }
0x4c: {  	_ =	shalt  }
0x4d: {  	_ =	shalt  }
0x4e: {  	_ =	shalt  }
0x4f: {  	_ =	shalt  }
0x50: {  	_ =	shalt  }
0x51: {  	_ =	shalt  }
0x52: {  	_ =	shalt  }
0x53: {  	_ =	shalt  }
0x54: {  	_ =	shalt  }
0x55: {  	_ =	shalt  }
0x56: {  	_ =	shalt  }
0x57: {  	_ =	shalt  }
0x58: {  	_ =	shalt  }
0x59: {  	_ =	shalt  }
0x5a: {  	_ =	shalt  }
0x5b: {  	_ =	shalt  }
0x5c: {  	_ =	shalt  }
0x5d: {  	_ =	shalt  }
0x5e: {  	_ =	shalt  }
0x5f: {  	_ =	shalt  }
0x60: {  	_ =	shalt  }
0x61: {  	_ =	shalt  }
0x62: {  	_ =	shalt  }
0x63: {  	_ =	shalt  }
0x64: {  	_ =	shalt  }
0x65: {  	_ =	shalt  }
0x66: {  	_ =	shalt  }
0x67: {  	_ =	shalt  }
0x68: {  	_ =	shalt  }
0x69: {  	_ =	shalt  }
0x6a: {  	_ =	shalt  }
0x6b: {  	_ =	shalt  }
0x6c: {  	_ =	shalt  }
0x6d: {  	_ =	shalt  }
0x6e: {  	_ =	shalt  }
0x6f: {  	_ =	shalt  }
0x70: {  	_ =	shalt  }
0x71: {  	_ =	shalt  }
0x72: {  	_ =	shalt  }
0x73: {  	_ =	shalt  }
0x74: {  	_ =	shalt  }
0x75: {  	_ =	shalt  }
0x76: {  	_ =	shalt  }
0x77: {  	_ =	shalt  }
0x78: {  	_ =	shalt  }
0x79: {  	_ =	shalt  }
0x7a: {  	_ =	shalt  }
0x7b: {  	_ =	shalt  }
0x7c: {  	_ =	shalt  }
0x7d: {  	_ =	shalt  }
0x7e: {  	_ =	shalt  }
0x7f: {  	_ =	shalt  }
0x80: {  	_ =	shalt  }
0x81: {  	_ =	shalt  }
0x82: {  	_ =	shalt  }
0x83: {  	_ =	shalt  }
0x84: {  	_ =	shalt  }
0x85: {  	_ =	shalt  }
0x86: {  	_ =	shalt  }
0x87: {  	_ =	shalt  }
.Lfunc_end0:
.L_simem_size_0:
called_computation.3_lowered:
.L_overlay_start_0:
0x88: {  	s2 =	sld [smem:$0x3FD9]  }
0x89: {  	s3 =	sld [smem:$0x3FFE];
	_ =	sdelay $0x1  }
0x8a: {  	s1 =	srdreg.scid  }
0x8b: {  	s0 =	sand.u32 $0x1, s1  }
0x8c: {  	s17 =	sshll.u32 s0, $0xA;
	s2 =	sadd.s32 s3, s2  }
0x8d: {  	s2 =	sadd.s32 s2, s17  }
0x8e: {  	[smem:$0x3FC0] =	sst s2  }
0x8f: {  	_ = 	snop  }
0x90: {  	s2 =	sld [smem:$0x3FD0];
	(tm) =	ssettm $0x1  }
0x91: {  	s18 =	sld [smem:$0x3FFB];
	_ =	sdelay $0x3  }
0x92: {  	_ =	strace s18  }
0x93: {  	s3 =	sld [smem:$0x3FFC];
	_ =	sdelay $0x3  }
0x94: {  	_ =	strace s3  }
0x95: {  	s3 =	sld [smem:$0x3FFD];
	_ =	sdelay $0x3  }
0x96: {  	_ =	strace s3  }
0x97: {  	_ =	strace $0x8FFFFFFF  }
0x98: {  	s19 =	sld [smem:$0x3FDB];
	_ =	sdelay $0x1  }
0x99: {  	s4 =	simm.s32 $_scs_section_size  }
0x9a: {  	s5 =	simm.s32 $_size__tile_overlayer_lowered;
	s6 =	simm.s32 $_tile_overlayer_lowered  }
0x9b: {  	s22 =	simm.s32 $0x1BFF;
	s21 =	sshll.u32 s6, $0x1;
	s3 =	sadd.s32 s4, s19  }
0x9c: {  	s7 =	simm.s32 $0x0;
	s20 =	sshll.u32 s5, $0x1;
	s5 =	sadd.s32 s21, s3  }
0x9d: {  	[timem:s7], [sflag:s22] =	dma.local [hbm:s5], s20  }
0x9e: {  	_ =	swait.ge [sflag:s22], s20  }
0x9f: {  	s4 =	ssub.s32 $0x0, s20;
	[sflag:s22] =	ssyncset.done $0x0  }
0xa0: {  	[sflag:s22] =	ssyncadd.s32 s4;
	_ =	sdelay $0x1  }
0xa1: {  	s23 =	simm.s32 $0x1B8B  }
0xa2: {  	_ =	swait.ge [sflag:s23], $0x1  }
0xa3: {  	[sflag:s23] =	ssyncset.done $0x0  }
0xa4: {  	s25 =	simm.s32 $0x1B8E;
	s24 =	sld [smem:$0x3FFE];
	[sflag:s23] =	ssyncadd.s32 $0xFFFFFFFF  }
0xa5: {  	s26 =	simm.s32 $execute0_lowered;
	[smem:$0x3FD2] =	sst s25  }
0xa6: {  	s5 =	sshll.u32 s26, $0x1;
	_ =	strace $0x8000004F;
	[dreg:$0x1] =	wrdreg $0xFFFFFFFF  }
0xa7: {  	s28 =	simm.s32 $_size_execute0_lowered;
	s3 =	sadd.s32 s3, s5;
	[dreg:$0x0] =	wrdreg $0x0  }
0xa8: {  	s5 =	sshll.u32 s28, $0x1;
	[dreg:$0x2] =	wrdreg s3  }
0xa9: {  	[dreg:$0x3] =	wrdreg s5  }
0xaa: {  	[dreg:$0x4] =	wrdreg $0xC0  }
0xab: {  	_ =	task [dreg:s7], $0x5FFFF  }
0xac: {  	[dreg:$0x1] =	wrdreg $0xFFFFFFFF  }
0xad: {  	[dreg:$0x0] =	wrdreg $0x60  }
0xae: {  	[dreg:$0x2] =	wrdreg s2  }
0xaf: {  	[dreg:$0x3] =	wrdreg s24  }
0xb0: {  	[dreg:$0x4] =	wrdreg $0x77B00  }
0xb1: {  	[dreg:$0x5] =	wrdreg $0x9  }
0xb2: {  	_ =	task.clear_ibuf [dreg:s7], $0x6FFFF;
	_ =	strace $0x9000004F  }
0xb3: {  	s29 =	simm.s32 $0x9;
	_ =	strace $0x80000051  }
0xb4: {  	_ =	swait.ge [sflag:s29], $0x1  }
0xb5: {  	[sflag:s29] =	ssyncadd.s32 $0xFFFFFFFF  }
0xb6: {  	_ =	strace $0x90000051  }
0xb7: {  	_ =	sfence  }
0xb8: {  	s30 =	sld [smem:$0x0];
	_ =	sdelay $0x2  }
0xb9: {  	s31 =	sshll.u32 s1, $0xD;
	s1 =	sshrl.u32 s1, $0x2  }
0xba: {  	s3 =	sand.u32 $0x4000, s31;
	s1 =	sadd.s32 s1, s30  }
0xbb: {  	s0 =	sor.u32 s3, s0;
	s1 =	sshll.u32 s1, $0x11  }
0xbc: {  	s0 =	sor.u32 s1, s0  }
0xbd: {  	s0 =	sadd.s32 $0x8F2B, s0  }
0xbe: {  	[sflag:s0] =	ssyncadd.remote.s32 $0x1  }
0xbf: {  	_ =	sfence.sel $0xFFFF  }
0xc0: {  	[dreg:$0x0] =	wrdreg $0xFFFFFFFF;
	(pc) =	sbr.abs _section_cstart, $3  }
0xc1: {  	[dreg:$0x1] =	wrdreg $0xFFFFFFFF  }
0xc2: {  	_ =	task.clear_ibuf [dreg:s7], $0x2FFFF;
	_ =	strace $0x9FFFFFFF  }
0xc3: {  	(tm) =	ssettm $0x7FFFFFFF  }
tec
execute0_lowered:
.L_overlay_start_1:
0x0: {  	(tag) =	ssettag $0x1  }
0x1: {  	s1 =	rddreg [dreg:$0x0]  }
0x2: {  	s0 =	srdreg.scid;
	s5 =	rddreg [dreg:$0x1]  }
0x3: {  	s13 =	stileid.u32;
	s3 =	rddreg [dreg:$0x2];
	s4 =	simm.s32 $0x0  }
0x4: {  	s30 =	simm.s32 $0x8;
	s31 =	simm.s32 $0x27B0;
	s6 =	smul.u32 $0x280, s13  }
0x5: {  	s0 =	sand.u32 $0x1, s0;
	[smem:$0x7FF] =	sst s4;
	s9 =	smul.u32 $0x50000, s13  }
0x6: {  	s14 =	sadd.s32 $0xCA00, s5;
	s10 =	sadd.s32 $0x16800, s5;
	s2 =	sshll.u32 s0, $0x4  }
0x7: {  	s7 =	smul.u32 $0x2800, s0;
	_ =	strace $0x80000050;
	[dreg:$0x4] =	wrdreg s10  }
0x8: {  	s15 =	ssub.s32 $0x2, s0;
	s0 =	smul.u32 $0x27100, s0;
	s2 =	sor.u32 s13, s2  }
0x9: {  	s9 =	sshrl.u32 s9, $0x2;
	s16 =	sshrl.u32 s15, $0x1;
	s2 =	smul.u32 $0x2710, s2  }
0xa: {  	s6 =	sadd.s32 s6, s7;
	s7 =	ssub.s32 s15, s16;
	s15 =	smul.u32 $0x2710, s13  }
0xb: {  	s6 =	sshll.u32 s6, $0x4;
	s26 =	smax.u32 s7, $0x1;
	s7 =	simm.s32 $0x2760  }
0xc: {  	s2 =	sshrl.u32 s2, $0x3;
	s0 =	sadd.s32 s15, s0;
	[dreg:$0xf] =	wrdreg s26  }
0xd: {  	s15 =	simm.s32 $0x4FB0;
	s8 =	sadd.s32 s2, s5;
	s5 =	sadd.s32 s6, s5  }
0xe: {  	s6 =	sadd.s32 s9, s3;
	s16 =	sadd.s32 s14, s2;
	s21 =	sadd.s32 $0x140, s0  }
0xf: {  	s0 =	sadd.s32 $0xF0, s0;
	s8 =	sadd.s32 $0x2C00, s8;
	s9 =	sadd.s32 $0x5000, s6  }
0x10: {  	s10 =	sadd.s32 $0x7800, s6;
	s11 =	sadd.s32 $0xA000, s6;
	[dreg:$0x6] =	wrdreg s16  }
0x11: {  	s12 =	sadd.s32 $0xC800, s6;
	s17 =	sadd.s32 $0x16E00, s5;
	[dreg:$0x5] =	wrdreg s8  }
0x12: {  	s13 =	sadd.s32 $0xF000, s6;
	s18 =	sadd.s32 $0x17300, s5;
	[dreg:$0x7] =	wrdreg s17  }
0x13: {  	s19 =	sadd.s32 $0x17800, s5;
	s20 =	sadd.s32 $0x17D00, s5;
	[dreg:$0x8] =	wrdreg s18  }
0x14: {  	s22 =	sadd.s32 $0x18200, s5;
	s2 =	sshrl.u32 s21, $0x3;
	[dreg:$0x9] =	wrdreg s19  }
0x15: {  	s0 =	sshrl.u32 s0, $0x3;
	s23 =	sadd.s32 $0x18700, s5;
	[dreg:$0xa] =	wrdreg s20  }
0x16: {  	s24 =	sadd.s32 $0x18C00, s5;
	s25 =	sadd.s32 $0x19100, s5;
	[dreg:$0xb] =	wrdreg s22  }
0x17: {  	s26 =	sadd.s32 $0x11800, s6;
	s28 =	sadd.s32 $0xA, s16;
	[dreg:$0xc] =	wrdreg s23  }
0x18: {  	s29 =	sadd.s32 $0x14, s16;
	s5 =	simm.s32 $0x50;
	[dreg:$0xd] =	wrdreg s24  }
0x19: {  	s16 =	simm.s32 $0x1;
	s8 =	sadd.s32 $0x2800, s6;
	[dreg:$0xe] =	wrdreg s25  }
0x1a: {  	s21 =	sadd.s32 s2, s14;
	s22 =	sadd.s32 s0, s14;
	[dreg:$0x10] =	wrdreg s28  }
0x1b: {  	[dreg:$0x11] =	wrdreg s29;
	s2 =	simm.s32 $0x7;
	s0 =	simm.s32 $0x2710  }
0x1c: {  	s17 =	simm.s32 $0x3;
	s18 =	simm.s32 $0x5;
	s19 =	simm.s32 $0x2  }
0x1d: {  	s20 =	simm.s32 $0x4;
	s23 =	simm.s32 $0x6;
	s24 =	simm.s32 $0x0  }
.LBB2_1:
0x1e: {  	s14 =	rddreg [dreg:$0x5]  }
0x1f: {  	[tilespmem:s4], [sflag:$0x8] =	stream.linear.gather [hbm4b:s14+s4], $0x2710, $0x38;
	[tilespmem:$0x1B7B0] =	vst v63  }
0x20: {  	_ =	swait.ge [sflag:s30], $0x2710  }
0x21: {  	[sflag:s30] =	ssyncset.done $0x0  }
0x22: {  	s25 =	rddreg [dreg:$0x4];
	[sflag:s30] =	ssyncadd.s32 $0xFFFFD8F0  }
0x23: {  	[tilespmem:s31], [sflag:$0x8] =	stream.linear.gather [hbm4b:s25+s4], $0x2800, $0x38;
	[tilespmem:$0x1B7B0] =	vst v63  }
0x24: {  	_ =	swait.ge [sflag:s30], $0x2800  }
0x25: {  	[sflag:s30] =	ssyncset.done $0x0  }
0x26: {  	[sflag:s30] =	ssyncadd.s32 $0xFFFFD800  }
0x27: {  	[spmem:s6] =	stream.linear.scatter [tilespmem:s31], [sflag:$0x7], $0x2800, $0x38;
	[tilespmem:$0x1B7B0] =	vst v63  }
0x28: {  	_ = 	snop  }
0x29: {  	[spmem:s8] =	stream.linear.scatter [tilespmem:s31], [sflag:$0x7], $0x2800, $0x38;
	[tilespmem:$0x1B7B0] =	vst v63  }
0x2a: {  	_ = 	snop  }
0x2b: {  	[spmem:s9] =	stream.linear.scatter [tilespmem:s31], [sflag:$0x7], $0x2800, $0x38;
	[tilespmem:$0x1B7B0] =	vst v63  }
0x2c: {  	_ = 	snop  }
0x2d: {  	[spmem:s10] =	stream.linear.scatter [tilespmem:s31], [sflag:$0x7], $0x2800, $0x38;
	[tilespmem:$0x1B7B0] =	vst v63  }
0x2e: {  	_ = 	snop  }
0x2f: {  	[spmem:s11] =	stream.linear.scatter [tilespmem:s31], [sflag:$0x7], $0x2800, $0x38;
	[tilespmem:$0x1B7B0] =	vst v63  }
0x30: {  	_ = 	snop  }
0x31: {  	[spmem:s12] =	stream.linear.scatter [tilespmem:s31], [sflag:$0x7], $0x2800, $0x38;
	[tilespmem:$0x1B7B0] =	vst v63  }
0x32: {  	_ = 	snop  }
0x33: {  	[spmem:s13] =	stream.linear.scatter [tilespmem:s31], [sflag:$0x7], $0x2800, $0x38;
	[tilespmem:$0x1B7B0] =	vst v63  }
0x34: {  	_ = 	snop  }
0x35: {  	[spmem:s26] =	stream.linear.scatter [tilespmem:s31], [sflag:$0x7], $0x2800, $0x38;
	[tilespmem:$0x1B7B0] =	vst v63  }
0x36: {  	_ =	swait.ge [sflag:s2], $0x2800  }
0x37: {  	[sflag:s2] =	ssyncset.done $0x0  }
0x38: {  	[sflag:s2] =	ssyncadd.s32 $0xFFFFD800  }
0x39: {  	_ =	swait.ge [sflag:s2], $0x2800  }
0x3a: {  	[sflag:s2] =	ssyncset.done $0x0  }
0x3b: {  	[sflag:s2] =	ssyncadd.s32 $0xFFFFD800  }
0x3c: {  	_ =	swait.ge [sflag:s2], $0x2800  }
0x3d: {  	[sflag:s2] =	ssyncset.done $0x0  }
0x3e: {  	[sflag:s2] =	ssyncadd.s32 $0xFFFFD800  }
0x3f: {  	_ =	swait.ge [sflag:s2], $0x2800  }
0x40: {  	[sflag:s2] =	ssyncset.done $0x0  }
0x41: {  	[sflag:s2] =	ssyncadd.s32 $0xFFFFD800  }
0x42: {  	_ =	swait.ge [sflag:s2], $0x2800  }
0x43: {  	[sflag:s2] =	ssyncset.done $0x0  }
0x44: {  	[sflag:s2] =	ssyncadd.s32 $0xFFFFD800  }
0x45: {  	_ =	swait.ge [sflag:s2], $0x2800  }
0x46: {  	[sflag:s2] =	ssyncset.done $0x0  }
0x47: {  	[sflag:s2] =	ssyncadd.s32 $0xFFFFD800  }
0x48: {  	_ =	swait.ge [sflag:s2], $0x2800  }
0x49: {  	[sflag:s2] =	ssyncset.done $0x0  }
0x4a: {  	[sflag:s2] =	ssyncadd.s32 $0xFFFFD800  }
0x4b: {  	_ =	swait.ge [sflag:s2], $0x2800  }
0x4c: {  	[sflag:s2] =	ssyncset.done $0x0  }
0x4d: {  	[sflag:s2] =	ssyncadd.s32 $0xFFFFD800  }
0x4e: {  	[bflag:$0x0] =	sbarrier.arrive $0xFFFF  }
0x4f: {  	s28 =	rddreg [dreg:$0x6]  }
0x50: {  	[tilespmem:s0], [sflag:$0x3] =	stream.linear.gather [hbm4b:s28+s4], $0x50, $0x38;
	[tilespmem:$0x1B7B0] =	vst v63  }
0x51: {  	_ = 	snop  }
0x52: {  	[tilespmem:s31], [sflag:$0x1] =	stream.indirect.gather [hbm4b:s1+s5], $0x80, s4, s5, $0xb8;
	[tilespmem:$0x1B7B0] =	vst v63  }
0x53: {  	s29 =	rddreg [dreg:$0x10]  }
0x54: {  	[tilespmem:s7], [sflag:$0x4] =	stream.linear.gather [hbm4b:s29+s4], $0x50, $0x38;
	[tilespmem:$0x1B7B0] =	vst v63  }
0x55: {  	_ = 	snop  }
0x56: {  	[tilespmem:s15], [sflag:$0x2] =	stream.indirect.gather [hbm4b:s1+s5], $0x80, s5, s5, $0xb8;
	[tilespmem:$0x1B7B0] =	vst v63  }
0x57: {  	_ =	swait.ge [sflag:s16], $0x2800  }
0x58: {  	[sflag:s16] =	ssyncset.done $0x0  }
0x59: {  	[sflag:s16] =	ssyncadd.s32 $0xFFFFD800  }
0x5a: {  	_ =	swait.ge [sflag:s17], $0x50  }
0x5b: {  	[sflag:s17] =	ssyncset.done $0x0  }
0x5c: {  	[sflag:s17] =	ssyncadd.s32 $0xFFFFFFB0  }
0x5d: {  	[spmem:s3] =	stream.indirect.scatter.add.f32 [tilespmem:s31], [sflag:$0x5], $0x80, s0, s5, $0xb8;
	[tilespmem:$0x1B7B0] =	vst v63  }
0x5e: {  	_ =	swait.ge [sflag:s18], $0x2800  }
0x5f: {  	[sflag:s18] =	ssyncset.done $0x0  }
0x60: {  	s25 =	rddreg [dreg:$0x11];
	[sflag:s18] =	ssyncadd.s32 $0xFFFFD800  }
0x61: {  	[tilespmem:s0], [sflag:$0x3] =	stream.linear.gather [hbm4b:s25+s4], $0x50, $0x38;
	[tilespmem:$0x1B7B0] =	vst v63  }
0x62: {  	s28 =	simm.s32 $0xA0  }
0x63: {  	[tilespmem:s31], [sflag:$0x1] =	stream.indirect.gather [hbm4b:s1+s5], $0x80, s28, s5, $0xb8;
	[tilespmem:$0x1B7B0] =	vst v63  }
0x64: {  	_ =	swait.ge [sflag:s19], $0x2800  }
0x65: {  	[sflag:s19] =	ssyncset.done $0x0  }
0x66: {  	[sflag:s19] =	ssyncadd.s32 $0xFFFFD800  }
0x67: {  	_ =	swait.ge [sflag:s20], $0x50  }
0x68: {  	[sflag:s20] =	ssyncset.done $0x0  }
0x69: {  	[sflag:s20] =	ssyncadd.s32 $0xFFFFFFB0  }
0x6a: {  	[spmem:s3] =	stream.indirect.scatter.add.f32 [tilespmem:s15], [sflag:$0x6], $0x80, s7, s5, $0xb8;
	[tilespmem:$0x1B7B0] =	vst v63  }
0x6b: {  	_ =	swait.ge [sflag:s23], $0x2800  }
0x6c: {  	[sflag:s23] =	ssyncset.done $0x0  }
0x6d: {  	s29 =	sadd.s32 $0x0, s22;
	[sflag:s23] =	ssyncadd.s32 $0xFFFFD800  }
0x6e: {  	[tilespmem:s7], [sflag:$0x4] =	stream.linear.gather [hbm4b:s29+s4], $0x50, $0x38;
	[tilespmem:$0x1B7B0] =	vst v63  }
0x6f: {  	s25 =	simm.s32 $0xF0  }
0x70: {  	[tilespmem:s15], [sflag:$0x2] =	stream.indirect.gather [hbm4b:s1+s5], $0x80, s25, s5, $0xb8;
	[tilespmem:$0x1B7B0] =	vst v63  }
0x71: {  	_ =	swait.ge [sflag:s16], $0x2800  }
0x72: {  	[sflag:s16] =	ssyncset.done $0x0  }
0x73: {  	[sflag:s16] =	ssyncadd.s32 $0xFFFFD800  }
0x74: {  	_ =	swait.ge [sflag:s17], $0x50  }
0x75: {  	[sflag:s17] =	ssyncset.done $0x0  }
0x76: {  	[sflag:s17] =	ssyncadd.s32 $0xFFFFFFB0  }
0x77: {  	[spmem:s3] =	stream.indirect.scatter.add.f32 [tilespmem:s31], [sflag:$0x5], $0x80, s0, s5, $0xb8;
	[tilespmem:$0x1B7B0] =	vst v63  }
0x78: {  	_ =	swait.ge [sflag:s18], $0x2800  }
0x79: {  	[sflag:s18] =	ssyncset.done $0x0  }
0x7a: {  	s28 =	sadd.s32 $0x0, s21;
	[sflag:s18] =	ssyncadd.s32 $0xFFFFD800  }
0x7b: {  	[tilespmem:s0], [sflag:$0x3] =	stream.linear.gather [hbm4b:s28+s4], $0x50, $0x38;
	[tilespmem:$0x1B7B0] =	vst v63  }
0x7c: {  	s29 =	simm.s32 $0x140  }
0x7d: {  	[tilespmem:s31], [sflag:$0x1] =	stream.indirect.gather [hbm4b:s1+s5], $0x80, s29, s5, $0xb8;
	[tilespmem:$0x1B7B0] =	vst v63  }
0x7e: {  	_ =	swait.ge [sflag:s19], $0x2800  }
0x7f: {  	[sflag:s19] =	ssyncset.done $0x0  }
0x80: {  	[sflag:s19] =	ssyncadd.s32 $0xFFFFD800  }
0x81: {  	_ =	swait.ge [sflag:s20], $0x50  }
0x82: {  	[sflag:s20] =	ssyncset.done $0x0  }
0x83: {  	s14 =	simm.s32 $0x1E0;
	s25 =	simm.s32 $0x14;
	[sflag:s20] =	ssyncadd.s32 $0xFFFFFFB0  }
.LBB2_2:
0x84: {  	[spmem:s3] =	stream.indirect.scatter.add.f32 [tilespmem:s15], [sflag:$0x6], $0x80, s7, s5, $0xb8;
	[tilespmem:$0x1B7B0] =	vst v63  }
0x85: {  	s28 =	smov.u32 s25  }
0x86: {  	p0 =	sne.s32 s25, $0x4B0;
	s25 =	sadd.s32 $0x14, s25;
	_ =	swait.ge [sflag:s23], $0x2800  }
0x87: {  	[sflag:s23] =	ssyncset.done $0x0  }
0x88: {  	s29 =	sadd.s32 s28, s22;
	[sflag:s23] =	ssyncadd.s32 $0xFFFFD800  }
0x89: {  	[tilespmem:s7], [sflag:$0x4] =	stream.linear.gather [hbm4b:s29+s4], $0x50, $0x38;
	[tilespmem:$0x1B7B0] =	vst v63  }
0x8a: {  	s29 =	sadd.s32 $0xFFFFFFB0, s14  }
0x8b: {  	[tilespmem:s15], [sflag:$0x2] =	stream.indirect.gather [hbm4b:s1+s5], $0x80, s29, s5, $0xb8;
	[tilespmem:$0x1B7B0] =	vst v63  }
0x8c: {  	_ =	swait.ge [sflag:s16], $0x2800  }
0x8d: {  	[sflag:s16] =	ssyncset.done $0x0  }
0x8e: {  	[sflag:s16] =	ssyncadd.s32 $0xFFFFD800  }
0x8f: {  	_ =	swait.ge [sflag:s17], $0x50  }
0x90: {  	[sflag:s17] =	ssyncset.done $0x0  }
0x91: {  	[sflag:s17] =	ssyncadd.s32 $0xFFFFFFB0  }
0x92: {  	[spmem:s3] =	stream.indirect.scatter.add.f32 [tilespmem:s31], [sflag:$0x5], $0x80, s0, s5, $0xb8;
	[tilespmem:$0x1B7B0] =	vst v63  }
0x93: {  	_ =	swait.ge [sflag:s18], $0x2800  }
0x94: {  	[sflag:s18] =	ssyncset.done $0x0  }
0x95: {  	s28 =	sadd.s32 s28, s21;
	[sflag:s18] =	ssyncadd.s32 $0xFFFFD800  }
0x96: {  	[tilespmem:s0], [sflag:$0x3] =	stream.linear.gather [hbm4b:s28+s4], $0x50, $0x38;
	[tilespmem:$0x1B7B0] =	vst v63  }
0x97: {  	_ = 	snop  }
0x98: {  	[tilespmem:s31], [sflag:$0x1] =	stream.indirect.gather [hbm4b:s1+s5], $0x80, s14, s5, $0xb8;
	[tilespmem:$0x1B7B0] =	vst v63  }
0x99: {  	_ =	swait.ge [sflag:s19], $0x2800  }
.Ltmp0:
0x9a: {  	[sflag:s19] =	ssyncset.done $0x0;
	(pc) =	sbr.rel @p0 .LBB2_2-.Ltmp0, $4  }
0x9b: {  	[sflag:s19] =	ssyncadd.s32 $0xFFFFD800  }
0x9c: {  	_ =	swait.ge [sflag:s20], $0x50  }
0x9d: {  	[sflag:s20] =	ssyncset.done $0x0  }
0x9e: {  	s14 =	sadd.s32 $0xA0, s14;
	[sflag:s20] =	ssyncadd.s32 $0xFFFFFFB0  }
0x9f: {  	[spmem:s3] =	stream.indirect.scatter.add.f32 [tilespmem:s15], [sflag:$0x6], $0x80, s7, s5, $0xb8;
	[tilespmem:$0x1B7B0] =	vst v63  }
0xa0: {  	_ =	swait.ge [sflag:s16], $0x2800  }
0xa1: {  	[sflag:s16] =	ssyncset.done $0x0  }
0xa2: {  	[sflag:s16] =	ssyncadd.s32 $0xFFFFD800  }
0xa3: {  	_ =	swait.ge [sflag:s17], $0x50  }
0xa4: {  	[sflag:s17] =	ssyncset.done $0x0  }
0xa5: {  	[sflag:s17] =	ssyncadd.s32 $0xFFFFFFB0  }
0xa6: {  	[spmem:s3] =	stream.indirect.scatter.add.f32 [tilespmem:s31], [sflag:$0x5], $0x80, s0, s5, $0xb8;
	[tilespmem:$0x1B7B0] =	vst v63  }
0xa7: {  	_ =	swait.ge [sflag:s18], $0x2800  }
0xa8: {  	[sflag:s18] =	ssyncset.done $0x0  }
0xa9: {  	[sflag:s18] =	ssyncadd.s32 $0xFFFFD800  }
0xaa: {  	_ =	swait.ge [sflag:s23], $0x2800  }
0xab: {  	[sflag:s23] =	ssyncset.done $0x0  }
0xac: {  	[sflag:s23] =	ssyncadd.s32 $0xFFFFD800  }
0xad: {  	[bflag:$0x0] =	sbarrier.arrive $0xFFFF  }
0xae: {  	[tilespmem:s31], [sflag:$0x8] =	stream.linear.gather [spmem:s6], $0x2800, $0x38;
	[tilespmem:$0x1B7B0] =	vst v63  }
0xaf: {  	_ =	swait.ge [sflag:s30], $0x2800  }
0xb0: {  	[sflag:s30] =	ssyncset.done $0x0  }
0xb1: {  	s14 =	rddreg [dreg:$0x7];
	[sflag:s30] =	ssyncadd.s32 $0xFFFFD800  }
0xb2: {  	[hbm4b:s14+s4] =	stream.linear.scatter [tilespmem:s31], [sflag:$0x1], $0x2800, $0x38;
	[tilespmem:$0x1B7B0] =	vst v63  }
0xb3: {  	_ = 	snop  }
0xb4: {  	[tilespmem:s15], [sflag:$0x8] =	stream.linear.gather [spmem:s8], $0x2800, $0x38;
	[tilespmem:$0x1B7B0] =	vst v63  }
0xb5: {  	_ =	swait.ge [sflag:s30], $0x2800  }
0xb6: {  	[sflag:s30] =	ssyncset.done $0x0  }
0xb7: {  	s28 =	rddreg [dreg:$0x8];
	[sflag:s30] =	ssyncadd.s32 $0xFFFFD800  }
0xb8: {  	[hbm4b:s28+s4] =	stream.linear.scatter [tilespmem:s15], [sflag:$0x2], $0x2800, $0x38;
	[tilespmem:$0x1B7B0] =	vst v63  }
0xb9: {  	_ =	swait.ge [sflag:s16], $0x2800  }
0xba: {  	[sflag:s16] =	ssyncset.done $0x0  }
0xbb: {  	[sflag:s16] =	ssyncadd.s32 $0xFFFFD800  }
0xbc: {  	[tilespmem:s31], [sflag:$0x8] =	stream.linear.gather [spmem:s9], $0x2800, $0x38;
	[tilespmem:$0x1B7B0] =	vst v63  }
0xbd: {  	_ =	swait.ge [sflag:s30], $0x2800  }
0xbe: {  	[sflag:s30] =	ssyncset.done $0x0  }
0xbf: {  	s29 =	rddreg [dreg:$0x9];
	[sflag:s30] =	ssyncadd.s32 $0xFFFFD800  }
0xc0: {  	[hbm4b:s29+s4] =	stream.linear.scatter [tilespmem:s31], [sflag:$0x1], $0x2800, $0x38;
	[tilespmem:$0x1B7B0] =	vst v63  }
0xc1: {  	_ =	swait.ge [sflag:s19], $0x2800  }
0xc2: {  	[sflag:s19] =	ssyncset.done $0x0  }
0xc3: {  	[sflag:s19] =	ssyncadd.s32 $0xFFFFD800  }
0xc4: {  	[tilespmem:s15], [sflag:$0x8] =	stream.linear.gather [spmem:s10], $0x2800, $0x38;
	[tilespmem:$0x1B7B0] =	vst v63  }
0xc5: {  	_ =	swait.ge [sflag:s30], $0x2800  }
0xc6: {  	[sflag:s30] =	ssyncset.done $0x0  }
0xc7: {  	s25 =	rddreg [dreg:$0xa];
	[sflag:s30] =	ssyncadd.s32 $0xFFFFD800  }
0xc8: {  	[hbm4b:s25+s4] =	stream.linear.scatter [tilespmem:s15], [sflag:$0x2], $0x2800, $0x38;
	[tilespmem:$0x1B7B0] =	vst v63  }
0xc9: {  	_ =	swait.ge [sflag:s16], $0x2800  }
0xca: {  	[sflag:s16] =	ssyncset.done $0x0  }
0xcb: {  	[sflag:s16] =	ssyncadd.s32 $0xFFFFD800  }
0xcc: {  	[tilespmem:s31], [sflag:$0x8] =	stream.linear.gather [spmem:s11], $0x2800, $0x38;
	[tilespmem:$0x1B7B0] =	vst v63  }
0xcd: {  	_ =	swait.ge [sflag:s30], $0x2800  }
0xce: {  	[sflag:s30] =	ssyncset.done $0x0  }
0xcf: {  	s28 =	rddreg [dreg:$0xb];
	[sflag:s30] =	ssyncadd.s32 $0xFFFFD800  }
0xd0: {  	[hbm4b:s28+s4] =	stream.linear.scatter [tilespmem:s31], [sflag:$0x1], $0x2800, $0x38;
	[tilespmem:$0x1B7B0] =	vst v63  }
0xd1: {  	_ =	swait.ge [sflag:s19], $0x2800  }
0xd2: {  	[sflag:s19] =	ssyncset.done $0x0  }
0xd3: {  	[sflag:s19] =	ssyncadd.s32 $0xFFFFD800  }
0xd4: {  	[tilespmem:s15], [sflag:$0x8] =	stream.linear.gather [spmem:s12], $0x2800, $0x38;
	[tilespmem:$0x1B7B0] =	vst v63  }
0xd5: {  	_ =	swait.ge [sflag:s30], $0x2800  }
0xd6: {  	[sflag:s30] =	ssyncset.done $0x0  }
0xd7: {  	s29 =	rddreg [dreg:$0xc];
	[sflag:s30] =	ssyncadd.s32 $0xFFFFD800  }
0xd8: {  	[hbm4b:s29+s4] =	stream.linear.scatter [tilespmem:s15], [sflag:$0x2], $0x2800, $0x38;
	[tilespmem:$0x1B7B0] =	vst v63  }
0xd9: {  	_ =	swait.ge [sflag:s16], $0x2800  }
0xda: {  	[sflag:s16] =	ssyncset.done $0x0  }
0xdb: {  	[sflag:s16] =	ssyncadd.s32 $0xFFFFD800  }
0xdc: {  	[tilespmem:s31], [sflag:$0x8] =	stream.linear.gather [spmem:s13], $0x2800, $0x38;
	[tilespmem:$0x1B7B0] =	vst v63  }
0xdd: {  	_ =	swait.ge [sflag:s30], $0x2800  }
0xde: {  	[sflag:s30] =	ssyncset.done $0x0  }
0xdf: {  	s25 =	rddreg [dreg:$0xd];
	[sflag:s30] =	ssyncadd.s32 $0xFFFFD800  }
0xe0: {  	[hbm4b:s25+s4] =	stream.linear.scatter [tilespmem:s31], [sflag:$0x1], $0x2800, $0x38;
	[tilespmem:$0x1B7B0] =	vst v63  }
0xe1: {  	_ =	swait.ge [sflag:s19], $0x2800  }
0xe2: {  	[sflag:s19] =	ssyncset.done $0x0  }
0xe3: {  	[sflag:s19] =	ssyncadd.s32 $0xFFFFD800  }
0xe4: {  	[tilespmem:s15], [sflag:$0x8] =	stream.linear.gather [spmem:s26], $0x2800, $0x38;
	[tilespmem:$0x1B7B0] =	vst v63  }
0xe5: {  	_ =	swait.ge [sflag:s30], $0x2800  }
0xe6: {  	[sflag:s30] =	ssyncset.done $0x0  }
0xe7: {  	s28 =	rddreg [dreg:$0xe];
	[sflag:s30] =	ssyncadd.s32 $0xFFFFD800  }
0xe8: {  	[hbm4b:s28+s4] =	stream.linear.scatter [tilespmem:s15], [sflag:$0x2], $0x2800, $0x38;
	[tilespmem:$0x1B7B0] =	vst v63  }
0xe9: {  	_ =	swait.ge [sflag:s16], $0x2800  }
0xea: {  	[sflag:s16] =	ssyncset.done $0x0  }
0xeb: {  	[sflag:s16] =	ssyncadd.s32 $0xFFFFD800  }
0xec: {  	_ =	swait.ge [sflag:s19], $0x2800  }
0xed: {  	s24 =	sadd.s32 $0x1, s24;
	s29 =	rddreg [dreg:$0xf]  }
0xee: {  	p0 =	sne.s32 s24, s29  }
.Ltmp1:
0xef: {  	_ = 	snop;
	(pc) =	sbr.rel @p0 .LBB2_1-.Ltmp1, $3  }
0xf0: {  	_ =	sdelay $0x1  }
0xf1: {  	[sflag:s19] =	ssyncset.done $0x0  }
0xf2: {  	[sflag:s19] =	ssyncadd.s32 $0xFFFFD800  }
0xf3: {  	_ =	sfence.sel $0x180000  }
0xf4: {  	[bflag:$0x0] =	sbarrier.arrive $0xFFFF  }
0xf5: {  	_ =	strace $0x90000050  }
0xf6: {  	s0 =	stileid.u32;
	[bflag:$0x2] =	sbarrier.arrive $0xFFFF  }
0xf7: {  	p0 =	sne.s32 s0, $0x0;
	s0 =	rddreg [dreg:$0x3]  }
0xf8: {  	s0 =	sadd.s32 @!p0 $0x100000, s0  }
0xf9: {  	[sflag:s0] =	ssyncadd.tile.s32 @!p0 $0x1;
	_ =	shalt  }
.Lfunc_end2:
_tile_overlayer_lowered:
.L_overlay_start_2:
0xfa: {  	(tag) =	ssettag $0x2  }
0xfb: {  	s0 =	rddreg [dreg:$0x0];
	s2 =	stileid.u32  }
0xfc: {  	s1 =	rddreg [dreg:$0x1];
	p0 =	sne.s32 s2, $0x0  }
0xfd: {  	s3 =	rddreg [dreg:$0x2];
	[bflag:$0x3] =	sbarrier.arrive $0xFFFF;
	s2 =	simm.s32 @!p0 $0x1C08  }
0xfe: {  	[timem:s3], [sflag:s2] =	dma.local @!p0 [hbm:s0], s1  }
0xff: {  	s0 =	simm.s32 @!p0 $0x8  }
0x100: {  	_ =	swait.ge @!p0 [sflag:s0], s1  }
0x101: {  	s1 =	ssub.s32 @!p0 $0x0, s1;
	[sflag:s0] =	ssyncset.done @!p0 $0x0  }
0x102: {  	[sflag:s0] =	ssyncadd.s32 @!p0 s1  }
0x103: {  	[bflag:$0x3] =	sbarrier.arrive $0xFFFF  }
0x104: {  	_ =	shalt  }

</sc_bundles>
